<compile_context>
chip_gen: v7x
topology: tpu7x:2x2x1
jax: 0.10.2.dev20260603
libtpu: 0.0.44.dev20260713+nightly
codegen_flags: <defaults>
</compile_context>

<pallas_src>
import functools

import jax
import jax.numpy as jnp
from jax import lax
from jax.experimental import pallas as pl
from jax.experimental.pallas import tpu as pltpu
from jax.experimental.pallas import tpu_sc as plsc

_N = 50000
_E = 800000
_D_IN = 300
_D_H = 64
_L = 1000

_B = 128
_EP = 802816
_NP = 50048
_RPT = _NP // 16
_DUMP = _N
_LP = 1024
_NB_SC = _EP // 16 // _B
_NB_DEG = _EP // 32 // _B
_G = 2
_NG = _NB_SC // _G
_GD = 7
_NG_DEG = _NB_DEG // _GD
_EPA = _EP + 2 * _G * _B
_ER = _EPA // _B

_MESH = dict(core_axis_name="c", subcore_axis_name="s")
_SC_PARAMS = pltpu.CompilerParams(use_tc_tiling_on_sc=False)



def _deg_call(dst_pad, ones8, z8):

    @functools.partial(
        pl.kernel,
        mesh=plsc.VectorSubcoreMesh(**_MESH),
        out_type=jax.ShapeDtypeStruct((2, _NP, 8), jnp.float32),
        compiler_params=_SC_PARAMS,
        scratch_types=[
            pltpu.VMEM((_GD, _B), jnp.int32),
            pltpu.VMEM((_B, 8), jnp.float32),
            pltpu.SemaphoreType.DMA,
            pltpu.VMEM_SHARED((_NP, 8), jnp.float32),
        ],
    )
    def k(dst_hbm, ones_hbm, z_hbm, deg_out, dv, ones_v, sem, shared):
        c = lax.axis_index("c")
        s = lax.axis_index("s")
        w = s * 2 + c
        pltpu.sync_copy(ones_hbm, ones_v)
        pltpu.sync_copy(z_hbm, shared.at[pl.ds(s * _RPT, _RPT)])
        plsc.subcore_barrier()
        base = w * _NB_DEG

        def group(g, carry):
            pltpu.sync_copy(dst_hbm.at[pl.ds(base + g * _GD, _GD)], dv)
            cps = [pltpu.async_copy(ones_v, shared.at[dv.at[j]], sem,
                                    add=True) for j in range(_GD)]
            for cp in cps:
                cp.wait()
            return carry

        lax.fori_loop(0, _NG_DEG, group, 0)
        plsc.subcore_barrier()
        pltpu.sync_copy(shared.at[pl.ds(s * _RPT, _RPT)],
                        deg_out.at[c, pl.ds(s * _RPT, _RPT)])

    return k(dst_pad, ones8, z8)


def _scatter_call(e3, h, z32, lab=None, deg=None):

    with_lab = lab is not None
    out_type = [jax.ShapeDtypeStruct((2, _NP, 32), jnp.float32)]
    extra_in = ()
    if with_lab:
        out_type += [
            jax.ShapeDtypeStruct((2, _LP, 32), jnp.float32),
            jax.ShapeDtypeStruct((2, _LP, 8), jnp.float32),
        ]
        extra_in = (lab, deg)

    @functools.partial(
        pl.kernel,
        mesh=plsc.VectorSubcoreMesh(**_MESH),
        out_type=out_type,
        compiler_params=_SC_PARAMS,
        scratch_types=[
            [pltpu.VMEM((_G, 2, _B), jnp.int32) for _ in range(4)],
            [pltpu.VMEM((_G, _B, 32), jnp.float32) for _ in range(2)],
            [pltpu.SemaphoreType.DMA for _ in range(2)],
            [pltpu.SemaphoreType.DMA for _ in range(2)],
            [pltpu.SemaphoreType.DMA for _ in range(4)],
            pltpu.VMEM((_LP // 16,), jnp.int32),
            pltpu.VMEM((_LP // 16, 32), jnp.float32),
            pltpu.VMEM((_LP // 16, 8), jnp.float32),
            pltpu.VMEM_SHARED((_NP, 32), jnp.float32),
        ],
    )
    def k(e_hbm, h_hbm, z_hbm, *rest):
        if with_lab:
            (lab_hbm, deg_hbm, agg_out, lagg_out, ldeg_out,
             ev, rows, gsem, ssem, isem, iv, lrows, ldeg_v, shared) = rest
        else:
            (agg_out, ev, rows, gsem, ssem, isem,
             iv, lrows, ldeg_v, shared) = rest
        c = lax.axis_index("c")
        s = lax.axis_index("s")
        pltpu.sync_copy(z_hbm, shared.at[pl.ds(s * _RPT, _RPT)])
        plsc.subcore_barrier()
        base = s * _NB_SC

        def fire_idx(g, q):
            pltpu.async_copy(e_hbm.at[pl.ds(base + g * _G, _G)], ev[q],
                             isem[q])

        def drain_scatters(p):
            for j in range(_G):
                pltpu.make_async_copy(
                    rows[p].at[j], shared.at[pl.ds(0, _B)], ssem[p]).wait()

        fire_idx(0, 0)
        fire_idx(1, 1)

        def body(i, carry):
            for kk in range(4):
                g = i * 4 + kk
                p = kk & 1
                q = kk
                qn = kk ^ 2

                @pl.when(g >= 2)
                def _():
                    drain_scatters(p)
                pltpu.make_async_copy(
                    e_hbm.at[pl.ds(0, _G)], ev[q], isem[q]).wait()

                @pl.when(g < _NG - 2)
                def _():
                    fire_idx(g + 2, qn)
                gcps = [pltpu.async_copy(h_hbm.at[c].at[ev[q].at[j, 0]],
                                         rows[p].at[j], gsem[p])
                        for j in range(_G)]
                for cp in gcps:
                    cp.wait()
                for j in range(_G):
                    pltpu.async_copy(rows[p].at[j],
                                     shared.at[ev[q].at[j, 1]],
                                     ssem[p], add=True)
            return carry

        lax.fori_loop(0, _NG // 4, body, 0)
        drain_scatters(0)
        drain_scatters(1)
        plsc.subcore_barrier()
        pltpu.sync_copy(shared.at[pl.ds(s * _RPT, _RPT)],
                        agg_out.at[c, pl.ds(s * _RPT, _RPT)])
        if with_lab:
            m = _LP // 16
            lb = s * m
            pltpu.sync_copy(lab_hbm.at[pl.ds(lb, m)], iv)
            pltpu.sync_copy(shared.at[iv], lrows)
            pltpu.sync_copy(lrows, lagg_out.at[c, pl.ds(lb, m)])
            pltpu.sync_copy(deg_hbm.at[c].at[iv], ldeg_v)
            pltpu.sync_copy(ldeg_v, ldeg_out.at[c, pl.ds(lb, m)])

    res = k(e3, h, z32, *extra_in)
    return tuple(res) if with_lab else res[0]



def _mm1_call(feat, w1):
    bn = 2000

    def body(x_ref, w_ref, out_ref):
        h = jnp.dot(x_ref[...], w_ref[...], preferred_element_type=jnp.float32)
        out_ref[0] = h[:, :32]
        out_ref[1] = h[:, 32:]

    return pl.pallas_call(
        body,
        grid=(_N // bn,),
        in_specs=[
            pl.BlockSpec((bn, _D_IN), lambda i: (i, 0)),
            pl.BlockSpec((_D_IN, _D_H), lambda i: (0, 0)),
        ],
        out_specs=pl.BlockSpec((2, bn, 32), lambda i: (0, i, 0)),
        out_shape=jax.ShapeDtypeStruct((2, _N, 32), jnp.float32),
    )(feat, w1)


def _pw1_mm2_call(agg1, deg2, b1r, w2):
    bn = _RPT

    def body(agg_ref, deg_ref, b_ref, w_ref, out_ref):
        x = jnp.concatenate([agg_ref[0], agg_ref[1]], axis=1)
        deg = deg_ref[0, :, 0:1] + deg_ref[1, :, 0:1]
        x = x / jnp.maximum(deg, 1.0) + b_ref[...]
        x = jnp.where(x >= 0, x, 0.2 * x)
        nrm = jnp.sqrt(jnp.sum(x * x, axis=1, keepdims=True))
        x = x / jnp.maximum(nrm, 1e-12)
        h = jnp.dot(x, w_ref[...], preferred_element_type=jnp.float32)
        out_ref[0] = h[:, :32]
        out_ref[1] = h[:, 32:]

    return pl.pallas_call(
        body,
        grid=(_NP // bn,),
        in_specs=[
            pl.BlockSpec((2, bn, 32), lambda i: (0, i, 0)),
            pl.BlockSpec((2, bn, 8), lambda i: (0, i, 0)),
            pl.BlockSpec((1, _D_H), lambda i: (0, 0)),
            pl.BlockSpec((_D_H, _D_H), lambda i: (0, 0)),
        ],
        out_specs=pl.BlockSpec((2, bn, 32), lambda i: (0, i, 0)),
        out_shape=jax.ShapeDtypeStruct((2, _NP, 32), jnp.float32),
    )(agg1, deg2, b1r, w2)


def _pw_final_call(lagg, ldeg, b2r):

    def body(agg_ref, deg_ref, b_ref, out_ref):
        x = jnp.concatenate([agg_ref[0], agg_ref[1]], axis=1)
        deg = deg_ref[0, :, 0:1] + deg_ref[1, :, 0:1]
        x = x / jnp.maximum(deg, 1.0) + b_ref[...]
        x = jnp.where(x >= 0, x, 0.2 * x)
        nrm = jnp.sqrt(jnp.sum(x * x, axis=1, keepdims=True))
        out_ref[...] = x / jnp.maximum(nrm, 1e-12)

    return pl.pallas_call(
        body,
        grid=(1,),
        in_specs=[
            pl.BlockSpec((2, _LP, 32), lambda i: (0, 0, 0)),
            pl.BlockSpec((2, _LP, 8), lambda i: (0, 0, 0)),
            pl.BlockSpec((1, _D_H), lambda i: (0, 0)),
        ],
        out_specs=pl.BlockSpec((_LP, _D_H), lambda i: (0, 0)),
        out_shape=jax.ShapeDtypeStruct((_LP, _D_H), jnp.float32),
    )(lagg, ldeg, b2r)



def kernel(feat, edges, label_idx, w1, b1, w2, b2):
    src = edges[:, 0]
    dst = edges[:, 1]
    pad_e = _EPA - _E
    src2 = jnp.concatenate(
        [src, jnp.zeros((pad_e,), jnp.int32)]).reshape(_ER, _B)
    dst2 = jnp.concatenate(
        [dst, jnp.full((pad_e,), _DUMP, jnp.int32)]).reshape(_ER, _B)
    e3 = jnp.stack([src2, dst2], axis=1)
    lab_pad = jnp.concatenate(
        [label_idx, jnp.zeros((_LP - _L,), jnp.int32)])
    z8 = jnp.zeros((_RPT, 8), jnp.float32)
    z32 = jnp.zeros((_RPT, 32), jnp.float32)
    ones8 = jnp.ones((_B, 8), jnp.float32)
    b1r = b1.reshape(1, _D_H)
    b2r = b2.reshape(1, _D_H)

    deg2 = _deg_call(dst2, ones8, z8)
    h1 = _mm1_call(feat, w1)
    agg1 = _scatter_call(e3, h1, z32)
    h2 = _pw1_mm2_call(agg1, deg2, b1r, w2)
    _, lagg, ldeg = _scatter_call(e3, h2, z32, lab_pad, deg2)
    out = _pw_final_call(lagg, ldeg, b2r)
    return out[:_L]

# --- scband reference (transcript-rebuilt; emitter-appended) ---
"""Pipeline reference for scband-sgcn-23072564314739 (READ-ONLY COPY).

The authoritative reference and input builder live on the scoring server;
editing this copy changes nothing except your own understanding.
"""

import jax, jax.numpy as jnp
import numpy as np

N = 50000
E = 800000
L = 1000
D_IN = 300
D_H = 64


def setup_inputs(seed: int = 0) -> dict:
    key = jax.random.key(seed)
    k1, k2, k3, k4, k5 = jax.random.split(key, 5)
    feat = jax.random.normal(k1, (N, D_IN), dtype=jnp.float32)
    edges = jax.random.randint(k2, (E, 2), 0, N, dtype=jnp.int32)
    label_idx = jax.random.randint(k3, (L,), 0, N, dtype=jnp.int32)
    # xavier_uniform_ init for GraphConv weights
    bound1 = float(np.sqrt(6.0 / (D_IN + D_H)))
    bound2 = float(np.sqrt(6.0 / (D_H + D_H)))
    w1 = jax.random.uniform(k4, (D_IN, D_H), dtype=jnp.float32, minval=-bound1, maxval=bound1)
    w2 = jax.random.uniform(k5, (D_H, D_H), dtype=jnp.float32, minval=-bound2, maxval=bound2)
    b1 = jnp.zeros((D_H,), dtype=jnp.float32)
    b2 = jnp.zeros((D_H,), dtype=jnp.float32)
    return {"feat": feat, "edges": edges, "label_idx": label_idx, "w1": w1, "b1": b1, "w2": w2, "b2": b2}


def reference(feat, edges, label_idx, w1, b1, w2, b2):
    # adj = coo((ones, (edges[:,0], edges[:,1])), (n, n)); normt_spm(adj, 'in')
    # method='in': adj = adj.T, then row-normalize by rowsum (= in-degree of original graph).
    # So (adj @ H)[dst] = sum_{(src,dst) in edges} H[src] / in_deg[dst]
    src = edges[:, 0]
    dst = edges[:, 1]
    deg = jax.ops.segment_sum(jnp.ones((E,), dtype=jnp.float32), dst, num_segments=N)
    d = deg[dst]
    vals = jnp.where(d > 0, 1.0 / jnp.maximum(d, 1.0), 0.0)

    def conv(x, w, b):
        h = x @ w
        h = jax.ops.segment_sum(h[src] * vals[:, None], dst, num_segments=N) + b
        # LeakyReLU(0.2)
        h = jnp.where(h >= 0, h, 0.2 * h)
        # F.normalize (L2, dim=1, eps=1e-12)
        nrm = jnp.sqrt(jnp.sum(h * h, axis=1, keepdims=True))
        return h / jnp.maximum(nrm, 1e-12)

    x = conv(feat, w1, b1)   # dropout disabled (eval mode)
    x = conv(x, w2, b2)
    return x[label_idx]

if __name__ == "__main__":
    import jax
    _d = setup_inputs()
    print(jax.jit(kernel)(*tuple(_d.values())))

</pallas_src>

<mosaic_0001>
#map = affine_map<(d0, d1) -> (0, 0)>
#map1 = affine_map<(d0, d1) -> (0, 0, 0)>
module attributes {stable_mosaic.version = 14 : i64} {
  func.func @k(%arg0: i32, %arg1: i32, %arg2: memref<6276x128xi32, #tpu.memory_space<hbm>>, %arg3: memref<128x8xf32, #tpu.memory_space<hbm>>, %arg4: memref<3128x8xf32, #tpu.memory_space<hbm>>, %arg5: memref<2x50048x8xf32, #tpu.memory_space<hbm>>, %arg6: memref<7x128xi32, #tpu.memory_space<vmem>>, %arg7: memref<128x8xf32, #tpu.memory_space<vmem>>, %arg8: memref<!tpu.dma_semaphore, #tpu.memory_space<semaphore_mem>>, %arg9: memref<50048x8xf32, #tpu.memory_space<vmem_shared>>) attributes {dimension_semantics = [#tpu.dimension_semantics<core_parallel>, #tpu.dimension_semantics<subcore_parallel>], iteration_bounds = array<i64: 2, 16>, scalar_prefetch = 0 : i64, scratch_operands = 4 : i64, tpu.core_type = #tpu.core_type<sc_vector_subcore>, window_params = [{transform_indices = #map}, {transform_indices = #map}, {transform_indices = #map}, {transform_indices = #map1}]} {
    %mul3A = arith.constant 2 : i32
    %mul3A_0 = arith.muli %arg1, %mul3A : i32
    %add3A = arith.addi %mul3A_0, %arg0 : i32
    "tpu.region"() ({
      %run_scoped3A = tpu.sem_alloc : memref<!tpu.dma_semaphore, #tpu.memory_space<semaphore_mem>>
      tpu.enqueue_dma source(%arg3 : memref<128x8xf32, #tpu.memory_space<hbm>>) target(%arg7 : memref<128x8xf32, #tpu.memory_space<vmem>>) target_semaphore(%run_scoped3A : memref<!tpu.dma_semaphore, #tpu.memory_space<semaphore_mem>>)
      tpu.wait_dma2 semaphore(%run_scoped3A : memref<!tpu.dma_semaphore, #tpu.memory_space<semaphore_mem>>) src(%arg3 : memref<128x8xf32, #tpu.memory_space<hbm>>) dst(%arg7 : memref<128x8xf32, #tpu.memory_space<vmem>>)
      tpu.yield
    }) : () -> ()
    %mul3A_1 = arith.constant 3128 : i32
    %mul3A_2 = arith.muli %arg1, %mul3A_1 : i32
    "tpu.region"() ({
      %run_scoped3A = tpu.sem_alloc : memref<!tpu.dma_semaphore, #tpu.memory_space<semaphore_mem>>
      %dma_start3A = arith.constant 0 : i32
      %dma_start3A_15 = tpu.memref_slice %arg9[%mul3A_2, %dma_start3A] : memref<50048x8xf32, #tpu.memory_space<vmem_shared>> -> memref<3128x8xf32, #tpu.memory_space<vmem_shared>>
      tpu.enqueue_dma source(%arg4 : memref<3128x8xf32, #tpu.memory_space<hbm>>) target(%dma_start3A_15 : memref<3128x8xf32, #tpu.memory_space<vmem_shared>>) target_semaphore(%run_scoped3A : memref<!tpu.dma_semaphore, #tpu.memory_space<semaphore_mem>>)
      %dma_wait3A = arith.constant 0 : i32
      %dma_wait3A_16 = tpu.memref_slice %arg9[%mul3A_2, %dma_wait3A] : memref<50048x8xf32, #tpu.memory_space<vmem_shared>> -> memref<3128x8xf32, #tpu.memory_space<vmem_shared>>
      tpu.wait_dma2 semaphore(%run_scoped3A : memref<!tpu.dma_semaphore, #tpu.memory_space<semaphore_mem>>) src(%arg4 : memref<3128x8xf32, #tpu.memory_space<hbm>>) dst(%dma_wait3A_16 : memref<3128x8xf32, #tpu.memory_space<vmem_shared>>)
      tpu.yield
    }) : () -> ()
    %barrier3A = arith.constant 0 : index
    tpu.barrier barrier_id(%barrier3A)
    %mul3A_3 = arith.constant 196 : i32
    %mul3A_4 = arith.muli %add3A, %mul3A_3 : i32
    %scan3A = arith.constant 0 : i32
    %scan3A_5 = arith.constant 0 : i32
    %scan3A_6 = arith.constant 28 : i32
    %scan3A_7 = arith.addi %scan3A_5, %scan3A_6 : i32
    %scan3A_8 = arith.constant 1 : i32
    scf.for %scan3A_15 = %scan3A_5 to %scan3A_7 step %scan3A_8  : i32 {
      %mul3A_16 = arith.constant 7 : i32
      %mul3A_17 = arith.muli %scan3A_15, %mul3A_16 : i32
      %add3A_18 = arith.addi %mul3A_4, %mul3A_17 : i32
      "tpu.region"() ({
        %run_scoped3A = tpu.sem_alloc : memref<!tpu.dma_semaphore, #tpu.memory_space<semaphore_mem>>
        %dma_start3A_115 = arith.constant 0 : i32
        %dma_start3A_116 = tpu.memref_slice %arg2[%add3A_18, %dma_start3A_115] : memref<6276x128xi32, #tpu.memory_space<hbm>> -> memref<7x128xi32, #tpu.memory_space<hbm>>
        %dma_start3A_117 = arith.constant 0 : i32
        %dma_start3A_118 = tpu.memref_slice %arg2[%add3A_18, %dma_start3A_117] : memref<6276x128xi32, #tpu.memory_space<hbm>> -> memref<7x128xi32, #tpu.memory_space<hbm>>
        tpu.enqueue_dma source(%dma_start3A_118 : memref<7x128xi32, #tpu.memory_space<hbm>>) target(%arg6 : memref<7x128xi32, #tpu.memory_space<vmem>>) target_semaphore(%run_scoped3A : memref<!tpu.dma_semaphore, #tpu.memory_space<semaphore_mem>>)
        %dma_wait3A_119 = arith.constant 0 : i32
        %dma_wait3A_120 = tpu.memref_slice %arg2[%add3A_18, %dma_wait3A_119] : memref<6276x128xi32, #tpu.memory_space<hbm>> -> memref<7x128xi32, #tpu.memory_space<hbm>>
        %dma_wait3A_121 = arith.constant 0 : i32
        %dma_wait3A_122 = tpu.memref_slice %arg2[%add3A_18, %dma_wait3A_121] : memref<6276x128xi32, #tpu.memory_space<hbm>> -> memref<7x128xi32, #tpu.memory_space<hbm>>
        tpu.wait_dma2 semaphore(%run_scoped3A : memref<!tpu.dma_semaphore, #tpu.memory_space<semaphore_mem>>) src(%dma_wait3A_122 : memref<7x128xi32, #tpu.memory_space<hbm>>) dst(%arg6 : memref<7x128xi32, #tpu.memory_space<vmem>>)
        tpu.yield
      }) : () -> ()
      %dma_start3A = arith.constant 0 : i32
      %dma_start3A_19 = arith.constant 0 : i32
      %dma_start3A_20 = tpu.memref_slice %arg6[%dma_start3A, %dma_start3A_19] : memref<7x128xi32, #tpu.memory_space<vmem>> -> memref<1x128xi32, #tpu.memory_space<vmem>>
      %dma_start3A_21 = tpu.memref_squeeze %dma_start3A_20 : memref<1x128xi32, #tpu.memory_space<vmem>> -> memref<128xi32, #tpu.memory_space<vmem>>
      %dma_start3A_22 = arith.constant 0 : i32
      %dma_start3A_23 = arith.constant 0 : i32
      %dma_start3A_24 = tpu.memref_slice %arg9[%dma_start3A_22, %dma_start3A_23] : memref<50048x8xf32, #tpu.memory_space<vmem_shared>> -> memref<50048x8xf32, #tpu.memory_space<vmem_shared>>
      tpu.enqueue_indirect_dma source(%arg7 : memref<128x8xf32, #tpu.memory_space<vmem>>) target(%dma_start3A_24 : memref<50048x8xf32, #tpu.memory_space<vmem_shared>>) offsets(%dma_start3A_21 : memref<128xi32, #tpu.memory_space<vmem>>) semaphore(%arg8 : memref<!tpu.dma_semaphore, #tpu.memory_space<semaphore_mem>>) {add = true}
      %dma_start3A_25 = arith.constant 1 : i32
      %dma_start3A_26 = arith.constant 0 : i32
      %dma_start3A_27 = tpu.memref_slice %arg6[%dma_start3A_25, %dma_start3A_26] : memref<7x128xi32, #tpu.memory_space<vmem>> -> memref<1x128xi32, #tpu.memory_space<vmem>>
      %dma_start3A_28 = tpu.memref_squeeze %dma_start3A_27 : memref<1x128xi32, #tpu.memory_space<vmem>> -> memref<128xi32, #tpu.memory_space<vmem>>
      %dma_start3A_29 = arith.constant 0 : i32
      %dma_start3A_30 = arith.constant 0 : i32
      %dma_start3A_31 = tpu.memref_slice %arg9[%dma_start3A_29, %dma_start3A_30] : memref<50048x8xf32, #tpu.memory_space<vmem_shared>> -> memref<50048x8xf32, #tpu.memory_space<vmem_shared>>
      tpu.enqueue_indirect_dma source(%arg7 : memref<128x8xf32, #tpu.memory_space<vmem>>) target(%dma_start3A_31 : memref<50048x8xf32, #tpu.memory_space<vmem_shared>>) offsets(%dma_start3A_28 : memref<128xi32, #tpu.memory_space<vmem>>) semaphore(%arg8 : memref<!tpu.dma_semaphore, #tpu.memory_space<semaphore_mem>>) {add = true}
      %dma_start3A_32 = arith.constant 2 : i32
      %dma_start3A_33 = arith.constant 0 : i32
      %dma_start3A_34 = tpu.memref_slice %arg6[%dma_start3A_32, %dma_start3A_33] : memref<7x128xi32, #tpu.memory_space<vmem>> -> memref<1x128xi32, #tpu.memory_space<vmem>>
      %dma_start3A_35 = tpu.memref_squeeze %dma_start3A_34 : memref<1x128xi32, #tpu.memory_space<vmem>> -> memref<128xi32, #tpu.memory_space<vmem>>
      %dma_start3A_36 = arith.constant 0 : i32
      %dma_start3A_37 = arith.constant 0 : i32
      %dma_start3A_38 = tpu.memref_slice %arg9[%dma_start3A_36, %dma_start3A_37] : memref<50048x8xf32, #tpu.memory_space<vmem_shared>> -> memref<50048x8xf32, #tpu.memory_space<vmem_shared>>
      tpu.enqueue_indirect_dma source(%arg7 : memref<128x8xf32, #tpu.memory_space<vmem>>) target(%dma_start3A_38 : memref<50048x8xf32, #tpu.memory_space<vmem_shared>>) offsets(%dma_start3A_35 : memref<128xi32, #tpu.memory_space<vmem>>) semaphore(%arg8 : memref<!tpu.dma_semaphore, #tpu.memory_space<semaphore_mem>>) {add = true}
      %dma_start3A_39 = arith.constant 3 : i32
      %dma_start3A_40 = arith.constant 0 : i32
      %dma_start3A_41 = tpu.memref_slice %arg6[%dma_start3A_39, %dma_start3A_40] : memref<7x128xi32, #tpu.memory_space<vmem>> -> memref<1x128xi32, #tpu.memory_space<vmem>>
      %dma_start3A_42 = tpu.memref_squeeze %dma_start3A_41 : memref<1x128xi32, #tpu.memory_space<vmem>> -> memref<128xi32, #tpu.memory_space<vmem>>
      %dma_start3A_43 = arith.constant 0 : i32
      %dma_start3A_44 = arith.constant 0 : i32
      %dma_start3A_45 = tpu.memref_slice %arg9[%dma_start3A_43, %dma_start3A_44] : memref<50048x8xf32, #tpu.memory_space<vmem_shared>> -> memref<50048x8xf32, #tpu.memory_space<vmem_shared>>
      tpu.enqueue_indirect_dma source(%arg7 : memref<128x8xf32, #tpu.memory_space<vmem>>) target(%dma_start3A_45 : memref<50048x8xf32, #tpu.memory_space<vmem_shared>>) offsets(%dma_start3A_42 : memref<128xi32, #tpu.memory_space<vmem>>) semaphore(%arg8 : memref<!tpu.dma_semaphore, #tpu.memory_space<semaphore_mem>>) {add = true}
      %dma_start3A_46 = arith.constant 4 : i32
      %dma_start3A_47 = arith.constant 0 : i32
      %dma_start3A_48 = tpu.memref_slice %arg6[%dma_start3A_46, %dma_start3A_47] : memref<7x128xi32, #tpu.memory_space<vmem>> -> memref<1x128xi32, #tpu.memory_space<vmem>>
      %dma_start3A_49 = tpu.memref_squeeze %dma_start3A_48 : memref<1x128xi32, #tpu.memory_space<vmem>> -> memref<128xi32, #tpu.memory_space<vmem>>
      %dma_start3A_50 = arith.constant 0 : i32
      %dma_start3A_51 = arith.constant 0 : i32
      %dma_start3A_52 = tpu.memref_slice %arg9[%dma_start3A_50, %dma_start3A_51] : memref<50048x8xf32, #tpu.memory_space<vmem_shared>> -> memref<50048x8xf32, #tpu.memory_space<vmem_shared>>
      tpu.enqueue_indirect_dma source(%arg7 : memref<128x8xf32, #tpu.memory_space<vmem>>) target(%dma_start3A_52 : memref<50048x8xf32, #tpu.memory_space<vmem_shared>>) offsets(%dma_start3A_49 : memref<128xi32, #tpu.memory_space<vmem>>) semaphore(%arg8 : memref<!tpu.dma_semaphore, #tpu.memory_space<semaphore_mem>>) {add = true}
      %dma_start3A_53 = arith.constant 5 : i32
      %dma_start3A_54 = arith.constant 0 : i32
      %dma_start3A_55 = tpu.memref_slice %arg6[%dma_start3A_53, %dma_start3A_54] : memref<7x128xi32, #tpu.memory_space<vmem>> -> memref<1x128xi32, #tpu.memory_space<vmem>>
      %dma_start3A_56 = tpu.memref_squeeze %dma_start3A_55 : memref<1x128xi32, #tpu.memory_space<vmem>> -> memref<128xi32, #tpu.memory_space<vmem>>
      %dma_start3A_57 = arith.constant 0 : i32
      %dma_start3A_58 = arith.constant 0 : i32
      %dma_start3A_59 = tpu.memref_slice %arg9[%dma_start3A_57, %dma_start3A_58] : memref<50048x8xf32, #tpu.memory_space<vmem_shared>> -> memref<50048x8xf32, #tpu.memory_space<vmem_shared>>
      tpu.enqueue_indirect_dma source(%arg7 : memref<128x8xf32, #tpu.memory_space<vmem>>) target(%dma_start3A_59 : memref<50048x8xf32, #tpu.memory_space<vmem_shared>>) offsets(%dma_start3A_56 : memref<128xi32, #tpu.memory_space<vmem>>) semaphore(%arg8 : memref<!tpu.dma_semaphore, #tpu.memory_space<semaphore_mem>>) {add = true}
      %dma_start3A_60 = arith.constant 6 : i32
      %dma_start3A_61 = arith.constant 0 : i32
      %dma_start3A_62 = tpu.memref_slice %arg6[%dma_start3A_60, %dma_start3A_61] : memref<7x128xi32, #tpu.memory_space<vmem>> -> memref<1x128xi32, #tpu.memory_space<vmem>>
      %dma_start3A_63 = tpu.memref_squeeze %dma_start3A_62 : memref<1x128xi32, #tpu.memory_space<vmem>> -> memref<128xi32, #tpu.memory_space<vmem>>
      %dma_start3A_64 = arith.constant 0 : i32
      %dma_start3A_65 = arith.constant 0 : i32
      %dma_start3A_66 = tpu.memref_slice %arg9[%dma_start3A_64, %dma_start3A_65] : memref<50048x8xf32, #tpu.memory_space<vmem_shared>> -> memref<50048x8xf32, #tpu.memory_space<vmem_shared>>
      tpu.enqueue_indirect_dma source(%arg7 : memref<128x8xf32, #tpu.memory_space<vmem>>) target(%dma_start3A_66 : memref<50048x8xf32, #tpu.memory_space<vmem_shared>>) offsets(%dma_start3A_63 : memref<128xi32, #tpu.memory_space<vmem>>) semaphore(%arg8 : memref<!tpu.dma_semaphore, #tpu.memory_space<semaphore_mem>>) {add = true}
      %dma_wait3A = arith.constant 0 : i32
      %dma_wait3A_67 = arith.constant 0 : i32
      %dma_wait3A_68 = tpu.memref_slice %arg6[%dma_wait3A, %dma_wait3A_67] : memref<7x128xi32, #tpu.memory_space<vmem>> -> memref<1x128xi32, #tpu.memory_space<vmem>>
      %dma_wait3A_69 = tpu.memref_squeeze %dma_wait3A_68 : memref<1x128xi32, #tpu.memory_space<vmem>> -> memref<128xi32, #tpu.memory_space<vmem>>
      %dma_wait3A_70 = arith.constant 0 : i32
      %dma_wait3A_71 = arith.constant 0 : i32
      %dma_wait3A_72 = tpu.memref_slice %arg9[%dma_wait3A_70, %dma_wait3A_71] : memref<50048x8xf32, #tpu.memory_space<vmem_shared>> -> memref<50048x8xf32, #tpu.memory_space<vmem_shared>>
      tpu.wait_indirect_dma semaphore(%arg8 : memref<!tpu.dma_semaphore, #tpu.memory_space<semaphore_mem>>) src(%arg7 : memref<128x8xf32, #tpu.memory_space<vmem>>) dst(%dma_wait3A_72 : memref<50048x8xf32, #tpu.memory_space<vmem_shared>>)
      %dma_wait3A_73 = arith.constant 1 : i32
      %dma_wait3A_74 = arith.constant 0 : i32
      %dma_wait3A_75 = tpu.memref_slice %arg6[%dma_wait3A_73, %dma_wait3A_74] : memref<7x128xi32, #tpu.memory_space<vmem>> -> memref<1x128xi32, #tpu.memory_space<vmem>>
      %dma_wait3A_76 = tpu.memref_squeeze %dma_wait3A_75 : memref<1x128xi32, #tpu.memory_space<vmem>> -> memref<128xi32, #tpu.memory_space<vmem>>
      %dma_wait3A_77 = arith.constant 0 : i32
      %dma_wait3A_78 = arith.constant 0 : i32
      %dma_wait3A_79 = tpu.memref_slice %arg9[%dma_wait3A_77, %dma_wait3A_78] : memref<50048x8xf32, #tpu.memory_space<vmem_shared>> -> memref<50048x8xf32, #tpu.memory_space<vmem_shared>>
      tpu.wait_indirect_dma semaphore(%arg8 : memref<!tpu.dma_semaphore, #tpu.memory_space<semaphore_mem>>) src(%arg7 : memref<128x8xf32, #tpu.memory_space<vmem>>) dst(%dma_wait3A_79 : memref<50048x8xf32, #tpu.memory_space<vmem_shared>>)
      %dma_wait3A_80 = arith.constant 2 : i32
      %dma_wait3A_81 = arith.constant 0 : i32
      %dma_wait3A_82 = tpu.memref_slice %arg6[%dma_wait3A_80, %dma_wait3A_81] : memref<7x128xi32, #tpu.memory_space<vmem>> -> memref<1x128xi32, #tpu.memory_space<vmem>>
      %dma_wait3A_83 = tpu.memref_squeeze %dma_wait3A_82 : memref<1x128xi32, #tpu.memory_space<vmem>> -> memref<128xi32, #tpu.memory_space<vmem>>
      %dma_wait3A_84 = arith.constant 0 : i32
      %dma_wait3A_85 = arith.constant 0 : i32
      %dma_wait3A_86 = tpu.memref_slice %arg9[%dma_wait3A_84, %dma_wait3A_85] : memref<50048x8xf32, #tpu.memory_space<vmem_shared>> -> memref<50048x8xf32, #tpu.memory_space<vmem_shared>>
      tpu.wait_indirect_dma semaphore(%arg8 : memref<!tpu.dma_semaphore, #tpu.memory_space<semaphore_mem>>) src(%arg7 : memref<128x8xf32, #tpu.memory_space<vmem>>) dst(%dma_wait3A_86 : memref<50048x8xf32, #tpu.memory_space<vmem_shared>>)
      %dma_wait3A_87 = arith.constant 3 : i32
      %dma_wait3A_88 = arith.constant 0 : i32
      %dma_wait3A_89 = tpu.memref_slice %arg6[%dma_wait3A_87, %dma_wait3A_88] : memref<7x128xi32, #tpu.memory_space<vmem>> -> memref<1x128xi32, #tpu.memory_space<vmem>>
      %dma_wait3A_90 = tpu.memref_squeeze %dma_wait3A_89 : memref<1x128xi32, #tpu.memory_space<vmem>> -> memref<128xi32, #tpu.memory_space<vmem>>
      %dma_wait3A_91 = arith.constant 0 : i32
      %dma_wait3A_92 = arith.constant 0 : i32
      %dma_wait3A_93 = tpu.memref_slice %arg9[%dma_wait3A_91, %dma_wait3A_92] : memref<50048x8xf32, #tpu.memory_space<vmem_shared>> -> memref<50048x8xf32, #tpu.memory_space<vmem_shared>>
      tpu.wait_indirect_dma semaphore(%arg8 : memref<!tpu.dma_semaphore, #tpu.memory_space<semaphore_mem>>) src(%arg7 : memref<128x8xf32, #tpu.memory_space<vmem>>) dst(%dma_wait3A_93 : memref<50048x8xf32, #tpu.memory_space<vmem_shared>>)
      %dma_wait3A_94 = arith.constant 4 : i32
      %dma_wait3A_95 = arith.constant 0 : i32
      %dma_wait3A_96 = tpu.memref_slice %arg6[%dma_wait3A_94, %dma_wait3A_95] : memref<7x128xi32, #tpu.memory_space<vmem>> -> memref<1x128xi32, #tpu.memory_space<vmem>>
      %dma_wait3A_97 = tpu.memref_squeeze %dma_wait3A_96 : memref<1x128xi32, #tpu.memory_space<vmem>> -> memref<128xi32, #tpu.memory_space<vmem>>
      %dma_wait3A_98 = arith.constant 0 : i32
      %dma_wait3A_99 = arith.constant 0 : i32
      %dma_wait3A_100 = tpu.memref_slice %arg9[%dma_wait3A_98, %dma_wait3A_99] : memref<50048x8xf32, #tpu.memory_space<vmem_shared>> -> memref<50048x8xf32, #tpu.memory_space<vmem_shared>>
      tpu.wait_indirect_dma semaphore(%arg8 : memref<!tpu.dma_semaphore, #tpu.memory_space<semaphore_mem>>) src(%arg7 : memref<128x8xf32, #tpu.memory_space<vmem>>) dst(%dma_wait3A_100 : memref<50048x8xf32, #tpu.memory_space<vmem_shared>>)
      %dma_wait3A_101 = arith.constant 5 : i32
      %dma_wait3A_102 = arith.constant 0 : i32
      %dma_wait3A_103 = tpu.memref_slice %arg6[%dma_wait3A_101, %dma_wait3A_102] : memref<7x128xi32, #tpu.memory_space<vmem>> -> memref<1x128xi32, #tpu.memory_space<vmem>>
      %dma_wait3A_104 = tpu.memref_squeeze %dma_wait3A_103 : memref<1x128xi32, #tpu.memory_space<vmem>> -> memref<128xi32, #tpu.memory_space<vmem>>
      %dma_wait3A_105 = arith.constant 0 : i32
      %dma_wait3A_106 = arith.constant 0 : i32
      %dma_wait3A_107 = tpu.memref_slice %arg9[%dma_wait3A_105, %dma_wait3A_106] : memref<50048x8xf32, #tpu.memory_space<vmem_shared>> -> memref<50048x8xf32, #tpu.memory_space<vmem_shared>>
      tpu.wait_indirect_dma semaphore(%arg8 : memref<!tpu.dma_semaphore, #tpu.memory_space<semaphore_mem>>) src(%arg7 : memref<128x8xf32, #tpu.memory_space<vmem>>) dst(%dma_wait3A_107 : memref<50048x8xf32, #tpu.memory_space<vmem_shared>>)
      %dma_wait3A_108 = arith.constant 6 : i32
      %dma_wait3A_109 = arith.constant 0 : i32
      %dma_wait3A_110 = tpu.memref_slice %arg6[%dma_wait3A_108, %dma_wait3A_109] : memref<7x128xi32, #tpu.memory_space<vmem>> -> memref<1x128xi32, #tpu.memory_space<vmem>>
      %dma_wait3A_111 = tpu.memref_squeeze %dma_wait3A_110 : memref<1x128xi32, #tpu.memory_space<vmem>> -> memref<128xi32, #tpu.memory_space<vmem>>
      %dma_wait3A_112 = arith.constant 0 : i32
      %dma_wait3A_113 = arith.constant 0 : i32
      %dma_wait3A_114 = tpu.memref_slice %arg9[%dma_wait3A_112, %dma_wait3A_113] : memref<50048x8xf32, #tpu.memory_space<vmem_shared>> -> memref<50048x8xf32, #tpu.memory_space<vmem_shared>>
      tpu.wait_indirect_dma semaphore(%arg8 : memref<!tpu.dma_semaphore, #tpu.memory_space<semaphore_mem>>) src(%arg7 : memref<128x8xf32, #tpu.memory_space<vmem>>) dst(%dma_wait3A_114 : memref<50048x8xf32, #tpu.memory_space<vmem_shared>>)
    }
    %scan3A_9 = arith.constant 28 : i32
    %barrier3A_10 = arith.constant 0 : index
    tpu.barrier barrier_id(%barrier3A_10)
    %mul3A_11 = arith.constant 3128 : i32
    %mul3A_12 = arith.muli %arg1, %mul3A_11 : i32
    %mul3A_13 = arith.constant 3128 : i32
    %mul3A_14 = arith.muli %arg1, %mul3A_13 : i32
    "tpu.region"() ({
      %run_scoped3A = tpu.sem_alloc : memref<!tpu.dma_semaphore, #tpu.memory_space<semaphore_mem>>
      %dma_start3A = arith.constant 0 : i32
      %dma_start3A_15 = tpu.memref_slice %arg5[%arg0, %mul3A_14, %dma_start3A] : memref<2x50048x8xf32, #tpu.memory_space<hbm>> -> memref<1x3128x8xf32, #tpu.memory_space<hbm>>
      %dma_start3A_16 = tpu.memref_squeeze %dma_start3A_15 : memref<1x3128x8xf32, #tpu.memory_space<hbm>> -> memref<3128x8xf32, #tpu.memory_space<hbm>>
      %dma_start3A_17 = arith.constant 0 : i32
      %dma_start3A_18 = tpu.memref_slice %arg9[%mul3A_12, %dma_start3A_17] : memref<50048x8xf32, #tpu.memory_space<vmem_shared>> -> memref<3128x8xf32, #tpu.memory_space<vmem_shared>>
      tpu.enqueue_dma source(%dma_start3A_18 : memref<3128x8xf32, #tpu.memory_space<vmem_shared>>) target(%dma_start3A_16 : memref<3128x8xf32, #tpu.memory_space<hbm>>) target_semaphore(%run_scoped3A : memref<!tpu.dma_semaphore, #tpu.memory_space<semaphore_mem>>)
      %dma_wait3A = arith.constant 0 : i32
      %dma_wait3A_19 = tpu.memref_slice %arg5[%arg0, %mul3A_14, %dma_wait3A] : memref<2x50048x8xf32, #tpu.memory_space<hbm>> -> memref<1x3128x8xf32, #tpu.memory_space<hbm>>
      %dma_wait3A_20 = tpu.memref_squeeze %dma_wait3A_19 : memref<1x3128x8xf32, #tpu.memory_space<hbm>> -> memref<3128x8xf32, #tpu.memory_space<hbm>>
      %dma_wait3A_21 = arith.constant 0 : i32
      %dma_wait3A_22 = tpu.memref_slice %arg9[%mul3A_12, %dma_wait3A_21] : memref<50048x8xf32, #tpu.memory_space<vmem_shared>> -> memref<3128x8xf32, #tpu.memory_space<vmem_shared>>
      tpu.wait_dma2 semaphore(%run_scoped3A : memref<!tpu.dma_semaphore, #tpu.memory_space<semaphore_mem>>) src(%dma_wait3A_22 : memref<3128x8xf32, #tpu.memory_space<vmem_shared>>) dst(%dma_wait3A_20 : memref<3128x8xf32, #tpu.memory_space<hbm>>)
      tpu.yield
    }) : () -> ()
    return
  }
}

#map = affine_map<(d0, d1) -> (0, 0, 0)>
#map1 = affine_map<(d0, d1) -> (0, 0)>
#map2 = affine_map<(d0, d1) -> (0)>
module attributes {stable_mosaic.version = 14 : i64} {
  func.func @k(%arg0: i32, %arg1: i32, %arg2: memref<6276x2x128xi32, #tpu.memory_space<hbm>>, %arg3: memref<2x50048x32xf32, #tpu.memory_space<hbm>>, %arg4: memref<3128x32xf32, #tpu.memory_space<hbm>>, %arg5: memref<1024xi32, #tpu.memory_space<hbm>>, %arg6: memref<2x50048x8xf32, #tpu.memory_space<hbm>>, %arg7: memref<2x50048x32xf32, #tpu.memory_space<hbm>>, %arg8: memref<2x1024x32xf32, #tpu.memory_space<hbm>>, %arg9: memref<2x1024x8xf32, #tpu.memory_space<hbm>>, %arg10: memref<2x2x128xi32, #tpu.memory_space<vmem>>, %arg11: memref<2x2x128xi32, #tpu.memory_space<vmem>>, %arg12: memref<2x2x128xi32, #tpu.memory_space<vmem>>, %arg13: memref<2x2x128xi32, #tpu.memory_space<vmem>>, %arg14: memref<2x128x32xf32, #tpu.memory_space<vmem>>, %arg15: memref<2x128x32xf32, #tpu.memory_space<vmem>>, %arg16: memref<!tpu.dma_semaphore, #tpu.memory_space<semaphore_mem>>, %arg17: memref<!tpu.dma_semaphore, #tpu.memory_space<semaphore_mem>>, %arg18: memref<!tpu.dma_semaphore, #tpu.memory_space<semaphore_mem>>, %arg19: memref<!tpu.dma_semaphore, #tpu.memory_space<semaphore_mem>>, %arg20: memref<!tpu.dma_semaphore, #tpu.memory_space<semaphore_mem>>, %arg21: memref<!tpu.dma_semaphore, #tpu.memory_space<semaphore_mem>>, %arg22: memref<!tpu.dma_semaphore, #tpu.memory_space<semaphore_mem>>, %arg23: memref<!tpu.dma_semaphore, #tpu.memory_space<semaphore_mem>>, %arg24: memref<64xi32, #tpu.memory_space<vmem>>, %arg25: memref<64x32xf32, #tpu.memory_space<vmem>>, %arg26: memref<64x8xf32, #tpu.memory_space<vmem>>, %arg27: memref<50048x32xf32, #tpu.memory_space<vmem_shared>>) attributes {dimension_semantics = [#tpu.dimension_semantics<core_parallel>, #tpu.dimension_semantics<subcore_parallel>], iteration_bounds = array<i64: 2, 16>, scalar_prefetch = 0 : i64, scratch_operands = 18 : i64, tpu.core_type = #tpu.core_type<sc_vector_subcore>, window_params = [{transform_indices = #map}, {transform_indices = #map}, {transform_indices = #map1}, {transform_indices = #map2}, {transform_indices = #map}, {transform_indices = #map}, {transform_indices = #map}, {transform_indices = #map}]} {
    %mul3A = arith.constant 3128 : i32
    %mul3A_0 = arith.muli %arg1, %mul3A : i32
    "tpu.region"() ({
      %run_scoped3A = tpu.sem_alloc : memref<!tpu.dma_semaphore, #tpu.memory_space<semaphore_mem>>
      %dma_start3A_88 = arith.constant 0 : i32
      %dma_start3A_89 = tpu.memref_slice %arg27[%mul3A_0, %dma_start3A_88] : memref<50048x32xf32, #tpu.memory_space<vmem_shared>> -> memref<3128x32xf32, #tpu.memory_space<vmem_shared>>
      tpu.enqueue_dma source(%arg4 : memref<3128x32xf32, #tpu.memory_space<hbm>>) target(%dma_start3A_89 : memref<3128x32xf32, #tpu.memory_space<vmem_shared>>) target_semaphore(%run_scoped3A : memref<!tpu.dma_semaphore, #tpu.memory_space<semaphore_mem>>)
      %dma_wait3A_90 = arith.constant 0 : i32
      %dma_wait3A_91 = tpu.memref_slice %arg27[%mul3A_0, %dma_wait3A_90] : memref<50048x32xf32, #tpu.memory_space<vmem_shared>> -> memref<3128x32xf32, #tpu.memory_space<vmem_shared>>
      tpu.wait_dma2 semaphore(%run_scoped3A : memref<!tpu.dma_semaphore, #tpu.memory_space<semaphore_mem>>) src(%arg4 : memref<3128x32xf32, #tpu.memory_space<hbm>>) dst(%dma_wait3A_91 : memref<3128x32xf32, #tpu.memory_space<vmem_shared>>)
      tpu.yield
    }) : () -> ()
    %barrier3A = arith.constant 0 : index
    tpu.barrier barrier_id(%barrier3A)
    %mul3A_1 = arith.constant 392 : i32
    %mul3A_2 = arith.muli %arg1, %mul3A_1 : i32
    %add3A = arith.constant 0 : i32
    %add3A_3 = arith.addi %mul3A_2, %add3A : i32
    %dma_start3A = arith.constant 0 : i32
    %dma_start3A_4 = arith.constant 0 : i32
    %dma_start3A_5 = tpu.memref_slice %arg2[%add3A_3, %dma_start3A, %dma_start3A_4] : memref<6276x2x128xi32, #tpu.memory_space<hbm>> -> memref<2x2x128xi32, #tpu.memory_space<hbm>>
    %dma_start3A_6 = arith.constant 0 : i32
    %dma_start3A_7 = arith.constant 0 : i32
    %dma_start3A_8 = tpu.memref_slice %arg2[%add3A_3, %dma_start3A_6, %dma_start3A_7] : memref<6276x2x128xi32, #tpu.memory_space<hbm>> -> memref<2x2x128xi32, #tpu.memory_space<hbm>>
    tpu.enqueue_dma source(%dma_start3A_8 : memref<2x2x128xi32, #tpu.memory_space<hbm>>) target(%arg10 : memref<2x2x128xi32, #tpu.memory_space<vmem>>) target_semaphore(%arg20 : memref<!tpu.dma_semaphore, #tpu.memory_space<semaphore_mem>>)
    %add3A_9 = arith.constant 2 : i32
    %add3A_10 = arith.addi %mul3A_2, %add3A_9 : i32
    %dma_start3A_11 = arith.constant 0 : i32
    %dma_start3A_12 = arith.constant 0 : i32
    %dma_start3A_13 = tpu.memref_slice %arg2[%add3A_10, %dma_start3A_11, %dma_start3A_12] : memref<6276x2x128xi32, #tpu.memory_space<hbm>> -> memref<2x2x128xi32, #tpu.memory_space<hbm>>
    %dma_start3A_14 = arith.constant 0 : i32
    %dma_start3A_15 = arith.constant 0 : i32
    %dma_start3A_16 = tpu.memref_slice %arg2[%add3A_10, %dma_start3A_14, %dma_start3A_15] : memref<6276x2x128xi32, #tpu.memory_space<hbm>> -> memref<2x2x128xi32, #tpu.memory_space<hbm>>
    tpu.enqueue_dma source(%dma_start3A_16 : memref<2x2x128xi32, #tpu.memory_space<hbm>>) target(%arg11 : memref<2x2x128xi32, #tpu.memory_space<vmem>>) target_semaphore(%arg21 : memref<!tpu.dma_semaphore, #tpu.memory_space<semaphore_mem>>)
    %scan3A = arith.constant 0 : i32
    %scan3A_17 = arith.constant 0 : i32
    %scan3A_18 = arith.constant 49 : i32
    %scan3A_19 = arith.addi %scan3A_17, %scan3A_18 : i32
    %scan3A_20 = arith.constant 1 : i32
    scf.for %scan3A_88 = %scan3A_17 to %scan3A_19 step %scan3A_20  : i32 {
      %mul3A_89 = arith.constant 4 : i32
      %mul3A_90 = arith.muli %scan3A_88, %mul3A_89 : i32
      %add3A_91 = arith.constant 0 : i32
      %add3A_92 = arith.addi %mul3A_90, %add3A_91 : i32
      %ge3A = arith.constant 2 : i32
      %ge3A_93 = arith.cmpi sge, %add3A_92, %ge3A : i32
      %convert_element_type3A = arith.extui %ge3A_93 : i1 to i32
      %cond3A = arith.constant 0 : i32
      %cond3A_94 = arith.cmpi ne, %convert_element_type3A, %cond3A : i32
      scf.if %cond3A_94 {
        %dma_wait3A_549 = arith.constant 0 : i32
        %dma_wait3A_550 = arith.constant 0 : i32
        %dma_wait3A_551 = arith.constant 0 : i32
        %dma_wait3A_552 = tpu.memref_slice %arg14[%dma_wait3A_549, %dma_wait3A_550, %dma_wait3A_551] : memref<2x128x32xf32, #tpu.memory_space<vmem>> -> memref<1x128x32xf32, #tpu.memory_space<vmem>>
        %dma_wait3A_553 = tpu.memref_squeeze %dma_wait3A_552 : memref<1x128x32xf32, #tpu.memory_space<vmem>> -> memref<128x32xf32, #tpu.memory_space<vmem>>
        %dma_wait3A_554 = arith.constant 0 : i32
        %dma_wait3A_555 = arith.constant 0 : i32
        %dma_wait3A_556 = tpu.memref_slice %arg27[%dma_wait3A_554, %dma_wait3A_555] : memref<50048x32xf32, #tpu.memory_space<vmem_shared>> -> memref<128x32xf32, #tpu.memory_space<vmem_shared>>
        %dma_wait3A_557 = arith.constant 0 : i32
        %dma_wait3A_558 = arith.constant 0 : i32
        %dma_wait3A_559 = tpu.memref_slice %arg27[%dma_wait3A_557, %dma_wait3A_558] : memref<50048x32xf32, #tpu.memory_space<vmem_shared>> -> memref<128x32xf32, #tpu.memory_space<vmem_shared>>
        %dma_wait3A_560 = arith.constant 0 : i32
        %dma_wait3A_561 = arith.constant 0 : i32
        %dma_wait3A_562 = tpu.memref_slice %arg14[%dma_wait3A_549, %dma_wait3A_560, %dma_wait3A_561] : memref<2x128x32xf32, #tpu.memory_space<vmem>> -> memref<1x128x32xf32, #tpu.memory_space<vmem>>
        %dma_wait3A_563 = tpu.memref_squeeze %dma_wait3A_562 : memref<1x128x32xf32, #tpu.memory_space<vmem>> -> memref<128x32xf32, #tpu.memory_space<vmem>>
        tpu.wait_dma2 semaphore(%arg18 : memref<!tpu.dma_semaphore, #tpu.memory_space<semaphore_mem>>) src(%dma_wait3A_563 : memref<128x32xf32, #tpu.memory_space<vmem>>) dst(%dma_wait3A_559 : memref<128x32xf32, #tpu.memory_space<vmem_shared>>)
        %dma_wait3A_564 = arith.constant 1 : i32
        %dma_wait3A_565 = arith.constant 0 : i32
        %dma_wait3A_566 = arith.constant 0 : i32
        %dma_wait3A_567 = tpu.memref_slice %arg14[%dma_wait3A_564, %dma_wait3A_565, %dma_wait3A_566] : memref<2x128x32xf32, #tpu.memory_space<vmem>> -> memref<1x128x32xf32, #tpu.memory_space<vmem>>
        %dma_wait3A_568 = tpu.memref_squeeze %dma_wait3A_567 : memref<1x128x32xf32, #tpu.memory_space<vmem>> -> memref<128x32xf32, #tpu.memory_space<vmem>>
        %dma_wait3A_569 = arith.constant 0 : i32
        %dma_wait3A_570 = arith.constant 0 : i32
        %dma_wait3A_571 = tpu.memref_slice %arg27[%dma_wait3A_569, %dma_wait3A_570] : memref<50048x32xf32, #tpu.memory_space<vmem_shared>> -> memref<128x32xf32, #tpu.memory_space<vmem_shared>>
        %dma_wait3A_572 = arith.constant 0 : i32
        %dma_wait3A_573 = arith.constant 0 : i32
        %dma_wait3A_574 = tpu.memref_slice %arg27[%dma_wait3A_572, %dma_wait3A_573] : memref<50048x32xf32, #tpu.memory_space<vmem_shared>> -> memref<128x32xf32, #tpu.memory_space<vmem_shared>>
        %dma_wait3A_575 = arith.constant 0 : i32
        %dma_wait3A_576 = arith.constant 0 : i32
        %dma_wait3A_577 = tpu.memref_slice %arg14[%dma_wait3A_564, %dma_wait3A_575, %dma_wait3A_576] : memref<2x128x32xf32, #tpu.memory_space<vmem>> -> memref<1x128x32xf32, #tpu.memory_space<vmem>>
        %dma_wait3A_578 = tpu.memref_squeeze %dma_wait3A_577 : memref<1x128x32xf32, #tpu.memory_space<vmem>> -> memref<128x32xf32, #tpu.memory_space<vmem>>
        tpu.wait_dma2 semaphore(%arg18 : memref<!tpu.dma_semaphore, #tpu.memory_space<semaphore_mem>>) src(%dma_wait3A_578 : memref<128x32xf32, #tpu.memory_space<vmem>>) dst(%dma_wait3A_574 : memref<128x32xf32, #tpu.memory_space<vmem_shared>>)
      } else {
      }
      %dma_wait3A_95 = arith.constant 0 : i32
      %dma_wait3A_96 = arith.constant 0 : i32
      %dma_wait3A_97 = arith.constant 0 : i32
      %dma_wait3A_98 = tpu.memref_slice %arg2[%dma_wait3A_95, %dma_wait3A_96, %dma_wait3A_97] : memref<6276x2x128xi32, #tpu.memory_space<hbm>> -> memref<2x2x128xi32, #tpu.memory_space<hbm>>
      %dma_wait3A_99 = arith.constant 0 : i32
      %dma_wait3A_100 = arith.constant 0 : i32
      %dma_wait3A_101 = arith.constant 0 : i32
      %dma_wait3A_102 = tpu.memref_slice %arg2[%dma_wait3A_99, %dma_wait3A_100, %dma_wait3A_101] : memref<6276x2x128xi32, #tpu.memory_space<hbm>> -> memref<2x2x128xi32, #tpu.memory_space<hbm>>
      tpu.wait_dma2 semaphore(%arg20 : memref<!tpu.dma_semaphore, #tpu.memory_space<semaphore_mem>>) src(%dma_wait3A_102 : memref<2x2x128xi32, #tpu.memory_space<hbm>>) dst(%arg10 : memref<2x2x128xi32, #tpu.memory_space<vmem>>)
      %lt3A = arith.constant 194 : i32
      %lt3A_103 = arith.cmpi slt, %add3A_92, %lt3A : i32
      %convert_element_type3A_104 = arith.extui %lt3A_103 : i1 to i32
      %cond3A_105 = arith.constant 0 : i32
      %cond3A_106 = arith.cmpi ne, %convert_element_type3A_104, %cond3A_105 : i32
      scf.if %cond3A_106 {
        %add3A_549 = arith.constant 2 : i32
        %add3A_550 = arith.addi %add3A_92, %add3A_549 : i32
        %mul3A_551 = arith.constant 2 : i32
        %mul3A_552 = arith.muli %add3A_550, %mul3A_551 : i32
        %add3A_553 = arith.addi %mul3A_2, %mul3A_552 : i32
        %dma_start3A_554 = arith.constant 0 : i32
        %dma_start3A_555 = arith.constant 0 : i32
        %dma_start3A_556 = tpu.memref_slice %arg2[%add3A_553, %dma_start3A_554, %dma_start3A_555] : memref<6276x2x128xi32, #tpu.memory_space<hbm>> -> memref<2x2x128xi32, #tpu.memory_space<hbm>>
        %dma_start3A_557 = arith.constant 0 : i32
        %dma_start3A_558 = arith.constant 0 : i32
        %dma_start3A_559 = tpu.memref_slice %arg2[%add3A_553, %dma_start3A_557, %dma_start3A_558] : memref<6276x2x128xi32, #tpu.memory_space<hbm>> -> memref<2x2x128xi32, #tpu.memory_space<hbm>>
        tpu.enqueue_dma source(%dma_start3A_559 : memref<2x2x128xi32, #tpu.memory_space<hbm>>) target(%arg12 : memref<2x2x128xi32, #tpu.memory_space<vmem>>) target_semaphore(%arg22 : memref<!tpu.dma_semaphore, #tpu.memory_space<semaphore_mem>>)
      } else {
      }
      %dma_start3A_107 = arith.constant 0 : i32
      %dma_start3A_108 = arith.constant 0 : i32
      %dma_start3A_109 = arith.constant 0 : i32
      %dma_start3A_110 = arith.constant 0 : i32
      %dma_start3A_111 = arith.constant 0 : i32
      %dma_start3A_112 = tpu.memref_slice %arg14[%dma_start3A_109, %dma_start3A_110, %dma_start3A_111] : memref<2x128x32xf32, #tpu.memory_space<vmem>> -> memref<1x128x32xf32, #tpu.memory_space<vmem>>
      %dma_start3A_113 = tpu.memref_squeeze %dma_start3A_112 : memref<1x128x32xf32, #tpu.memory_space<vmem>> -> memref<128x32xf32, #tpu.memory_space<vmem>>
      %dma_start3A_114 = arith.constant 0 : i32
      %dma_start3A_115 = tpu.memref_slice %arg10[%dma_start3A_107, %dma_start3A_108, %dma_start3A_114] : memref<2x2x128xi32, #tpu.memory_space<vmem>> -> memref<1x1x128xi32, #tpu.memory_space<vmem>>
      %dma_start3A_116 = tpu.memref_squeeze %dma_start3A_115 : memref<1x1x128xi32, #tpu.memory_space<vmem>> -> memref<128xi32, #tpu.memory_space<vmem>>
      %dma_start3A_117 = arith.constant 0 : i32
      %dma_start3A_118 = arith.constant 0 : i32
      %dma_start3A_119 = tpu.memref_slice %arg3[%arg0, %dma_start3A_117, %dma_start3A_118] : memref<2x50048x32xf32, #tpu.memory_space<hbm>> -> memref<1x50048x32xf32, #tpu.memory_space<hbm>>
      %dma_start3A_120 = tpu.memref_squeeze %dma_start3A_119 : memref<1x50048x32xf32, #tpu.memory_space<hbm>> -> memref<50048x32xf32, #tpu.memory_space<hbm>>
      %dma_start3A_121 = arith.constant 0 : i32
      %dma_start3A_122 = arith.constant 0 : i32
      %dma_start3A_123 = tpu.memref_slice %dma_start3A_120[%dma_start3A_121, %dma_start3A_122] : memref<50048x32xf32, #tpu.memory_space<hbm>> -> memref<50048x32xf32, #tpu.memory_space<hbm>>
      tpu.enqueue_indirect_dma source(%dma_start3A_123 : memref<50048x32xf32, #tpu.memory_space<hbm>>) target(%dma_start3A_113 : memref<128x32xf32, #tpu.memory_space<vmem>>) offsets(%dma_start3A_116 : memref<128xi32, #tpu.memory_space<vmem>>) semaphore(%arg16 : memref<!tpu.dma_semaphore, #tpu.memory_space<semaphore_mem>>)
      %dma_start3A_124 = arith.constant 1 : i32
      %dma_start3A_125 = arith.constant 0 : i32
      %dma_start3A_126 = arith.constant 1 : i32
      %dma_start3A_127 = arith.constant 0 : i32
      %dma_start3A_128 = arith.constant 0 : i32
      %dma_start3A_129 = tpu.memref_slice %arg14[%dma_start3A_126, %dma_start3A_127, %dma_start3A_128] : memref<2x128x32xf32, #tpu.memory_space<vmem>> -> memref<1x128x32xf32, #tpu.memory_space<vmem>>
      %dma_start3A_130 = tpu.memref_squeeze %dma_start3A_129 : memref<1x128x32xf32, #tpu.memory_space<vmem>> -> memref<128x32xf32, #tpu.memory_space<vmem>>
      %dma_start3A_131 = arith.constant 0 : i32
      %dma_start3A_132 = tpu.memref_slice %arg10[%dma_start3A_124, %dma_start3A_125, %dma_start3A_131] : memref<2x2x128xi32, #tpu.memory_space<vmem>> -> memref<1x1x128xi32, #tpu.memory_space<vmem>>
      %dma_start3A_133 = tpu.memref_squeeze %dma_start3A_132 : memref<1x1x128xi32, #tpu.memory_space<vmem>> -> memref<128xi32, #tpu.memory_space<vmem>>
      %dma_start3A_134 = arith.constant 0 : i32
      %dma_start3A_135 = arith.constant 0 : i32
      %dma_start3A_136 = tpu.memref_slice %arg3[%arg0, %dma_start3A_134, %dma_start3A_135] : memref<2x50048x32xf32, #tpu.memory_space<hbm>> -> memref<1x50048x32xf32, #tpu.memory_space<hbm>>
      %dma_start3A_137 = tpu.memref_squeeze %dma_start3A_136 : memref<1x50048x32xf32, #tpu.memory_space<hbm>> -> memref<50048x32xf32, #tpu.memory_space<hbm>>
      %dma_start3A_138 = arith.constant 0 : i32
      %dma_start3A_139 = arith.constant 0 : i32
      %dma_start3A_140 = tpu.memref_slice %dma_start3A_137[%dma_start3A_138, %dma_start3A_139] : memref<50048x32xf32, #tpu.memory_space<hbm>> -> memref<50048x32xf32, #tpu.memory_space<hbm>>
      tpu.enqueue_indirect_dma source(%dma_start3A_140 : memref<50048x32xf32, #tpu.memory_space<hbm>>) target(%dma_start3A_130 : memref<128x32xf32, #tpu.memory_space<vmem>>) offsets(%dma_start3A_133 : memref<128xi32, #tpu.memory_space<vmem>>) semaphore(%arg16 : memref<!tpu.dma_semaphore, #tpu.memory_space<semaphore_mem>>)
      %dma_wait3A_141 = arith.constant 0 : i32
      %dma_wait3A_142 = arith.constant 0 : i32
      %dma_wait3A_143 = arith.constant 0 : i32
      %dma_wait3A_144 = arith.constant 0 : i32
      %dma_wait3A_145 = arith.constant 0 : i32
      %dma_wait3A_146 = tpu.memref_slice %arg14[%dma_wait3A_143, %dma_wait3A_144, %dma_wait3A_145] : memref<2x128x32xf32, #tpu.memory_space<vmem>> -> memref<1x128x32xf32, #tpu.memory_space<vmem>>
      %dma_wait3A_147 = tpu.memref_squeeze %dma_wait3A_146 : memref<1x128x32xf32, #tpu.memory_space<vmem>> -> memref<128x32xf32, #tpu.memory_space<vmem>>
      %dma_wait3A_148 = arith.constant 0 : i32
      %dma_wait3A_149 = tpu.memref_slice %arg10[%dma_wait3A_141, %dma_wait3A_142, %dma_wait3A_148] : memref<2x2x128xi32, #tpu.memory_space<vmem>> -> memref<1x1x128xi32, #tpu.memory_space<vmem>>
      %dma_wait3A_150 = tpu.memref_squeeze %dma_wait3A_149 : memref<1x1x128xi32, #tpu.memory_space<vmem>> -> memref<128xi32, #tpu.memory_space<vmem>>
      %dma_wait3A_151 = arith.constant 0 : i32
      %dma_wait3A_152 = arith.constant 0 : i32
      %dma_wait3A_153 = tpu.memref_slice %arg3[%arg0, %dma_wait3A_151, %dma_wait3A_152] : memref<2x50048x32xf32, #tpu.memory_space<hbm>> -> memref<1x50048x32xf32, #tpu.memory_space<hbm>>
      %dma_wait3A_154 = tpu.memref_squeeze %dma_wait3A_153 : memref<1x50048x32xf32, #tpu.memory_space<hbm>> -> memref<50048x32xf32, #tpu.memory_space<hbm>>
      %dma_wait3A_155 = arith.constant 0 : i32
      %dma_wait3A_156 = arith.constant 0 : i32
      %dma_wait3A_157 = tpu.memref_slice %dma_wait3A_154[%dma_wait3A_155, %dma_wait3A_156] : memref<50048x32xf32, #tpu.memory_space<hbm>> -> memref<50048x32xf32, #tpu.memory_space<hbm>>
      tpu.wait_indirect_dma semaphore(%arg16 : memref<!tpu.dma_semaphore, #tpu.memory_space<semaphore_mem>>) src(%dma_wait3A_157 : memref<50048x32xf32, #tpu.memory_space<hbm>>) dst(%dma_wait3A_147 : memref<128x32xf32, #tpu.memory_space<vmem>>)
      %dma_wait3A_158 = arith.constant 1 : i32
      %dma_wait3A_159 = arith.constant 0 : i32
      %dma_wait3A_160 = arith.constant 1 : i32
      %dma_wait3A_161 = arith.constant 0 : i32
      %dma_wait3A_162 = arith.constant 0 : i32
      %dma_wait3A_163 = tpu.memref_slice %arg14[%dma_wait3A_160, %dma_wait3A_161, %dma_wait3A_162] : memref<2x128x32xf32, #tpu.memory_space<vmem>> -> memref<1x128x32xf32, #tpu.memory_space<vmem>>
      %dma_wait3A_164 = tpu.memref_squeeze %dma_wait3A_163 : memref<1x128x32xf32, #tpu.memory_space<vmem>> -> memref<128x32xf32, #tpu.memory_space<vmem>>
      %dma_wait3A_165 = arith.constant 0 : i32
      %dma_wait3A_166 = tpu.memref_slice %arg10[%dma_wait3A_158, %dma_wait3A_159, %dma_wait3A_165] : memref<2x2x128xi32, #tpu.memory_space<vmem>> -> memref<1x1x128xi32, #tpu.memory_space<vmem>>
      %dma_wait3A_167 = tpu.memref_squeeze %dma_wait3A_166 : memref<1x1x128xi32, #tpu.memory_space<vmem>> -> memref<128xi32, #tpu.memory_space<vmem>>
      %dma_wait3A_168 = arith.constant 0 : i32
      %dma_wait3A_169 = arith.constant 0 : i32
      %dma_wait3A_170 = tpu.memref_slice %arg3[%arg0, %dma_wait3A_168, %dma_wait3A_169] : memref<2x50048x32xf32, #tpu.memory_space<hbm>> -> memref<1x50048x32xf32, #tpu.memory_space<hbm>>
      %dma_wait3A_171 = tpu.memref_squeeze %dma_wait3A_170 : memref<1x50048x32xf32, #tpu.memory_space<hbm>> -> memref<50048x32xf32, #tpu.memory_space<hbm>>
      %dma_wait3A_172 = arith.constant 0 : i32
      %dma_wait3A_173 = arith.constant 0 : i32
      %dma_wait3A_174 = tpu.memref_slice %dma_wait3A_171[%dma_wait3A_172, %dma_wait3A_173] : memref<50048x32xf32, #tpu.memory_space<hbm>> -> memref<50048x32xf32, #tpu.memory_space<hbm>>
      tpu.wait_indirect_dma semaphore(%arg16 : memref<!tpu.dma_semaphore, #tpu.memory_space<semaphore_mem>>) src(%dma_wait3A_174 : memref<50048x32xf32, #tpu.memory_space<hbm>>) dst(%dma_wait3A_164 : memref<128x32xf32, #tpu.memory_space<vmem>>)
      %dma_start3A_175 = arith.constant 0 : i32
      %dma_start3A_176 = arith.constant 0 : i32
      %dma_start3A_177 = arith.constant 1 : i32
      %dma_start3A_178 = arith.constant 0 : i32
      %dma_start3A_179 = arith.constant 0 : i32
      %dma_start3A_180 = tpu.memref_slice %arg14[%dma_start3A_175, %dma_start3A_178, %dma_start3A_179] : memref<2x128x32xf32, #tpu.memory_space<vmem>> -> memref<1x128x32xf32, #tpu.memory_space<vmem>>
      %dma_start3A_181 = tpu.memref_squeeze %dma_start3A_180 : memref<1x128x32xf32, #tpu.memory_space<vmem>> -> memref<128x32xf32, #tpu.memory_space<vmem>>
      %dma_start3A_182 = arith.constant 0 : i32
      %dma_start3A_183 = tpu.memref_slice %arg10[%dma_start3A_176, %dma_start3A_177, %dma_start3A_182] : memref<2x2x128xi32, #tpu.memory_space<vmem>> -> memref<1x1x128xi32, #tpu.memory_space<vmem>>
      %dma_start3A_184 = tpu.memref_squeeze %dma_start3A_183 : memref<1x1x128xi32, #tpu.memory_space<vmem>> -> memref<128xi32, #tpu.memory_space<vmem>>
      %dma_start3A_185 = arith.constant 0 : i32
      %dma_start3A_186 = arith.constant 0 : i32
      %dma_start3A_187 = tpu.memref_slice %arg27[%dma_start3A_185, %dma_start3A_186] : memref<50048x32xf32, #tpu.memory_space<vmem_shared>> -> memref<50048x32xf32, #tpu.memory_space<vmem_shared>>
      tpu.enqueue_indirect_dma source(%dma_start3A_181 : memref<128x32xf32, #tpu.memory_space<vmem>>) target(%dma_start3A_187 : memref<50048x32xf32, #tpu.memory_space<vmem_shared>>) offsets(%dma_start3A_184 : memref<128xi32, #tpu.memory_space<vmem>>) semaphore(%arg18 : memref<!tpu.dma_semaphore, #tpu.memory_space<semaphore_mem>>) {add = true}
      %dma_start3A_188 = arith.constant 1 : i32
      %dma_start3A_189 = arith.constant 1 : i32
      %dma_start3A_190 = arith.constant 1 : i32
      %dma_start3A_191 = arith.constant 0 : i32
      %dma_start3A_192 = arith.constant 0 : i32
      %dma_start3A_193 = tpu.memref_slice %arg14[%dma_start3A_188, %dma_start3A_191, %dma_start3A_192] : memref<2x128x32xf32, #tpu.memory_space<vmem>> -> memref<1x128x32xf32, #tpu.memory_space<vmem>>
      %dma_start3A_194 = tpu.memref_squeeze %dma_start3A_193 : memref<1x128x32xf32, #tpu.memory_space<vmem>> -> memref<128x32xf32, #tpu.memory_space<vmem>>
      %dma_start3A_195 = arith.constant 0 : i32
      %dma_start3A_196 = tpu.memref_slice %arg10[%dma_start3A_189, %dma_start3A_190, %dma_start3A_195] : memref<2x2x128xi32, #tpu.memory_space<vmem>> -> memref<1x1x128xi32, #tpu.memory_space<vmem>>
      %dma_start3A_197 = tpu.memref_squeeze %dma_start3A_196 : memref<1x1x128xi32, #tpu.memory_space<vmem>> -> memref<128xi32, #tpu.memory_space<vmem>>
      %dma_start3A_198 = arith.constant 0 : i32
      %dma_start3A_199 = arith.constant 0 : i32
      %dma_start3A_200 = tpu.memref_slice %arg27[%dma_start3A_198, %dma_start3A_199] : memref<50048x32xf32, #tpu.memory_space<vmem_shared>> -> memref<50048x32xf32, #tpu.memory_space<vmem_shared>>
      tpu.enqueue_indirect_dma source(%dma_start3A_194 : memref<128x32xf32, #tpu.memory_space<vmem>>) target(%dma_start3A_200 : memref<50048x32xf32, #tpu.memory_space<vmem_shared>>) offsets(%dma_start3A_197 : memref<128xi32, #tpu.memory_space<vmem>>) semaphore(%arg18 : memref<!tpu.dma_semaphore, #tpu.memory_space<semaphore_mem>>) {add = true}
      %mul3A_201 = arith.constant 4 : i32
      %mul3A_202 = arith.muli %scan3A_88, %mul3A_201 : i32
      %add3A_203 = arith.constant 1 : i32
      %add3A_204 = arith.addi %mul3A_202, %add3A_203 : i32
      %ge3A_205 = arith.constant 2 : i32
      %ge3A_206 = arith.cmpi sge, %add3A_204, %ge3A_205 : i32
      %convert_element_type3A_207 = arith.extui %ge3A_206 : i1 to i32
      %cond3A_208 = arith.constant 0 : i32
      %cond3A_209 = arith.cmpi ne, %convert_element_type3A_207, %cond3A_208 : i32
      scf.if %cond3A_209 {
        %dma_wait3A_549 = arith.constant 0 : i32
        %dma_wait3A_550 = arith.constant 0 : i32
        %dma_wait3A_551 = arith.constant 0 : i32
        %dma_wait3A_552 = tpu.memref_slice %arg15[%dma_wait3A_549, %dma_wait3A_550, %dma_wait3A_551] : memref<2x128x32xf32, #tpu.memory_space<vmem>> -> memref<1x128x32xf32, #tpu.memory_space<vmem>>
        %dma_wait3A_553 = tpu.memref_squeeze %dma_wait3A_552 : memref<1x128x32xf32, #tpu.memory_space<vmem>> -> memref<128x32xf32, #tpu.memory_space<vmem>>
        %dma_wait3A_554 = arith.constant 0 : i32
        %dma_wait3A_555 = arith.constant 0 : i32
        %dma_wait3A_556 = tpu.memref_slice %arg27[%dma_wait3A_554, %dma_wait3A_555] : memref<50048x32xf32, #tpu.memory_space<vmem_shared>> -> memref<128x32xf32, #tpu.memory_space<vmem_shared>>
        %dma_wait3A_557 = arith.constant 0 : i32
        %dma_wait3A_558 = arith.constant 0 : i32
        %dma_wait3A_559 = tpu.memref_slice %arg27[%dma_wait3A_557, %dma_wait3A_558] : memref<50048x32xf32, #tpu.memory_space<vmem_shared>> -> memref<128x32xf32, #tpu.memory_space<vmem_shared>>
        %dma_wait3A_560 = arith.constant 0 : i32
        %dma_wait3A_561 = arith.constant 0 : i32
        %dma_wait3A_562 = tpu.memref_slice %arg15[%dma_wait3A_549, %dma_wait3A_560, %dma_wait3A_561] : memref<2x128x32xf32, #tpu.memory_space<vmem>> -> memref<1x128x32xf32, #tpu.memory_space<vmem>>
        %dma_wait3A_563 = tpu.memref_squeeze %dma_wait3A_562 : memref<1x128x32xf32, #tpu.memory_space<vmem>> -> memref<128x32xf32, #tpu.memory_space<vmem>>
        tpu.wait_dma2 semaphore(%arg19 : memref<!tpu.dma_semaphore, #tpu.memory_space<semaphore_mem>>) src(%dma_wait3A_563 : memref<128x32xf32, #tpu.memory_space<vmem>>) dst(%dma_wait3A_559 : memref<128x32xf32, #tpu.memory_space<vmem_shared>>)
        %dma_wait3A_564 = arith.constant 1 : i32
        %dma_wait3A_565 = arith.constant 0 : i32
        %dma_wait3A_566 = arith.constant 0 : i32
        %dma_wait3A_567 = tpu.memref_slice %arg15[%dma_wait3A_564, %dma_wait3A_565, %dma_wait3A_566] : memref<2x128x32xf32, #tpu.memory_space<vmem>> -> memref<1x128x32xf32, #tpu.memory_space<vmem>>
        %dma_wait3A_568 = tpu.memref_squeeze %dma_wait3A_567 : memref<1x128x32xf32, #tpu.memory_space<vmem>> -> memref<128x32xf32, #tpu.memory_space<vmem>>
        %dma_wait3A_569 = arith.constant 0 : i32
        %dma_wait3A_570 = arith.constant 0 : i32
        %dma_wait3A_571 = tpu.memref_slice %arg27[%dma_wait3A_569, %dma_wait3A_570] : memref<50048x32xf32, #tpu.memory_space<vmem_shared>> -> memref<128x32xf32, #tpu.memory_space<vmem_shared>>
        %dma_wait3A_572 = arith.constant 0 : i32
        %dma_wait3A_573 = arith.constant 0 : i32
        %dma_wait3A_574 = tpu.memref_slice %arg27[%dma_wait3A_572, %dma_wait3A_573] : memref<50048x32xf32, #tpu.memory_space<vmem_shared>> -> memref<128x32xf32, #tpu.memory_space<vmem_shared>>
        %dma_wait3A_575 = arith.constant 0 : i32
        %dma_wait3A_576 = arith.constant 0 : i32
        %dma_wait3A_577 = tpu.memref_slice %arg15[%dma_wait3A_564, %dma_wait3A_575, %dma_wait3A_576] : memref<2x128x32xf32, #tpu.memory_space<vmem>> -> memref<1x128x32xf32, #tpu.memory_space<vmem>>
        %dma_wait3A_578 = tpu.memref_squeeze %dma_wait3A_577 : memref<1x128x32xf32, #tpu.memory_space<vmem>> -> memref<128x32xf32, #tpu.memory_space<vmem>>
        tpu.wait_dma2 semaphore(%arg19 : memref<!tpu.dma_semaphore, #tpu.memory_space<semaphore_mem>>) src(%dma_wait3A_578 : memref<128x32xf32, #tpu.memory_space<vmem>>) dst(%dma_wait3A_574 : memref<128x32xf32, #tpu.memory_space<vmem_shared>>)
      } else {
      }
      %dma_wait3A_210 = arith.constant 0 : i32
      %dma_wait3A_211 = arith.constant 0 : i32
      %dma_wait3A_212 = arith.constant 0 : i32
      %dma_wait3A_213 = tpu.memref_slice %arg2[%dma_wait3A_210, %dma_wait3A_211, %dma_wait3A_212] : memref<6276x2x128xi32, #tpu.memory_space<hbm>> -> memref<2x2x128xi32, #tpu.memory_space<hbm>>
      %dma_wait3A_214 = arith.constant 0 : i32
      %dma_wait3A_215 = arith.constant 0 : i32
      %dma_wait3A_216 = arith.constant 0 : i32
      %dma_wait3A_217 = tpu.memref_slice %arg2[%dma_wait3A_214, %dma_wait3A_215, %dma_wait3A_216] : memref<6276x2x128xi32, #tpu.memory_space<hbm>> -> memref<2x2x128xi32, #tpu.memory_space<hbm>>
      tpu.wait_dma2 semaphore(%arg21 : memref<!tpu.dma_semaphore, #tpu.memory_space<semaphore_mem>>) src(%dma_wait3A_217 : memref<2x2x128xi32, #tpu.memory_space<hbm>>) dst(%arg11 : memref<2x2x128xi32, #tpu.memory_space<vmem>>)
      %lt3A_218 = arith.constant 194 : i32
      %lt3A_219 = arith.cmpi slt, %add3A_204, %lt3A_218 : i32
      %convert_element_type3A_220 = arith.extui %lt3A_219 : i1 to i32
      %cond3A_221 = arith.constant 0 : i32
      %cond3A_222 = arith.cmpi ne, %convert_element_type3A_220, %cond3A_221 : i32
      scf.if %cond3A_222 {
        %add3A_549 = arith.constant 2 : i32
        %add3A_550 = arith.addi %add3A_204, %add3A_549 : i32
        %mul3A_551 = arith.constant 2 : i32
        %mul3A_552 = arith.muli %add3A_550, %mul3A_551 : i32
        %add3A_553 = arith.addi %mul3A_2, %mul3A_552 : i32
        %dma_start3A_554 = arith.constant 0 : i32
        %dma_start3A_555 = arith.constant 0 : i32
        %dma_start3A_556 = tpu.memref_slice %arg2[%add3A_553, %dma_start3A_554, %dma_start3A_555] : memref<6276x2x128xi32, #tpu.memory_space<hbm>> -> memref<2x2x128xi32, #tpu.memory_space<hbm>>
        %dma_start3A_557 = arith.constant 0 : i32
        %dma_start3A_558 = arith.constant 0 : i32
        %dma_start3A_559 = tpu.memref_slice %arg2[%add3A_553, %dma_start3A_557, %dma_start3A_558] : memref<6276x2x128xi32, #tpu.memory_space<hbm>> -> memref<2x2x128xi32, #tpu.memory_space<hbm>>
        tpu.enqueue_dma source(%dma_start3A_559 : memref<2x2x128xi32, #tpu.memory_space<hbm>>) target(%arg13 : memref<2x2x128xi32, #tpu.memory_space<vmem>>) target_semaphore(%arg23 : memref<!tpu.dma_semaphore, #tpu.memory_space<semaphore_mem>>)
      } else {
      }
      %dma_start3A_223 = arith.constant 0 : i32
      %dma_start3A_224 = arith.constant 0 : i32
      %dma_start3A_225 = arith.constant 0 : i32
      %dma_start3A_226 = arith.constant 0 : i32
      %dma_start3A_227 = arith.constant 0 : i32
      %dma_start3A_228 = tpu.memref_slice %arg15[%dma_start3A_225, %dma_start3A_226, %dma_start3A_227] : memref<2x128x32xf32, #tpu.memory_space<vmem>> -> memref<1x128x32xf32, #tpu.memory_space<vmem>>
      %dma_start3A_229 = tpu.memref_squeeze %dma_start3A_228 : memref<1x128x32xf32, #tpu.memory_space<vmem>> -> memref<128x32xf32, #tpu.memory_space<vmem>>
      %dma_start3A_230 = arith.constant 0 : i32
      %dma_start3A_231 = tpu.memref_slice %arg11[%dma_start3A_223, %dma_start3A_224, %dma_start3A_230] : memref<2x2x128xi32, #tpu.memory_space<vmem>> -> memref<1x1x128xi32, #tpu.memory_space<vmem>>
      %dma_start3A_232 = tpu.memref_squeeze %dma_start3A_231 : memref<1x1x128xi32, #tpu.memory_space<vmem>> -> memref<128xi32, #tpu.memory_space<vmem>>
      %dma_start3A_233 = arith.constant 0 : i32
      %dma_start3A_234 = arith.constant 0 : i32
      %dma_start3A_235 = tpu.memref_slice %arg3[%arg0, %dma_start3A_233, %dma_start3A_234] : memref<2x50048x32xf32, #tpu.memory_space<hbm>> -> memref<1x50048x32xf32, #tpu.memory_space<hbm>>
      %dma_start3A_236 = tpu.memref_squeeze %dma_start3A_235 : memref<1x50048x32xf32, #tpu.memory_space<hbm>> -> memref<50048x32xf32, #tpu.memory_space<hbm>>
      %dma_start3A_237 = arith.constant 0 : i32
      %dma_start3A_238 = arith.constant 0 : i32
      %dma_start3A_239 = tpu.memref_slice %dma_start3A_236[%dma_start3A_237, %dma_start3A_238] : memref<50048x32xf32, #tpu.memory_space<hbm>> -> memref<50048x32xf32, #tpu.memory_space<hbm>>
      tpu.enqueue_indirect_dma source(%dma_start3A_239 : memref<50048x32xf32, #tpu.memory_space<hbm>>) target(%dma_start3A_229 : memref<128x32xf32, #tpu.memory_space<vmem>>) offsets(%dma_start3A_232 : memref<128xi32, #tpu.memory_space<vmem>>) semaphore(%arg17 : memref<!tpu.dma_semaphore, #tpu.memory_space<semaphore_mem>>)
      %dma_start3A_240 = arith.constant 1 : i32
      %dma_start3A_241 = arith.constant 0 : i32
      %dma_start3A_242 = arith.constant 1 : i32
      %dma_start3A_243 = arith.constant 0 : i32
      %dma_start3A_244 = arith.constant 0 : i32
      %dma_start3A_245 = tpu.memref_slice %arg15[%dma_start3A_242, %dma_start3A_243, %dma_start3A_244] : memref<2x128x32xf32, #tpu.memory_space<vmem>> -> memref<1x128x32xf32, #tpu.memory_space<vmem>>
      %dma_start3A_246 = tpu.memref_squeeze %dma_start3A_245 : memref<1x128x32xf32, #tpu.memory_space<vmem>> -> memref<128x32xf32, #tpu.memory_space<vmem>>
      %dma_start3A_247 = arith.constant 0 : i32
      %dma_start3A_248 = tpu.memref_slice %arg11[%dma_start3A_240, %dma_start3A_241, %dma_start3A_247] : memref<2x2x128xi32, #tpu.memory_space<vmem>> -> memref<1x1x128xi32, #tpu.memory_space<vmem>>
      %dma_start3A_249 = tpu.memref_squeeze %dma_start3A_248 : memref<1x1x128xi32, #tpu.memory_space<vmem>> -> memref<128xi32, #tpu.memory_space<vmem>>
      %dma_start3A_250 = arith.constant 0 : i32
      %dma_start3A_251 = arith.constant 0 : i32
      %dma_start3A_252 = tpu.memref_slice %arg3[%arg0, %dma_start3A_250, %dma_start3A_251] : memref<2x50048x32xf32, #tpu.memory_space<hbm>> -> memref<1x50048x32xf32, #tpu.memory_space<hbm>>
      %dma_start3A_253 = tpu.memref_squeeze %dma_start3A_252 : memref<1x50048x32xf32, #tpu.memory_space<hbm>> -> memref<50048x32xf32, #tpu.memory_space<hbm>>
      %dma_start3A_254 = arith.constant 0 : i32
      %dma_start3A_255 = arith.constant 0 : i32
      %dma_start3A_256 = tpu.memref_slice %dma_start3A_253[%dma_start3A_254, %dma_start3A_255] : memref<50048x32xf32, #tpu.memory_space<hbm>> -> memref<50048x32xf32, #tpu.memory_space<hbm>>
      tpu.enqueue_indirect_dma source(%dma_start3A_256 : memref<50048x32xf32, #tpu.memory_space<hbm>>) target(%dma_start3A_246 : memref<128x32xf32, #tpu.memory_space<vmem>>) offsets(%dma_start3A_249 : memref<128xi32, #tpu.memory_space<vmem>>) semaphore(%arg17 : memref<!tpu.dma_semaphore, #tpu.memory_space<semaphore_mem>>)
      %dma_wait3A_257 = arith.constant 0 : i32
      %dma_wait3A_258 = arith.constant 0 : i32
      %dma_wait3A_259 = arith.constant 0 : i32
      %dma_wait3A_260 = arith.constant 0 : i32
      %dma_wait3A_261 = arith.constant 0 : i32
      %dma_wait3A_262 = tpu.memref_slice %arg15[%dma_wait3A_259, %dma_wait3A_260, %dma_wait3A_261] : memref<2x128x32xf32, #tpu.memory_space<vmem>> -> memref<1x128x32xf32, #tpu.memory_space<vmem>>
      %dma_wait3A_263 = tpu.memref_squeeze %dma_wait3A_262 : memref<1x128x32xf32, #tpu.memory_space<vmem>> -> memref<128x32xf32, #tpu.memory_space<vmem>>
      %dma_wait3A_264 = arith.constant 0 : i32
      %dma_wait3A_265 = tpu.memref_slice %arg11[%dma_wait3A_257, %dma_wait3A_258, %dma_wait3A_264] : memref<2x2x128xi32, #tpu.memory_space<vmem>> -> memref<1x1x128xi32, #tpu.memory_space<vmem>>
      %dma_wait3A_266 = tpu.memref_squeeze %dma_wait3A_265 : memref<1x1x128xi32, #tpu.memory_space<vmem>> -> memref<128xi32, #tpu.memory_space<vmem>>
      %dma_wait3A_267 = arith.constant 0 : i32
      %dma_wait3A_268 = arith.constant 0 : i32
      %dma_wait3A_269 = tpu.memref_slice %arg3[%arg0, %dma_wait3A_267, %dma_wait3A_268] : memref<2x50048x32xf32, #tpu.memory_space<hbm>> -> memref<1x50048x32xf32, #tpu.memory_space<hbm>>
      %dma_wait3A_270 = tpu.memref_squeeze %dma_wait3A_269 : memref<1x50048x32xf32, #tpu.memory_space<hbm>> -> memref<50048x32xf32, #tpu.memory_space<hbm>>
      %dma_wait3A_271 = arith.constant 0 : i32
      %dma_wait3A_272 = arith.constant 0 : i32
      %dma_wait3A_273 = tpu.memref_slice %dma_wait3A_270[%dma_wait3A_271, %dma_wait3A_272] : memref<50048x32xf32, #tpu.memory_space<hbm>> -> memref<50048x32xf32, #tpu.memory_space<hbm>>
      tpu.wait_indirect_dma semaphore(%arg17 : memref<!tpu.dma_semaphore, #tpu.memory_space<semaphore_mem>>) src(%dma_wait3A_273 : memref<50048x32xf32, #tpu.memory_space<hbm>>) dst(%dma_wait3A_263 : memref<128x32xf32, #tpu.memory_space<vmem>>)
      %dma_wait3A_274 = arith.constant 1 : i32
      %dma_wait3A_275 = arith.constant 0 : i32
      %dma_wait3A_276 = arith.constant 1 : i32
      %dma_wait3A_277 = arith.constant 0 : i32
      %dma_wait3A_278 = arith.constant 0 : i32
      %dma_wait3A_279 = tpu.memref_slice %arg15[%dma_wait3A_276, %dma_wait3A_277, %dma_wait3A_278] : memref<2x128x32xf32, #tpu.memory_space<vmem>> -> memref<1x128x32xf32, #tpu.memory_space<vmem>>
      %dma_wait3A_280 = tpu.memref_squeeze %dma_wait3A_279 : memref<1x128x32xf32, #tpu.memory_space<vmem>> -> memref<128x32xf32, #tpu.memory_space<vmem>>
      %dma_wait3A_281 = arith.constant 0 : i32
      %dma_wait3A_282 = tpu.memref_slice %arg11[%dma_wait3A_274, %dma_wait3A_275, %dma_wait3A_281] : memref<2x2x128xi32, #tpu.memory_space<vmem>> -> memref<1x1x128xi32, #tpu.memory_space<vmem>>
      %dma_wait3A_283 = tpu.memref_squeeze %dma_wait3A_282 : memref<1x1x128xi32, #tpu.memory_space<vmem>> -> memref<128xi32, #tpu.memory_space<vmem>>
      %dma_wait3A_284 = arith.constant 0 : i32
      %dma_wait3A_285 = arith.constant 0 : i32
      %dma_wait3A_286 = tpu.memref_slice %arg3[%arg0, %dma_wait3A_284, %dma_wait3A_285] : memref<2x50048x32xf32, #tpu.memory_space<hbm>> -> memref<1x50048x32xf32, #tpu.memory_space<hbm>>
      %dma_wait3A_287 = tpu.memref_squeeze %dma_wait3A_286 : memref<1x50048x32xf32, #tpu.memory_space<hbm>> -> memref<50048x32xf32, #tpu.memory_space<hbm>>
      %dma_wait3A_288 = arith.constant 0 : i32
      %dma_wait3A_289 = arith.constant 0 : i32
      %dma_wait3A_290 = tpu.memref_slice %dma_wait3A_287[%dma_wait3A_288, %dma_wait3A_289] : memref<50048x32xf32, #tpu.memory_space<hbm>> -> memref<50048x32xf32, #tpu.memory_space<hbm>>
      tpu.wait_indirect_dma semaphore(%arg17 : memref<!tpu.dma_semaphore, #tpu.memory_space<semaphore_mem>>) src(%dma_wait3A_290 : memref<50048x32xf32, #tpu.memory_space<hbm>>) dst(%dma_wait3A_280 : memref<128x32xf32, #tpu.memory_space<vmem>>)
      %dma_start3A_291 = arith.constant 0 : i32
      %dma_start3A_292 = arith.constant 0 : i32
      %dma_start3A_293 = arith.constant 1 : i32
      %dma_start3A_294 = arith.constant 0 : i32
      %dma_start3A_295 = arith.constant 0 : i32
      %dma_start3A_296 = tpu.memref_slice %arg15[%dma_start3A_291, %dma_start3A_294, %dma_start3A_295] : memref<2x128x32xf32, #tpu.memory_space<vmem>> -> memref<1x128x32xf32, #tpu.memory_space<vmem>>
      %dma_start3A_297 = tpu.memref_squeeze %dma_start3A_296 : memref<1x128x32xf32, #tpu.memory_space<vmem>> -> memref<128x32xf32, #tpu.memory_space<vmem>>
      %dma_start3A_298 = arith.constant 0 : i32
      %dma_start3A_299 = tpu.memref_slice %arg11[%dma_start3A_292, %dma_start3A_293, %dma_start3A_298] : memref<2x2x128xi32, #tpu.memory_space<vmem>> -> memref<1x1x128xi32, #tpu.memory_space<vmem>>
      %dma_start3A_300 = tpu.memref_squeeze %dma_start3A_299 : memref<1x1x128xi32, #tpu.memory_space<vmem>> -> memref<128xi32, #tpu.memory_space<vmem>>
      %dma_start3A_301 = arith.constant 0 : i32
      %dma_start3A_302 = arith.constant 0 : i32
      %dma_start3A_303 = tpu.memref_slice %arg27[%dma_start3A_301, %dma_start3A_302] : memref<50048x32xf32, #tpu.memory_space<vmem_shared>> -> memref<50048x32xf32, #tpu.memory_space<vmem_shared>>
      tpu.enqueue_indirect_dma source(%dma_start3A_297 : memref<128x32xf32, #tpu.memory_space<vmem>>) target(%dma_start3A_303 : memref<50048x32xf32, #tpu.memory_space<vmem_shared>>) offsets(%dma_start3A_300 : memref<128xi32, #tpu.memory_space<vmem>>) semaphore(%arg19 : memref<!tpu.dma_semaphore, #tpu.memory_space<semaphore_mem>>) {add = true}
      %dma_start3A_304 = arith.constant 1 : i32
      %dma_start3A_305 = arith.constant 1 : i32
      %dma_start3A_306 = arith.constant 1 : i32
      %dma_start3A_307 = arith.constant 0 : i32
      %dma_start3A_308 = arith.constant 0 : i32
      %dma_start3A_309 = tpu.memref_slice %arg15[%dma_start3A_304, %dma_start3A_307, %dma_start3A_308] : memref<2x128x32xf32, #tpu.memory_space<vmem>> -> memref<1x128x32xf32, #tpu.memory_space<vmem>>
      %dma_start3A_310 = tpu.memref_squeeze %dma_start3A_309 : memref<1x128x32xf32, #tpu.memory_space<vmem>> -> memref<128x32xf32, #tpu.memory_space<vmem>>
      %dma_start3A_311 = arith.constant 0 : i32
      %dma_start3A_312 = tpu.memref_slice %arg11[%dma_start3A_305, %dma_start3A_306, %dma_start3A_311] : memref<2x2x128xi32, #tpu.memory_space<vmem>> -> memref<1x1x128xi32, #tpu.memory_space<vmem>>
      %dma_start3A_313 = tpu.memref_squeeze %dma_start3A_312 : memref<1x1x128xi32, #tpu.memory_space<vmem>> -> memref<128xi32, #tpu.memory_space<vmem>>
      %dma_start3A_314 = arith.constant 0 : i32
      %dma_start3A_315 = arith.constant 0 : i32
      %dma_start3A_316 = tpu.memref_slice %arg27[%dma_start3A_314, %dma_start3A_315] : memref<50048x32xf32, #tpu.memory_space<vmem_shared>> -> memref<50048x32xf32, #tpu.memory_space<vmem_shared>>
      tpu.enqueue_indirect_dma source(%dma_start3A_310 : memref<128x32xf32, #tpu.memory_space<vmem>>) target(%dma_start3A_316 : memref<50048x32xf32, #tpu.memory_space<vmem_shared>>) offsets(%dma_start3A_313 : memref<128xi32, #tpu.memory_space<vmem>>) semaphore(%arg19 : memref<!tpu.dma_semaphore, #tpu.memory_space<semaphore_mem>>) {add = true}
      %mul3A_317 = arith.constant 4 : i32
      %mul3A_318 = arith.muli %scan3A_88, %mul3A_317 : i32
      %add3A_319 = arith.constant 2 : i32
      %add3A_320 = arith.addi %mul3A_318, %add3A_319 : i32
      %ge3A_321 = arith.constant 2 : i32
      %ge3A_322 = arith.cmpi sge, %add3A_320, %ge3A_321 : i32
      %convert_element_type3A_323 = arith.extui %ge3A_322 : i1 to i32
      %cond3A_324 = arith.constant 0 : i32
      %cond3A_325 = arith.cmpi ne, %convert_element_type3A_323, %cond3A_324 : i32
      scf.if %cond3A_325 {
        %dma_wait3A_549 = arith.constant 0 : i32
        %dma_wait3A_550 = arith.constant 0 : i32
        %dma_wait3A_551 = arith.constant 0 : i32
        %dma_wait3A_552 = tpu.memref_slice %arg14[%dma_wait3A_549, %dma_wait3A_550, %dma_wait3A_551] : memref<2x128x32xf32, #tpu.memory_space<vmem>> -> memref<1x128x32xf32, #tpu.memory_space<vmem>>
        %dma_wait3A_553 = tpu.memref_squeeze %dma_wait3A_552 : memref<1x128x32xf32, #tpu.memory_space<vmem>> -> memref<128x32xf32, #tpu.memory_space<vmem>>
        %dma_wait3A_554 = arith.constant 0 : i32
        %dma_wait3A_555 = arith.constant 0 : i32
        %dma_wait3A_556 = tpu.memref_slice %arg27[%dma_wait3A_554, %dma_wait3A_555] : memref<50048x32xf32, #tpu.memory_space<vmem_shared>> -> memref<128x32xf32, #tpu.memory_space<vmem_shared>>
        %dma_wait3A_557 = arith.constant 0 : i32
        %dma_wait3A_558 = arith.constant 0 : i32
        %dma_wait3A_559 = tpu.memref_slice %arg27[%dma_wait3A_557, %dma_wait3A_558] : memref<50048x32xf32, #tpu.memory_space<vmem_shared>> -> memref<128x32xf32, #tpu.memory_space<vmem_shared>>
        %dma_wait3A_560 = arith.constant 0 : i32
        %dma_wait3A_561 = arith.constant 0 : i32
        %dma_wait3A_562 = tpu.memref_slice %arg14[%dma_wait3A_549, %dma_wait3A_560, %dma_wait3A_561] : memref<2x128x32xf32, #tpu.memory_space<vmem>> -> memref<1x128x32xf32, #tpu.memory_space<vmem>>
        %dma_wait3A_563 = tpu.memref_squeeze %dma_wait3A_562 : memref<1x128x32xf32, #tpu.memory_space<vmem>> -> memref<128x32xf32, #tpu.memory_space<vmem>>
        tpu.wait_dma2 semaphore(%arg18 : memref<!tpu.dma_semaphore, #tpu.memory_space<semaphore_mem>>) src(%dma_wait3A_563 : memref<128x32xf32, #tpu.memory_space<vmem>>) dst(%dma_wait3A_559 : memref<128x32xf32, #tpu.memory_space<vmem_shared>>)
        %dma_wait3A_564 = arith.constant 1 : i32
        %dma_wait3A_565 = arith.constant 0 : i32
        %dma_wait3A_566 = arith.constant 0 : i32
        %dma_wait3A_567 = tpu.memref_slice %arg14[%dma_wait3A_564, %dma_wait3A_565, %dma_wait3A_566] : memref<2x128x32xf32, #tpu.memory_space<vmem>> -> memref<1x128x32xf32, #tpu.memory_space<vmem>>
        %dma_wait3A_568 = tpu.memref_squeeze %dma_wait3A_567 : memref<1x128x32xf32, #tpu.memory_space<vmem>> -> memref<128x32xf32, #tpu.memory_space<vmem>>
        %dma_wait3A_569 = arith.constant 0 : i32
        %dma_wait3A_570 = arith.constant 0 : i32
        %dma_wait3A_571 = tpu.memref_slice %arg27[%dma_wait3A_569, %dma_wait3A_570] : memref<50048x32xf32, #tpu.memory_space<vmem_shared>> -> memref<128x32xf32, #tpu.memory_space<vmem_shared>>
        %dma_wait3A_572 = arith.constant 0 : i32
        %dma_wait3A_573 = arith.constant 0 : i32
        %dma_wait3A_574 = tpu.memref_slice %arg27[%dma_wait3A_572, %dma_wait3A_573] : memref<50048x32xf32, #tpu.memory_space<vmem_shared>> -> memref<128x32xf32, #tpu.memory_space<vmem_shared>>
        %dma_wait3A_575 = arith.constant 0 : i32
        %dma_wait3A_576 = arith.constant 0 : i32
        %dma_wait3A_577 = tpu.memref_slice %arg14[%dma_wait3A_564, %dma_wait3A_575, %dma_wait3A_576] : memref<2x128x32xf32, #tpu.memory_space<vmem>> -> memref<1x128x32xf32, #tpu.memory_space<vmem>>
        %dma_wait3A_578 = tpu.memref_squeeze %dma_wait3A_577 : memref<1x128x32xf32, #tpu.memory_space<vmem>> -> memref<128x32xf32, #tpu.memory_space<vmem>>
        tpu.wait_dma2 semaphore(%arg18 : memref<!tpu.dma_semaphore, #tpu.memory_space<semaphore_mem>>) src(%dma_wait3A_578 : memref<128x32xf32, #tpu.memory_space<vmem>>) dst(%dma_wait3A_574 : memref<128x32xf32, #tpu.memory_space<vmem_shared>>)
      } else {
      }
      %dma_wait3A_326 = arith.constant 0 : i32
      %dma_wait3A_327 = arith.constant 0 : i32
      %dma_wait3A_328 = arith.constant 0 : i32
      %dma_wait3A_329 = tpu.memref_slice %arg2[%dma_wait3A_326, %dma_wait3A_327, %dma_wait3A_328] : memref<6276x2x128xi32, #tpu.memory_space<hbm>> -> memref<2x2x128xi32, #tpu.memory_space<hbm>>
      %dma_wait3A_330 = arith.constant 0 : i32
      %dma_wait3A_331 = arith.constant 0 : i32
      %dma_wait3A_332 = arith.constant 0 : i32
      %dma_wait3A_333 = tpu.memref_slice %arg2[%dma_wait3A_330, %dma_wait3A_331, %dma_wait3A_332] : memref<6276x2x128xi32, #tpu.memory_space<hbm>> -> memref<2x2x128xi32, #tpu.memory_space<hbm>>
      tpu.wait_dma2 semaphore(%arg22 : memref<!tpu.dma_semaphore, #tpu.memory_space<semaphore_mem>>) src(%dma_wait3A_333 : memref<2x2x128xi32, #tpu.memory_space<hbm>>) dst(%arg12 : memref<2x2x128xi32, #tpu.memory_space<vmem>>)
      %lt3A_334 = arith.constant 194 : i32
      %lt3A_335 = arith.cmpi slt, %add3A_320, %lt3A_334 : i32
      %convert_element_type3A_336 = arith.extui %lt3A_335 : i1 to i32
      %cond3A_337 = arith.constant 0 : i32
      %cond3A_338 = arith.cmpi ne, %convert_element_type3A_336, %cond3A_337 : i32
      scf.if %cond3A_338 {
        %add3A_549 = arith.constant 2 : i32
        %add3A_550 = arith.addi %add3A_320, %add3A_549 : i32
        %mul3A_551 = arith.constant 2 : i32
        %mul3A_552 = arith.muli %add3A_550, %mul3A_551 : i32
        %add3A_553 = arith.addi %mul3A_2, %mul3A_552 : i32
        %dma_start3A_554 = arith.constant 0 : i32
        %dma_start3A_555 = arith.constant 0 : i32
        %dma_start3A_556 = tpu.memref_slice %arg2[%add3A_553, %dma_start3A_554, %dma_start3A_555] : memref<6276x2x128xi32, #tpu.memory_space<hbm>> -> memref<2x2x128xi32, #tpu.memory_space<hbm>>
        %dma_start3A_557 = arith.constant 0 : i32
        %dma_start3A_558 = arith.constant 0 : i32
        %dma_start3A_559 = tpu.memref_slice %arg2[%add3A_553, %dma_start3A_557, %dma_start3A_558] : memref<6276x2x128xi32, #tpu.memory_space<hbm>> -> memref<2x2x128xi32, #tpu.memory_space<hbm>>
        tpu.enqueue_dma source(%dma_start3A_559 : memref<2x2x128xi32, #tpu.memory_space<hbm>>) target(%arg10 : memref<2x2x128xi32, #tpu.memory_space<vmem>>) target_semaphore(%arg20 : memref<!tpu.dma_semaphore, #tpu.memory_space<semaphore_mem>>)
      } else {
      }
      %dma_start3A_339 = arith.constant 0 : i32
      %dma_start3A_340 = arith.constant 0 : i32
      %dma_start3A_341 = arith.constant 0 : i32
      %dma_start3A_342 = arith.constant 0 : i32
      %dma_start3A_343 = arith.constant 0 : i32
      %dma_start3A_344 = tpu.memref_slice %arg14[%dma_start3A_341, %dma_start3A_342, %dma_start3A_343] : memref<2x128x32xf32, #tpu.memory_space<vmem>> -> memref<1x128x32xf32, #tpu.memory_space<vmem>>
      %dma_start3A_345 = tpu.memref_squeeze %dma_start3A_344 : memref<1x128x32xf32, #tpu.memory_space<vmem>> -> memref<128x32xf32, #tpu.memory_space<vmem>>
      %dma_start3A_346 = arith.constant 0 : i32
      %dma_start3A_347 = tpu.memref_slice %arg12[%dma_start3A_339, %dma_start3A_340, %dma_start3A_346] : memref<2x2x128xi32, #tpu.memory_space<vmem>> -> memref<1x1x128xi32, #tpu.memory_space<vmem>>
      %dma_start3A_348 = tpu.memref_squeeze %dma_start3A_347 : memref<1x1x128xi32, #tpu.memory_space<vmem>> -> memref<128xi32, #tpu.memory_space<vmem>>
      %dma_start3A_349 = arith.constant 0 : i32
      %dma_start3A_350 = arith.constant 0 : i32
      %dma_start3A_351 = tpu.memref_slice %arg3[%arg0, %dma_start3A_349, %dma_start3A_350] : memref<2x50048x32xf32, #tpu.memory_space<hbm>> -> memref<1x50048x32xf32, #tpu.memory_space<hbm>>
      %dma_start3A_352 = tpu.memref_squeeze %dma_start3A_351 : memref<1x50048x32xf32, #tpu.memory_space<hbm>> -> memref<50048x32xf32, #tpu.memory_space<hbm>>
      %dma_start3A_353 = arith.constant 0 : i32
      %dma_start3A_354 = arith.constant 0 : i32
      %dma_start3A_355 = tpu.memref_slice %dma_start3A_352[%dma_start3A_353, %dma_start3A_354] : memref<50048x32xf32, #tpu.memory_space<hbm>> -> memref<50048x32xf32, #tpu.memory_space<hbm>>
      tpu.enqueue_indirect_dma source(%dma_start3A_355 : memref<50048x32xf32, #tpu.memory_space<hbm>>) target(%dma_start3A_345 : memref<128x32xf32, #tpu.memory_space<vmem>>) offsets(%dma_start3A_348 : memref<128xi32, #tpu.memory_space<vmem>>) semaphore(%arg16 : memref<!tpu.dma_semaphore, #tpu.memory_space<semaphore_mem>>)
      %dma_start3A_356 = arith.constant 1 : i32
      %dma_start3A_357 = arith.constant 0 : i32
      %dma_start3A_358 = arith.constant 1 : i32
      %dma_start3A_359 = arith.constant 0 : i32
      %dma_start3A_360 = arith.constant 0 : i32
      %dma_start3A_361 = tpu.memref_slice %arg14[%dma_start3A_358, %dma_start3A_359, %dma_start3A_360] : memref<2x128x32xf32, #tpu.memory_space<vmem>> -> memref<1x128x32xf32, #tpu.memory_space<vmem>>
      %dma_start3A_362 = tpu.memref_squeeze %dma_start3A_361 : memref<1x128x32xf32, #tpu.memory_space<vmem>> -> memref<128x32xf32, #tpu.memory_space<vmem>>
      %dma_start3A_363 = arith.constant 0 : i32
      %dma_start3A_364 = tpu.memref_slice %arg12[%dma_start3A_356, %dma_start3A_357, %dma_start3A_363] : memref<2x2x128xi32, #tpu.memory_space<vmem>> -> memref<1x1x128xi32, #tpu.memory_space<vmem>>
      %dma_start3A_365 = tpu.memref_squeeze %dma_start3A_364 : memref<1x1x128xi32, #tpu.memory_space<vmem>> -> memref<128xi32, #tpu.memory_space<vmem>>
      %dma_start3A_366 = arith.constant 0 : i32
      %dma_start3A_367 = arith.constant 0 : i32
      %dma_start3A_368 = tpu.memref_slice %arg3[%arg0, %dma_start3A_366, %dma_start3A_367] : memref<2x50048x32xf32, #tpu.memory_space<hbm>> -> memref<1x50048x32xf32, #tpu.memory_space<hbm>>
      %dma_start3A_369 = tpu.memref_squeeze %dma_start3A_368 : memref<1x50048x32xf32, #tpu.memory_space<hbm>> -> memref<50048x32xf32, #tpu.memory_space<hbm>>
      %dma_start3A_370 = arith.constant 0 : i32
      %dma_start3A_371 = arith.constant 0 : i32
      %dma_start3A_372 = tpu.memref_slice %dma_start3A_369[%dma_start3A_370, %dma_start3A_371] : memref<50048x32xf32, #tpu.memory_space<hbm>> -> memref<50048x32xf32, #tpu.memory_space<hbm>>
      tpu.enqueue_indirect_dma source(%dma_start3A_372 : memref<50048x32xf32, #tpu.memory_space<hbm>>) target(%dma_start3A_362 : memref<128x32xf32, #tpu.memory_space<vmem>>) offsets(%dma_start3A_365 : memref<128xi32, #tpu.memory_space<vmem>>) semaphore(%arg16 : memref<!tpu.dma_semaphore, #tpu.memory_space<semaphore_mem>>)
      %dma_wait3A_373 = arith.constant 0 : i32
      %dma_wait3A_374 = arith.constant 0 : i32
      %dma_wait3A_375 = arith.constant 0 : i32
      %dma_wait3A_376 = arith.constant 0 : i32
      %dma_wait3A_377 = arith.constant 0 : i32
      %dma_wait3A_378 = tpu.memref_slice %arg14[%dma_wait3A_375, %dma_wait3A_376, %dma_wait3A_377] : memref<2x128x32xf32, #tpu.memory_space<vmem>> -> memref<1x128x32xf32, #tpu.memory_space<vmem>>
      %dma_wait3A_379 = tpu.memref_squeeze %dma_wait3A_378 : memref<1x128x32xf32, #tpu.memory_space<vmem>> -> memref<128x32xf32, #tpu.memory_space<vmem>>
      %dma_wait3A_380 = arith.constant 0 : i32
      %dma_wait3A_381 = tpu.memref_slice %arg12[%dma_wait3A_373, %dma_wait3A_374, %dma_wait3A_380] : memref<2x2x128xi32, #tpu.memory_space<vmem>> -> memref<1x1x128xi32, #tpu.memory_space<vmem>>
      %dma_wait3A_382 = tpu.memref_squeeze %dma_wait3A_381 : memref<1x1x128xi32, #tpu.memory_space<vmem>> -> memref<128xi32, #tpu.memory_space<vmem>>
      %dma_wait3A_383 = arith.constant 0 : i32
      %dma_wait3A_384 = arith.constant 0 : i32
      %dma_wait3A_385 = tpu.memref_slice %arg3[%arg0, %dma_wait3A_383, %dma_wait3A_384] : memref<2x50048x32xf32, #tpu.memory_space<hbm>> -> memref<1x50048x32xf32, #tpu.memory_space<hbm>>
      %dma_wait3A_386 = tpu.memref_squeeze %dma_wait3A_385 : memref<1x50048x32xf32, #tpu.memory_space<hbm>> -> memref<50048x32xf32, #tpu.memory_space<hbm>>
      %dma_wait3A_387 = arith.constant 0 : i32
      %dma_wait3A_388 = arith.constant 0 : i32
      %dma_wait3A_389 = tpu.memref_slice %dma_wait3A_386[%dma_wait3A_387, %dma_wait3A_388] : memref<50048x32xf32, #tpu.memory_space<hbm>> -> memref<50048x32xf32, #tpu.memory_space<hbm>>
      tpu.wait_indirect_dma semaphore(%arg16 : memref<!tpu.dma_semaphore, #tpu.memory_space<semaphore_mem>>) src(%dma_wait3A_389 : memref<50048x32xf32, #tpu.memory_space<hbm>>) dst(%dma_wait3A_379 : memref<128x32xf32, #tpu.memory_space<vmem>>)
      %dma_wait3A_390 = arith.constant 1 : i32
      %dma_wait3A_391 = arith.constant 0 : i32
      %dma_wait3A_392 = arith.constant 1 : i32
      %dma_wait3A_393 = arith.constant 0 : i32
      %dma_wait3A_394 = arith.constant 0 : i32
      %dma_wait3A_395 = tpu.memref_slice %arg14[%dma_wait3A_392, %dma_wait3A_393, %dma_wait3A_394] : memref<2x128x32xf32, #tpu.memory_space<vmem>> -> memref<1x128x32xf32, #tpu.memory_space<vmem>>
      %dma_wait3A_396 = tpu.memref_squeeze %dma_wait3A_395 : memref<1x128x32xf32, #tpu.memory_space<vmem>> -> memref<128x32xf32, #tpu.memory_space<vmem>>
      %dma_wait3A_397 = arith.constant 0 : i32
      %dma_wait3A_398 = tpu.memref_slice %arg12[%dma_wait3A_390, %dma_wait3A_391, %dma_wait3A_397] : memref<2x2x128xi32, #tpu.memory_space<vmem>> -> memref<1x1x128xi32, #tpu.memory_space<vmem>>
      %dma_wait3A_399 = tpu.memref_squeeze %dma_wait3A_398 : memref<1x1x128xi32, #tpu.memory_space<vmem>> -> memref<128xi32, #tpu.memory_space<vmem>>
      %dma_wait3A_400 = arith.constant 0 : i32
      %dma_wait3A_401 = arith.constant 0 : i32
      %dma_wait3A_402 = tpu.memref_slice %arg3[%arg0, %dma_wait3A_400, %dma_wait3A_401] : memref<2x50048x32xf32, #tpu.memory_space<hbm>> -> memref<1x50048x32xf32, #tpu.memory_space<hbm>>
      %dma_wait3A_403 = tpu.memref_squeeze %dma_wait3A_402 : memref<1x50048x32xf32, #tpu.memory_space<hbm>> -> memref<50048x32xf32, #tpu.memory_space<hbm>>
      %dma_wait3A_404 = arith.constant 0 : i32
      %dma_wait3A_405 = arith.constant 0 : i32
      %dma_wait3A_406 = tpu.memref_slice %dma_wait3A_403[%dma_wait3A_404, %dma_wait3A_405] : memref<50048x32xf32, #tpu.memory_space<hbm>> -> memref<50048x32xf32, #tpu.memory_space<hbm>>
      tpu.wait_indirect_dma semaphore(%arg16 : memref<!tpu.dma_semaphore, #tpu.memory_space<semaphore_mem>>) src(%dma_wait3A_406 : memref<50048x32xf32, #tpu.memory_space<hbm>>) dst(%dma_wait3A_396 : memref<128x32xf32, #tpu.memory_space<vmem>>)
      %dma_start3A_407 = arith.constant 0 : i32
      %dma_start3A_408 = arith.constant 0 : i32
      %dma_start3A_409 = arith.constant 1 : i32
      %dma_start3A_410 = arith.constant 0 : i32
      %dma_start3A_411 = arith.constant 0 : i32
      %dma_start3A_412 = tpu.memref_slice %arg14[%dma_start3A_407, %dma_start3A_410, %dma_start3A_411] : memref<2x128x32xf32, #tpu.memory_space<vmem>> -> memref<1x128x32xf32, #tpu.memory_space<vmem>>
      %dma_start3A_413 = tpu.memref_squeeze %dma_start3A_412 : memref<1x128x32xf32, #tpu.memory_space<vmem>> -> memref<128x32xf32, #tpu.memory_space<vmem>>
      %dma_start3A_414 = arith.constant 0 : i32
      %dma_start3A_415 = tpu.memref_slice %arg12[%dma_start3A_408, %dma_start3A_409, %dma_start3A_414] : memref<2x2x128xi32, #tpu.memory_space<vmem>> -> memref<1x1x128xi32, #tpu.memory_space<vmem>>
      %dma_start3A_416 = tpu.memref_squeeze %dma_start3A_415 : memref<1x1x128xi32, #tpu.memory_space<vmem>> -> memref<128xi32, #tpu.memory_space<vmem>>
      %dma_start3A_417 = arith.constant 0 : i32
      %dma_start3A_418 = arith.constant 0 : i32
      %dma_start3A_419 = tpu.memref_slice %arg27[%dma_start3A_417, %dma_start3A_418] : memref<50048x32xf32, #tpu.memory_space<vmem_shared>> -> memref<50048x32xf32, #tpu.memory_space<vmem_shared>>
      tpu.enqueue_indirect_dma source(%dma_start3A_413 : memref<128x32xf32, #tpu.memory_space<vmem>>) target(%dma_start3A_419 : memref<50048x32xf32, #tpu.memory_space<vmem_shared>>) offsets(%dma_start3A_416 : memref<128xi32, #tpu.memory_space<vmem>>) semaphore(%arg18 : memref<!tpu.dma_semaphore, #tpu.memory_space<semaphore_mem>>) {add = true}
      %dma_start3A_420 = arith.constant 1 : i32
      %dma_start3A_421 = arith.constant 1 : i32
      %dma_start3A_422 = arith.constant 1 : i32
      %dma_start3A_423 = arith.constant 0 : i32
      %dma_start3A_424 = arith.constant 0 : i32
      %dma_start3A_425 = tpu.memref_slice %arg14[%dma_start3A_420, %dma_start3A_423, %dma_start3A_424] : memref<2x128x32xf32, #tpu.memory_space<vmem>> -> memref<1x128x32xf32, #tpu.memory_space<vmem>>
      %dma_start3A_426 = tpu.memref_squeeze %dma_start3A_425 : memref<1x128x32xf32, #tpu.memory_space<vmem>> -> memref<128x32xf32, #tpu.memory_space<vmem>>
      %dma_start3A_427 = arith.constant 0 : i32
      %dma_start3A_428 = tpu.memref_slice %arg12[%dma_start3A_421, %dma_start3A_422, %dma_start3A_427] : memref<2x2x128xi32, #tpu.memory_space<vmem>> -> memref<1x1x128xi32, #tpu.memory_space<vmem>>
      %dma_start3A_429 = tpu.memref_squeeze %dma_start3A_428 : memref<1x1x128xi32, #tpu.memory_space<vmem>> -> memref<128xi32, #tpu.memory_space<vmem>>
      %dma_start3A_430 = arith.constant 0 : i32
      %dma_start3A_431 = arith.constant 0 : i32
      %dma_start3A_432 = tpu.memref_slice %arg27[%dma_start3A_430, %dma_start3A_431] : memref<50048x32xf32, #tpu.memory_space<vmem_shared>> -> memref<50048x32xf32, #tpu.memory_space<vmem_shared>>
      tpu.enqueue_indirect_dma source(%dma_start3A_426 : memref<128x32xf32, #tpu.memory_space<vmem>>) target(%dma_start3A_432 : memref<50048x32xf32, #tpu.memory_space<vmem_shared>>) offsets(%dma_start3A_429 : memref<128xi32, #tpu.memory_space<vmem>>) semaphore(%arg18 : memref<!tpu.dma_semaphore, #tpu.memory_space<semaphore_mem>>) {add = true}
      %mul3A_433 = arith.constant 4 : i32
      %mul3A_434 = arith.muli %scan3A_88, %mul3A_433 : i32
      %add3A_435 = arith.constant 3 : i32
      %add3A_436 = arith.addi %mul3A_434, %add3A_435 : i32
      %ge3A_437 = arith.constant 2 : i32
      %ge3A_438 = arith.cmpi sge, %add3A_436, %ge3A_437 : i32
      %convert_element_type3A_439 = arith.extui %ge3A_438 : i1 to i32
      %cond3A_440 = arith.constant 0 : i32
      %cond3A_441 = arith.cmpi ne, %convert_element_type3A_439, %cond3A_440 : i32
      scf.if %cond3A_441 {
        %dma_wait3A_549 = arith.constant 0 : i32
        %dma_wait3A_550 = arith.constant 0 : i32
        %dma_wait3A_551 = arith.constant 0 : i32
        %dma_wait3A_552 = tpu.memref_slice %arg15[%dma_wait3A_549, %dma_wait3A_550, %dma_wait3A_551] : memref<2x128x32xf32, #tpu.memory_space<vmem>> -> memref<1x128x32xf32, #tpu.memory_space<vmem>>
        %dma_wait3A_553 = tpu.memref_squeeze %dma_wait3A_552 : memref<1x128x32xf32, #tpu.memory_space<vmem>> -> memref<128x32xf32, #tpu.memory_space<vmem>>
        %dma_wait3A_554 = arith.constant 0 : i32
        %dma_wait3A_555 = arith.constant 0 : i32
        %dma_wait3A_556 = tpu.memref_slice %arg27[%dma_wait3A_554, %dma_wait3A_555] : memref<50048x32xf32, #tpu.memory_space<vmem_shared>> -> memref<128x32xf32, #tpu.memory_space<vmem_shared>>
        %dma_wait3A_557 = arith.constant 0 : i32
        %dma_wait3A_558 = arith.constant 0 : i32
        %dma_wait3A_559 = tpu.memref_slice %arg27[%dma_wait3A_557, %dma_wait3A_558] : memref<50048x32xf32, #tpu.memory_space<vmem_shared>> -> memref<128x32xf32, #tpu.memory_space<vmem_shared>>
        %dma_wait3A_560 = arith.constant 0 : i32
        %dma_wait3A_561 = arith.constant 0 : i32
        %dma_wait3A_562 = tpu.memref_slice %arg15[%dma_wait3A_549, %dma_wait3A_560, %dma_wait3A_561] : memref<2x128x32xf32, #tpu.memory_space<vmem>> -> memref<1x128x32xf32, #tpu.memory_space<vmem>>
        %dma_wait3A_563 = tpu.memref_squeeze %dma_wait3A_562 : memref<1x128x32xf32, #tpu.memory_space<vmem>> -> memref<128x32xf32, #tpu.memory_space<vmem>>
        tpu.wait_dma2 semaphore(%arg19 : memref<!tpu.dma_semaphore, #tpu.memory_space<semaphore_mem>>) src(%dma_wait3A_563 : memref<128x32xf32, #tpu.memory_space<vmem>>) dst(%dma_wait3A_559 : memref<128x32xf32, #tpu.memory_space<vmem_shared>>)
        %dma_wait3A_564 = arith.constant 1 : i32
        %dma_wait3A_565 = arith.constant 0 : i32
        %dma_wait3A_566 = arith.constant 0 : i32
        %dma_wait3A_567 = tpu.memref_slice %arg15[%dma_wait3A_564, %dma_wait3A_565, %dma_wait3A_566] : memref<2x128x32xf32, #tpu.memory_space<vmem>> -> memref<1x128x32xf32, #tpu.memory_space<vmem>>
        %dma_wait3A_568 = tpu.memref_squeeze %dma_wait3A_567 : memref<1x128x32xf32, #tpu.memory_space<vmem>> -> memref<128x32xf32, #tpu.memory_space<vmem>>
        %dma_wait3A_569 = arith.constant 0 : i32
        %dma_wait3A_570 = arith.constant 0 : i32
        %dma_wait3A_571 = tpu.memref_slice %arg27[%dma_wait3A_569, %dma_wait3A_570] : memref<50048x32xf32, #tpu.memory_space<vmem_shared>> -> memref<128x32xf32, #tpu.memory_space<vmem_shared>>
        %dma_wait3A_572 = arith.constant 0 : i32
        %dma_wait3A_573 = arith.constant 0 : i32
        %dma_wait3A_574 = tpu.memref_slice %arg27[%dma_wait3A_572, %dma_wait3A_573] : memref<50048x32xf32, #tpu.memory_space<vmem_shared>> -> memref<128x32xf32, #tpu.memory_space<vmem_shared>>
        %dma_wait3A_575 = arith.constant 0 : i32
        %dma_wait3A_576 = arith.constant 0 : i32
        %dma_wait3A_577 = tpu.memref_slice %arg15[%dma_wait3A_564, %dma_wait3A_575, %dma_wait3A_576] : memref<2x128x32xf32, #tpu.memory_space<vmem>> -> memref<1x128x32xf32, #tpu.memory_space<vmem>>
        %dma_wait3A_578 = tpu.memref_squeeze %dma_wait3A_577 : memref<1x128x32xf32, #tpu.memory_space<vmem>> -> memref<128x32xf32, #tpu.memory_space<vmem>>
        tpu.wait_dma2 semaphore(%arg19 : memref<!tpu.dma_semaphore, #tpu.memory_space<semaphore_mem>>) src(%dma_wait3A_578 : memref<128x32xf32, #tpu.memory_space<vmem>>) dst(%dma_wait3A_574 : memref<128x32xf32, #tpu.memory_space<vmem_shared>>)
      } else {
      }
      %dma_wait3A_442 = arith.constant 0 : i32
      %dma_wait3A_443 = arith.constant 0 : i32
      %dma_wait3A_444 = arith.constant 0 : i32
      %dma_wait3A_445 = tpu.memref_slice %arg2[%dma_wait3A_442, %dma_wait3A_443, %dma_wait3A_444] : memref<6276x2x128xi32, #tpu.memory_space<hbm>> -> memref<2x2x128xi32, #tpu.memory_space<hbm>>
      %dma_wait3A_446 = arith.constant 0 : i32
      %dma_wait3A_447 = arith.constant 0 : i32
      %dma_wait3A_448 = arith.constant 0 : i32
      %dma_wait3A_449 = tpu.memref_slice %arg2[%dma_wait3A_446, %dma_wait3A_447, %dma_wait3A_448] : memref<6276x2x128xi32, #tpu.memory_space<hbm>> -> memref<2x2x128xi32, #tpu.memory_space<hbm>>
      tpu.wait_dma2 semaphore(%arg23 : memref<!tpu.dma_semaphore, #tpu.memory_space<semaphore_mem>>) src(%dma_wait3A_449 : memref<2x2x128xi32, #tpu.memory_space<hbm>>) dst(%arg13 : memref<2x2x128xi32, #tpu.memory_space<vmem>>)
      %lt3A_450 = arith.constant 194 : i32
      %lt3A_451 = arith.cmpi slt, %add3A_436, %lt3A_450 : i32
      %convert_element_type3A_452 = arith.extui %lt3A_451 : i1 to i32
      %cond3A_453 = arith.constant 0 : i32
      %cond3A_454 = arith.cmpi ne, %convert_element_type3A_452, %cond3A_453 : i32
      scf.if %cond3A_454 {
        %add3A_549 = arith.constant 2 : i32
        %add3A_550 = arith.addi %add3A_436, %add3A_549 : i32
        %mul3A_551 = arith.constant 2 : i32
        %mul3A_552 = arith.muli %add3A_550, %mul3A_551 : i32
        %add3A_553 = arith.addi %mul3A_2, %mul3A_552 : i32
        %dma_start3A_554 = arith.constant 0 : i32
        %dma_start3A_555 = arith.constant 0 : i32
        %dma_start3A_556 = tpu.memref_slice %arg2[%add3A_553, %dma_start3A_554, %dma_start3A_555] : memref<6276x2x128xi32, #tpu.memory_space<hbm>> -> memref<2x2x128xi32, #tpu.memory_space<hbm>>
        %dma_start3A_557 = arith.constant 0 : i32
        %dma_start3A_558 = arith.constant 0 : i32
        %dma_start3A_559 = tpu.memref_slice %arg2[%add3A_553, %dma_start3A_557, %dma_start3A_558] : memref<6276x2x128xi32, #tpu.memory_space<hbm>> -> memref<2x2x128xi32, #tpu.memory_space<hbm>>
        tpu.enqueue_dma source(%dma_start3A_559 : memref<2x2x128xi32, #tpu.memory_space<hbm>>) target(%arg11 : memref<2x2x128xi32, #tpu.memory_space<vmem>>) target_semaphore(%arg21 : memref<!tpu.dma_semaphore, #tpu.memory_space<semaphore_mem>>)
      } else {
      }
      %dma_start3A_455 = arith.constant 0 : i32
      %dma_start3A_456 = arith.constant 0 : i32
      %dma_start3A_457 = arith.constant 0 : i32
      %dma_start3A_458 = arith.constant 0 : i32
      %dma_start3A_459 = arith.constant 0 : i32
      %dma_start3A_460 = tpu.memref_slice %arg15[%dma_start3A_457, %dma_start3A_458, %dma_start3A_459] : memref<2x128x32xf32, #tpu.memory_space<vmem>> -> memref<1x128x32xf32, #tpu.memory_space<vmem>>
      %dma_start3A_461 = tpu.memref_squeeze %dma_start3A_460 : memref<1x128x32xf32, #tpu.memory_space<vmem>> -> memref<128x32xf32, #tpu.memory_space<vmem>>
      %dma_start3A_462 = arith.constant 0 : i32
      %dma_start3A_463 = tpu.memref_slice %arg13[%dma_start3A_455, %dma_start3A_456, %dma_start3A_462] : memref<2x2x128xi32, #tpu.memory_space<vmem>> -> memref<1x1x128xi32, #tpu.memory_space<vmem>>
      %dma_start3A_464 = tpu.memref_squeeze %dma_start3A_463 : memref<1x1x128xi32, #tpu.memory_space<vmem>> -> memref<128xi32, #tpu.memory_space<vmem>>
      %dma_start3A_465 = arith.constant 0 : i32
      %dma_start3A_466 = arith.constant 0 : i32
      %dma_start3A_467 = tpu.memref_slice %arg3[%arg0, %dma_start3A_465, %dma_start3A_466] : memref<2x50048x32xf32, #tpu.memory_space<hbm>> -> memref<1x50048x32xf32, #tpu.memory_space<hbm>>
      %dma_start3A_468 = tpu.memref_squeeze %dma_start3A_467 : memref<1x50048x32xf32, #tpu.memory_space<hbm>> -> memref<50048x32xf32, #tpu.memory_space<hbm>>
      %dma_start3A_469 = arith.constant 0 : i32
      %dma_start3A_470 = arith.constant 0 : i32
      %dma_start3A_471 = tpu.memref_slice %dma_start3A_468[%dma_start3A_469, %dma_start3A_470] : memref<50048x32xf32, #tpu.memory_space<hbm>> -> memref<50048x32xf32, #tpu.memory_space<hbm>>
      tpu.enqueue_indirect_dma source(%dma_start3A_471 : memref<50048x32xf32, #tpu.memory_space<hbm>>) target(%dma_start3A_461 : memref<128x32xf32, #tpu.memory_space<vmem>>) offsets(%dma_start3A_464 : memref<128xi32, #tpu.memory_space<vmem>>) semaphore(%arg17 : memref<!tpu.dma_semaphore, #tpu.memory_space<semaphore_mem>>)
      %dma_start3A_472 = arith.constant 1 : i32
      %dma_start3A_473 = arith.constant 0 : i32
      %dma_start3A_474 = arith.constant 1 : i32
      %dma_start3A_475 = arith.constant 0 : i32
      %dma_start3A_476 = arith.constant 0 : i32
      %dma_start3A_477 = tpu.memref_slice %arg15[%dma_start3A_474, %dma_start3A_475, %dma_start3A_476] : memref<2x128x32xf32, #tpu.memory_space<vmem>> -> memref<1x128x32xf32, #tpu.memory_space<vmem>>
      %dma_start3A_478 = tpu.memref_squeeze %dma_start3A_477 : memref<1x128x32xf32, #tpu.memory_space<vmem>> -> memref<128x32xf32, #tpu.memory_space<vmem>>
      %dma_start3A_479 = arith.constant 0 : i32
      %dma_start3A_480 = tpu.memref_slice %arg13[%dma_start3A_472, %dma_start3A_473, %dma_start3A_479] : memref<2x2x128xi32, #tpu.memory_space<vmem>> -> memref<1x1x128xi32, #tpu.memory_space<vmem>>
      %dma_start3A_481 = tpu.memref_squeeze %dma_start3A_480 : memref<1x1x128xi32, #tpu.memory_space<vmem>> -> memref<128xi32, #tpu.memory_space<vmem>>
      %dma_start3A_482 = arith.constant 0 : i32
      %dma_start3A_483 = arith.constant 0 : i32
      %dma_start3A_484 = tpu.memref_slice %arg3[%arg0, %dma_start3A_482, %dma_start3A_483] : memref<2x50048x32xf32, #tpu.memory_space<hbm>> -> memref<1x50048x32xf32, #tpu.memory_space<hbm>>
      %dma_start3A_485 = tpu.memref_squeeze %dma_start3A_484 : memref<1x50048x32xf32, #tpu.memory_space<hbm>> -> memref<50048x32xf32, #tpu.memory_space<hbm>>
      %dma_start3A_486 = arith.constant 0 : i32
      %dma_start3A_487 = arith.constant 0 : i32
      %dma_start3A_488 = tpu.memref_slice %dma_start3A_485[%dma_start3A_486, %dma_start3A_487] : memref<50048x32xf32, #tpu.memory_space<hbm>> -> memref<50048x32xf32, #tpu.memory_space<hbm>>
      tpu.enqueue_indirect_dma source(%dma_start3A_488 : memref<50048x32xf32, #tpu.memory_space<hbm>>) target(%dma_start3A_478 : memref<128x32xf32, #tpu.memory_space<vmem>>) offsets(%dma_start3A_481 : memref<128xi32, #tpu.memory_space<vmem>>) semaphore(%arg17 : memref<!tpu.dma_semaphore, #tpu.memory_space<semaphore_mem>>)
      %dma_wait3A_489 = arith.constant 0 : i32
      %dma_wait3A_490 = arith.constant 0 : i32
      %dma_wait3A_491 = arith.constant 0 : i32
      %dma_wait3A_492 = arith.constant 0 : i32
      %dma_wait3A_493 = arith.constant 0 : i32
      %dma_wait3A_494 = tpu.memref_slice %arg15[%dma_wait3A_491, %dma_wait3A_492, %dma_wait3A_493] : memref<2x128x32xf32, #tpu.memory_space<vmem>> -> memref<1x128x32xf32, #tpu.memory_space<vmem>>
      %dma_wait3A_495 = tpu.memref_squeeze %dma_wait3A_494 : memref<1x128x32xf32, #tpu.memory_space<vmem>> -> memref<128x32xf32, #tpu.memory_space<vmem>>
      %dma_wait3A_496 = arith.constant 0 : i32
      %dma_wait3A_497 = tpu.memref_slice %arg13[%dma_wait3A_489, %dma_wait3A_490, %dma_wait3A_496] : memref<2x2x128xi32, #tpu.memory_space<vmem>> -> memref<1x1x128xi32, #tpu.memory_space<vmem>>
      %dma_wait3A_498 = tpu.memref_squeeze %dma_wait3A_497 : memref<1x1x128xi32, #tpu.memory_space<vmem>> -> memref<128xi32, #tpu.memory_space<vmem>>
      %dma_wait3A_499 = arith.constant 0 : i32
      %dma_wait3A_500 = arith.constant 0 : i32
      %dma_wait3A_501 = tpu.memref_slice %arg3[%arg0, %dma_wait3A_499, %dma_wait3A_500] : memref<2x50048x32xf32, #tpu.memory_space<hbm>> -> memref<1x50048x32xf32, #tpu.memory_space<hbm>>
      %dma_wait3A_502 = tpu.memref_squeeze %dma_wait3A_501 : memref<1x50048x32xf32, #tpu.memory_space<hbm>> -> memref<50048x32xf32, #tpu.memory_space<hbm>>
      %dma_wait3A_503 = arith.constant 0 : i32
      %dma_wait3A_504 = arith.constant 0 : i32
      %dma_wait3A_505 = tpu.memref_slice %dma_wait3A_502[%dma_wait3A_503, %dma_wait3A_504] : memref<50048x32xf32, #tpu.memory_space<hbm>> -> memref<50048x32xf32, #tpu.memory_space<hbm>>
      tpu.wait_indirect_dma semaphore(%arg17 : memref<!tpu.dma_semaphore, #tpu.memory_space<semaphore_mem>>) src(%dma_wait3A_505 : memref<50048x32xf32, #tpu.memory_space<hbm>>) dst(%dma_wait3A_495 : memref<128x32xf32, #tpu.memory_space<vmem>>)
      %dma_wait3A_506 = arith.constant 1 : i32
      %dma_wait3A_507 = arith.constant 0 : i32
      %dma_wait3A_508 = arith.constant 1 : i32
      %dma_wait3A_509 = arith.constant 0 : i32
      %dma_wait3A_510 = arith.constant 0 : i32
      %dma_wait3A_511 = tpu.memref_slice %arg15[%dma_wait3A_508, %dma_wait3A_509, %dma_wait3A_510] : memref<2x128x32xf32, #tpu.memory_space<vmem>> -> memref<1x128x32xf32, #tpu.memory_space<vmem>>
      %dma_wait3A_512 = tpu.memref_squeeze %dma_wait3A_511 : memref<1x128x32xf32, #tpu.memory_space<vmem>> -> memref<128x32xf32, #tpu.memory_space<vmem>>
      %dma_wait3A_513 = arith.constant 0 : i32
      %dma_wait3A_514 = tpu.memref_slice %arg13[%dma_wait3A_506, %dma_wait3A_507, %dma_wait3A_513] : memref<2x2x128xi32, #tpu.memory_space<vmem>> -> memref<1x1x128xi32, #tpu.memory_space<vmem>>
      %dma_wait3A_515 = tpu.memref_squeeze %dma_wait3A_514 : memref<1x1x128xi32, #tpu.memory_space<vmem>> -> memref<128xi32, #tpu.memory_space<vmem>>
      %dma_wait3A_516 = arith.constant 0 : i32
      %dma_wait3A_517 = arith.constant 0 : i32
      %dma_wait3A_518 = tpu.memref_slice %arg3[%arg0, %dma_wait3A_516, %dma_wait3A_517] : memref<2x50048x32xf32, #tpu.memory_space<hbm>> -> memref<1x50048x32xf32, #tpu.memory_space<hbm>>
      %dma_wait3A_519 = tpu.memref_squeeze %dma_wait3A_518 : memref<1x50048x32xf32, #tpu.memory_space<hbm>> -> memref<50048x32xf32, #tpu.memory_space<hbm>>
      %dma_wait3A_520 = arith.constant 0 : i32
      %dma_wait3A_521 = arith.constant 0 : i32
      %dma_wait3A_522 = tpu.memref_slice %dma_wait3A_519[%dma_wait3A_520, %dma_wait3A_521] : memref<50048x32xf32, #tpu.memory_space<hbm>> -> memref<50048x32xf32, #tpu.memory_space<hbm>>
      tpu.wait_indirect_dma semaphore(%arg17 : memref<!tpu.dma_semaphore, #tpu.memory_space<semaphore_mem>>) src(%dma_wait3A_522 : memref<50048x32xf32, #tpu.memory_space<hbm>>) dst(%dma_wait3A_512 : memref<128x32xf32, #tpu.memory_space<vmem>>)
      %dma_start3A_523 = arith.constant 0 : i32
      %dma_start3A_524 = arith.constant 0 : i32
      %dma_start3A_525 = arith.constant 1 : i32
      %dma_start3A_526 = arith.constant 0 : i32
      %dma_start3A_527 = arith.constant 0 : i32
      %dma_start3A_528 = tpu.memref_slice %arg15[%dma_start3A_523, %dma_start3A_526, %dma_start3A_527] : memref<2x128x32xf32, #tpu.memory_space<vmem>> -> memref<1x128x32xf32, #tpu.memory_space<vmem>>
      %dma_start3A_529 = tpu.memref_squeeze %dma_start3A_528 : memref<1x128x32xf32, #tpu.memory_space<vmem>> -> memref<128x32xf32, #tpu.memory_space<vmem>>
      %dma_start3A_530 = arith.constant 0 : i32
      %dma_start3A_531 = tpu.memref_slice %arg13[%dma_start3A_524, %dma_start3A_525, %dma_start3A_530] : memref<2x2x128xi32, #tpu.memory_space<vmem>> -> memref<1x1x128xi32, #tpu.memory_space<vmem>>
      %dma_start3A_532 = tpu.memref_squeeze %dma_start3A_531 : memref<1x1x128xi32, #tpu.memory_space<vmem>> -> memref<128xi32, #tpu.memory_space<vmem>>
      %dma_start3A_533 = arith.constant 0 : i32
      %dma_start3A_534 = arith.constant 0 : i32
      %dma_start3A_535 = tpu.memref_slice %arg27[%dma_start3A_533, %dma_start3A_534] : memref<50048x32xf32, #tpu.memory_space<vmem_shared>> -> memref<50048x32xf32, #tpu.memory_space<vmem_shared>>
      tpu.enqueue_indirect_dma source(%dma_start3A_529 : memref<128x32xf32, #tpu.memory_space<vmem>>) target(%dma_start3A_535 : memref<50048x32xf32, #tpu.memory_space<vmem_shared>>) offsets(%dma_start3A_532 : memref<128xi32, #tpu.memory_space<vmem>>) semaphore(%arg19 : memref<!tpu.dma_semaphore, #tpu.memory_space<semaphore_mem>>) {add = true}
      %dma_start3A_536 = arith.constant 1 : i32
      %dma_start3A_537 = arith.constant 1 : i32
      %dma_start3A_538 = arith.constant 1 : i32
      %dma_start3A_539 = arith.constant 0 : i32
      %dma_start3A_540 = arith.constant 0 : i32
      %dma_start3A_541 = tpu.memref_slice %arg15[%dma_start3A_536, %dma_start3A_539, %dma_start3A_540] : memref<2x128x32xf32, #tpu.memory_space<vmem>> -> memref<1x128x32xf32, #tpu.memory_space<vmem>>
      %dma_start3A_542 = tpu.memref_squeeze %dma_start3A_541 : memref<1x128x32xf32, #tpu.memory_space<vmem>> -> memref<128x32xf32, #tpu.memory_space<vmem>>
      %dma_start3A_543 = arith.constant 0 : i32
      %dma_start3A_544 = tpu.memref_slice %arg13[%dma_start3A_537, %dma_start3A_538, %dma_start3A_543] : memref<2x2x128xi32, #tpu.memory_space<vmem>> -> memref<1x1x128xi32, #tpu.memory_space<vmem>>
      %dma_start3A_545 = tpu.memref_squeeze %dma_start3A_544 : memref<1x1x128xi32, #tpu.memory_space<vmem>> -> memref<128xi32, #tpu.memory_space<vmem>>
      %dma_start3A_546 = arith.constant 0 : i32
      %dma_start3A_547 = arith.constant 0 : i32
      %dma_start3A_548 = tpu.memref_slice %arg27[%dma_start3A_546, %dma_start3A_547] : memref<50048x32xf32, #tpu.memory_space<vmem_shared>> -> memref<50048x32xf32, #tpu.memory_space<vmem_shared>>
      tpu.enqueue_indirect_dma source(%dma_start3A_542 : memref<128x32xf32, #tpu.memory_space<vmem>>) target(%dma_start3A_548 : memref<50048x32xf32, #tpu.memory_space<vmem_shared>>) offsets(%dma_start3A_545 : memref<128xi32, #tpu.memory_space<vmem>>) semaphore(%arg19 : memref<!tpu.dma_semaphore, #tpu.memory_space<semaphore_mem>>) {add = true}
    }
    %scan3A_21 = arith.constant 49 : i32
    %dma_wait3A = arith.constant 0 : i32
    %dma_wait3A_22 = arith.constant 0 : i32
    %dma_wait3A_23 = arith.constant 0 : i32
    %dma_wait3A_24 = tpu.memref_slice %arg14[%dma_wait3A, %dma_wait3A_22, %dma_wait3A_23] : memref<2x128x32xf32, #tpu.memory_space<vmem>> -> memref<1x128x32xf32, #tpu.memory_space<vmem>>
    %dma_wait3A_25 = tpu.memref_squeeze %dma_wait3A_24 : memref<1x128x32xf32, #tpu.memory_space<vmem>> -> memref<128x32xf32, #tpu.memory_space<vmem>>
    %dma_wait3A_26 = arith.constant 0 : i32
    %dma_wait3A_27 = arith.constant 0 : i32
    %dma_wait3A_28 = tpu.memref_slice %arg27[%dma_wait3A_26, %dma_wait3A_27] : memref<50048x32xf32, #tpu.memory_space<vmem_shared>> -> memref<128x32xf32, #tpu.memory_space<vmem_shared>>
    %dma_wait3A_29 = arith.constant 0 : i32
    %dma_wait3A_30 = arith.constant 0 : i32
    %dma_wait3A_31 = tpu.memref_slice %arg27[%dma_wait3A_29, %dma_wait3A_30] : memref<50048x32xf32, #tpu.memory_space<vmem_shared>> -> memref<128x32xf32, #tpu.memory_space<vmem_shared>>
    %dma_wait3A_32 = arith.constant 0 : i32
    %dma_wait3A_33 = arith.constant 0 : i32
    %dma_wait3A_34 = tpu.memref_slice %arg14[%dma_wait3A, %dma_wait3A_32, %dma_wait3A_33] : memref<2x128x32xf32, #tpu.memory_space<vmem>> -> memref<1x128x32xf32, #tpu.memory_space<vmem>>
    %dma_wait3A_35 = tpu.memref_squeeze %dma_wait3A_34 : memref<1x128x32xf32, #tpu.memory_space<vmem>> -> memref<128x32xf32, #tpu.memory_space<vmem>>
    tpu.wait_dma2 semaphore(%arg18 : memref<!tpu.dma_semaphore, #tpu.memory_space<semaphore_mem>>) src(%dma_wait3A_35 : memref<128x32xf32, #tpu.memory_space<vmem>>) dst(%dma_wait3A_31 : memref<128x32xf32, #tpu.memory_space<vmem_shared>>)
    %dma_wait3A_36 = arith.constant 1 : i32
    %dma_wait3A_37 = arith.constant 0 : i32
    %dma_wait3A_38 = arith.constant 0 : i32
    %dma_wait3A_39 = tpu.memref_slice %arg14[%dma_wait3A_36, %dma_wait3A_37, %dma_wait3A_38] : memref<2x128x32xf32, #tpu.memory_space<vmem>> -> memref<1x128x32xf32, #tpu.memory_space<vmem>>
    %dma_wait3A_40 = tpu.memref_squeeze %dma_wait3A_39 : memref<1x128x32xf32, #tpu.memory_space<vmem>> -> memref<128x32xf32, #tpu.memory_space<vmem>>
    %dma_wait3A_41 = arith.constant 0 : i32
    %dma_wait3A_42 = arith.constant 0 : i32
    %dma_wait3A_43 = tpu.memref_slice %arg27[%dma_wait3A_41, %dma_wait3A_42] : memref<50048x32xf32, #tpu.memory_space<vmem_shared>> -> memref<128x32xf32, #tpu.memory_space<vmem_shared>>
    %dma_wait3A_44 = arith.constant 0 : i32
    %dma_wait3A_45 = arith.constant 0 : i32
    %dma_wait3A_46 = tpu.memref_slice %arg27[%dma_wait3A_44, %dma_wait3A_45] : memref<50048x32xf32, #tpu.memory_space<vmem_shared>> -> memref<128x32xf32, #tpu.memory_space<vmem_shared>>
    %dma_wait3A_47 = arith.constant 0 : i32
    %dma_wait3A_48 = arith.constant 0 : i32
    %dma_wait3A_49 = tpu.memref_slice %arg14[%dma_wait3A_36, %dma_wait3A_47, %dma_wait3A_48] : memref<2x128x32xf32, #tpu.memory_space<vmem>> -> memref<1x128x32xf32, #tpu.memory_space<vmem>>
    %dma_wait3A_50 = tpu.memref_squeeze %dma_wait3A_49 : memref<1x128x32xf32, #tpu.memory_space<vmem>> -> memref<128x32xf32, #tpu.memory_space<vmem>>
    tpu.wait_dma2 semaphore(%arg18 : memref<!tpu.dma_semaphore, #tpu.memory_space<semaphore_mem>>) src(%dma_wait3A_50 : memref<128x32xf32, #tpu.memory_space<vmem>>) dst(%dma_wait3A_46 : memref<128x32xf32, #tpu.memory_space<vmem_shared>>)
    %dma_wait3A_51 = arith.constant 0 : i32
    %dma_wait3A_52 = arith.constant 0 : i32
    %dma_wait3A_53 = arith.constant 0 : i32
    %dma_wait3A_54 = tpu.memref_slice %arg15[%dma_wait3A_51, %dma_wait3A_52, %dma_wait3A_53] : memref<2x128x32xf32, #tpu.memory_space<vmem>> -> memref<1x128x32xf32, #tpu.memory_space<vmem>>
    %dma_wait3A_55 = tpu.memref_squeeze %dma_wait3A_54 : memref<1x128x32xf32, #tpu.memory_space<vmem>> -> memref<128x32xf32, #tpu.memory_space<vmem>>
    %dma_wait3A_56 = arith.constant 0 : i32
    %dma_wait3A_57 = arith.constant 0 : i32
    %dma_wait3A_58 = tpu.memref_slice %arg27[%dma_wait3A_56, %dma_wait3A_57] : memref<50048x32xf32, #tpu.memory_space<vmem_shared>> -> memref<128x32xf32, #tpu.memory_space<vmem_shared>>
    %dma_wait3A_59 = arith.constant 0 : i32
    %dma_wait3A_60 = arith.constant 0 : i32
    %dma_wait3A_61 = tpu.memref_slice %arg27[%dma_wait3A_59, %dma_wait3A_60] : memref<50048x32xf32, #tpu.memory_space<vmem_shared>> -> memref<128x32xf32, #tpu.memory_space<vmem_shared>>
    %dma_wait3A_62 = arith.constant 0 : i32
    %dma_wait3A_63 = arith.constant 0 : i32
    %dma_wait3A_64 = tpu.memref_slice %arg15[%dma_wait3A_51, %dma_wait3A_62, %dma_wait3A_63] : memref<2x128x32xf32, #tpu.memory_space<vmem>> -> memref<1x128x32xf32, #tpu.memory_space<vmem>>
    %dma_wait3A_65 = tpu.memref_squeeze %dma_wait3A_64 : memref<1x128x32xf32, #tpu.memory_space<vmem>> -> memref<128x32xf32, #tpu.memory_space<vmem>>
    tpu.wait_dma2 semaphore(%arg19 : memref<!tpu.dma_semaphore, #tpu.memory_space<semaphore_mem>>) src(%dma_wait3A_65 : memref<128x32xf32, #tpu.memory_space<vmem>>) dst(%dma_wait3A_61 : memref<128x32xf32, #tpu.memory_space<vmem_shared>>)
    %dma_wait3A_66 = arith.constant 1 : i32
    %dma_wait3A_67 = arith.constant 0 : i32
    %dma_wait3A_68 = arith.constant 0 : i32
    %dma_wait3A_69 = tpu.memref_slice %arg15[%dma_wait3A_66, %dma_wait3A_67, %dma_wait3A_68] : memref<2x128x32xf32, #tpu.memory_space<vmem>> -> memref<1x128x32xf32, #tpu.memory_space<vmem>>
    %dma_wait3A_70 = tpu.memref_squeeze %dma_wait3A_69 : memref<1x128x32xf32, #tpu.memory_space<vmem>> -> memref<128x32xf32, #tpu.memory_space<vmem>>
    %dma_wait3A_71 = arith.constant 0 : i32
    %dma_wait3A_72 = arith.constant 0 : i32
    %dma_wait3A_73 = tpu.memref_slice %arg27[%dma_wait3A_71, %dma_wait3A_72] : memref<50048x32xf32, #tpu.memory_space<vmem_shared>> -> memref<128x32xf32, #tpu.memory_space<vmem_shared>>
    %dma_wait3A_74 = arith.constant 0 : i32
    %dma_wait3A_75 = arith.constant 0 : i32
    %dma_wait3A_76 = tpu.memref_slice %arg27[%dma_wait3A_74, %dma_wait3A_75] : memref<50048x32xf32, #tpu.memory_space<vmem_shared>> -> memref<128x32xf32, #tpu.memory_space<vmem_shared>>
    %dma_wait3A_77 = arith.constant 0 : i32
    %dma_wait3A_78 = arith.constant 0 : i32
    %dma_wait3A_79 = tpu.memref_slice %arg15[%dma_wait3A_66, %dma_wait3A_77, %dma_wait3A_78] : memref<2x128x32xf32, #tpu.memory_space<vmem>> -> memref<1x128x32xf32, #tpu.memory_space<vmem>>
    %dma_wait3A_80 = tpu.memref_squeeze %dma_wait3A_79 : memref<1x128x32xf32, #tpu.memory_space<vmem>> -> memref<128x32xf32, #tpu.memory_space<vmem>>
    tpu.wait_dma2 semaphore(%arg19 : memref<!tpu.dma_semaphore, #tpu.memory_space<semaphore_mem>>) src(%dma_wait3A_80 : memref<128x32xf32, #tpu.memory_space<vmem>>) dst(%dma_wait3A_76 : memref<128x32xf32, #tpu.memory_space<vmem_shared>>)
    %barrier3A_81 = arith.constant 0 : index
    tpu.barrier barrier_id(%barrier3A_81)
    %mul3A_82 = arith.constant 3128 : i32
    %mul3A_83 = arith.muli %arg1, %mul3A_82 : i32
    %mul3A_84 = arith.constant 3128 : i32
    %mul3A_85 = arith.muli %arg1, %mul3A_84 : i32
    "tpu.region"() ({
      %run_scoped3A = tpu.sem_alloc : memref<!tpu.dma_semaphore, #tpu.memory_space<semaphore_mem>>
      %dma_start3A_88 = arith.constant 0 : i32
      %dma_start3A_89 = tpu.memref_slice %arg7[%arg0, %mul3A_85, %dma_start3A_88] : memref<2x50048x32xf32, #tpu.memory_space<hbm>> -> memref<1x3128x32xf32, #tpu.memory_space<hbm>>
      %dma_start3A_90 = tpu.memref_squeeze %dma_start3A_89 : memref<1x3128x32xf32, #tpu.memory_space<hbm>> -> memref<3128x32xf32, #tpu.memory_space<hbm>>
      %dma_start3A_91 = arith.constant 0 : i32
      %dma_start3A_92 = tpu.memref_slice %arg27[%mul3A_83, %dma_start3A_91] : memref<50048x32xf32, #tpu.memory_space<vmem_shared>> -> memref<3128x32xf32, #tpu.memory_space<vmem_shared>>
      tpu.enqueue_dma source(%dma_start3A_92 : memref<3128x32xf32, #tpu.memory_space<vmem_shared>>) target(%dma_start3A_90 : memref<3128x32xf32, #tpu.memory_space<hbm>>) target_semaphore(%run_scoped3A : memref<!tpu.dma_semaphore, #tpu.memory_space<semaphore_mem>>)
      %dma_wait3A_93 = arith.constant 0 : i32
      %dma_wait3A_94 = tpu.memref_slice %arg7[%arg0, %mul3A_85, %dma_wait3A_93] : memref<2x50048x32xf32, #tpu.memory_space<hbm>> -> memref<1x3128x32xf32, #tpu.memory_space<hbm>>
      %dma_wait3A_95 = tpu.memref_squeeze %dma_wait3A_94 : memref<1x3128x32xf32, #tpu.memory_space<hbm>> -> memref<3128x32xf32, #tpu.memory_space<hbm>>
      %dma_wait3A_96 = arith.constant 0 : i32
      %dma_wait3A_97 = tpu.memref_slice %arg27[%mul3A_83, %dma_wait3A_96] : memref<50048x32xf32, #tpu.memory_space<vmem_shared>> -> memref<3128x32xf32, #tpu.memory_space<vmem_shared>>
      tpu.wait_dma2 semaphore(%run_scoped3A : memref<!tpu.dma_semaphore, #tpu.memory_space<semaphore_mem>>) src(%dma_wait3A_97 : memref<3128x32xf32, #tpu.memory_space<vmem_shared>>) dst(%dma_wait3A_95 : memref<3128x32xf32, #tpu.memory_space<hbm>>)
      tpu.yield
    }) : () -> ()
    %mul3A_86 = arith.constant 64 : i32
    %mul3A_87 = arith.muli %arg1, %mul3A_86 : i32
    "tpu.region"() ({
      %run_scoped3A = tpu.sem_alloc : memref<!tpu.dma_semaphore, #tpu.memory_space<semaphore_mem>>
      %dma_start3A_88 = tpu.memref_slice %arg5[%mul3A_87] : memref<1024xi32, #tpu.memory_space<hbm>> -> memref<64xi32, #tpu.memory_space<hbm>>
      %dma_start3A_89 = tpu.memref_slice %arg5[%mul3A_87] : memref<1024xi32, #tpu.memory_space<hbm>> -> memref<64xi32, #tpu.memory_space<hbm>>
      tpu.enqueue_dma source(%dma_start3A_89 : memref<64xi32, #tpu.memory_space<hbm>>) target(%arg24 : memref<64xi32, #tpu.memory_space<vmem>>) target_semaphore(%run_scoped3A : memref<!tpu.dma_semaphore, #tpu.memory_space<semaphore_mem>>)
      %dma_wait3A_90 = tpu.memref_slice %arg5[%mul3A_87] : memref<1024xi32, #tpu.memory_space<hbm>> -> memref<64xi32, #tpu.memory_space<hbm>>
      %dma_wait3A_91 = tpu.memref_slice %arg5[%mul3A_87] : memref<1024xi32, #tpu.memory_space<hbm>> -> memref<64xi32, #tpu.memory_space<hbm>>
      tpu.wait_dma2 semaphore(%run_scoped3A : memref<!tpu.dma_semaphore, #tpu.memory_space<semaphore_mem>>) src(%dma_wait3A_91 : memref<64xi32, #tpu.memory_space<hbm>>) dst(%arg24 : memref<64xi32, #tpu.memory_space<vmem>>)
      tpu.yield
    }) : () -> ()
    "tpu.region"() ({
      %run_scoped3A = tpu.sem_alloc : memref<!tpu.dma_semaphore, #tpu.memory_space<semaphore_mem>>
      %dma_start3A_88 = arith.constant 0 : i32
      %dma_start3A_89 = arith.constant 0 : i32
      %dma_start3A_90 = tpu.memref_slice %arg27[%dma_start3A_88, %dma_start3A_89] : memref<50048x32xf32, #tpu.memory_space<vmem_shared>> -> memref<50048x32xf32, #tpu.memory_space<vmem_shared>>
      tpu.enqueue_indirect_dma source(%dma_start3A_90 : memref<50048x32xf32, #tpu.memory_space<vmem_shared>>) target(%arg25 : memref<64x32xf32, #tpu.memory_space<vmem>>) offsets(%arg24 : memref<64xi32, #tpu.memory_space<vmem>>) semaphore(%run_scoped3A : memref<!tpu.dma_semaphore, #tpu.memory_space<semaphore_mem>>)
      %dma_wait3A_91 = arith.constant 0 : i32
      %dma_wait3A_92 = arith.constant 0 : i32
      %dma_wait3A_93 = tpu.memref_slice %arg27[%dma_wait3A_91, %dma_wait3A_92] : memref<50048x32xf32, #tpu.memory_space<vmem_shared>> -> memref<50048x32xf32, #tpu.memory_space<vmem_shared>>
      tpu.wait_indirect_dma semaphore(%run_scoped3A : memref<!tpu.dma_semaphore, #tpu.memory_space<semaphore_mem>>) src(%dma_wait3A_93 : memref<50048x32xf32, #tpu.memory_space<vmem_shared>>) dst(%arg25 : memref<64x32xf32, #tpu.memory_space<vmem>>)
      tpu.yield
    }) : () -> ()
    "tpu.region"() ({
      %run_scoped3A = tpu.sem_alloc : memref<!tpu.dma_semaphore, #tpu.memory_space<semaphore_mem>>
      %dma_start3A_88 = arith.constant 0 : i32
      %dma_start3A_89 = tpu.memref_slice %arg8[%arg0, %mul3A_87, %dma_start3A_88] : memref<2x1024x32xf32, #tpu.memory_space<hbm>> -> memref<1x64x32xf32, #tpu.memory_space<hbm>>
      %dma_start3A_90 = tpu.memref_squeeze %dma_start3A_89 : memref<1x64x32xf32, #tpu.memory_space<hbm>> -> memref<64x32xf32, #tpu.memory_space<hbm>>
      %dma_start3A_91 = arith.constant 0 : i32
      %dma_start3A_92 = tpu.memref_slice %arg8[%arg0, %mul3A_87, %dma_start3A_91] : memref<2x1024x32xf32, #tpu.memory_space<hbm>> -> memref<1x64x32xf32, #tpu.memory_space<hbm>>
      %dma_start3A_93 = tpu.memref_squeeze %dma_start3A_92 : memref<1x64x32xf32, #tpu.memory_space<hbm>> -> memref<64x32xf32, #tpu.memory_space<hbm>>
      tpu.enqueue_dma source(%arg25 : memref<64x32xf32, #tpu.memory_space<vmem>>) target(%dma_start3A_93 : memref<64x32xf32, #tpu.memory_space<hbm>>) target_semaphore(%run_scoped3A : memref<!tpu.dma_semaphore, #tpu.memory_space<semaphore_mem>>)
      %dma_wait3A_94 = arith.constant 0 : i32
      %dma_wait3A_95 = tpu.memref_slice %arg8[%arg0, %mul3A_87, %dma_wait3A_94] : memref<2x1024x32xf32, #tpu.memory_space<hbm>> -> memref<1x64x32xf32, #tpu.memory_space<hbm>>
      %dma_wait3A_96 = tpu.memref_squeeze %dma_wait3A_95 : memref<1x64x32xf32, #tpu.memory_space<hbm>> -> memref<64x32xf32, #tpu.memory_space<hbm>>
      %dma_wait3A_97 = arith.constant 0 : i32
      %dma_wait3A_98 = tpu.memref_slice %arg8[%arg0, %mul3A_87, %dma_wait3A_97] : memref<2x1024x32xf32, #tpu.memory_space<hbm>> -> memref<1x64x32xf32, #tpu.memory_space<hbm>>
      %dma_wait3A_99 = tpu.memref_squeeze %dma_wait3A_98 : memref<1x64x32xf32, #tpu.memory_space<hbm>> -> memref<64x32xf32, #tpu.memory_space<hbm>>
      tpu.wait_dma2 semaphore(%run_scoped3A : memref<!tpu.dma_semaphore, #tpu.memory_space<semaphore_mem>>) src(%arg25 : memref<64x32xf32, #tpu.memory_space<vmem>>) dst(%dma_wait3A_99 : memref<64x32xf32, #tpu.memory_space<hbm>>)
      tpu.yield
    }) : () -> ()
    "tpu.region"() ({
      %run_scoped3A = tpu.sem_alloc : memref<!tpu.dma_semaphore, #tpu.memory_space<semaphore_mem>>
      %dma_start3A_88 = arith.constant 0 : i32
      %dma_start3A_89 = arith.constant 0 : i32
      %dma_start3A_90 = tpu.memref_slice %arg6[%arg0, %dma_start3A_88, %dma_start3A_89] : memref<2x50048x8xf32, #tpu.memory_space<hbm>> -> memref<1x50048x8xf32, #tpu.memory_space<hbm>>
      %dma_start3A_91 = tpu.memref_squeeze %dma_start3A_90 : memref<1x50048x8xf32, #tpu.memory_space<hbm>> -> memref<50048x8xf32, #tpu.memory_space<hbm>>
      %dma_start3A_92 = arith.constant 0 : i32
      %dma_start3A_93 = arith.constant 0 : i32
      %dma_start3A_94 = tpu.memref_slice %dma_start3A_91[%dma_start3A_92, %dma_start3A_93] : memref<50048x8xf32, #tpu.memory_space<hbm>> -> memref<50048x8xf32, #tpu.memory_space<hbm>>
      tpu.enqueue_indirect_dma source(%dma_start3A_94 : memref<50048x8xf32, #tpu.memory_space<hbm>>) target(%arg26 : memref<64x8xf32, #tpu.memory_space<vmem>>) offsets(%arg24 : memref<64xi32, #tpu.memory_space<vmem>>) semaphore(%run_scoped3A : memref<!tpu.dma_semaphore, #tpu.memory_space<semaphore_mem>>)
      %dma_wait3A_95 = arith.constant 0 : i32
      %dma_wait3A_96 = arith.constant 0 : i32
      %dma_wait3A_97 = tpu.memref_slice %arg6[%arg0, %dma_wait3A_95, %dma_wait3A_96] : memref<2x50048x8xf32, #tpu.memory_space<hbm>> -> memref<1x50048x8xf32, #tpu.memory_space<hbm>>
      %dma_wait3A_98 = tpu.memref_squeeze %dma_wait3A_97 : memref<1x50048x8xf32, #tpu.memory_space<hbm>> -> memref<50048x8xf32, #tpu.memory_space<hbm>>
      %dma_wait3A_99 = arith.constant 0 : i32
      %dma_wait3A_100 = arith.constant 0 : i32
      %dma_wait3A_101 = tpu.memref_slice %dma_wait3A_98[%dma_wait3A_99, %dma_wait3A_100] : memref<50048x8xf32, #tpu.memory_space<hbm>> -> memref<50048x8xf32, #tpu.memory_space<hbm>>
      tpu.wait_indirect_dma semaphore(%run_scoped3A : memref<!tpu.dma_semaphore, #tpu.memory_space<semaphore_mem>>) src(%dma_wait3A_101 : memref<50048x8xf32, #tpu.memory_space<hbm>>) dst(%arg26 : memref<64x8xf32, #tpu.memory_space<vmem>>)
      tpu.yield
    }) : () -> ()
    "tpu.region"() ({
      %run_scoped3A = tpu.sem_alloc : memref<!tpu.dma_semaphore, #tpu.memory_space<semaphore_mem>>
      %dma_start3A_88 = arith.constant 0 : i32
      %dma_start3A_89 = tpu.memref_slice %arg9[%arg0, %mul3A_87, %dma_start3A_88] : memref<2x1024x8xf32, #tpu.memory_space<hbm>> -> memref<1x64x8xf32, #tpu.memory_space<hbm>>
      %dma_start3A_90 = tpu.memref_squeeze %dma_start3A_89 : memref<1x64x8xf32, #tpu.memory_space<hbm>> -> memref<64x8xf32, #tpu.memory_space<hbm>>
      %dma_start3A_91 = arith.constant 0 : i32
      %dma_start3A_92 = tpu.memref_slice %arg9[%arg0, %mul3A_87, %dma_start3A_91] : memref<2x1024x8xf32, #tpu.memory_space<hbm>> -> memref<1x64x8xf32, #tpu.memory_space<hbm>>
      %dma_start3A_93 = tpu.memref_squeeze %dma_start3A_92 : memref<1x64x8xf32, #tpu.memory_space<hbm>> -> memref<64x8xf32, #tpu.memory_space<hbm>>
      tpu.enqueue_dma source(%arg26 : memref<64x8xf32, #tpu.memory_space<vmem>>) target(%dma_start3A_93 : memref<64x8xf32, #tpu.memory_space<hbm>>) target_semaphore(%run_scoped3A : memref<!tpu.dma_semaphore, #tpu.memory_space<semaphore_mem>>)
      %dma_wait3A_94 = arith.constant 0 : i32
      %dma_wait3A_95 = tpu.memref_slice %arg9[%arg0, %mul3A_87, %dma_wait3A_94] : memref<2x1024x8xf32, #tpu.memory_space<hbm>> -> memref<1x64x8xf32, #tpu.memory_space<hbm>>
      %dma_wait3A_96 = tpu.memref_squeeze %dma_wait3A_95 : memref<1x64x8xf32, #tpu.memory_space<hbm>> -> memref<64x8xf32, #tpu.memory_space<hbm>>
      %dma_wait3A_97 = arith.constant 0 : i32
      %dma_wait3A_98 = tpu.memref_slice %arg9[%arg0, %mul3A_87, %dma_wait3A_97] : memref<2x1024x8xf32, #tpu.memory_space<hbm>> -> memref<1x64x8xf32, #tpu.memory_space<hbm>>
      %dma_wait3A_99 = tpu.memref_squeeze %dma_wait3A_98 : memref<1x64x8xf32, #tpu.memory_space<hbm>> -> memref<64x8xf32, #tpu.memory_space<hbm>>
      tpu.wait_dma2 semaphore(%run_scoped3A : memref<!tpu.dma_semaphore, #tpu.memory_space<semaphore_mem>>) src(%arg26 : memref<64x8xf32, #tpu.memory_space<vmem>>) dst(%dma_wait3A_99 : memref<64x8xf32, #tpu.memory_space<hbm>>)
      tpu.yield
    }) : () -> ()
    return
  }
}

#map = affine_map<(d0, d1) -> (0, 0, 0)>
#map1 = affine_map<(d0, d1) -> (0, 0)>
module attributes {stable_mosaic.version = 14 : i64} {
  func.func @k(%arg0: i32, %arg1: i32, %arg2: memref<6276x2x128xi32, #tpu.memory_space<hbm>>, %arg3: memref<2x50000x32xf32, #tpu.memory_space<hbm>>, %arg4: memref<3128x32xf32, #tpu.memory_space<hbm>>, %arg5: memref<2x50048x32xf32, #tpu.memory_space<hbm>>, %arg6: memref<2x2x128xi32, #tpu.memory_space<vmem>>, %arg7: memref<2x2x128xi32, #tpu.memory_space<vmem>>, %arg8: memref<2x2x128xi32, #tpu.memory_space<vmem>>, %arg9: memref<2x2x128xi32, #tpu.memory_space<vmem>>, %arg10: memref<2x128x32xf32, #tpu.memory_space<vmem>>, %arg11: memref<2x128x32xf32, #tpu.memory_space<vmem>>, %arg12: memref<!tpu.dma_semaphore, #tpu.memory_space<semaphore_mem>>, %arg13: memref<!tpu.dma_semaphore, #tpu.memory_space<semaphore_mem>>, %arg14: memref<!tpu.dma_semaphore, #tpu.memory_space<semaphore_mem>>, %arg15: memref<!tpu.dma_semaphore, #tpu.memory_space<semaphore_mem>>, %arg16: memref<!tpu.dma_semaphore, #tpu.memory_space<semaphore_mem>>, %arg17: memref<!tpu.dma_semaphore, #tpu.memory_space<semaphore_mem>>, %arg18: memref<!tpu.dma_semaphore, #tpu.memory_space<semaphore_mem>>, %arg19: memref<!tpu.dma_semaphore, #tpu.memory_space<semaphore_mem>>, %arg20: memref<64xi32, #tpu.memory_space<vmem>>, %arg21: memref<64x32xf32, #tpu.memory_space<vmem>>, %arg22: memref<64x8xf32, #tpu.memory_space<vmem>>, %arg23: memref<50048x32xf32, #tpu.memory_space<vmem_shared>>) attributes {dimension_semantics = [#tpu.dimension_semantics<core_parallel>, #tpu.dimension_semantics<subcore_parallel>], iteration_bounds = array<i64: 2, 16>, scalar_prefetch = 0 : i64, scratch_operands = 18 : i64, tpu.core_type = #tpu.core_type<sc_vector_subcore>, window_params = [{transform_indices = #map}, {transform_indices = #map}, {transform_indices = #map1}, {transform_indices = #map}]} {
    %mul3A = arith.constant 3128 : i32
    %mul3A_0 = arith.muli %arg1, %mul3A : i32
    "tpu.region"() ({
      %run_scoped3A = tpu.sem_alloc : memref<!tpu.dma_semaphore, #tpu.memory_space<semaphore_mem>>
      %dma_start3A_86 = arith.constant 0 : i32
      %dma_start3A_87 = tpu.memref_slice %arg23[%mul3A_0, %dma_start3A_86] : memref<50048x32xf32, #tpu.memory_space<vmem_shared>> -> memref<3128x32xf32, #tpu.memory_space<vmem_shared>>
      tpu.enqueue_dma source(%arg4 : memref<3128x32xf32, #tpu.memory_space<hbm>>) target(%dma_start3A_87 : memref<3128x32xf32, #tpu.memory_space<vmem_shared>>) target_semaphore(%run_scoped3A : memref<!tpu.dma_semaphore, #tpu.memory_space<semaphore_mem>>)
      %dma_wait3A_88 = arith.constant 0 : i32
      %dma_wait3A_89 = tpu.memref_slice %arg23[%mul3A_0, %dma_wait3A_88] : memref<50048x32xf32, #tpu.memory_space<vmem_shared>> -> memref<3128x32xf32, #tpu.memory_space<vmem_shared>>
      tpu.wait_dma2 semaphore(%run_scoped3A : memref<!tpu.dma_semaphore, #tpu.memory_space<semaphore_mem>>) src(%arg4 : memref<3128x32xf32, #tpu.memory_space<hbm>>) dst(%dma_wait3A_89 : memref<3128x32xf32, #tpu.memory_space<vmem_shared>>)
      tpu.yield
    }) : () -> ()
    %barrier3A = arith.constant 0 : index
    tpu.barrier barrier_id(%barrier3A)
    %mul3A_1 = arith.constant 392 : i32
    %mul3A_2 = arith.muli %arg1, %mul3A_1 : i32
    %add3A = arith.constant 0 : i32
    %add3A_3 = arith.addi %mul3A_2, %add3A : i32
    %dma_start3A = arith.constant 0 : i32
    %dma_start3A_4 = arith.constant 0 : i32
    %dma_start3A_5 = tpu.memref_slice %arg2[%add3A_3, %dma_start3A, %dma_start3A_4] : memref<6276x2x128xi32, #tpu.memory_space<hbm>> -> memref<2x2x128xi32, #tpu.memory_space<hbm>>
    %dma_start3A_6 = arith.constant 0 : i32
    %dma_start3A_7 = arith.constant 0 : i32
    %dma_start3A_8 = tpu.memref_slice %arg2[%add3A_3, %dma_start3A_6, %dma_start3A_7] : memref<6276x2x128xi32, #tpu.memory_space<hbm>> -> memref<2x2x128xi32, #tpu.memory_space<hbm>>
    tpu.enqueue_dma source(%dma_start3A_8 : memref<2x2x128xi32, #tpu.memory_space<hbm>>) target(%arg6 : memref<2x2x128xi32, #tpu.memory_space<vmem>>) target_semaphore(%arg16 : memref<!tpu.dma_semaphore, #tpu.memory_space<semaphore_mem>>)
    %add3A_9 = arith.constant 2 : i32
    %add3A_10 = arith.addi %mul3A_2, %add3A_9 : i32
    %dma_start3A_11 = arith.constant 0 : i32
    %dma_start3A_12 = arith.constant 0 : i32
    %dma_start3A_13 = tpu.memref_slice %arg2[%add3A_10, %dma_start3A_11, %dma_start3A_12] : memref<6276x2x128xi32, #tpu.memory_space<hbm>> -> memref<2x2x128xi32, #tpu.memory_space<hbm>>
    %dma_start3A_14 = arith.constant 0 : i32
    %dma_start3A_15 = arith.constant 0 : i32
    %dma_start3A_16 = tpu.memref_slice %arg2[%add3A_10, %dma_start3A_14, %dma_start3A_15] : memref<6276x2x128xi32, #tpu.memory_space<hbm>> -> memref<2x2x128xi32, #tpu.memory_space<hbm>>
    tpu.enqueue_dma source(%dma_start3A_16 : memref<2x2x128xi32, #tpu.memory_space<hbm>>) target(%arg7 : memref<2x2x128xi32, #tpu.memory_space<vmem>>) target_semaphore(%arg17 : memref<!tpu.dma_semaphore, #tpu.memory_space<semaphore_mem>>)
    %scan3A = arith.constant 0 : i32
    %scan3A_17 = arith.constant 0 : i32
    %scan3A_18 = arith.constant 49 : i32
    %scan3A_19 = arith.addi %scan3A_17, %scan3A_18 : i32
    %scan3A_20 = arith.constant 1 : i32
    scf.for %scan3A_86 = %scan3A_17 to %scan3A_19 step %scan3A_20  : i32 {
      %mul3A_87 = arith.constant 4 : i32
      %mul3A_88 = arith.muli %scan3A_86, %mul3A_87 : i32
      %add3A_89 = arith.constant 0 : i32
      %add3A_90 = arith.addi %mul3A_88, %add3A_89 : i32
      %ge3A = arith.constant 2 : i32
      %ge3A_91 = arith.cmpi sge, %add3A_90, %ge3A : i32
      %convert_element_type3A = arith.extui %ge3A_91 : i1 to i32
      %cond3A = arith.constant 0 : i32
      %cond3A_92 = arith.cmpi ne, %convert_element_type3A, %cond3A : i32
      scf.if %cond3A_92 {
        %dma_wait3A_547 = arith.constant 0 : i32
        %dma_wait3A_548 = arith.constant 0 : i32
        %dma_wait3A_549 = arith.constant 0 : i32
        %dma_wait3A_550 = tpu.memref_slice %arg10[%dma_wait3A_547, %dma_wait3A_548, %dma_wait3A_549] : memref<2x128x32xf32, #tpu.memory_space<vmem>> -> memref<1x128x32xf32, #tpu.memory_space<vmem>>
        %dma_wait3A_551 = tpu.memref_squeeze %dma_wait3A_550 : memref<1x128x32xf32, #tpu.memory_space<vmem>> -> memref<128x32xf32, #tpu.memory_space<vmem>>
        %dma_wait3A_552 = arith.constant 0 : i32
        %dma_wait3A_553 = arith.constant 0 : i32
        %dma_wait3A_554 = tpu.memref_slice %arg23[%dma_wait3A_552, %dma_wait3A_553] : memref<50048x32xf32, #tpu.memory_space<vmem_shared>> -> memref<128x32xf32, #tpu.memory_space<vmem_shared>>
        %dma_wait3A_555 = arith.constant 0 : i32
        %dma_wait3A_556 = arith.constant 0 : i32
        %dma_wait3A_557 = tpu.memref_slice %arg23[%dma_wait3A_555, %dma_wait3A_556] : memref<50048x32xf32, #tpu.memory_space<vmem_shared>> -> memref<128x32xf32, #tpu.memory_space<vmem_shared>>
        %dma_wait3A_558 = arith.constant 0 : i32
        %dma_wait3A_559 = arith.constant 0 : i32
        %dma_wait3A_560 = tpu.memref_slice %arg10[%dma_wait3A_547, %dma_wait3A_558, %dma_wait3A_559] : memref<2x128x32xf32, #tpu.memory_space<vmem>> -> memref<1x128x32xf32, #tpu.memory_space<vmem>>
        %dma_wait3A_561 = tpu.memref_squeeze %dma_wait3A_560 : memref<1x128x32xf32, #tpu.memory_space<vmem>> -> memref<128x32xf32, #tpu.memory_space<vmem>>
        tpu.wait_dma2 semaphore(%arg14 : memref<!tpu.dma_semaphore, #tpu.memory_space<semaphore_mem>>) src(%dma_wait3A_561 : memref<128x32xf32, #tpu.memory_space<vmem>>) dst(%dma_wait3A_557 : memref<128x32xf32, #tpu.memory_space<vmem_shared>>)
        %dma_wait3A_562 = arith.constant 1 : i32
        %dma_wait3A_563 = arith.constant 0 : i32
        %dma_wait3A_564 = arith.constant 0 : i32
        %dma_wait3A_565 = tpu.memref_slice %arg10[%dma_wait3A_562, %dma_wait3A_563, %dma_wait3A_564] : memref<2x128x32xf32, #tpu.memory_space<vmem>> -> memref<1x128x32xf32, #tpu.memory_space<vmem>>
        %dma_wait3A_566 = tpu.memref_squeeze %dma_wait3A_565 : memref<1x128x32xf32, #tpu.memory_space<vmem>> -> memref<128x32xf32, #tpu.memory_space<vmem>>
        %dma_wait3A_567 = arith.constant 0 : i32
        %dma_wait3A_568 = arith.constant 0 : i32
        %dma_wait3A_569 = tpu.memref_slice %arg23[%dma_wait3A_567, %dma_wait3A_568] : memref<50048x32xf32, #tpu.memory_space<vmem_shared>> -> memref<128x32xf32, #tpu.memory_space<vmem_shared>>
        %dma_wait3A_570 = arith.constant 0 : i32
        %dma_wait3A_571 = arith.constant 0 : i32
        %dma_wait3A_572 = tpu.memref_slice %arg23[%dma_wait3A_570, %dma_wait3A_571] : memref<50048x32xf32, #tpu.memory_space<vmem_shared>> -> memref<128x32xf32, #tpu.memory_space<vmem_shared>>
        %dma_wait3A_573 = arith.constant 0 : i32
        %dma_wait3A_574 = arith.constant 0 : i32
        %dma_wait3A_575 = tpu.memref_slice %arg10[%dma_wait3A_562, %dma_wait3A_573, %dma_wait3A_574] : memref<2x128x32xf32, #tpu.memory_space<vmem>> -> memref<1x128x32xf32, #tpu.memory_space<vmem>>
        %dma_wait3A_576 = tpu.memref_squeeze %dma_wait3A_575 : memref<1x128x32xf32, #tpu.memory_space<vmem>> -> memref<128x32xf32, #tpu.memory_space<vmem>>
        tpu.wait_dma2 semaphore(%arg14 : memref<!tpu.dma_semaphore, #tpu.memory_space<semaphore_mem>>) src(%dma_wait3A_576 : memref<128x32xf32, #tpu.memory_space<vmem>>) dst(%dma_wait3A_572 : memref<128x32xf32, #tpu.memory_space<vmem_shared>>)
      } else {
      }
      %dma_wait3A_93 = arith.constant 0 : i32
      %dma_wait3A_94 = arith.constant 0 : i32
      %dma_wait3A_95 = arith.constant 0 : i32
      %dma_wait3A_96 = tpu.memref_slice %arg2[%dma_wait3A_93, %dma_wait3A_94, %dma_wait3A_95] : memref<6276x2x128xi32, #tpu.memory_space<hbm>> -> memref<2x2x128xi32, #tpu.memory_space<hbm>>
      %dma_wait3A_97 = arith.constant 0 : i32
      %dma_wait3A_98 = arith.constant 0 : i32
      %dma_wait3A_99 = arith.constant 0 : i32
      %dma_wait3A_100 = tpu.memref_slice %arg2[%dma_wait3A_97, %dma_wait3A_98, %dma_wait3A_99] : memref<6276x2x128xi32, #tpu.memory_space<hbm>> -> memref<2x2x128xi32, #tpu.memory_space<hbm>>
      tpu.wait_dma2 semaphore(%arg16 : memref<!tpu.dma_semaphore, #tpu.memory_space<semaphore_mem>>) src(%dma_wait3A_100 : memref<2x2x128xi32, #tpu.memory_space<hbm>>) dst(%arg6 : memref<2x2x128xi32, #tpu.memory_space<vmem>>)
      %lt3A = arith.constant 194 : i32
      %lt3A_101 = arith.cmpi slt, %add3A_90, %lt3A : i32
      %convert_element_type3A_102 = arith.extui %lt3A_101 : i1 to i32
      %cond3A_103 = arith.constant 0 : i32
      %cond3A_104 = arith.cmpi ne, %convert_element_type3A_102, %cond3A_103 : i32
      scf.if %cond3A_104 {
        %add3A_547 = arith.constant 2 : i32
        %add3A_548 = arith.addi %add3A_90, %add3A_547 : i32
        %mul3A_549 = arith.constant 2 : i32
        %mul3A_550 = arith.muli %add3A_548, %mul3A_549 : i32
        %add3A_551 = arith.addi %mul3A_2, %mul3A_550 : i32
        %dma_start3A_552 = arith.constant 0 : i32
        %dma_start3A_553 = arith.constant 0 : i32
        %dma_start3A_554 = tpu.memref_slice %arg2[%add3A_551, %dma_start3A_552, %dma_start3A_553] : memref<6276x2x128xi32, #tpu.memory_space<hbm>> -> memref<2x2x128xi32, #tpu.memory_space<hbm>>
        %dma_start3A_555 = arith.constant 0 : i32
        %dma_start3A_556 = arith.constant 0 : i32
        %dma_start3A_557 = tpu.memref_slice %arg2[%add3A_551, %dma_start3A_555, %dma_start3A_556] : memref<6276x2x128xi32, #tpu.memory_space<hbm>> -> memref<2x2x128xi32, #tpu.memory_space<hbm>>
        tpu.enqueue_dma source(%dma_start3A_557 : memref<2x2x128xi32, #tpu.memory_space<hbm>>) target(%arg8 : memref<2x2x128xi32, #tpu.memory_space<vmem>>) target_semaphore(%arg18 : memref<!tpu.dma_semaphore, #tpu.memory_space<semaphore_mem>>)
      } else {
      }
      %dma_start3A_105 = arith.constant 0 : i32
      %dma_start3A_106 = arith.constant 0 : i32
      %dma_start3A_107 = arith.constant 0 : i32
      %dma_start3A_108 = arith.constant 0 : i32
      %dma_start3A_109 = arith.constant 0 : i32
      %dma_start3A_110 = tpu.memref_slice %arg10[%dma_start3A_107, %dma_start3A_108, %dma_start3A_109] : memref<2x128x32xf32, #tpu.memory_space<vmem>> -> memref<1x128x32xf32, #tpu.memory_space<vmem>>
      %dma_start3A_111 = tpu.memref_squeeze %dma_start3A_110 : memref<1x128x32xf32, #tpu.memory_space<vmem>> -> memref<128x32xf32, #tpu.memory_space<vmem>>
      %dma_start3A_112 = arith.constant 0 : i32
      %dma_start3A_113 = tpu.memref_slice %arg6[%dma_start3A_105, %dma_start3A_106, %dma_start3A_112] : memref<2x2x128xi32, #tpu.memory_space<vmem>> -> memref<1x1x128xi32, #tpu.memory_space<vmem>>
      %dma_start3A_114 = tpu.memref_squeeze %dma_start3A_113 : memref<1x1x128xi32, #tpu.memory_space<vmem>> -> memref<128xi32, #tpu.memory_space<vmem>>
      %dma_start3A_115 = arith.constant 0 : i32
      %dma_start3A_116 = arith.constant 0 : i32
      %dma_start3A_117 = tpu.memref_slice %arg3[%arg0, %dma_start3A_115, %dma_start3A_116] : memref<2x50000x32xf32, #tpu.memory_space<hbm>> -> memref<1x50000x32xf32, #tpu.memory_space<hbm>>
      %dma_start3A_118 = tpu.memref_squeeze %dma_start3A_117 : memref<1x50000x32xf32, #tpu.memory_space<hbm>> -> memref<50000x32xf32, #tpu.memory_space<hbm>>
      %dma_start3A_119 = arith.constant 0 : i32
      %dma_start3A_120 = arith.constant 0 : i32
      %dma_start3A_121 = tpu.memref_slice %dma_start3A_118[%dma_start3A_119, %dma_start3A_120] : memref<50000x32xf32, #tpu.memory_space<hbm>> -> memref<50000x32xf32, #tpu.memory_space<hbm>>
      tpu.enqueue_indirect_dma source(%dma_start3A_121 : memref<50000x32xf32, #tpu.memory_space<hbm>>) target(%dma_start3A_111 : memref<128x32xf32, #tpu.memory_space<vmem>>) offsets(%dma_start3A_114 : memref<128xi32, #tpu.memory_space<vmem>>) semaphore(%arg12 : memref<!tpu.dma_semaphore, #tpu.memory_space<semaphore_mem>>)
      %dma_start3A_122 = arith.constant 1 : i32
      %dma_start3A_123 = arith.constant 0 : i32
      %dma_start3A_124 = arith.constant 1 : i32
      %dma_start3A_125 = arith.constant 0 : i32
      %dma_start3A_126 = arith.constant 0 : i32
      %dma_start3A_127 = tpu.memref_slice %arg10[%dma_start3A_124, %dma_start3A_125, %dma_start3A_126] : memref<2x128x32xf32, #tpu.memory_space<vmem>> -> memref<1x128x32xf32, #tpu.memory_space<vmem>>
      %dma_start3A_128 = tpu.memref_squeeze %dma_start3A_127 : memref<1x128x32xf32, #tpu.memory_space<vmem>> -> memref<128x32xf32, #tpu.memory_space<vmem>>
      %dma_start3A_129 = arith.constant 0 : i32
      %dma_start3A_130 = tpu.memref_slice %arg6[%dma_start3A_122, %dma_start3A_123, %dma_start3A_129] : memref<2x2x128xi32, #tpu.memory_space<vmem>> -> memref<1x1x128xi32, #tpu.memory_space<vmem>>
      %dma_start3A_131 = tpu.memref_squeeze %dma_start3A_130 : memref<1x1x128xi32, #tpu.memory_space<vmem>> -> memref<128xi32, #tpu.memory_space<vmem>>
      %dma_start3A_132 = arith.constant 0 : i32
      %dma_start3A_133 = arith.constant 0 : i32
      %dma_start3A_134 = tpu.memref_slice %arg3[%arg0, %dma_start3A_132, %dma_start3A_133] : memref<2x50000x32xf32, #tpu.memory_space<hbm>> -> memref<1x50000x32xf32, #tpu.memory_space<hbm>>
      %dma_start3A_135 = tpu.memref_squeeze %dma_start3A_134 : memref<1x50000x32xf32, #tpu.memory_space<hbm>> -> memref<50000x32xf32, #tpu.memory_space<hbm>>
      %dma_start3A_136 = arith.constant 0 : i32
      %dma_start3A_137 = arith.constant 0 : i32
      %dma_start3A_138 = tpu.memref_slice %dma_start3A_135[%dma_start3A_136, %dma_start3A_137] : memref<50000x32xf32, #tpu.memory_space<hbm>> -> memref<50000x32xf32, #tpu.memory_space<hbm>>
      tpu.enqueue_indirect_dma source(%dma_start3A_138 : memref<50000x32xf32, #tpu.memory_space<hbm>>) target(%dma_start3A_128 : memref<128x32xf32, #tpu.memory_space<vmem>>) offsets(%dma_start3A_131 : memref<128xi32, #tpu.memory_space<vmem>>) semaphore(%arg12 : memref<!tpu.dma_semaphore, #tpu.memory_space<semaphore_mem>>)
      %dma_wait3A_139 = arith.constant 0 : i32
      %dma_wait3A_140 = arith.constant 0 : i32
      %dma_wait3A_141 = arith.constant 0 : i32
      %dma_wait3A_142 = arith.constant 0 : i32
      %dma_wait3A_143 = arith.constant 0 : i32
      %dma_wait3A_144 = tpu.memref_slice %arg10[%dma_wait3A_141, %dma_wait3A_142, %dma_wait3A_143] : memref<2x128x32xf32, #tpu.memory_space<vmem>> -> memref<1x128x32xf32, #tpu.memory_space<vmem>>
      %dma_wait3A_145 = tpu.memref_squeeze %dma_wait3A_144 : memref<1x128x32xf32, #tpu.memory_space<vmem>> -> memref<128x32xf32, #tpu.memory_space<vmem>>
      %dma_wait3A_146 = arith.constant 0 : i32
      %dma_wait3A_147 = tpu.memref_slice %arg6[%dma_wait3A_139, %dma_wait3A_140, %dma_wait3A_146] : memref<2x2x128xi32, #tpu.memory_space<vmem>> -> memref<1x1x128xi32, #tpu.memory_space<vmem>>
      %dma_wait3A_148 = tpu.memref_squeeze %dma_wait3A_147 : memref<1x1x128xi32, #tpu.memory_space<vmem>> -> memref<128xi32, #tpu.memory_space<vmem>>
      %dma_wait3A_149 = arith.constant 0 : i32
      %dma_wait3A_150 = arith.constant 0 : i32
      %dma_wait3A_151 = tpu.memref_slice %arg3[%arg0, %dma_wait3A_149, %dma_wait3A_150] : memref<2x50000x32xf32, #tpu.memory_space<hbm>> -> memref<1x50000x32xf32, #tpu.memory_space<hbm>>
      %dma_wait3A_152 = tpu.memref_squeeze %dma_wait3A_151 : memref<1x50000x32xf32, #tpu.memory_space<hbm>> -> memref<50000x32xf32, #tpu.memory_space<hbm>>
      %dma_wait3A_153 = arith.constant 0 : i32
      %dma_wait3A_154 = arith.constant 0 : i32
      %dma_wait3A_155 = tpu.memref_slice %dma_wait3A_152[%dma_wait3A_153, %dma_wait3A_154] : memref<50000x32xf32, #tpu.memory_space<hbm>> -> memref<50000x32xf32, #tpu.memory_space<hbm>>
      tpu.wait_indirect_dma semaphore(%arg12 : memref<!tpu.dma_semaphore, #tpu.memory_space<semaphore_mem>>) src(%dma_wait3A_155 : memref<50000x32xf32, #tpu.memory_space<hbm>>) dst(%dma_wait3A_145 : memref<128x32xf32, #tpu.memory_space<vmem>>)
      %dma_wait3A_156 = arith.constant 1 : i32
      %dma_wait3A_157 = arith.constant 0 : i32
      %dma_wait3A_158 = arith.constant 1 : i32
      %dma_wait3A_159 = arith.constant 0 : i32
      %dma_wait3A_160 = arith.constant 0 : i32
      %dma_wait3A_161 = tpu.memref_slice %arg10[%dma_wait3A_158, %dma_wait3A_159, %dma_wait3A_160] : memref<2x128x32xf32, #tpu.memory_space<vmem>> -> memref<1x128x32xf32, #tpu.memory_space<vmem>>
      %dma_wait3A_162 = tpu.memref_squeeze %dma_wait3A_161 : memref<1x128x32xf32, #tpu.memory_space<vmem>> -> memref<128x32xf32, #tpu.memory_space<vmem>>
      %dma_wait3A_163 = arith.constant 0 : i32
      %dma_wait3A_164 = tpu.memref_slice %arg6[%dma_wait3A_156, %dma_wait3A_157, %dma_wait3A_163] : memref<2x2x128xi32, #tpu.memory_space<vmem>> -> memref<1x1x128xi32, #tpu.memory_space<vmem>>
      %dma_wait3A_165 = tpu.memref_squeeze %dma_wait3A_164 : memref<1x1x128xi32, #tpu.memory_space<vmem>> -> memref<128xi32, #tpu.memory_space<vmem>>
      %dma_wait3A_166 = arith.constant 0 : i32
      %dma_wait3A_167 = arith.constant 0 : i32
      %dma_wait3A_168 = tpu.memref_slice %arg3[%arg0, %dma_wait3A_166, %dma_wait3A_167] : memref<2x50000x32xf32, #tpu.memory_space<hbm>> -> memref<1x50000x32xf32, #tpu.memory_space<hbm>>
      %dma_wait3A_169 = tpu.memref_squeeze %dma_wait3A_168 : memref<1x50000x32xf32, #tpu.memory_space<hbm>> -> memref<50000x32xf32, #tpu.memory_space<hbm>>
      %dma_wait3A_170 = arith.constant 0 : i32
      %dma_wait3A_171 = arith.constant 0 : i32
      %dma_wait3A_172 = tpu.memref_slice %dma_wait3A_169[%dma_wait3A_170, %dma_wait3A_171] : memref<50000x32xf32, #tpu.memory_space<hbm>> -> memref<50000x32xf32, #tpu.memory_space<hbm>>
      tpu.wait_indirect_dma semaphore(%arg12 : memref<!tpu.dma_semaphore, #tpu.memory_space<semaphore_mem>>) src(%dma_wait3A_172 : memref<50000x32xf32, #tpu.memory_space<hbm>>) dst(%dma_wait3A_162 : memref<128x32xf32, #tpu.memory_space<vmem>>)
      %dma_start3A_173 = arith.constant 0 : i32
      %dma_start3A_174 = arith.constant 0 : i32
      %dma_start3A_175 = arith.constant 1 : i32
      %dma_start3A_176 = arith.constant 0 : i32
      %dma_start3A_177 = arith.constant 0 : i32
      %dma_start3A_178 = tpu.memref_slice %arg10[%dma_start3A_173, %dma_start3A_176, %dma_start3A_177] : memref<2x128x32xf32, #tpu.memory_space<vmem>> -> memref<1x128x32xf32, #tpu.memory_space<vmem>>
      %dma_start3A_179 = tpu.memref_squeeze %dma_start3A_178 : memref<1x128x32xf32, #tpu.memory_space<vmem>> -> memref<128x32xf32, #tpu.memory_space<vmem>>
      %dma_start3A_180 = arith.constant 0 : i32
      %dma_start3A_181 = tpu.memref_slice %arg6[%dma_start3A_174, %dma_start3A_175, %dma_start3A_180] : memref<2x2x128xi32, #tpu.memory_space<vmem>> -> memref<1x1x128xi32, #tpu.memory_space<vmem>>
      %dma_start3A_182 = tpu.memref_squeeze %dma_start3A_181 : memref<1x1x128xi32, #tpu.memory_space<vmem>> -> memref<128xi32, #tpu.memory_space<vmem>>
      %dma_start3A_183 = arith.constant 0 : i32
      %dma_start3A_184 = arith.constant 0 : i32
      %dma_start3A_185 = tpu.memref_slice %arg23[%dma_start3A_183, %dma_start3A_184] : memref<50048x32xf32, #tpu.memory_space<vmem_shared>> -> memref<50048x32xf32, #tpu.memory_space<vmem_shared>>
      tpu.enqueue_indirect_dma source(%dma_start3A_179 : memref<128x32xf32, #tpu.memory_space<vmem>>) target(%dma_start3A_185 : memref<50048x32xf32, #tpu.memory_space<vmem_shared>>) offsets(%dma_start3A_182 : memref<128xi32, #tpu.memory_space<vmem>>) semaphore(%arg14 : memref<!tpu.dma_semaphore, #tpu.memory_space<semaphore_mem>>) {add = true}
      %dma_start3A_186 = arith.constant 1 : i32
      %dma_start3A_187 = arith.constant 1 : i32
      %dma_start3A_188 = arith.constant 1 : i32
      %dma_start3A_189 = arith.constant 0 : i32
      %dma_start3A_190 = arith.constant 0 : i32
      %dma_start3A_191 = tpu.memref_slice %arg10[%dma_start3A_186, %dma_start3A_189, %dma_start3A_190] : memref<2x128x32xf32, #tpu.memory_space<vmem>> -> memref<1x128x32xf32, #tpu.memory_space<vmem>>
      %dma_start3A_192 = tpu.memref_squeeze %dma_start3A_191 : memref<1x128x32xf32, #tpu.memory_space<vmem>> -> memref<128x32xf32, #tpu.memory_space<vmem>>
      %dma_start3A_193 = arith.constant 0 : i32
      %dma_start3A_194 = tpu.memref_slice %arg6[%dma_start3A_187, %dma_start3A_188, %dma_start3A_193] : memref<2x2x128xi32, #tpu.memory_space<vmem>> -> memref<1x1x128xi32, #tpu.memory_space<vmem>>
      %dma_start3A_195 = tpu.memref_squeeze %dma_start3A_194 : memref<1x1x128xi32, #tpu.memory_space<vmem>> -> memref<128xi32, #tpu.memory_space<vmem>>
      %dma_start3A_196 = arith.constant 0 : i32
      %dma_start3A_197 = arith.constant 0 : i32
      %dma_start3A_198 = tpu.memref_slice %arg23[%dma_start3A_196, %dma_start3A_197] : memref<50048x32xf32, #tpu.memory_space<vmem_shared>> -> memref<50048x32xf32, #tpu.memory_space<vmem_shared>>
      tpu.enqueue_indirect_dma source(%dma_start3A_192 : memref<128x32xf32, #tpu.memory_space<vmem>>) target(%dma_start3A_198 : memref<50048x32xf32, #tpu.memory_space<vmem_shared>>) offsets(%dma_start3A_195 : memref<128xi32, #tpu.memory_space<vmem>>) semaphore(%arg14 : memref<!tpu.dma_semaphore, #tpu.memory_space<semaphore_mem>>) {add = true}
      %mul3A_199 = arith.constant 4 : i32
      %mul3A_200 = arith.muli %scan3A_86, %mul3A_199 : i32
      %add3A_201 = arith.constant 1 : i32
      %add3A_202 = arith.addi %mul3A_200, %add3A_201 : i32
      %ge3A_203 = arith.constant 2 : i32
      %ge3A_204 = arith.cmpi sge, %add3A_202, %ge3A_203 : i32
      %convert_element_type3A_205 = arith.extui %ge3A_204 : i1 to i32
      %cond3A_206 = arith.constant 0 : i32
      %cond3A_207 = arith.cmpi ne, %convert_element_type3A_205, %cond3A_206 : i32
      scf.if %cond3A_207 {
        %dma_wait3A_547 = arith.constant 0 : i32
        %dma_wait3A_548 = arith.constant 0 : i32
        %dma_wait3A_549 = arith.constant 0 : i32
        %dma_wait3A_550 = tpu.memref_slice %arg11[%dma_wait3A_547, %dma_wait3A_548, %dma_wait3A_549] : memref<2x128x32xf32, #tpu.memory_space<vmem>> -> memref<1x128x32xf32, #tpu.memory_space<vmem>>
        %dma_wait3A_551 = tpu.memref_squeeze %dma_wait3A_550 : memref<1x128x32xf32, #tpu.memory_space<vmem>> -> memref<128x32xf32, #tpu.memory_space<vmem>>
        %dma_wait3A_552 = arith.constant 0 : i32
        %dma_wait3A_553 = arith.constant 0 : i32
        %dma_wait3A_554 = tpu.memref_slice %arg23[%dma_wait3A_552, %dma_wait3A_553] : memref<50048x32xf32, #tpu.memory_space<vmem_shared>> -> memref<128x32xf32, #tpu.memory_space<vmem_shared>>
        %dma_wait3A_555 = arith.constant 0 : i32
        %dma_wait3A_556 = arith.constant 0 : i32
        %dma_wait3A_557 = tpu.memref_slice %arg23[%dma_wait3A_555, %dma_wait3A_556] : memref<50048x32xf32, #tpu.memory_space<vmem_shared>> -> memref<128x32xf32, #tpu.memory_space<vmem_shared>>
        %dma_wait3A_558 = arith.constant 0 : i32
        %dma_wait3A_559 = arith.constant 0 : i32
        %dma_wait3A_560 = tpu.memref_slice %arg11[%dma_wait3A_547, %dma_wait3A_558, %dma_wait3A_559] : memref<2x128x32xf32, #tpu.memory_space<vmem>> -> memref<1x128x32xf32, #tpu.memory_space<vmem>>
        %dma_wait3A_561 = tpu.memref_squeeze %dma_wait3A_560 : memref<1x128x32xf32, #tpu.memory_space<vmem>> -> memref<128x32xf32, #tpu.memory_space<vmem>>
        tpu.wait_dma2 semaphore(%arg15 : memref<!tpu.dma_semaphore, #tpu.memory_space<semaphore_mem>>) src(%dma_wait3A_561 : memref<128x32xf32, #tpu.memory_space<vmem>>) dst(%dma_wait3A_557 : memref<128x32xf32, #tpu.memory_space<vmem_shared>>)
        %dma_wait3A_562 = arith.constant 1 : i32
        %dma_wait3A_563 = arith.constant 0 : i32
        %dma_wait3A_564 = arith.constant 0 : i32
        %dma_wait3A_565 = tpu.memref_slice %arg11[%dma_wait3A_562, %dma_wait3A_563, %dma_wait3A_564] : memref<2x128x32xf32, #tpu.memory_space<vmem>> -> memref<1x128x32xf32, #tpu.memory_space<vmem>>
        %dma_wait3A_566 = tpu.memref_squeeze %dma_wait3A_565 : memref<1x128x32xf32, #tpu.memory_space<vmem>> -> memref<128x32xf32, #tpu.memory_space<vmem>>
        %dma_wait3A_567 = arith.constant 0 : i32
        %dma_wait3A_568 = arith.constant 0 : i32
        %dma_wait3A_569 = tpu.memref_slice %arg23[%dma_wait3A_567, %dma_wait3A_568] : memref<50048x32xf32, #tpu.memory_space<vmem_shared>> -> memref<128x32xf32, #tpu.memory_space<vmem_shared>>
        %dma_wait3A_570 = arith.constant 0 : i32
        %dma_wait3A_571 = arith.constant 0 : i32
        %dma_wait3A_572 = tpu.memref_slice %arg23[%dma_wait3A_570, %dma_wait3A_571] : memref<50048x32xf32, #tpu.memory_space<vmem_shared>> -> memref<128x32xf32, #tpu.memory_space<vmem_shared>>
        %dma_wait3A_573 = arith.constant 0 : i32
        %dma_wait3A_574 = arith.constant 0 : i32
        %dma_wait3A_575 = tpu.memref_slice %arg11[%dma_wait3A_562, %dma_wait3A_573, %dma_wait3A_574] : memref<2x128x32xf32, #tpu.memory_space<vmem>> -> memref<1x128x32xf32, #tpu.memory_space<vmem>>
        %dma_wait3A_576 = tpu.memref_squeeze %dma_wait3A_575 : memref<1x128x32xf32, #tpu.memory_space<vmem>> -> memref<128x32xf32, #tpu.memory_space<vmem>>
        tpu.wait_dma2 semaphore(%arg15 : memref<!tpu.dma_semaphore, #tpu.memory_space<semaphore_mem>>) src(%dma_wait3A_576 : memref<128x32xf32, #tpu.memory_space<vmem>>) dst(%dma_wait3A_572 : memref<128x32xf32, #tpu.memory_space<vmem_shared>>)
      } else {
      }
      %dma_wait3A_208 = arith.constant 0 : i32
      %dma_wait3A_209 = arith.constant 0 : i32
      %dma_wait3A_210 = arith.constant 0 : i32
      %dma_wait3A_211 = tpu.memref_slice %arg2[%dma_wait3A_208, %dma_wait3A_209, %dma_wait3A_210] : memref<6276x2x128xi32, #tpu.memory_space<hbm>> -> memref<2x2x128xi32, #tpu.memory_space<hbm>>
      %dma_wait3A_212 = arith.constant 0 : i32
      %dma_wait3A_213 = arith.constant 0 : i32
      %dma_wait3A_214 = arith.constant 0 : i32
      %dma_wait3A_215 = tpu.memref_slice %arg2[%dma_wait3A_212, %dma_wait3A_213, %dma_wait3A_214] : memref<6276x2x128xi32, #tpu.memory_space<hbm>> -> memref<2x2x128xi32, #tpu.memory_space<hbm>>
      tpu.wait_dma2 semaphore(%arg17 : memref<!tpu.dma_semaphore, #tpu.memory_space<semaphore_mem>>) src(%dma_wait3A_215 : memref<2x2x128xi32, #tpu.memory_space<hbm>>) dst(%arg7 : memref<2x2x128xi32, #tpu.memory_space<vmem>>)
      %lt3A_216 = arith.constant 194 : i32
      %lt3A_217 = arith.cmpi slt, %add3A_202, %lt3A_216 : i32
      %convert_element_type3A_218 = arith.extui %lt3A_217 : i1 to i32
      %cond3A_219 = arith.constant 0 : i32
      %cond3A_220 = arith.cmpi ne, %convert_element_type3A_218, %cond3A_219 : i32
      scf.if %cond3A_220 {
        %add3A_547 = arith.constant 2 : i32
        %add3A_548 = arith.addi %add3A_202, %add3A_547 : i32
        %mul3A_549 = arith.constant 2 : i32
        %mul3A_550 = arith.muli %add3A_548, %mul3A_549 : i32
        %add3A_551 = arith.addi %mul3A_2, %mul3A_550 : i32
        %dma_start3A_552 = arith.constant 0 : i32
        %dma_start3A_553 = arith.constant 0 : i32
        %dma_start3A_554 = tpu.memref_slice %arg2[%add3A_551, %dma_start3A_552, %dma_start3A_553] : memref<6276x2x128xi32, #tpu.memory_space<hbm>> -> memref<2x2x128xi32, #tpu.memory_space<hbm>>
        %dma_start3A_555 = arith.constant 0 : i32
        %dma_start3A_556 = arith.constant 0 : i32
        %dma_start3A_557 = tpu.memref_slice %arg2[%add3A_551, %dma_start3A_555, %dma_start3A_556] : memref<6276x2x128xi32, #tpu.memory_space<hbm>> -> memref<2x2x128xi32, #tpu.memory_space<hbm>>
        tpu.enqueue_dma source(%dma_start3A_557 : memref<2x2x128xi32, #tpu.memory_space<hbm>>) target(%arg9 : memref<2x2x128xi32, #tpu.memory_space<vmem>>) target_semaphore(%arg19 : memref<!tpu.dma_semaphore, #tpu.memory_space<semaphore_mem>>)
      } else {
      }
      %dma_start3A_221 = arith.constant 0 : i32
      %dma_start3A_222 = arith.constant 0 : i32
      %dma_start3A_223 = arith.constant 0 : i32
      %dma_start3A_224 = arith.constant 0 : i32
      %dma_start3A_225 = arith.constant 0 : i32
      %dma_start3A_226 = tpu.memref_slice %arg11[%dma_start3A_223, %dma_start3A_224, %dma_start3A_225] : memref<2x128x32xf32, #tpu.memory_space<vmem>> -> memref<1x128x32xf32, #tpu.memory_space<vmem>>
      %dma_start3A_227 = tpu.memref_squeeze %dma_start3A_226 : memref<1x128x32xf32, #tpu.memory_space<vmem>> -> memref<128x32xf32, #tpu.memory_space<vmem>>
      %dma_start3A_228 = arith.constant 0 : i32
      %dma_start3A_229 = tpu.memref_slice %arg7[%dma_start3A_221, %dma_start3A_222, %dma_start3A_228] : memref<2x2x128xi32, #tpu.memory_space<vmem>> -> memref<1x1x128xi32, #tpu.memory_space<vmem>>
      %dma_start3A_230 = tpu.memref_squeeze %dma_start3A_229 : memref<1x1x128xi32, #tpu.memory_space<vmem>> -> memref<128xi32, #tpu.memory_space<vmem>>
      %dma_start3A_231 = arith.constant 0 : i32
      %dma_start3A_232 = arith.constant 0 : i32
      %dma_start3A_233 = tpu.memref_slice %arg3[%arg0, %dma_start3A_231, %dma_start3A_232] : memref<2x50000x32xf32, #tpu.memory_space<hbm>> -> memref<1x50000x32xf32, #tpu.memory_space<hbm>>
      %dma_start3A_234 = tpu.memref_squeeze %dma_start3A_233 : memref<1x50000x32xf32, #tpu.memory_space<hbm>> -> memref<50000x32xf32, #tpu.memory_space<hbm>>
      %dma_start3A_235 = arith.constant 0 : i32
      %dma_start3A_236 = arith.constant 0 : i32
      %dma_start3A_237 = tpu.memref_slice %dma_start3A_234[%dma_start3A_235, %dma_start3A_236] : memref<50000x32xf32, #tpu.memory_space<hbm>> -> memref<50000x32xf32, #tpu.memory_space<hbm>>
      tpu.enqueue_indirect_dma source(%dma_start3A_237 : memref<50000x32xf32, #tpu.memory_space<hbm>>) target(%dma_start3A_227 : memref<128x32xf32, #tpu.memory_space<vmem>>) offsets(%dma_start3A_230 : memref<128xi32, #tpu.memory_space<vmem>>) semaphore(%arg13 : memref<!tpu.dma_semaphore, #tpu.memory_space<semaphore_mem>>)
      %dma_start3A_238 = arith.constant 1 : i32
      %dma_start3A_239 = arith.constant 0 : i32
      %dma_start3A_240 = arith.constant 1 : i32
      %dma_start3A_241 = arith.constant 0 : i32
      %dma_start3A_242 = arith.constant 0 : i32
      %dma_start3A_243 = tpu.memref_slice %arg11[%dma_start3A_240, %dma_start3A_241, %dma_start3A_242] : memref<2x128x32xf32, #tpu.memory_space<vmem>> -> memref<1x128x32xf32, #tpu.memory_space<vmem>>
      %dma_start3A_244 = tpu.memref_squeeze %dma_start3A_243 : memref<1x128x32xf32, #tpu.memory_space<vmem>> -> memref<128x32xf32, #tpu.memory_space<vmem>>
      %dma_start3A_245 = arith.constant 0 : i32
      %dma_start3A_246 = tpu.memref_slice %arg7[%dma_start3A_238, %dma_start3A_239, %dma_start3A_245] : memref<2x2x128xi32, #tpu.memory_space<vmem>> -> memref<1x1x128xi32, #tpu.memory_space<vmem>>
      %dma_start3A_247 = tpu.memref_squeeze %dma_start3A_246 : memref<1x1x128xi32, #tpu.memory_space<vmem>> -> memref<128xi32, #tpu.memory_space<vmem>>
      %dma_start3A_248 = arith.constant 0 : i32
      %dma_start3A_249 = arith.constant 0 : i32
      %dma_start3A_250 = tpu.memref_slice %arg3[%arg0, %dma_start3A_248, %dma_start3A_249] : memref<2x50000x32xf32, #tpu.memory_space<hbm>> -> memref<1x50000x32xf32, #tpu.memory_space<hbm>>
      %dma_start3A_251 = tpu.memref_squeeze %dma_start3A_250 : memref<1x50000x32xf32, #tpu.memory_space<hbm>> -> memref<50000x32xf32, #tpu.memory_space<hbm>>
      %dma_start3A_252 = arith.constant 0 : i32
      %dma_start3A_253 = arith.constant 0 : i32
      %dma_start3A_254 = tpu.memref_slice %dma_start3A_251[%dma_start3A_252, %dma_start3A_253] : memref<50000x32xf32, #tpu.memory_space<hbm>> -> memref<50000x32xf32, #tpu.memory_space<hbm>>
      tpu.enqueue_indirect_dma source(%dma_start3A_254 : memref<50000x32xf32, #tpu.memory_space<hbm>>) target(%dma_start3A_244 : memref<128x32xf32, #tpu.memory_space<vmem>>) offsets(%dma_start3A_247 : memref<128xi32, #tpu.memory_space<vmem>>) semaphore(%arg13 : memref<!tpu.dma_semaphore, #tpu.memory_space<semaphore_mem>>)
      %dma_wait3A_255 = arith.constant 0 : i32
      %dma_wait3A_256 = arith.constant 0 : i32
      %dma_wait3A_257 = arith.constant 0 : i32
      %dma_wait3A_258 = arith.constant 0 : i32
      %dma_wait3A_259 = arith.constant 0 : i32
      %dma_wait3A_260 = tpu.memref_slice %arg11[%dma_wait3A_257, %dma_wait3A_258, %dma_wait3A_259] : memref<2x128x32xf32, #tpu.memory_space<vmem>> -> memref<1x128x32xf32, #tpu.memory_space<vmem>>
      %dma_wait3A_261 = tpu.memref_squeeze %dma_wait3A_260 : memref<1x128x32xf32, #tpu.memory_space<vmem>> -> memref<128x32xf32, #tpu.memory_space<vmem>>
      %dma_wait3A_262 = arith.constant 0 : i32
      %dma_wait3A_263 = tpu.memref_slice %arg7[%dma_wait3A_255, %dma_wait3A_256, %dma_wait3A_262] : memref<2x2x128xi32, #tpu.memory_space<vmem>> -> memref<1x1x128xi32, #tpu.memory_space<vmem>>
      %dma_wait3A_264 = tpu.memref_squeeze %dma_wait3A_263 : memref<1x1x128xi32, #tpu.memory_space<vmem>> -> memref<128xi32, #tpu.memory_space<vmem>>
      %dma_wait3A_265 = arith.constant 0 : i32
      %dma_wait3A_266 = arith.constant 0 : i32
      %dma_wait3A_267 = tpu.memref_slice %arg3[%arg0, %dma_wait3A_265, %dma_wait3A_266] : memref<2x50000x32xf32, #tpu.memory_space<hbm>> -> memref<1x50000x32xf32, #tpu.memory_space<hbm>>
      %dma_wait3A_268 = tpu.memref_squeeze %dma_wait3A_267 : memref<1x50000x32xf32, #tpu.memory_space<hbm>> -> memref<50000x32xf32, #tpu.memory_space<hbm>>
      %dma_wait3A_269 = arith.constant 0 : i32
      %dma_wait3A_270 = arith.constant 0 : i32
      %dma_wait3A_271 = tpu.memref_slice %dma_wait3A_268[%dma_wait3A_269, %dma_wait3A_270] : memref<50000x32xf32, #tpu.memory_space<hbm>> -> memref<50000x32xf32, #tpu.memory_space<hbm>>
      tpu.wait_indirect_dma semaphore(%arg13 : memref<!tpu.dma_semaphore, #tpu.memory_space<semaphore_mem>>) src(%dma_wait3A_271 : memref<50000x32xf32, #tpu.memory_space<hbm>>) dst(%dma_wait3A_261 : memref<128x32xf32, #tpu.memory_space<vmem>>)
      %dma_wait3A_272 = arith.constant 1 : i32
      %dma_wait3A_273 = arith.constant 0 : i32
      %dma_wait3A_274 = arith.constant 1 : i32
      %dma_wait3A_275 = arith.constant 0 : i32
      %dma_wait3A_276 = arith.constant 0 : i32
      %dma_wait3A_277 = tpu.memref_slice %arg11[%dma_wait3A_274, %dma_wait3A_275, %dma_wait3A_276] : memref<2x128x32xf32, #tpu.memory_space<vmem>> -> memref<1x128x32xf32, #tpu.memory_space<vmem>>
      %dma_wait3A_278 = tpu.memref_squeeze %dma_wait3A_277 : memref<1x128x32xf32, #tpu.memory_space<vmem>> -> memref<128x32xf32, #tpu.memory_space<vmem>>
      %dma_wait3A_279 = arith.constant 0 : i32
      %dma_wait3A_280 = tpu.memref_slice %arg7[%dma_wait3A_272, %dma_wait3A_273, %dma_wait3A_279] : memref<2x2x128xi32, #tpu.memory_space<vmem>> -> memref<1x1x128xi32, #tpu.memory_space<vmem>>
      %dma_wait3A_281 = tpu.memref_squeeze %dma_wait3A_280 : memref<1x1x128xi32, #tpu.memory_space<vmem>> -> memref<128xi32, #tpu.memory_space<vmem>>
      %dma_wait3A_282 = arith.constant 0 : i32
      %dma_wait3A_283 = arith.constant 0 : i32
      %dma_wait3A_284 = tpu.memref_slice %arg3[%arg0, %dma_wait3A_282, %dma_wait3A_283] : memref<2x50000x32xf32, #tpu.memory_space<hbm>> -> memref<1x50000x32xf32, #tpu.memory_space<hbm>>
      %dma_wait3A_285 = tpu.memref_squeeze %dma_wait3A_284 : memref<1x50000x32xf32, #tpu.memory_space<hbm>> -> memref<50000x32xf32, #tpu.memory_space<hbm>>
      %dma_wait3A_286 = arith.constant 0 : i32
      %dma_wait3A_287 = arith.constant 0 : i32
      %dma_wait3A_288 = tpu.memref_slice %dma_wait3A_285[%dma_wait3A_286, %dma_wait3A_287] : memref<50000x32xf32, #tpu.memory_space<hbm>> -> memref<50000x32xf32, #tpu.memory_space<hbm>>
      tpu.wait_indirect_dma semaphore(%arg13 : memref<!tpu.dma_semaphore, #tpu.memory_space<semaphore_mem>>) src(%dma_wait3A_288 : memref<50000x32xf32, #tpu.memory_space<hbm>>) dst(%dma_wait3A_278 : memref<128x32xf32, #tpu.memory_space<vmem>>)
      %dma_start3A_289 = arith.constant 0 : i32
      %dma_start3A_290 = arith.constant 0 : i32
      %dma_start3A_291 = arith.constant 1 : i32
      %dma_start3A_292 = arith.constant 0 : i32
      %dma_start3A_293 = arith.constant 0 : i32
      %dma_start3A_294 = tpu.memref_slice %arg11[%dma_start3A_289, %dma_start3A_292, %dma_start3A_293] : memref<2x128x32xf32, #tpu.memory_space<vmem>> -> memref<1x128x32xf32, #tpu.memory_space<vmem>>
      %dma_start3A_295 = tpu.memref_squeeze %dma_start3A_294 : memref<1x128x32xf32, #tpu.memory_space<vmem>> -> memref<128x32xf32, #tpu.memory_space<vmem>>
      %dma_start3A_296 = arith.constant 0 : i32
      %dma_start3A_297 = tpu.memref_slice %arg7[%dma_start3A_290, %dma_start3A_291, %dma_start3A_296] : memref<2x2x128xi32, #tpu.memory_space<vmem>> -> memref<1x1x128xi32, #tpu.memory_space<vmem>>
      %dma_start3A_298 = tpu.memref_squeeze %dma_start3A_297 : memref<1x1x128xi32, #tpu.memory_space<vmem>> -> memref<128xi32, #tpu.memory_space<vmem>>
      %dma_start3A_299 = arith.constant 0 : i32
      %dma_start3A_300 = arith.constant 0 : i32
      %dma_start3A_301 = tpu.memref_slice %arg23[%dma_start3A_299, %dma_start3A_300] : memref<50048x32xf32, #tpu.memory_space<vmem_shared>> -> memref<50048x32xf32, #tpu.memory_space<vmem_shared>>
      tpu.enqueue_indirect_dma source(%dma_start3A_295 : memref<128x32xf32, #tpu.memory_space<vmem>>) target(%dma_start3A_301 : memref<50048x32xf32, #tpu.memory_space<vmem_shared>>) offsets(%dma_start3A_298 : memref<128xi32, #tpu.memory_space<vmem>>) semaphore(%arg15 : memref<!tpu.dma_semaphore, #tpu.memory_space<semaphore_mem>>) {add = true}
      %dma_start3A_302 = arith.constant 1 : i32
      %dma_start3A_303 = arith.constant 1 : i32
      %dma_start3A_304 = arith.constant 1 : i32
      %dma_start3A_305 = arith.constant 0 : i32
      %dma_start3A_306 = arith.constant 0 : i32
      %dma_start3A_307 = tpu.memref_slice %arg11[%dma_start3A_302, %dma_start3A_305, %dma_start3A_306] : memref<2x128x32xf32, #tpu.memory_space<vmem>> -> memref<1x128x32xf32, #tpu.memory_space<vmem>>
      %dma_start3A_308 = tpu.memref_squeeze %dma_start3A_307 : memref<1x128x32xf32, #tpu.memory_space<vmem>> -> memref<128x32xf32, #tpu.memory_space<vmem>>
      %dma_start3A_309 = arith.constant 0 : i32
      %dma_start3A_310 = tpu.memref_slice %arg7[%dma_start3A_303, %dma_start3A_304, %dma_start3A_309] : memref<2x2x128xi32, #tpu.memory_space<vmem>> -> memref<1x1x128xi32, #tpu.memory_space<vmem>>
      %dma_start3A_311 = tpu.memref_squeeze %dma_start3A_310 : memref<1x1x128xi32, #tpu.memory_space<vmem>> -> memref<128xi32, #tpu.memory_space<vmem>>
      %dma_start3A_312 = arith.constant 0 : i32
      %dma_start3A_313 = arith.constant 0 : i32
      %dma_start3A_314 = tpu.memref_slice %arg23[%dma_start3A_312, %dma_start3A_313] : memref<50048x32xf32, #tpu.memory_space<vmem_shared>> -> memref<50048x32xf32, #tpu.memory_space<vmem_shared>>
      tpu.enqueue_indirect_dma source(%dma_start3A_308 : memref<128x32xf32, #tpu.memory_space<vmem>>) target(%dma_start3A_314 : memref<50048x32xf32, #tpu.memory_space<vmem_shared>>) offsets(%dma_start3A_311 : memref<128xi32, #tpu.memory_space<vmem>>) semaphore(%arg15 : memref<!tpu.dma_semaphore, #tpu.memory_space<semaphore_mem>>) {add = true}
      %mul3A_315 = arith.constant 4 : i32
      %mul3A_316 = arith.muli %scan3A_86, %mul3A_315 : i32
      %add3A_317 = arith.constant 2 : i32
      %add3A_318 = arith.addi %mul3A_316, %add3A_317 : i32
      %ge3A_319 = arith.constant 2 : i32
      %ge3A_320 = arith.cmpi sge, %add3A_318, %ge3A_319 : i32
      %convert_element_type3A_321 = arith.extui %ge3A_320 : i1 to i32
      %cond3A_322 = arith.constant 0 : i32
      %cond3A_323 = arith.cmpi ne, %convert_element_type3A_321, %cond3A_322 : i32
      scf.if %cond3A_323 {
        %dma_wait3A_547 = arith.constant 0 : i32
        %dma_wait3A_548 = arith.constant 0 : i32
        %dma_wait3A_549 = arith.constant 0 : i32
        %dma_wait3A_550 = tpu.memref_slice %arg10[%dma_wait3A_547, %dma_wait3A_548, %dma_wait3A_549] : memref<2x128x32xf32, #tpu.memory_space<vmem>> -> memref<1x128x32xf32, #tpu.memory_space<vmem>>
        %dma_wait3A_551 = tpu.memref_squeeze %dma_wait3A_550 : memref<1x128x32xf32, #tpu.memory_space<vmem>> -> memref<128x32xf32, #tpu.memory_space<vmem>>
        %dma_wait3A_552 = arith.constant 0 : i32
        %dma_wait3A_553 = arith.constant 0 : i32
        %dma_wait3A_554 = tpu.memref_slice %arg23[%dma_wait3A_552, %dma_wait3A_553] : memref<50048x32xf32, #tpu.memory_space<vmem_shared>> -> memref<128x32xf32, #tpu.memory_space<vmem_shared>>
        %dma_wait3A_555 = arith.constant 0 : i32
        %dma_wait3A_556 = arith.constant 0 : i32
        %dma_wait3A_557 = tpu.memref_slice %arg23[%dma_wait3A_555, %dma_wait3A_556] : memref<50048x32xf32, #tpu.memory_space<vmem_shared>> -> memref<128x32xf32, #tpu.memory_space<vmem_shared>>
        %dma_wait3A_558 = arith.constant 0 : i32
        %dma_wait3A_559 = arith.constant 0 : i32
        %dma_wait3A_560 = tpu.memref_slice %arg10[%dma_wait3A_547, %dma_wait3A_558, %dma_wait3A_559] : memref<2x128x32xf32, #tpu.memory_space<vmem>> -> memref<1x128x32xf32, #tpu.memory_space<vmem>>
        %dma_wait3A_561 = tpu.memref_squeeze %dma_wait3A_560 : memref<1x128x32xf32, #tpu.memory_space<vmem>> -> memref<128x32xf32, #tpu.memory_space<vmem>>
        tpu.wait_dma2 semaphore(%arg14 : memref<!tpu.dma_semaphore, #tpu.memory_space<semaphore_mem>>) src(%dma_wait3A_561 : memref<128x32xf32, #tpu.memory_space<vmem>>) dst(%dma_wait3A_557 : memref<128x32xf32, #tpu.memory_space<vmem_shared>>)
        %dma_wait3A_562 = arith.constant 1 : i32
        %dma_wait3A_563 = arith.constant 0 : i32
        %dma_wait3A_564 = arith.constant 0 : i32
        %dma_wait3A_565 = tpu.memref_slice %arg10[%dma_wait3A_562, %dma_wait3A_563, %dma_wait3A_564] : memref<2x128x32xf32, #tpu.memory_space<vmem>> -> memref<1x128x32xf32, #tpu.memory_space<vmem>>
        %dma_wait3A_566 = tpu.memref_squeeze %dma_wait3A_565 : memref<1x128x32xf32, #tpu.memory_space<vmem>> -> memref<128x32xf32, #tpu.memory_space<vmem>>
        %dma_wait3A_567 = arith.constant 0 : i32
        %dma_wait3A_568 = arith.constant 0 : i32
        %dma_wait3A_569 = tpu.memref_slice %arg23[%dma_wait3A_567, %dma_wait3A_568] : memref<50048x32xf32, #tpu.memory_space<vmem_shared>> -> memref<128x32xf32, #tpu.memory_space<vmem_shared>>
        %dma_wait3A_570 = arith.constant 0 : i32
        %dma_wait3A_571 = arith.constant 0 : i32
        %dma_wait3A_572 = tpu.memref_slice %arg23[%dma_wait3A_570, %dma_wait3A_571] : memref<50048x32xf32, #tpu.memory_space<vmem_shared>> -> memref<128x32xf32, #tpu.memory_space<vmem_shared>>
        %dma_wait3A_573 = arith.constant 0 : i32
        %dma_wait3A_574 = arith.constant 0 : i32
        %dma_wait3A_575 = tpu.memref_slice %arg10[%dma_wait3A_562, %dma_wait3A_573, %dma_wait3A_574] : memref<2x128x32xf32, #tpu.memory_space<vmem>> -> memref<1x128x32xf32, #tpu.memory_space<vmem>>
        %dma_wait3A_576 = tpu.memref_squeeze %dma_wait3A_575 : memref<1x128x32xf32, #tpu.memory_space<vmem>> -> memref<128x32xf32, #tpu.memory_space<vmem>>
        tpu.wait_dma2 semaphore(%arg14 : memref<!tpu.dma_semaphore, #tpu.memory_space<semaphore_mem>>) src(%dma_wait3A_576 : memref<128x32xf32, #tpu.memory_space<vmem>>) dst(%dma_wait3A_572 : memref<128x32xf32, #tpu.memory_space<vmem_shared>>)
      } else {
      }
      %dma_wait3A_324 = arith.constant 0 : i32
      %dma_wait3A_325 = arith.constant 0 : i32
      %dma_wait3A_326 = arith.constant 0 : i32
      %dma_wait3A_327 = tpu.memref_slice %arg2[%dma_wait3A_324, %dma_wait3A_325, %dma_wait3A_326] : memref<6276x2x128xi32, #tpu.memory_space<hbm>> -> memref<2x2x128xi32, #tpu.memory_space<hbm>>
      %dma_wait3A_328 = arith.constant 0 : i32
      %dma_wait3A_329 = arith.constant 0 : i32
      %dma_wait3A_330 = arith.constant 0 : i32
      %dma_wait3A_331 = tpu.memref_slice %arg2[%dma_wait3A_328, %dma_wait3A_329, %dma_wait3A_330] : memref<6276x2x128xi32, #tpu.memory_space<hbm>> -> memref<2x2x128xi32, #tpu.memory_space<hbm>>
      tpu.wait_dma2 semaphore(%arg18 : memref<!tpu.dma_semaphore, #tpu.memory_space<semaphore_mem>>) src(%dma_wait3A_331 : memref<2x2x128xi32, #tpu.memory_space<hbm>>) dst(%arg8 : memref<2x2x128xi32, #tpu.memory_space<vmem>>)
      %lt3A_332 = arith.constant 194 : i32
      %lt3A_333 = arith.cmpi slt, %add3A_318, %lt3A_332 : i32
      %convert_element_type3A_334 = arith.extui %lt3A_333 : i1 to i32
      %cond3A_335 = arith.constant 0 : i32
      %cond3A_336 = arith.cmpi ne, %convert_element_type3A_334, %cond3A_335 : i32
      scf.if %cond3A_336 {
        %add3A_547 = arith.constant 2 : i32
        %add3A_548 = arith.addi %add3A_318, %add3A_547 : i32
        %mul3A_549 = arith.constant 2 : i32
        %mul3A_550 = arith.muli %add3A_548, %mul3A_549 : i32
        %add3A_551 = arith.addi %mul3A_2, %mul3A_550 : i32
        %dma_start3A_552 = arith.constant 0 : i32
        %dma_start3A_553 = arith.constant 0 : i32
        %dma_start3A_554 = tpu.memref_slice %arg2[%add3A_551, %dma_start3A_552, %dma_start3A_553] : memref<6276x2x128xi32, #tpu.memory_space<hbm>> -> memref<2x2x128xi32, #tpu.memory_space<hbm>>
        %dma_start3A_555 = arith.constant 0 : i32
        %dma_start3A_556 = arith.constant 0 : i32
        %dma_start3A_557 = tpu.memref_slice %arg2[%add3A_551, %dma_start3A_555, %dma_start3A_556] : memref<6276x2x128xi32, #tpu.memory_space<hbm>> -> memref<2x2x128xi32, #tpu.memory_space<hbm>>
        tpu.enqueue_dma source(%dma_start3A_557 : memref<2x2x128xi32, #tpu.memory_space<hbm>>) target(%arg6 : memref<2x2x128xi32, #tpu.memory_space<vmem>>) target_semaphore(%arg16 : memref<!tpu.dma_semaphore, #tpu.memory_space<semaphore_mem>>)
      } else {
      }
      %dma_start3A_337 = arith.constant 0 : i32
      %dma_start3A_338 = arith.constant 0 : i32
      %dma_start3A_339 = arith.constant 0 : i32
      %dma_start3A_340 = arith.constant 0 : i32
      %dma_start3A_341 = arith.constant 0 : i32
      %dma_start3A_342 = tpu.memref_slice %arg10[%dma_start3A_339, %dma_start3A_340, %dma_start3A_341] : memref<2x128x32xf32, #tpu.memory_space<vmem>> -> memref<1x128x32xf32, #tpu.memory_space<vmem>>
      %dma_start3A_343 = tpu.memref_squeeze %dma_start3A_342 : memref<1x128x32xf32, #tpu.memory_space<vmem>> -> memref<128x32xf32, #tpu.memory_space<vmem>>
      %dma_start3A_344 = arith.constant 0 : i32
      %dma_start3A_345 = tpu.memref_slice %arg8[%dma_start3A_337, %dma_start3A_338, %dma_start3A_344] : memref<2x2x128xi32, #tpu.memory_space<vmem>> -> memref<1x1x128xi32, #tpu.memory_space<vmem>>
      %dma_start3A_346 = tpu.memref_squeeze %dma_start3A_345 : memref<1x1x128xi32, #tpu.memory_space<vmem>> -> memref<128xi32, #tpu.memory_space<vmem>>
      %dma_start3A_347 = arith.constant 0 : i32
      %dma_start3A_348 = arith.constant 0 : i32
      %dma_start3A_349 = tpu.memref_slice %arg3[%arg0, %dma_start3A_347, %dma_start3A_348] : memref<2x50000x32xf32, #tpu.memory_space<hbm>> -> memref<1x50000x32xf32, #tpu.memory_space<hbm>>
      %dma_start3A_350 = tpu.memref_squeeze %dma_start3A_349 : memref<1x50000x32xf32, #tpu.memory_space<hbm>> -> memref<50000x32xf32, #tpu.memory_space<hbm>>
      %dma_start3A_351 = arith.constant 0 : i32
      %dma_start3A_352 = arith.constant 0 : i32
      %dma_start3A_353 = tpu.memref_slice %dma_start3A_350[%dma_start3A_351, %dma_start3A_352] : memref<50000x32xf32, #tpu.memory_space<hbm>> -> memref<50000x32xf32, #tpu.memory_space<hbm>>
      tpu.enqueue_indirect_dma source(%dma_start3A_353 : memref<50000x32xf32, #tpu.memory_space<hbm>>) target(%dma_start3A_343 : memref<128x32xf32, #tpu.memory_space<vmem>>) offsets(%dma_start3A_346 : memref<128xi32, #tpu.memory_space<vmem>>) semaphore(%arg12 : memref<!tpu.dma_semaphore, #tpu.memory_space<semaphore_mem>>)
      %dma_start3A_354 = arith.constant 1 : i32
      %dma_start3A_355 = arith.constant 0 : i32
      %dma_start3A_356 = arith.constant 1 : i32
      %dma_start3A_357 = arith.constant 0 : i32
      %dma_start3A_358 = arith.constant 0 : i32
      %dma_start3A_359 = tpu.memref_slice %arg10[%dma_start3A_356, %dma_start3A_357, %dma_start3A_358] : memref<2x128x32xf32, #tpu.memory_space<vmem>> -> memref<1x128x32xf32, #tpu.memory_space<vmem>>
      %dma_start3A_360 = tpu.memref_squeeze %dma_start3A_359 : memref<1x128x32xf32, #tpu.memory_space<vmem>> -> memref<128x32xf32, #tpu.memory_space<vmem>>
      %dma_start3A_361 = arith.constant 0 : i32
      %dma_start3A_362 = tpu.memref_slice %arg8[%dma_start3A_354, %dma_start3A_355, %dma_start3A_361] : memref<2x2x128xi32, #tpu.memory_space<vmem>> -> memref<1x1x128xi32, #tpu.memory_space<vmem>>
      %dma_start3A_363 = tpu.memref_squeeze %dma_start3A_362 : memref<1x1x128xi32, #tpu.memory_space<vmem>> -> memref<128xi32, #tpu.memory_space<vmem>>
      %dma_start3A_364 = arith.constant 0 : i32
      %dma_start3A_365 = arith.constant 0 : i32
      %dma_start3A_366 = tpu.memref_slice %arg3[%arg0, %dma_start3A_364, %dma_start3A_365] : memref<2x50000x32xf32, #tpu.memory_space<hbm>> -> memref<1x50000x32xf32, #tpu.memory_space<hbm>>
      %dma_start3A_367 = tpu.memref_squeeze %dma_start3A_366 : memref<1x50000x32xf32, #tpu.memory_space<hbm>> -> memref<50000x32xf32, #tpu.memory_space<hbm>>
      %dma_start3A_368 = arith.constant 0 : i32
      %dma_start3A_369 = arith.constant 0 : i32
      %dma_start3A_370 = tpu.memref_slice %dma_start3A_367[%dma_start3A_368, %dma_start3A_369] : memref<50000x32xf32, #tpu.memory_space<hbm>> -> memref<50000x32xf32, #tpu.memory_space<hbm>>
      tpu.enqueue_indirect_dma source(%dma_start3A_370 : memref<50000x32xf32, #tpu.memory_space<hbm>>) target(%dma_start3A_360 : memref<128x32xf32, #tpu.memory_space<vmem>>) offsets(%dma_start3A_363 : memref<128xi32, #tpu.memory_space<vmem>>) semaphore(%arg12 : memref<!tpu.dma_semaphore, #tpu.memory_space<semaphore_mem>>)
      %dma_wait3A_371 = arith.constant 0 : i32
      %dma_wait3A_372 = arith.constant 0 : i32
      %dma_wait3A_373 = arith.constant 0 : i32
      %dma_wait3A_374 = arith.constant 0 : i32
      %dma_wait3A_375 = arith.constant 0 : i32
      %dma_wait3A_376 = tpu.memref_slice %arg10[%dma_wait3A_373, %dma_wait3A_374, %dma_wait3A_375] : memref<2x128x32xf32, #tpu.memory_space<vmem>> -> memref<1x128x32xf32, #tpu.memory_space<vmem>>
      %dma_wait3A_377 = tpu.memref_squeeze %dma_wait3A_376 : memref<1x128x32xf32, #tpu.memory_space<vmem>> -> memref<128x32xf32, #tpu.memory_space<vmem>>
      %dma_wait3A_378 = arith.constant 0 : i32
      %dma_wait3A_379 = tpu.memref_slice %arg8[%dma_wait3A_371, %dma_wait3A_372, %dma_wait3A_378] : memref<2x2x128xi32, #tpu.memory_space<vmem>> -> memref<1x1x128xi32, #tpu.memory_space<vmem>>
      %dma_wait3A_380 = tpu.memref_squeeze %dma_wait3A_379 : memref<1x1x128xi32, #tpu.memory_space<vmem>> -> memref<128xi32, #tpu.memory_space<vmem>>
      %dma_wait3A_381 = arith.constant 0 : i32
      %dma_wait3A_382 = arith.constant 0 : i32
      %dma_wait3A_383 = tpu.memref_slice %arg3[%arg0, %dma_wait3A_381, %dma_wait3A_382] : memref<2x50000x32xf32, #tpu.memory_space<hbm>> -> memref<1x50000x32xf32, #tpu.memory_space<hbm>>
      %dma_wait3A_384 = tpu.memref_squeeze %dma_wait3A_383 : memref<1x50000x32xf32, #tpu.memory_space<hbm>> -> memref<50000x32xf32, #tpu.memory_space<hbm>>
      %dma_wait3A_385 = arith.constant 0 : i32
      %dma_wait3A_386 = arith.constant 0 : i32
      %dma_wait3A_387 = tpu.memref_slice %dma_wait3A_384[%dma_wait3A_385, %dma_wait3A_386] : memref<50000x32xf32, #tpu.memory_space<hbm>> -> memref<50000x32xf32, #tpu.memory_space<hbm>>
      tpu.wait_indirect_dma semaphore(%arg12 : memref<!tpu.dma_semaphore, #tpu.memory_space<semaphore_mem>>) src(%dma_wait3A_387 : memref<50000x32xf32, #tpu.memory_space<hbm>>) dst(%dma_wait3A_377 : memref<128x32xf32, #tpu.memory_space<vmem>>)
      %dma_wait3A_388 = arith.constant 1 : i32
      %dma_wait3A_389 = arith.constant 0 : i32
      %dma_wait3A_390 = arith.constant 1 : i32
      %dma_wait3A_391 = arith.constant 0 : i32
      %dma_wait3A_392 = arith.constant 0 : i32
      %dma_wait3A_393 = tpu.memref_slice %arg10[%dma_wait3A_390, %dma_wait3A_391, %dma_wait3A_392] : memref<2x128x32xf32, #tpu.memory_space<vmem>> -> memref<1x128x32xf32, #tpu.memory_space<vmem>>
      %dma_wait3A_394 = tpu.memref_squeeze %dma_wait3A_393 : memref<1x128x32xf32, #tpu.memory_space<vmem>> -> memref<128x32xf32, #tpu.memory_space<vmem>>
      %dma_wait3A_395 = arith.constant 0 : i32
      %dma_wait3A_396 = tpu.memref_slice %arg8[%dma_wait3A_388, %dma_wait3A_389, %dma_wait3A_395] : memref<2x2x128xi32, #tpu.memory_space<vmem>> -> memref<1x1x128xi32, #tpu.memory_space<vmem>>
      %dma_wait3A_397 = tpu.memref_squeeze %dma_wait3A_396 : memref<1x1x128xi32, #tpu.memory_space<vmem>> -> memref<128xi32, #tpu.memory_space<vmem>>
      %dma_wait3A_398 = arith.constant 0 : i32
      %dma_wait3A_399 = arith.constant 0 : i32
      %dma_wait3A_400 = tpu.memref_slice %arg3[%arg0, %dma_wait3A_398, %dma_wait3A_399] : memref<2x50000x32xf32, #tpu.memory_space<hbm>> -> memref<1x50000x32xf32, #tpu.memory_space<hbm>>
      %dma_wait3A_401 = tpu.memref_squeeze %dma_wait3A_400 : memref<1x50000x32xf32, #tpu.memory_space<hbm>> -> memref<50000x32xf32, #tpu.memory_space<hbm>>
      %dma_wait3A_402 = arith.constant 0 : i32
      %dma_wait3A_403 = arith.constant 0 : i32
      %dma_wait3A_404 = tpu.memref_slice %dma_wait3A_401[%dma_wait3A_402, %dma_wait3A_403] : memref<50000x32xf32, #tpu.memory_space<hbm>> -> memref<50000x32xf32, #tpu.memory_space<hbm>>
      tpu.wait_indirect_dma semaphore(%arg12 : memref<!tpu.dma_semaphore, #tpu.memory_space<semaphore_mem>>) src(%dma_wait3A_404 : memref<50000x32xf32, #tpu.memory_space<hbm>>) dst(%dma_wait3A_394 : memref<128x32xf32, #tpu.memory_space<vmem>>)
      %dma_start3A_405 = arith.constant 0 : i32
      %dma_start3A_406 = arith.constant 0 : i32
      %dma_start3A_407 = arith.constant 1 : i32
      %dma_start3A_408 = arith.constant 0 : i32
      %dma_start3A_409 = arith.constant 0 : i32
      %dma_start3A_410 = tpu.memref_slice %arg10[%dma_start3A_405, %dma_start3A_408, %dma_start3A_409] : memref<2x128x32xf32, #tpu.memory_space<vmem>> -> memref<1x128x32xf32, #tpu.memory_space<vmem>>
      %dma_start3A_411 = tpu.memref_squeeze %dma_start3A_410 : memref<1x128x32xf32, #tpu.memory_space<vmem>> -> memref<128x32xf32, #tpu.memory_space<vmem>>
      %dma_start3A_412 = arith.constant 0 : i32
      %dma_start3A_413 = tpu.memref_slice %arg8[%dma_start3A_406, %dma_start3A_407, %dma_start3A_412] : memref<2x2x128xi32, #tpu.memory_space<vmem>> -> memref<1x1x128xi32, #tpu.memory_space<vmem>>
      %dma_start3A_414 = tpu.memref_squeeze %dma_start3A_413 : memref<1x1x128xi32, #tpu.memory_space<vmem>> -> memref<128xi32, #tpu.memory_space<vmem>>
      %dma_start3A_415 = arith.constant 0 : i32
      %dma_start3A_416 = arith.constant 0 : i32
      %dma_start3A_417 = tpu.memref_slice %arg23[%dma_start3A_415, %dma_start3A_416] : memref<50048x32xf32, #tpu.memory_space<vmem_shared>> -> memref<50048x32xf32, #tpu.memory_space<vmem_shared>>
      tpu.enqueue_indirect_dma source(%dma_start3A_411 : memref<128x32xf32, #tpu.memory_space<vmem>>) target(%dma_start3A_417 : memref<50048x32xf32, #tpu.memory_space<vmem_shared>>) offsets(%dma_start3A_414 : memref<128xi32, #tpu.memory_space<vmem>>) semaphore(%arg14 : memref<!tpu.dma_semaphore, #tpu.memory_space<semaphore_mem>>) {add = true}
      %dma_start3A_418 = arith.constant 1 : i32
      %dma_start3A_419 = arith.constant 1 : i32
      %dma_start3A_420 = arith.constant 1 : i32
      %dma_start3A_421 = arith.constant 0 : i32
      %dma_start3A_422 = arith.constant 0 : i32
      %dma_start3A_423 = tpu.memref_slice %arg10[%dma_start3A_418, %dma_start3A_421, %dma_start3A_422] : memref<2x128x32xf32, #tpu.memory_space<vmem>> -> memref<1x128x32xf32, #tpu.memory_space<vmem>>
      %dma_start3A_424 = tpu.memref_squeeze %dma_start3A_423 : memref<1x128x32xf32, #tpu.memory_space<vmem>> -> memref<128x32xf32, #tpu.memory_space<vmem>>
      %dma_start3A_425 = arith.constant 0 : i32
      %dma_start3A_426 = tpu.memref_slice %arg8[%dma_start3A_419, %dma_start3A_420, %dma_start3A_425] : memref<2x2x128xi32, #tpu.memory_space<vmem>> -> memref<1x1x128xi32, #tpu.memory_space<vmem>>
      %dma_start3A_427 = tpu.memref_squeeze %dma_start3A_426 : memref<1x1x128xi32, #tpu.memory_space<vmem>> -> memref<128xi32, #tpu.memory_space<vmem>>
      %dma_start3A_428 = arith.constant 0 : i32
      %dma_start3A_429 = arith.constant 0 : i32
      %dma_start3A_430 = tpu.memref_slice %arg23[%dma_start3A_428, %dma_start3A_429] : memref<50048x32xf32, #tpu.memory_space<vmem_shared>> -> memref<50048x32xf32, #tpu.memory_space<vmem_shared>>
      tpu.enqueue_indirect_dma source(%dma_start3A_424 : memref<128x32xf32, #tpu.memory_space<vmem>>) target(%dma_start3A_430 : memref<50048x32xf32, #tpu.memory_space<vmem_shared>>) offsets(%dma_start3A_427 : memref<128xi32, #tpu.memory_space<vmem>>) semaphore(%arg14 : memref<!tpu.dma_semaphore, #tpu.memory_space<semaphore_mem>>) {add = true}
      %mul3A_431 = arith.constant 4 : i32
      %mul3A_432 = arith.muli %scan3A_86, %mul3A_431 : i32
      %add3A_433 = arith.constant 3 : i32
      %add3A_434 = arith.addi %mul3A_432, %add3A_433 : i32
      %ge3A_435 = arith.constant 2 : i32
      %ge3A_436 = arith.cmpi sge, %add3A_434, %ge3A_435 : i32
      %convert_element_type3A_437 = arith.extui %ge3A_436 : i1 to i32
      %cond3A_438 = arith.constant 0 : i32
      %cond3A_439 = arith.cmpi ne, %convert_element_type3A_437, %cond3A_438 : i32
      scf.if %cond3A_439 {
        %dma_wait3A_547 = arith.constant 0 : i32
        %dma_wait3A_548 = arith.constant 0 : i32
        %dma_wait3A_549 = arith.constant 0 : i32
        %dma_wait3A_550 = tpu.memref_slice %arg11[%dma_wait3A_547, %dma_wait3A_548, %dma_wait3A_549] : memref<2x128x32xf32, #tpu.memory_space<vmem>> -> memref<1x128x32xf32, #tpu.memory_space<vmem>>
        %dma_wait3A_551 = tpu.memref_squeeze %dma_wait3A_550 : memref<1x128x32xf32, #tpu.memory_space<vmem>> -> memref<128x32xf32, #tpu.memory_space<vmem>>
        %dma_wait3A_552 = arith.constant 0 : i32
        %dma_wait3A_553 = arith.constant 0 : i32
        %dma_wait3A_554 = tpu.memref_slice %arg23[%dma_wait3A_552, %dma_wait3A_553] : memref<50048x32xf32, #tpu.memory_space<vmem_shared>> -> memref<128x32xf32, #tpu.memory_space<vmem_shared>>
        %dma_wait3A_555 = arith.constant 0 : i32
        %dma_wait3A_556 = arith.constant 0 : i32
        %dma_wait3A_557 = tpu.memref_slice %arg23[%dma_wait3A_555, %dma_wait3A_556] : memref<50048x32xf32, #tpu.memory_space<vmem_shared>> -> memref<128x32xf32, #tpu.memory_space<vmem_shared>>
        %dma_wait3A_558 = arith.constant 0 : i32
        %dma_wait3A_559 = arith.constant 0 : i32
        %dma_wait3A_560 = tpu.memref_slice %arg11[%dma_wait3A_547, %dma_wait3A_558, %dma_wait3A_559] : memref<2x128x32xf32, #tpu.memory_space<vmem>> -> memref<1x128x32xf32, #tpu.memory_space<vmem>>
        %dma_wait3A_561 = tpu.memref_squeeze %dma_wait3A_560 : memref<1x128x32xf32, #tpu.memory_space<vmem>> -> memref<128x32xf32, #tpu.memory_space<vmem>>
        tpu.wait_dma2 semaphore(%arg15 : memref<!tpu.dma_semaphore, #tpu.memory_space<semaphore_mem>>) src(%dma_wait3A_561 : memref<128x32xf32, #tpu.memory_space<vmem>>) dst(%dma_wait3A_557 : memref<128x32xf32, #tpu.memory_space<vmem_shared>>)
        %dma_wait3A_562 = arith.constant 1 : i32
        %dma_wait3A_563 = arith.constant 0 : i32
        %dma_wait3A_564 = arith.constant 0 : i32
        %dma_wait3A_565 = tpu.memref_slice %arg11[%dma_wait3A_562, %dma_wait3A_563, %dma_wait3A_564] : memref<2x128x32xf32, #tpu.memory_space<vmem>> -> memref<1x128x32xf32, #tpu.memory_space<vmem>>
        %dma_wait3A_566 = tpu.memref_squeeze %dma_wait3A_565 : memref<1x128x32xf32, #tpu.memory_space<vmem>> -> memref<128x32xf32, #tpu.memory_space<vmem>>
        %dma_wait3A_567 = arith.constant 0 : i32
        %dma_wait3A_568 = arith.constant 0 : i32
        %dma_wait3A_569 = tpu.memref_slice %arg23[%dma_wait3A_567, %dma_wait3A_568] : memref<50048x32xf32, #tpu.memory_space<vmem_shared>> -> memref<128x32xf32, #tpu.memory_space<vmem_shared>>
        %dma_wait3A_570 = arith.constant 0 : i32
        %dma_wait3A_571 = arith.constant 0 : i32
        %dma_wait3A_572 = tpu.memref_slice %arg23[%dma_wait3A_570, %dma_wait3A_571] : memref<50048x32xf32, #tpu.memory_space<vmem_shared>> -> memref<128x32xf32, #tpu.memory_space<vmem_shared>>
        %dma_wait3A_573 = arith.constant 0 : i32
        %dma_wait3A_574 = arith.constant 0 : i32
        %dma_wait3A_575 = tpu.memref_slice %arg11[%dma_wait3A_562, %dma_wait3A_573, %dma_wait3A_574] : memref<2x128x32xf32, #tpu.memory_space<vmem>> -> memref<1x128x32xf32, #tpu.memory_space<vmem>>
        %dma_wait3A_576 = tpu.memref_squeeze %dma_wait3A_575 : memref<1x128x32xf32, #tpu.memory_space<vmem>> -> memref<128x32xf32, #tpu.memory_space<vmem>>
        tpu.wait_dma2 semaphore(%arg15 : memref<!tpu.dma_semaphore, #tpu.memory_space<semaphore_mem>>) src(%dma_wait3A_576 : memref<128x32xf32, #tpu.memory_space<vmem>>) dst(%dma_wait3A_572 : memref<128x32xf32, #tpu.memory_space<vmem_shared>>)
      } else {
      }
      %dma_wait3A_440 = arith.constant 0 : i32
      %dma_wait3A_441 = arith.constant 0 : i32
      %dma_wait3A_442 = arith.constant 0 : i32
      %dma_wait3A_443 = tpu.memref_slice %arg2[%dma_wait3A_440, %dma_wait3A_441, %dma_wait3A_442] : memref<6276x2x128xi32, #tpu.memory_space<hbm>> -> memref<2x2x128xi32, #tpu.memory_space<hbm>>
      %dma_wait3A_444 = arith.constant 0 : i32
      %dma_wait3A_445 = arith.constant 0 : i32
      %dma_wait3A_446 = arith.constant 0 : i32
      %dma_wait3A_447 = tpu.memref_slice %arg2[%dma_wait3A_444, %dma_wait3A_445, %dma_wait3A_446] : memref<6276x2x128xi32, #tpu.memory_space<hbm>> -> memref<2x2x128xi32, #tpu.memory_space<hbm>>
      tpu.wait_dma2 semaphore(%arg19 : memref<!tpu.dma_semaphore, #tpu.memory_space<semaphore_mem>>) src(%dma_wait3A_447 : memref<2x2x128xi32, #tpu.memory_space<hbm>>) dst(%arg9 : memref<2x2x128xi32, #tpu.memory_space<vmem>>)
      %lt3A_448 = arith.constant 194 : i32
      %lt3A_449 = arith.cmpi slt, %add3A_434, %lt3A_448 : i32
      %convert_element_type3A_450 = arith.extui %lt3A_449 : i1 to i32
      %cond3A_451 = arith.constant 0 : i32
      %cond3A_452 = arith.cmpi ne, %convert_element_type3A_450, %cond3A_451 : i32
      scf.if %cond3A_452 {
        %add3A_547 = arith.constant 2 : i32
        %add3A_548 = arith.addi %add3A_434, %add3A_547 : i32
        %mul3A_549 = arith.constant 2 : i32
        %mul3A_550 = arith.muli %add3A_548, %mul3A_549 : i32
        %add3A_551 = arith.addi %mul3A_2, %mul3A_550 : i32
        %dma_start3A_552 = arith.constant 0 : i32
        %dma_start3A_553 = arith.constant 0 : i32
        %dma_start3A_554 = tpu.memref_slice %arg2[%add3A_551, %dma_start3A_552, %dma_start3A_553] : memref<6276x2x128xi32, #tpu.memory_space<hbm>> -> memref<2x2x128xi32, #tpu.memory_space<hbm>>
        %dma_start3A_555 = arith.constant 0 : i32
        %dma_start3A_556 = arith.constant 0 : i32
        %dma_start3A_557 = tpu.memref_slice %arg2[%add3A_551, %dma_start3A_555, %dma_start3A_556] : memref<6276x2x128xi32, #tpu.memory_space<hbm>> -> memref<2x2x128xi32, #tpu.memory_space<hbm>>
        tpu.enqueue_dma source(%dma_start3A_557 : memref<2x2x128xi32, #tpu.memory_space<hbm>>) target(%arg7 : memref<2x2x128xi32, #tpu.memory_space<vmem>>) target_semaphore(%arg17 : memref<!tpu.dma_semaphore, #tpu.memory_space<semaphore_mem>>)
      } else {
      }
      %dma_start3A_453 = arith.constant 0 : i32
      %dma_start3A_454 = arith.constant 0 : i32
      %dma_start3A_455 = arith.constant 0 : i32
      %dma_start3A_456 = arith.constant 0 : i32
      %dma_start3A_457 = arith.constant 0 : i32
      %dma_start3A_458 = tpu.memref_slice %arg11[%dma_start3A_455, %dma_start3A_456, %dma_start3A_457] : memref<2x128x32xf32, #tpu.memory_space<vmem>> -> memref<1x128x32xf32, #tpu.memory_space<vmem>>
      %dma_start3A_459 = tpu.memref_squeeze %dma_start3A_458 : memref<1x128x32xf32, #tpu.memory_space<vmem>> -> memref<128x32xf32, #tpu.memory_space<vmem>>
      %dma_start3A_460 = arith.constant 0 : i32
      %dma_start3A_461 = tpu.memref_slice %arg9[%dma_start3A_453, %dma_start3A_454, %dma_start3A_460] : memref<2x2x128xi32, #tpu.memory_space<vmem>> -> memref<1x1x128xi32, #tpu.memory_space<vmem>>
      %dma_start3A_462 = tpu.memref_squeeze %dma_start3A_461 : memref<1x1x128xi32, #tpu.memory_space<vmem>> -> memref<128xi32, #tpu.memory_space<vmem>>
      %dma_start3A_463 = arith.constant 0 : i32
      %dma_start3A_464 = arith.constant 0 : i32
      %dma_start3A_465 = tpu.memref_slice %arg3[%arg0, %dma_start3A_463, %dma_start3A_464] : memref<2x50000x32xf32, #tpu.memory_space<hbm>> -> memref<1x50000x32xf32, #tpu.memory_space<hbm>>
      %dma_start3A_466 = tpu.memref_squeeze %dma_start3A_465 : memref<1x50000x32xf32, #tpu.memory_space<hbm>> -> memref<50000x32xf32, #tpu.memory_space<hbm>>
      %dma_start3A_467 = arith.constant 0 : i32
      %dma_start3A_468 = arith.constant 0 : i32
      %dma_start3A_469 = tpu.memref_slice %dma_start3A_466[%dma_start3A_467, %dma_start3A_468] : memref<50000x32xf32, #tpu.memory_space<hbm>> -> memref<50000x32xf32, #tpu.memory_space<hbm>>
      tpu.enqueue_indirect_dma source(%dma_start3A_469 : memref<50000x32xf32, #tpu.memory_space<hbm>>) target(%dma_start3A_459 : memref<128x32xf32, #tpu.memory_space<vmem>>) offsets(%dma_start3A_462 : memref<128xi32, #tpu.memory_space<vmem>>) semaphore(%arg13 : memref<!tpu.dma_semaphore, #tpu.memory_space<semaphore_mem>>)
      %dma_start3A_470 = arith.constant 1 : i32
      %dma_start3A_471 = arith.constant 0 : i32
      %dma_start3A_472 = arith.constant 1 : i32
      %dma_start3A_473 = arith.constant 0 : i32
      %dma_start3A_474 = arith.constant 0 : i32
      %dma_start3A_475 = tpu.memref_slice %arg11[%dma_start3A_472, %dma_start3A_473, %dma_start3A_474] : memref<2x128x32xf32, #tpu.memory_space<vmem>> -> memref<1x128x32xf32, #tpu.memory_space<vmem>>
      %dma_start3A_476 = tpu.memref_squeeze %dma_start3A_475 : memref<1x128x32xf32, #tpu.memory_space<vmem>> -> memref<128x32xf32, #tpu.memory_space<vmem>>
      %dma_start3A_477 = arith.constant 0 : i32
      %dma_start3A_478 = tpu.memref_slice %arg9[%dma_start3A_470, %dma_start3A_471, %dma_start3A_477] : memref<2x2x128xi32, #tpu.memory_space<vmem>> -> memref<1x1x128xi32, #tpu.memory_space<vmem>>
      %dma_start3A_479 = tpu.memref_squeeze %dma_start3A_478 : memref<1x1x128xi32, #tpu.memory_space<vmem>> -> memref<128xi32, #tpu.memory_space<vmem>>
      %dma_start3A_480 = arith.constant 0 : i32
      %dma_start3A_481 = arith.constant 0 : i32
      %dma_start3A_482 = tpu.memref_slice %arg3[%arg0, %dma_start3A_480, %dma_start3A_481] : memref<2x50000x32xf32, #tpu.memory_space<hbm>> -> memref<1x50000x32xf32, #tpu.memory_space<hbm>>
      %dma_start3A_483 = tpu.memref_squeeze %dma_start3A_482 : memref<1x50000x32xf32, #tpu.memory_space<hbm>> -> memref<50000x32xf32, #tpu.memory_space<hbm>>
      %dma_start3A_484 = arith.constant 0 : i32
      %dma_start3A_485 = arith.constant 0 : i32
      %dma_start3A_486 = tpu.memref_slice %dma_start3A_483[%dma_start3A_484, %dma_start3A_485] : memref<50000x32xf32, #tpu.memory_space<hbm>> -> memref<50000x32xf32, #tpu.memory_space<hbm>>
      tpu.enqueue_indirect_dma source(%dma_start3A_486 : memref<50000x32xf32, #tpu.memory_space<hbm>>) target(%dma_start3A_476 : memref<128x32xf32, #tpu.memory_space<vmem>>) offsets(%dma_start3A_479 : memref<128xi32, #tpu.memory_space<vmem>>) semaphore(%arg13 : memref<!tpu.dma_semaphore, #tpu.memory_space<semaphore_mem>>)
      %dma_wait3A_487 = arith.constant 0 : i32
      %dma_wait3A_488 = arith.constant 0 : i32
      %dma_wait3A_489 = arith.constant 0 : i32
      %dma_wait3A_490 = arith.constant 0 : i32
      %dma_wait3A_491 = arith.constant 0 : i32
      %dma_wait3A_492 = tpu.memref_slice %arg11[%dma_wait3A_489, %dma_wait3A_490, %dma_wait3A_491] : memref<2x128x32xf32, #tpu.memory_space<vmem>> -> memref<1x128x32xf32, #tpu.memory_space<vmem>>
      %dma_wait3A_493 = tpu.memref_squeeze %dma_wait3A_492 : memref<1x128x32xf32, #tpu.memory_space<vmem>> -> memref<128x32xf32, #tpu.memory_space<vmem>>
      %dma_wait3A_494 = arith.constant 0 : i32
      %dma_wait3A_495 = tpu.memref_slice %arg9[%dma_wait3A_487, %dma_wait3A_488, %dma_wait3A_494] : memref<2x2x128xi32, #tpu.memory_space<vmem>> -> memref<1x1x128xi32, #tpu.memory_space<vmem>>
      %dma_wait3A_496 = tpu.memref_squeeze %dma_wait3A_495 : memref<1x1x128xi32, #tpu.memory_space<vmem>> -> memref<128xi32, #tpu.memory_space<vmem>>
      %dma_wait3A_497 = arith.constant 0 : i32
      %dma_wait3A_498 = arith.constant 0 : i32
      %dma_wait3A_499 = tpu.memref_slice %arg3[%arg0, %dma_wait3A_497, %dma_wait3A_498] : memref<2x50000x32xf32, #tpu.memory_space<hbm>> -> memref<1x50000x32xf32, #tpu.memory_space<hbm>>
      %dma_wait3A_500 = tpu.memref_squeeze %dma_wait3A_499 : memref<1x50000x32xf32, #tpu.memory_space<hbm>> -> memref<50000x32xf32, #tpu.memory_space<hbm>>
      %dma_wait3A_501 = arith.constant 0 : i32
      %dma_wait3A_502 = arith.constant 0 : i32
      %dma_wait3A_503 = tpu.memref_slice %dma_wait3A_500[%dma_wait3A_501, %dma_wait3A_502] : memref<50000x32xf32, #tpu.memory_space<hbm>> -> memref<50000x32xf32, #tpu.memory_space<hbm>>
      tpu.wait_indirect_dma semaphore(%arg13 : memref<!tpu.dma_semaphore, #tpu.memory_space<semaphore_mem>>) src(%dma_wait3A_503 : memref<50000x32xf32, #tpu.memory_space<hbm>>) dst(%dma_wait3A_493 : memref<128x32xf32, #tpu.memory_space<vmem>>)
      %dma_wait3A_504 = arith.constant 1 : i32
      %dma_wait3A_505 = arith.constant 0 : i32
      %dma_wait3A_506 = arith.constant 1 : i32
      %dma_wait3A_507 = arith.constant 0 : i32
      %dma_wait3A_508 = arith.constant 0 : i32
      %dma_wait3A_509 = tpu.memref_slice %arg11[%dma_wait3A_506, %dma_wait3A_507, %dma_wait3A_508] : memref<2x128x32xf32, #tpu.memory_space<vmem>> -> memref<1x128x32xf32, #tpu.memory_space<vmem>>
      %dma_wait3A_510 = tpu.memref_squeeze %dma_wait3A_509 : memref<1x128x32xf32, #tpu.memory_space<vmem>> -> memref<128x32xf32, #tpu.memory_space<vmem>>
      %dma_wait3A_511 = arith.constant 0 : i32
      %dma_wait3A_512 = tpu.memref_slice %arg9[%dma_wait3A_504, %dma_wait3A_505, %dma_wait3A_511] : memref<2x2x128xi32, #tpu.memory_space<vmem>> -> memref<1x1x128xi32, #tpu.memory_space<vmem>>
      %dma_wait3A_513 = tpu.memref_squeeze %dma_wait3A_512 : memref<1x1x128xi32, #tpu.memory_space<vmem>> -> memref<128xi32, #tpu.memory_space<vmem>>
      %dma_wait3A_514 = arith.constant 0 : i32
      %dma_wait3A_515 = arith.constant 0 : i32
      %dma_wait3A_516 = tpu.memref_slice %arg3[%arg0, %dma_wait3A_514, %dma_wait3A_515] : memref<2x50000x32xf32, #tpu.memory_space<hbm>> -> memref<1x50000x32xf32, #tpu.memory_space<hbm>>
      %dma_wait3A_517 = tpu.memref_squeeze %dma_wait3A_516 : memref<1x50000x32xf32, #tpu.memory_space<hbm>> -> memref<50000x32xf32, #tpu.memory_space<hbm>>
      %dma_wait3A_518 = arith.constant 0 : i32
      %dma_wait3A_519 = arith.constant 0 : i32
      %dma_wait3A_520 = tpu.memref_slice %dma_wait3A_517[%dma_wait3A_518, %dma_wait3A_519] : memref<50000x32xf32, #tpu.memory_space<hbm>> -> memref<50000x32xf32, #tpu.memory_space<hbm>>
      tpu.wait_indirect_dma semaphore(%arg13 : memref<!tpu.dma_semaphore, #tpu.memory_space<semaphore_mem>>) src(%dma_wait3A_520 : memref<50000x32xf32, #tpu.memory_space<hbm>>) dst(%dma_wait3A_510 : memref<128x32xf32, #tpu.memory_space<vmem>>)
      %dma_start3A_521 = arith.constant 0 : i32
      %dma_start3A_522 = arith.constant 0 : i32
      %dma_start3A_523 = arith.constant 1 : i32
      %dma_start3A_524 = arith.constant 0 : i32
      %dma_start3A_525 = arith.constant 0 : i32
      %dma_start3A_526 = tpu.memref_slice %arg11[%dma_start3A_521, %dma_start3A_524, %dma_start3A_525] : memref<2x128x32xf32, #tpu.memory_space<vmem>> -> memref<1x128x32xf32, #tpu.memory_space<vmem>>
      %dma_start3A_527 = tpu.memref_squeeze %dma_start3A_526 : memref<1x128x32xf32, #tpu.memory_space<vmem>> -> memref<128x32xf32, #tpu.memory_space<vmem>>
      %dma_start3A_528 = arith.constant 0 : i32
      %dma_start3A_529 = tpu.memref_slice %arg9[%dma_start3A_522, %dma_start3A_523, %dma_start3A_528] : memref<2x2x128xi32, #tpu.memory_space<vmem>> -> memref<1x1x128xi32, #tpu.memory_space<vmem>>
      %dma_start3A_530 = tpu.memref_squeeze %dma_start3A_529 : memref<1x1x128xi32, #tpu.memory_space<vmem>> -> memref<128xi32, #tpu.memory_space<vmem>>
      %dma_start3A_531 = arith.constant 0 : i32
      %dma_start3A_532 = arith.constant 0 : i32
      %dma_start3A_533 = tpu.memref_slice %arg23[%dma_start3A_531, %dma_start3A_532] : memref<50048x32xf32, #tpu.memory_space<vmem_shared>> -> memref<50048x32xf32, #tpu.memory_space<vmem_shared>>
      tpu.enqueue_indirect_dma source(%dma_start3A_527 : memref<128x32xf32, #tpu.memory_space<vmem>>) target(%dma_start3A_533 : memref<50048x32xf32, #tpu.memory_space<vmem_shared>>) offsets(%dma_start3A_530 : memref<128xi32, #tpu.memory_space<vmem>>) semaphore(%arg15 : memref<!tpu.dma_semaphore, #tpu.memory_space<semaphore_mem>>) {add = true}
      %dma_start3A_534 = arith.constant 1 : i32
      %dma_start3A_535 = arith.constant 1 : i32
      %dma_start3A_536 = arith.constant 1 : i32
      %dma_start3A_537 = arith.constant 0 : i32
      %dma_start3A_538 = arith.constant 0 : i32
      %dma_start3A_539 = tpu.memref_slice %arg11[%dma_start3A_534, %dma_start3A_537, %dma_start3A_538] : memref<2x128x32xf32, #tpu.memory_space<vmem>> -> memref<1x128x32xf32, #tpu.memory_space<vmem>>
      %dma_start3A_540 = tpu.memref_squeeze %dma_start3A_539 : memref<1x128x32xf32, #tpu.memory_space<vmem>> -> memref<128x32xf32, #tpu.memory_space<vmem>>
      %dma_start3A_541 = arith.constant 0 : i32
      %dma_start3A_542 = tpu.memref_slice %arg9[%dma_start3A_535, %dma_start3A_536, %dma_start3A_541] : memref<2x2x128xi32, #tpu.memory_space<vmem>> -> memref<1x1x128xi32, #tpu.memory_space<vmem>>
      %dma_start3A_543 = tpu.memref_squeeze %dma_start3A_542 : memref<1x1x128xi32, #tpu.memory_space<vmem>> -> memref<128xi32, #tpu.memory_space<vmem>>
      %dma_start3A_544 = arith.constant 0 : i32
      %dma_start3A_545 = arith.constant 0 : i32
      %dma_start3A_546 = tpu.memref_slice %arg23[%dma_start3A_544, %dma_start3A_545] : memref<50048x32xf32, #tpu.memory_space<vmem_shared>> -> memref<50048x32xf32, #tpu.memory_space<vmem_shared>>
      tpu.enqueue_indirect_dma source(%dma_start3A_540 : memref<128x32xf32, #tpu.memory_space<vmem>>) target(%dma_start3A_546 : memref<50048x32xf32, #tpu.memory_space<vmem_shared>>) offsets(%dma_start3A_543 : memref<128xi32, #tpu.memory_space<vmem>>) semaphore(%arg15 : memref<!tpu.dma_semaphore, #tpu.memory_space<semaphore_mem>>) {add = true}
    }
    %scan3A_21 = arith.constant 49 : i32
    %dma_wait3A = arith.constant 0 : i32
    %dma_wait3A_22 = arith.constant 0 : i32
    %dma_wait3A_23 = arith.constant 0 : i32
    %dma_wait3A_24 = tpu.memref_slice %arg10[%dma_wait3A, %dma_wait3A_22, %dma_wait3A_23] : memref<2x128x32xf32, #tpu.memory_space<vmem>> -> memref<1x128x32xf32, #tpu.memory_space<vmem>>
    %dma_wait3A_25 = tpu.memref_squeeze %dma_wait3A_24 : memref<1x128x32xf32, #tpu.memory_space<vmem>> -> memref<128x32xf32, #tpu.memory_space<vmem>>
    %dma_wait3A_26 = arith.constant 0 : i32
    %dma_wait3A_27 = arith.constant 0 : i32
    %dma_wait3A_28 = tpu.memref_slice %arg23[%dma_wait3A_26, %dma_wait3A_27] : memref<50048x32xf32, #tpu.memory_space<vmem_shared>> -> memref<128x32xf32, #tpu.memory_space<vmem_shared>>
    %dma_wait3A_29 = arith.constant 0 : i32
    %dma_wait3A_30 = arith.constant 0 : i32
    %dma_wait3A_31 = tpu.memref_slice %arg23[%dma_wait3A_29, %dma_wait3A_30] : memref<50048x32xf32, #tpu.memory_space<vmem_shared>> -> memref<128x32xf32, #tpu.memory_space<vmem_shared>>
    %dma_wait3A_32 = arith.constant 0 : i32
    %dma_wait3A_33 = arith.constant 0 : i32
    %dma_wait3A_34 = tpu.memref_slice %arg10[%dma_wait3A, %dma_wait3A_32, %dma_wait3A_33] : memref<2x128x32xf32, #tpu.memory_space<vmem>> -> memref<1x128x32xf32, #tpu.memory_space<vmem>>
    %dma_wait3A_35 = tpu.memref_squeeze %dma_wait3A_34 : memref<1x128x32xf32, #tpu.memory_space<vmem>> -> memref<128x32xf32, #tpu.memory_space<vmem>>
    tpu.wait_dma2 semaphore(%arg14 : memref<!tpu.dma_semaphore, #tpu.memory_space<semaphore_mem>>) src(%dma_wait3A_35 : memref<128x32xf32, #tpu.memory_space<vmem>>) dst(%dma_wait3A_31 : memref<128x32xf32, #tpu.memory_space<vmem_shared>>)
    %dma_wait3A_36 = arith.constant 1 : i32
    %dma_wait3A_37 = arith.constant 0 : i32
    %dma_wait3A_38 = arith.constant 0 : i32
    %dma_wait3A_39 = tpu.memref_slice %arg10[%dma_wait3A_36, %dma_wait3A_37, %dma_wait3A_38] : memref<2x128x32xf32, #tpu.memory_space<vmem>> -> memref<1x128x32xf32, #tpu.memory_space<vmem>>
    %dma_wait3A_40 = tpu.memref_squeeze %dma_wait3A_39 : memref<1x128x32xf32, #tpu.memory_space<vmem>> -> memref<128x32xf32, #tpu.memory_space<vmem>>
    %dma_wait3A_41 = arith.constant 0 : i32
    %dma_wait3A_42 = arith.constant 0 : i32
    %dma_wait3A_43 = tpu.memref_slice %arg23[%dma_wait3A_41, %dma_wait3A_42] : memref<50048x32xf32, #tpu.memory_space<vmem_shared>> -> memref<128x32xf32, #tpu.memory_space<vmem_shared>>
    %dma_wait3A_44 = arith.constant 0 : i32
    %dma_wait3A_45 = arith.constant 0 : i32
    %dma_wait3A_46 = tpu.memref_slice %arg23[%dma_wait3A_44, %dma_wait3A_45] : memref<50048x32xf32, #tpu.memory_space<vmem_shared>> -> memref<128x32xf32, #tpu.memory_space<vmem_shared>>
    %dma_wait3A_47 = arith.constant 0 : i32
    %dma_wait3A_48 = arith.constant 0 : i32
    %dma_wait3A_49 = tpu.memref_slice %arg10[%dma_wait3A_36, %dma_wait3A_47, %dma_wait3A_48] : memref<2x128x32xf32, #tpu.memory_space<vmem>> -> memref<1x128x32xf32, #tpu.memory_space<vmem>>
    %dma_wait3A_50 = tpu.memref_squeeze %dma_wait3A_49 : memref<1x128x32xf32, #tpu.memory_space<vmem>> -> memref<128x32xf32, #tpu.memory_space<vmem>>
    tpu.wait_dma2 semaphore(%arg14 : memref<!tpu.dma_semaphore, #tpu.memory_space<semaphore_mem>>) src(%dma_wait3A_50 : memref<128x32xf32, #tpu.memory_space<vmem>>) dst(%dma_wait3A_46 : memref<128x32xf32, #tpu.memory_space<vmem_shared>>)
    %dma_wait3A_51 = arith.constant 0 : i32
    %dma_wait3A_52 = arith.constant 0 : i32
    %dma_wait3A_53 = arith.constant 0 : i32
    %dma_wait3A_54 = tpu.memref_slice %arg11[%dma_wait3A_51, %dma_wait3A_52, %dma_wait3A_53] : memref<2x128x32xf32, #tpu.memory_space<vmem>> -> memref<1x128x32xf32, #tpu.memory_space<vmem>>
    %dma_wait3A_55 = tpu.memref_squeeze %dma_wait3A_54 : memref<1x128x32xf32, #tpu.memory_space<vmem>> -> memref<128x32xf32, #tpu.memory_space<vmem>>
    %dma_wait3A_56 = arith.constant 0 : i32
    %dma_wait3A_57 = arith.constant 0 : i32
    %dma_wait3A_58 = tpu.memref_slice %arg23[%dma_wait3A_56, %dma_wait3A_57] : memref<50048x32xf32, #tpu.memory_space<vmem_shared>> -> memref<128x32xf32, #tpu.memory_space<vmem_shared>>
    %dma_wait3A_59 = arith.constant 0 : i32
    %dma_wait3A_60 = arith.constant 0 : i32
    %dma_wait3A_61 = tpu.memref_slice %arg23[%dma_wait3A_59, %dma_wait3A_60] : memref<50048x32xf32, #tpu.memory_space<vmem_shared>> -> memref<128x32xf32, #tpu.memory_space<vmem_shared>>
    %dma_wait3A_62 = arith.constant 0 : i32
    %dma_wait3A_63 = arith.constant 0 : i32
    %dma_wait3A_64 = tpu.memref_slice %arg11[%dma_wait3A_51, %dma_wait3A_62, %dma_wait3A_63] : memref<2x128x32xf32, #tpu.memory_space<vmem>> -> memref<1x128x32xf32, #tpu.memory_space<vmem>>
    %dma_wait3A_65 = tpu.memref_squeeze %dma_wait3A_64 : memref<1x128x32xf32, #tpu.memory_space<vmem>> -> memref<128x32xf32, #tpu.memory_space<vmem>>
    tpu.wait_dma2 semaphore(%arg15 : memref<!tpu.dma_semaphore, #tpu.memory_space<semaphore_mem>>) src(%dma_wait3A_65 : memref<128x32xf32, #tpu.memory_space<vmem>>) dst(%dma_wait3A_61 : memref<128x32xf32, #tpu.memory_space<vmem_shared>>)
    %dma_wait3A_66 = arith.constant 1 : i32
    %dma_wait3A_67 = arith.constant 0 : i32
    %dma_wait3A_68 = arith.constant 0 : i32
    %dma_wait3A_69 = tpu.memref_slice %arg11[%dma_wait3A_66, %dma_wait3A_67, %dma_wait3A_68] : memref<2x128x32xf32, #tpu.memory_space<vmem>> -> memref<1x128x32xf32, #tpu.memory_space<vmem>>
    %dma_wait3A_70 = tpu.memref_squeeze %dma_wait3A_69 : memref<1x128x32xf32, #tpu.memory_space<vmem>> -> memref<128x32xf32, #tpu.memory_space<vmem>>
    %dma_wait3A_71 = arith.constant 0 : i32
    %dma_wait3A_72 = arith.constant 0 : i32
    %dma_wait3A_73 = tpu.memref_slice %arg23[%dma_wait3A_71, %dma_wait3A_72] : memref<50048x32xf32, #tpu.memory_space<vmem_shared>> -> memref<128x32xf32, #tpu.memory_space<vmem_shared>>
    %dma_wait3A_74 = arith.constant 0 : i32
    %dma_wait3A_75 = arith.constant 0 : i32
    %dma_wait3A_76 = tpu.memref_slice %arg23[%dma_wait3A_74, %dma_wait3A_75] : memref<50048x32xf32, #tpu.memory_space<vmem_shared>> -> memref<128x32xf32, #tpu.memory_space<vmem_shared>>
    %dma_wait3A_77 = arith.constant 0 : i32
    %dma_wait3A_78 = arith.constant 0 : i32
    %dma_wait3A_79 = tpu.memref_slice %arg11[%dma_wait3A_66, %dma_wait3A_77, %dma_wait3A_78] : memref<2x128x32xf32, #tpu.memory_space<vmem>> -> memref<1x128x32xf32, #tpu.memory_space<vmem>>
    %dma_wait3A_80 = tpu.memref_squeeze %dma_wait3A_79 : memref<1x128x32xf32, #tpu.memory_space<vmem>> -> memref<128x32xf32, #tpu.memory_space<vmem>>
    tpu.wait_dma2 semaphore(%arg15 : memref<!tpu.dma_semaphore, #tpu.memory_space<semaphore_mem>>) src(%dma_wait3A_80 : memref<128x32xf32, #tpu.memory_space<vmem>>) dst(%dma_wait3A_76 : memref<128x32xf32, #tpu.memory_space<vmem_shared>>)
    %barrier3A_81 = arith.constant 0 : index
    tpu.barrier barrier_id(%barrier3A_81)
    %mul3A_82 = arith.constant 3128 : i32
    %mul3A_83 = arith.muli %arg1, %mul3A_82 : i32
    %mul3A_84 = arith.constant 3128 : i32
    %mul3A_85 = arith.muli %arg1, %mul3A_84 : i32
    "tpu.region"() ({
      %run_scoped3A = tpu.sem_alloc : memref<!tpu.dma_semaphore, #tpu.memory_space<semaphore_mem>>
      %dma_start3A_86 = arith.constant 0 : i32
      %dma_start3A_87 = tpu.memref_slice %arg5[%arg0, %mul3A_85, %dma_start3A_86] : memref<2x50048x32xf32, #tpu.memory_space<hbm>> -> memref<1x3128x32xf32, #tpu.memory_space<hbm>>
      %dma_start3A_88 = tpu.memref_squeeze %dma_start3A_87 : memref<1x3128x32xf32, #tpu.memory_space<hbm>> -> memref<3128x32xf32, #tpu.memory_space<hbm>>
      %dma_start3A_89 = arith.constant 0 : i32
      %dma_start3A_90 = tpu.memref_slice %arg23[%mul3A_83, %dma_start3A_89] : memref<50048x32xf32, #tpu.memory_space<vmem_shared>> -> memref<3128x32xf32, #tpu.memory_space<vmem_shared>>
      tpu.enqueue_dma source(%dma_start3A_90 : memref<3128x32xf32, #tpu.memory_space<vmem_shared>>) target(%dma_start3A_88 : memref<3128x32xf32, #tpu.memory_space<hbm>>) target_semaphore(%run_scoped3A : memref<!tpu.dma_semaphore, #tpu.memory_space<semaphore_mem>>)
      %dma_wait3A_91 = arith.constant 0 : i32
      %dma_wait3A_92 = tpu.memref_slice %arg5[%arg0, %mul3A_85, %dma_wait3A_91] : memref<2x50048x32xf32, #tpu.memory_space<hbm>> -> memref<1x3128x32xf32, #tpu.memory_space<hbm>>
      %dma_wait3A_93 = tpu.memref_squeeze %dma_wait3A_92 : memref<1x3128x32xf32, #tpu.memory_space<hbm>> -> memref<3128x32xf32, #tpu.memory_space<hbm>>
      %dma_wait3A_94 = arith.constant 0 : i32
      %dma_wait3A_95 = tpu.memref_slice %arg23[%mul3A_83, %dma_wait3A_94] : memref<50048x32xf32, #tpu.memory_space<vmem_shared>> -> memref<3128x32xf32, #tpu.memory_space<vmem_shared>>
      tpu.wait_dma2 semaphore(%run_scoped3A : memref<!tpu.dma_semaphore, #tpu.memory_space<semaphore_mem>>) src(%dma_wait3A_95 : memref<3128x32xf32, #tpu.memory_space<vmem_shared>>) dst(%dma_wait3A_93 : memref<3128x32xf32, #tpu.memory_space<hbm>>)
      tpu.yield
    }) : () -> ()
    return
  }
}

module attributes {stable_mosaic.version = 14 : i64} {
  func.func @body(%arg0: i32, %arg1: memref<2000x300xf32, #tpu.memory_space<vmem>>, %arg2: memref<300x64xf32, #tpu.memory_space<vmem>>, %arg3: memref<2x2000x32xf32, #tpu.memory_space<vmem>>) attributes {dimension_semantics = [#tpu.dimension_semantics<arbitrary>], iteration_bounds = array<i64: 25>, scalar_prefetch = 0 : i64, scratch_operands = 0 : i64, tpu.core_type = #tpu.core_type<tc>, window_params = [{transform_indices = @transform_0, window_bounds = array<i64: 2000, 300>}, {pipeline_mode = #tpu.pipeline_mode<synchronous>, transform_indices = @transform_1, window_bounds = array<i64: 300, 64>}, {transform_indices = @transform_2, window_bounds = array<i64: 2, 2000, 32>}]} {
    %get3A = arith.constant 0 : index
    %get3A_0 = arith.constant 0 : index
    %get3A_1 = vector.load %arg1[%get3A, %get3A_0] : memref<2000x300xf32, #tpu.memory_space<vmem>>, vector<2000x300xf32>
    %get3A_2 = arith.constant 0 : index
    %get3A_3 = arith.constant 0 : index
    %get3A_4 = vector.load %arg2[%get3A_2, %get3A_3] : memref<300x64xf32, #tpu.memory_space<vmem>>, vector<300x64xf32>
    %dot_general3A = arith.constant dense<0.000000e+00> : vector<2000x64xf32>
    %dot_general3A_5 = tpu.matmul %get3A_1, %get3A_4, %dot_general3A {dimension_numbers = #tpu.dot_dimension_numbers<[1], [0], [0], [1], [0, 0, 1, 1], [], []>, transpose_lhs_hint = false} : vector<2000x300xf32>, vector<300x64xf32>, vector<2000x64xf32> -> vector<2000x64xf32>
    %slice3A = vector.extract_strided_slice %dot_general3A_5 {offsets = [0, 0], sizes = [2000, 32], strides = [1, 1]} : vector<2000x64xf32> to vector<2000x32xf32>
    %swap3A = arith.constant 0 : index
    %swap3A_6 = arith.constant 0 : index
    %swap3A_7 = arith.constant 0 : index
    %swap3A_8 = vector.load %arg3[%swap3A, %swap3A_6, %swap3A_7] : memref<2x2000x32xf32, #tpu.memory_space<vmem>>, vector<1x2000x32xf32>
    %swap3A_9 = vector.shape_cast %swap3A_8 : vector<1x2000x32xf32> to vector<2000x32xf32>
    %swap3A_10 = vector.shape_cast %slice3A : vector<2000x32xf32> to vector<1x2000x32xf32>
    tpu.vector_store %arg3[%swap3A, %swap3A_6, %swap3A_7], %swap3A_10 {strides = array<i32>} : memref<2x2000x32xf32, #tpu.memory_space<vmem>>, vector<1x2000x32xf32>,
    %slice3A_11 = vector.extract_strided_slice %dot_general3A_5 {offsets = [0, 32], sizes = [2000, 32], strides = [1, 1]} : vector<2000x64xf32> to vector<2000x32xf32>
    %swap3A_12 = arith.constant 1 : index
    %swap3A_13 = arith.constant 0 : index
    %swap3A_14 = arith.constant 0 : index
    %swap3A_15 = vector.load %arg3[%swap3A_12, %swap3A_13, %swap3A_14] : memref<2x2000x32xf32, #tpu.memory_space<vmem>>, vector<1x2000x32xf32>
    %swap3A_16 = vector.shape_cast %swap3A_15 : vector<1x2000x32xf32> to vector<2000x32xf32>
    %swap3A_17 = vector.shape_cast %slice3A_11 : vector<2000x32xf32> to vector<1x2000x32xf32>
    tpu.vector_store %arg3[%swap3A_12, %swap3A_13, %swap3A_14], %swap3A_17 {strides = array<i32>} : memref<2x2000x32xf32, #tpu.memory_space<vmem>>, vector<1x2000x32xf32>,
    return
  }
  func.func @transform_0(%arg0: i32) -> (i32, i32) {
    %c0_i32 = arith.constant 0 : i32
    %c0_i32_0 = arith.constant 0 : i32
    return %arg0, %c0_i32 : i32, i32
  }
  func.func @transform_1(%arg0: i32) -> (i32, i32) {
    %c0_i32 = arith.constant 0 : i32
    %c0_i32_0 = arith.constant 0 : i32
    %c0_i32_1 = arith.constant 0 : i32
    return %c0_i32, %c0_i32_0 : i32, i32
  }
  func.func @transform_2(%arg0: i32) -> (i32, i32, i32) {
    %c0_i32 = arith.constant 0 : i32
    %c0_i32_0 = arith.constant 0 : i32
    %c0_i32_1 = arith.constant 0 : i32
    return %c0_i32, %arg0, %c0_i32_0 : i32, i32, i32
  }
}

module attributes {stable_mosaic.version = 14 : i64} {
  func.func @body(%arg0: i32, %arg1: memref<2x3128x32xf32, #tpu.memory_space<vmem>>, %arg2: memref<2x3128x8xf32, #tpu.memory_space<vmem>>, %arg3: memref<1x64xf32, #tpu.memory_space<vmem>>, %arg4: memref<64x64xf32, #tpu.memory_space<vmem>>, %arg5: memref<2x3128x32xf32, #tpu.memory_space<vmem>>) attributes {dimension_semantics = [#tpu.dimension_semantics<arbitrary>], iteration_bounds = array<i64: 16>, scalar_prefetch = 0 : i64, scratch_operands = 0 : i64, tpu.core_type = #tpu.core_type<tc>, window_params = [{transform_indices = @transform_0, window_bounds = array<i64: 2, 3128, 32>}, {transform_indices = @transform_1, window_bounds = array<i64: 2, 3128, 8>}, {pipeline_mode = #tpu.pipeline_mode<synchronous>, transform_indices = @transform_2, window_bounds = array<i64: 1, 64>}, {pipeline_mode = #tpu.pipeline_mode<synchronous>, transform_indices = @transform_3, window_bounds = array<i64: 64, 64>}, {transform_indices = @transform_4, window_bounds = array<i64: 2, 3128, 32>}]} {
    %get3A = arith.constant 0 : index
    %get3A_0 = arith.constant 0 : index
    %get3A_1 = arith.constant 0 : index
    %get3A_2 = vector.load %arg1[%get3A, %get3A_0, %get3A_1] : memref<2x3128x32xf32, #tpu.memory_space<vmem>>, vector<1x3128x32xf32>
    %get3A_3 = vector.shape_cast %get3A_2 : vector<1x3128x32xf32> to vector<3128x32xf32>
    %get3A_4 = arith.constant 1 : index
    %get3A_5 = arith.constant 0 : index
    %get3A_6 = arith.constant 0 : index
    %get3A_7 = vector.load %arg1[%get3A_4, %get3A_5, %get3A_6] : memref<2x3128x32xf32, #tpu.memory_space<vmem>>, vector<1x3128x32xf32>
    %get3A_8 = vector.shape_cast %get3A_7 : vector<1x3128x32xf32> to vector<3128x32xf32>
    %concatenate3A = tpu.concatenate %get3A_3, %get3A_8 in 1 : vector<3128x32xf32>, vector<3128x32xf32> -> vector<3128x64xf32>
    %get3A_9 = arith.constant 0 : index
    %get3A_10 = arith.constant 0 : index
    %get3A_11 = arith.constant 0 : index
    %get3A_12 = vector.load %arg2[%get3A_9, %get3A_10, %get3A_11] : memref<2x3128x8xf32, #tpu.memory_space<vmem>>, vector<1x3128x1xf32>
    %get3A_13 = vector.shape_cast %get3A_12 : vector<1x3128x1xf32> to vector<3128x1xf32>
    %get3A_14 = arith.constant 1 : index
    %get3A_15 = arith.constant 0 : index
    %get3A_16 = arith.constant 0 : index
    %get3A_17 = vector.load %arg2[%get3A_14, %get3A_15, %get3A_16] : memref<2x3128x8xf32, #tpu.memory_space<vmem>>, vector<1x3128x1xf32>
    %get3A_18 = vector.shape_cast %get3A_17 : vector<1x3128x1xf32> to vector<3128x1xf32>
    %add3A = arith.addf %get3A_13, %get3A_18 : vector<3128x1xf32>
    %max3A = arith.constant 1.000000e+00 : f32
    %max3A_19 = vector.broadcast %max3A : f32 to vector<3128x1xf32>
    %max3A_20 = arith.maximumf %add3A, %max3A_19 : vector<3128x1xf32>
    %div3A = vector.broadcast %max3A_20 : vector<3128x1xf32> to vector<3128x64xf32>
    %div3A_21 = arith.divf %concatenate3A, %div3A : vector<3128x64xf32>
    %get3A_22 = arith.constant 0 : index
    %get3A_23 = arith.constant 0 : index
    %get3A_24 = vector.load %arg3[%get3A_22, %get3A_23] : memref<1x64xf32, #tpu.memory_space<vmem>>, vector<1x64xf32>
    %add3A_25 = vector.broadcast %get3A_24 : vector<1x64xf32> to vector<3128x64xf32>
    %add3A_26 = arith.addf %div3A_21, %add3A_25 : vector<3128x64xf32>
    %ge3A = arith.constant 0.000000e+00 : f32
    %ge3A_27 = vector.broadcast %ge3A : f32 to vector<3128x64xf32>
    %ge3A_28 = arith.cmpf oge, %add3A_26, %ge3A_27 : vector<3128x64xf32>
    %mul3A = arith.constant 2.000000e-01 : f32
    %mul3A_29 = vector.broadcast %mul3A : f32 to vector<3128x64xf32>
    %mul3A_30 = arith.mulf %mul3A_29, %add3A_26 : vector<3128x64xf32>
    %select_n3A = arith.select %ge3A_28, %add3A_26, %mul3A_30 : vector<3128x64xi1>, vector<3128x64xf32>
    %mul3A_31 = arith.mulf %select_n3A, %select_n3A : vector<3128x64xf32>
    %reduce_sum3A = arith.constant dense<0.000000e+00> : vector<3128xf32>
    %reduce_sum3A_32 = vector.multi_reduction <add>, %mul3A_31, %reduce_sum3A [1] : vector<3128x64xf32> to vector<3128xf32>
    %broadcast_in_dim3A = vector.shape_cast %reduce_sum3A_32 : vector<3128xf32> to vector<3128x1xf32>
    %sqrt3A = math.sqrt %broadcast_in_dim3A : vector<3128x1xf32>
    %max3A_33 = arith.constant 9.99999996E-13 : f32
    %max3A_34 = vector.broadcast %max3A_33 : f32 to vector<3128x1xf32>
    %max3A_35 = arith.maximumf %sqrt3A, %max3A_34 : vector<3128x1xf32>
    %div3A_36 = vector.broadcast %max3A_35 : vector<3128x1xf32> to vector<3128x64xf32>
    %div3A_37 = arith.divf %select_n3A, %div3A_36 : vector<3128x64xf32>
    %get3A_38 = arith.constant 0 : index
    %get3A_39 = arith.constant 0 : index
    %get3A_40 = vector.load %arg4[%get3A_38, %get3A_39] : memref<64x64xf32, #tpu.memory_space<vmem>>, vector<64x64xf32>
    %dot_general3A = arith.constant dense<0.000000e+00> : vector<3128x64xf32>
    %dot_general3A_41 = tpu.matmul %div3A_37, %get3A_40, %dot_general3A {dimension_numbers = #tpu.dot_dimension_numbers<[1], [0], [0], [1], [0, 0, 1, 1], [], []>, transpose_lhs_hint = false} : vector<3128x64xf32>, vector<64x64xf32>, vector<3128x64xf32> -> vector<3128x64xf32>
    %slice3A = vector.extract_strided_slice %dot_general3A_41 {offsets = [0, 0], sizes = [3128, 32], strides = [1, 1]} : vector<3128x64xf32> to vector<3128x32xf32>
    %swap3A = arith.constant 0 : index
    %swap3A_42 = arith.constant 0 : index
    %swap3A_43 = arith.constant 0 : index
    %swap3A_44 = vector.load %arg5[%swap3A, %swap3A_42, %swap3A_43] : memref<2x3128x32xf32, #tpu.memory_space<vmem>>, vector<1x3128x32xf32>
    %swap3A_45 = vector.shape_cast %swap3A_44 : vector<1x3128x32xf32> to vector<3128x32xf32>
    %swap3A_46 = vector.shape_cast %slice3A : vector<3128x32xf32> to vector<1x3128x32xf32>
    tpu.vector_store %arg5[%swap3A, %swap3A_42, %swap3A_43], %swap3A_46 {strides = array<i32>} : memref<2x3128x32xf32, #tpu.memory_space<vmem>>, vector<1x3128x32xf32>,
    %slice3A_47 = vector.extract_strided_slice %dot_general3A_41 {offsets = [0, 32], sizes = [3128, 32], strides = [1, 1]} : vector<3128x64xf32> to vector<3128x32xf32>
    %swap3A_48 = arith.constant 1 : index
    %swap3A_49 = arith.constant 0 : index
    %swap3A_50 = arith.constant 0 : index
    %swap3A_51 = vector.load %arg5[%swap3A_48, %swap3A_49, %swap3A_50] : memref<2x3128x32xf32, #tpu.memory_space<vmem>>, vector<1x3128x32xf32>
    %swap3A_52 = vector.shape_cast %swap3A_51 : vector<1x3128x32xf32> to vector<3128x32xf32>
    %swap3A_53 = vector.shape_cast %slice3A_47 : vector<3128x32xf32> to vector<1x3128x32xf32>
    tpu.vector_store %arg5[%swap3A_48, %swap3A_49, %swap3A_50], %swap3A_53 {strides = array<i32>} : memref<2x3128x32xf32, #tpu.memory_space<vmem>>, vector<1x3128x32xf32>,
    return
  }
  func.func @transform_0(%arg0: i32) -> (i32, i32, i32) {
    %c0_i32 = arith.constant 0 : i32
    %c0_i32_0 = arith.constant 0 : i32
    %c0_i32_1 = arith.constant 0 : i32
    return %c0_i32, %arg0, %c0_i32_0 : i32, i32, i32
  }
  func.func @transform_1(%arg0: i32) -> (i32, i32, i32) {
    %c0_i32 = arith.constant 0 : i32
    %c0_i32_0 = arith.constant 0 : i32
    %c0_i32_1 = arith.constant 0 : i32
    return %c0_i32, %arg0, %c0_i32_0 : i32, i32, i32
  }
  func.func @transform_2(%arg0: i32) -> (i32, i32) {
    %c0_i32 = arith.constant 0 : i32
    %c0_i32_0 = arith.constant 0 : i32
    %c0_i32_1 = arith.constant 0 : i32
    return %c0_i32, %c0_i32_0 : i32, i32
  }
  func.func @transform_3(%arg0: i32) -> (i32, i32) {
    %c0_i32 = arith.constant 0 : i32
    %c0_i32_0 = arith.constant 0 : i32
    %c0_i32_1 = arith.constant 0 : i32
    return %c0_i32, %c0_i32_0 : i32, i32
  }
  func.func @transform_4(%arg0: i32) -> (i32, i32, i32) {
    %c0_i32 = arith.constant 0 : i32
    %c0_i32_0 = arith.constant 0 : i32
    %c0_i32_1 = arith.constant 0 : i32
    return %c0_i32, %arg0, %c0_i32_0 : i32, i32, i32
  }
}

module attributes {stable_mosaic.version = 14 : i64} {
  func.func @body(%arg0: i32, %arg1: memref<2x1024x32xf32, #tpu.memory_space<vmem>>, %arg2: memref<2x1024x8xf32, #tpu.memory_space<vmem>>, %arg3: memref<1x64xf32, #tpu.memory_space<vmem>>, %arg4: memref<1024x64xf32, #tpu.memory_space<vmem>>) attributes {dimension_semantics = [#tpu.dimension_semantics<arbitrary>], iteration_bounds = array<i64: 1>, scalar_prefetch = 0 : i64, scratch_operands = 0 : i64, tpu.core_type = #tpu.core_type<tc>, window_params = [{pipeline_mode = #tpu.pipeline_mode<synchronous>, transform_indices = @transform_0, window_bounds = array<i64: 2, 1024, 32>}, {pipeline_mode = #tpu.pipeline_mode<synchronous>, transform_indices = @transform_1, window_bounds = array<i64: 2, 1024, 8>}, {pipeline_mode = #tpu.pipeline_mode<synchronous>, transform_indices = @transform_2, window_bounds = array<i64: 1, 64>}, {pipeline_mode = #tpu.pipeline_mode<synchronous>, transform_indices = @transform_3, window_bounds = array<i64: 1024, 64>}]} {
    %get3A = arith.constant 0 : index
    %get3A_0 = arith.constant 0 : index
    %get3A_1 = arith.constant 0 : index
    %get3A_2 = vector.load %arg1[%get3A, %get3A_0, %get3A_1] : memref<2x1024x32xf32, #tpu.memory_space<vmem>>, vector<1x1024x32xf32>
    %get3A_3 = vector.shape_cast %get3A_2 : vector<1x1024x32xf32> to vector<1024x32xf32>
    %get3A_4 = arith.constant 1 : index
    %get3A_5 = arith.constant 0 : index
    %get3A_6 = arith.constant 0 : index
    %get3A_7 = vector.load %arg1[%get3A_4, %get3A_5, %get3A_6] : memref<2x1024x32xf32, #tpu.memory_space<vmem>>, vector<1x1024x32xf32>
    %get3A_8 = vector.shape_cast %get3A_7 : vector<1x1024x32xf32> to vector<1024x32xf32>
    %concatenate3A = tpu.concatenate %get3A_3, %get3A_8 in 1 : vector<1024x32xf32>, vector<1024x32xf32> -> vector<1024x64xf32>
    %get3A_9 = arith.constant 0 : index
    %get3A_10 = arith.constant 0 : index
    %get3A_11 = arith.constant 0 : index
    %get3A_12 = vector.load %arg2[%get3A_9, %get3A_10, %get3A_11] : memref<2x1024x8xf32, #tpu.memory_space<vmem>>, vector<1x1024x1xf32>
    %get3A_13 = vector.shape_cast %get3A_12 : vector<1x1024x1xf32> to vector<1024x1xf32>
    %get3A_14 = arith.constant 1 : index
    %get3A_15 = arith.constant 0 : index
    %get3A_16 = arith.constant 0 : index
    %get3A_17 = vector.load %arg2[%get3A_14, %get3A_15, %get3A_16] : memref<2x1024x8xf32, #tpu.memory_space<vmem>>, vector<1x1024x1xf32>
    %get3A_18 = vector.shape_cast %get3A_17 : vector<1x1024x1xf32> to vector<1024x1xf32>
    %add3A = arith.addf %get3A_13, %get3A_18 : vector<1024x1xf32>
    %max3A = arith.constant 1.000000e+00 : f32
    %max3A_19 = vector.broadcast %max3A : f32 to vector<1024x1xf32>
    %max3A_20 = arith.maximumf %add3A, %max3A_19 : vector<1024x1xf32>
    %div3A = vector.broadcast %max3A_20 : vector<1024x1xf32> to vector<1024x64xf32>
    %div3A_21 = arith.divf %concatenate3A, %div3A : vector<1024x64xf32>
    %get3A_22 = arith.constant 0 : index
    %get3A_23 = arith.constant 0 : index
    %get3A_24 = vector.load %arg3[%get3A_22, %get3A_23] : memref<1x64xf32, #tpu.memory_space<vmem>>, vector<1x64xf32>
    %add3A_25 = vector.broadcast %get3A_24 : vector<1x64xf32> to vector<1024x64xf32>
    %add3A_26 = arith.addf %div3A_21, %add3A_25 : vector<1024x64xf32>
    %ge3A = arith.constant 0.000000e+00 : f32
    %ge3A_27 = vector.broadcast %ge3A : f32 to vector<1024x64xf32>
    %ge3A_28 = arith.cmpf oge, %add3A_26, %ge3A_27 : vector<1024x64xf32>
    %mul3A = arith.constant 2.000000e-01 : f32
    %mul3A_29 = vector.broadcast %mul3A : f32 to vector<1024x64xf32>
    %mul3A_30 = arith.mulf %mul3A_29, %add3A_26 : vector<1024x64xf32>
    %select_n3A = arith.select %ge3A_28, %add3A_26, %mul3A_30 : vector<1024x64xi1>, vector<1024x64xf32>
    %mul3A_31 = arith.mulf %select_n3A, %select_n3A : vector<1024x64xf32>
    %reduce_sum3A = arith.constant dense<0.000000e+00> : vector<1024xf32>
    %reduce_sum3A_32 = vector.multi_reduction <add>, %mul3A_31, %reduce_sum3A [1] : vector<1024x64xf32> to vector<1024xf32>
    %broadcast_in_dim3A = vector.shape_cast %reduce_sum3A_32 : vector<1024xf32> to vector<1024x1xf32>
    %sqrt3A = math.sqrt %broadcast_in_dim3A : vector<1024x1xf32>
    %max3A_33 = arith.constant 9.99999996E-13 : f32
    %max3A_34 = vector.broadcast %max3A_33 : f32 to vector<1024x1xf32>
    %max3A_35 = arith.maximumf %sqrt3A, %max3A_34 : vector<1024x1xf32>
    %div3A_36 = vector.broadcast %max3A_35 : vector<1024x1xf32> to vector<1024x64xf32>
    %div3A_37 = arith.divf %select_n3A, %div3A_36 : vector<1024x64xf32>
    %swap3A = arith.constant 0 : index
    %swap3A_38 = arith.constant 0 : index
    %swap3A_39 = vector.load %arg4[%swap3A, %swap3A_38] : memref<1024x64xf32, #tpu.memory_space<vmem>>, vector<1024x64xf32>
    tpu.vector_store %arg4[%swap3A, %swap3A_38], %div3A_37 {strides = array<i32>} : memref<1024x64xf32, #tpu.memory_space<vmem>>, vector<1024x64xf32>,
    return
  }
  func.func @transform_0(%arg0: i32) -> (i32, i32, i32) {
    %c0_i32 = arith.constant 0 : i32
    %c0_i32_0 = arith.constant 0 : i32
    %c0_i32_1 = arith.constant 0 : i32
    %c0_i32_2 = arith.constant 0 : i32
    return %c0_i32, %c0_i32_0, %c0_i32_1 : i32, i32, i32
  }
  func.func @transform_1(%arg0: i32) -> (i32, i32, i32) {
    %c0_i32 = arith.constant 0 : i32
    %c0_i32_0 = arith.constant 0 : i32
    %c0_i32_1 = arith.constant 0 : i32
    %c0_i32_2 = arith.constant 0 : i32
    return %c0_i32, %c0_i32_0, %c0_i32_1 : i32, i32, i32
  }
  func.func @transform_2(%arg0: i32) -> (i32, i32) {
    %c0_i32 = arith.constant 0 : i32
    %c0_i32_0 = arith.constant 0 : i32
    %c0_i32_1 = arith.constant 0 : i32
    return %c0_i32, %c0_i32_0 : i32, i32
  }
  func.func @transform_3(%arg0: i32) -> (i32, i32) {
    %c0_i32 = arith.constant 0 : i32
    %c0_i32_0 = arith.constant 0 : i32
    %c0_i32_1 = arith.constant 0 : i32
    return %c0_i32, %c0_i32_0 : i32, i32
  }
}

</mosaic_0001>

<sc_bundles>
// kernel: kernel.11.cloned.1.call-start
scs
__scs_entry_jumppad:
0x0: {  	(pc) =	sbr.rel $0x88, $3  }
0x1: {  	(tag) =	ssettag $0x0;
	lr =	simm.s32 $0x1  }
0x2: {  	[smem:$0x3F9A] =	sst lr;
	_ =	strace $0xD0000000  }
0x3: {  	_ = 	snop  }
0x4: {  	_ = 	snop  }
0x5: {  	_ = 	snop  }
0x6: {  	_ = 	snop  }
0x7: {  	_ = 	snop  }
__scs_overlays_trampoline_lowered:
0x8: {  	[smem:$0x3FA9] =	sst s0  }
0x9: {  	[smem:$0x3FAA] =	sst s1  }
0xa: {  	[smem:$0x3FAB] =	sst s2  }
0xb: {  	[smem:$0x3FAC] =	sst s3  }
0xc: {  	[smem:$0x3FAD] =	sst s4  }
0xd: {  	[smem:$0x3FAE] =	sst s5  }
0xe: {  	[smem:$0x3FAF] =	sst s6  }
0xf: {  	[smem:$0x3FB0] =	sst s7  }
0x10: {  	[smem:$0x3FB1] =	sst s8  }
0x11: {  	[smem:$0x3FB2] =	sst s9;
	s0 =	simm.s32 @!p0 $0x0  }
0x12: {  	s1 =	sld [smem:$0x3F98];
	s0 =	simm.s32 @p0 $0x1  }
0x13: {  	[smem:$0x3FB3] =	sst s0;
	s0 =	simm.s32 @!p1 $0x0  }
0x14: {  	s2 =	sld [smem:$0x3F97];
	s0 =	simm.s32 @p1 $0x1  }
0x15: {  	[smem:$0x3FB4] =	sst s0;
	s0 =	simm.s32 @!p2 $0x0  }
0x16: {  	s3 =	sld [smem:$0x3FDB];
	s0 =	simm.s32 @p2 $0x1  }
0x17: {  	s4 =	simm.s32 $0x1BF5;
	[smem:$0x3FB6] =	sst s0  }
0x18: {  	s0 =	sld [smem:$0x3F99];
	_ =	swait.ge [sflag:s4], $0x0  }
0x19: {  	s7 =	sld [smem:$0x3F9A]  }
0x1a: {  	s8 =	sadd.s32 $0xFFFFE003, lr  }
0x1b: {  	s9 =	sadd.s32 $0xFFFFFEF7, lr;
	s5 =	simm.s32 $0xFFFFFFFF;
	p2 =	slt.u32 s8, $0xFFFFF086  }
0x1c: {  	p1 =	slt.u32 s9, $0xF7A;
	s5 =	simm.s32 @!p2 $0x0  }
0x1d: {  	s5 =	simm.s32 @p1 $0x1;
	p0 =	seq.s32 s7, s2  }
0x1e: {  	s7 =	smul.u32 @!p0 $0xF7A, s2;
	p2 =	seq.s32 @!p0 s5, $0x0  }
0x1f: {  	s9 =	smul.u32 $0xF7A, s1;
	s8 =	simm.s32 @!p0 $0x1BF5;
	p2 =	por !p2, p0  }
0x20: {  	[sflag:s8] =	ssyncset.s32 @!p0 $0xFFFFF086;
	s6 =	sadd.s32 @!p0 s3, s7;
	s7 =	simm.s32 @!p0 $0x108  }
0x21: {  	s3 =	sadd.s32 s3, s9;
	s6 =	sadd.s32 @!p0 $0x88, s6;
	s7 =	simm.s32 @p2 $0x1082  }
0x22: {  	[simem:s7], [sflag:s8] =	dma.local @!p0 [hbm:s6], $0xF7A  }
0x23: {  	s9 =	sor.u32 $0xD0000000, s2;
	s6 =	simm.s32 $0x108;
	_ =	swait.ge @!p0 [sflag:s8], $0x0  }
0x24: {  	s3 =	sadd.s32 $0x88, s3;
	s6 =	simm.s32 @!p1 $0x1082;
	[sflag:s4] =	ssyncset.s32 $0xFFFFF086  }
0x25: {  	[simem:s6], [sflag:s4] =	dma.local [hbm:s3], $0xF7A  }
0x26: {  	[smem:$0x3F9A] =	sst s1;
	(tag) =	ssettag s2;
	_ =	strace s9  }
0x27: {  	s1 =	sld [smem:$0x3FAA]  }
0x28: {  	s2 =	sld [smem:$0x3FAB]  }
0x29: {  	s4 =	sld [smem:$0x3FAD]  }
0x2a: {  	p0 =	seq.s32 s5, $0x0;
	s5 =	sld [smem:$0x3FAE]  }
0x2b: {  	s6 =	sld [smem:$0x3FAF]  }
0x2c: {  	s7 =	sld [smem:$0x3FB0]  }
0x2d: {  	s3 =	simm.s32 $0x108;
	s8 =	sld [smem:$0x3FB1]  }
0x2e: {  	s3 =	simm.s32 @!p0 $0x1082;
	s9 =	sld [smem:$0x3FB2]  }
0x2f: {  	lr =	sadd.s32 s0, s3;
	s0 =	sld [smem:$0x3FA9]  }
0x30: {  	s3 =	sld [smem:$0x3FAC]  }
0x31: {  	[smem:$0x3FB5] =	sst s10  }
0x32: {  	s10 =	sld [smem:$0x3FB3];
	_ =	sdelay $0x3  }
0x33: {  	p0 =	seq.s32 s10, $0x1;
	s10 =	sld [smem:$0x3FB5];
	_ =	sdelay $0x3  }
0x34: {  	[smem:$0x3FB5] =	sst s10  }
0x35: {  	s10 =	sld [smem:$0x3FB4];
	_ =	sdelay $0x3  }
0x36: {  	p1 =	seq.s32 s10, $0x1;
	s10 =	sld [smem:$0x3FB5];
	_ =	sdelay $0x3  }
0x37: {  	[smem:$0x3FB5] =	sst s10  }
0x38: {  	s10 =	sld [smem:$0x3FB6]  }
0x39: {  	_ = 	snop;
	(pc) =	sbr.ind lr, $3  }
0x3a: {  	_ = 	snop  }
0x3b: {  	_ = 	snop  }
0x3c: {  	p2 =	seq.s32 s10, $0x1;
	s10 =	sld [smem:$0x3FB5]  }
0x3d: {  	_ =	shalt  }
0x3e: {  	_ =	shalt  }
0x3f: {  	_ =	shalt  }
0x40: {  	_ =	shalt  }
0x41: {  	_ =	shalt  }
0x42: {  	_ =	shalt  }
0x43: {  	_ =	shalt  }
0x44: {  	_ =	shalt  }
0x45: {  	_ =	shalt  }
0x46: {  	_ =	shalt  }
0x47: {  	_ =	shalt  }
0x48: {  	_ =	shalt  }
0x49: {  	_ =	shalt  }
0x4a: {  	_ =	shalt  }
0x4b: {  	_ =	shalt  }
0x4c: {  	_ =	shalt  }
0x4d: {  	_ =	shalt  }
0x4e: {  	_ =	shalt  }
0x4f: {  	_ =	shalt  }
0x50: {  	_ =	shalt  }
0x51: {  	_ =	shalt  }
0x52: {  	_ =	shalt  }
0x53: {  	_ =	shalt  }
0x54: {  	_ =	shalt  }
0x55: {  	_ =	shalt  }
0x56: {  	_ =	shalt  }
0x57: {  	_ =	shalt  }
0x58: {  	_ =	shalt  }
0x59: {  	_ =	shalt  }
0x5a: {  	_ =	shalt  }
0x5b: {  	_ =	shalt  }
0x5c: {  	_ =	shalt  }
0x5d: {  	_ =	shalt  }
0x5e: {  	_ =	shalt  }
0x5f: {  	_ =	shalt  }
0x60: {  	_ =	shalt  }
0x61: {  	_ =	shalt  }
0x62: {  	_ =	shalt  }
0x63: {  	_ =	shalt  }
0x64: {  	_ =	shalt  }
0x65: {  	_ =	shalt  }
0x66: {  	_ =	shalt  }
0x67: {  	_ =	shalt  }
0x68: {  	_ =	shalt  }
0x69: {  	_ =	shalt  }
0x6a: {  	_ =	shalt  }
0x6b: {  	_ =	shalt  }
0x6c: {  	_ =	shalt  }
0x6d: {  	_ =	shalt  }
0x6e: {  	_ =	shalt  }
0x6f: {  	_ =	shalt  }
0x70: {  	_ =	shalt  }
0x71: {  	_ =	shalt  }
0x72: {  	_ =	shalt  }
0x73: {  	_ =	shalt  }
0x74: {  	_ =	shalt  }
0x75: {  	_ =	shalt  }
0x76: {  	_ =	shalt  }
0x77: {  	_ =	shalt  }
0x78: {  	_ =	shalt  }
0x79: {  	_ =	shalt  }
0x7a: {  	_ =	shalt  }
0x7b: {  	_ =	shalt  }
0x7c: {  	_ =	shalt  }
0x7d: {  	_ =	shalt  }
0x7e: {  	_ =	shalt  }
0x7f: {  	_ =	shalt  }
0x80: {  	_ =	shalt  }
0x81: {  	_ =	shalt  }
0x82: {  	_ =	shalt  }
0x83: {  	_ =	shalt  }
0x84: {  	_ =	shalt  }
0x85: {  	_ =	shalt  }
0x86: {  	_ =	shalt  }
0x87: {  	_ =	shalt  }
.Lfunc_end0:
.L_simem_size_0:
called_computation.1_lowered:
.L_overlay_start_0:
0x88: {  	s2 =	sld [smem:$0x3FD9]  }
0x89: {  	s3 =	sld [smem:$0x3FFE];
	_ =	sdelay $0x1  }
0x8a: {  	s1 =	srdreg.scid  }
0x8b: {  	s0 =	sand.u32 $0x1, s1  }
0x8c: {  	s16 =	sshll.u32 s0, $0xA;
	s2 =	sadd.s32 s3, s2  }
0x8d: {  	s2 =	sadd.s32 s2, s16  }
0x8e: {  	[smem:$0x3FC1] =	sst s2  }
0x8f: {  	_ = 	snop  }
0x90: {  	(tm) =	ssettm $0x1  }
0x91: {  	s17 =	sld [smem:$0x3FFB];
	_ =	sdelay $0x3  }
0x92: {  	_ =	strace s17  }
0x93: {  	s2 =	sld [smem:$0x3FFC];
	_ =	sdelay $0x3  }
0x94: {  	_ =	strace s2  }
0x95: {  	s2 =	sld [smem:$0x3FFD];
	_ =	sdelay $0x3  }
0x96: {  	_ =	strace s2  }
0x97: {  	_ =	strace $0x8FFFFFFF  }
0x98: {  	s18 =	sld [smem:$0x3FDB];
	_ =	sdelay $0x1  }
0x99: {  	s19 =	simm.s32 $_scs_section_size  }
0x9a: {  	s4 =	simm.s32 $_size__tile_overlayer_lowered;
	s5 =	simm.s32 $_tile_overlayer_lowered  }
0x9b: {  	s22 =	simm.s32 $0x1BFF;
	s21 =	sshll.u32 s5, $0x1;
	s2 =	sadd.s32 s19, s18  }
0x9c: {  	s6 =	simm.s32 $0x0;
	s20 =	sshll.u32 s4, $0x1;
	s4 =	sadd.s32 s21, s2  }
0x9d: {  	[timem:s6], [sflag:s22] =	dma.local [hbm:s4], s20  }
0x9e: {  	_ =	swait.ge [sflag:s22], s20  }
0x9f: {  	s3 =	ssub.s32 $0x0, s20;
	[sflag:s22] =	ssyncset.done $0x0  }
0xa0: {  	[sflag:s22] =	ssyncadd.s32 s3;
	_ =	sdelay $0x1  }
0xa1: {  	s23 =	simm.s32 $0x1B8B  }
0xa2: {  	_ =	swait.ge [sflag:s23], $0x1  }
0xa3: {  	[sflag:s23] =	ssyncset.done $0x0  }
0xa4: {  	s25 =	simm.s32 $0x1B8E;
	s24 =	sld [smem:$0x3FFE];
	[sflag:s23] =	ssyncadd.s32 $0xFFFFFFFF  }
0xa5: {  	s26 =	simm.s32 $execute0_lowered;
	[smem:$0x3FD2] =	sst s25  }
0xa6: {  	s4 =	sshll.u32 s26, $0x1;
	_ =	strace $0x80000046;
	[dreg:$0x1] =	wrdreg $0xFFFFFFFF  }
0xa7: {  	s28 =	simm.s32 $_size_execute0_lowered;
	s2 =	sadd.s32 s2, s4;
	[dreg:$0x0] =	wrdreg $0x0  }
0xa8: {  	s4 =	sshll.u32 s28, $0x1;
	[dreg:$0x2] =	wrdreg s2  }
0xa9: {  	[dreg:$0x3] =	wrdreg s4  }
0xaa: {  	[dreg:$0x4] =	wrdreg $0xC0  }
0xab: {  	_ =	task [dreg:s6], $0x5FFFF  }
0xac: {  	[dreg:$0x1] =	wrdreg $0xFFFFFFFF  }
0xad: {  	[dreg:$0x0] =	wrdreg $0x60  }
0xae: {  	[dreg:$0x2] =	wrdreg s24  }
0xaf: {  	[dreg:$0x3] =	wrdreg $0x48000  }
0xb0: {  	[dreg:$0x4] =	wrdreg $0xA  }
0xb1: {  	_ =	task.clear_ibuf [dreg:s6], $0x5FFFF;
	_ =	strace $0x90000046  }
0xb2: {  	s29 =	simm.s32 $0xA;
	_ =	strace $0x80000048  }
0xb3: {  	_ =	swait.ge [sflag:s29], $0x1  }
0xb4: {  	[sflag:s29] =	ssyncadd.s32 $0xFFFFFFFF  }
0xb5: {  	_ =	strace $0x90000048  }
0xb6: {  	_ =	sfence  }
0xb7: {  	s30 =	sld [smem:$0x0];
	_ =	sdelay $0x2  }
0xb8: {  	s31 =	sshll.u32 s1, $0xD;
	s1 =	sshrl.u32 s1, $0x2  }
0xb9: {  	s3 =	sand.u32 $0x4000, s31;
	s1 =	sadd.s32 s1, s30  }
0xba: {  	s0 =	sor.u32 s3, s0;
	s1 =	sshll.u32 s1, $0x11  }
0xbb: {  	s0 =	sor.u32 s1, s0  }
0xbc: {  	s0 =	sadd.s32 $0x8F2B, s0  }
0xbd: {  	[sflag:s0] =	ssyncadd.remote.s32 $0x1  }
0xbe: {  	_ =	sfence.sel $0xFFFF  }
0xbf: {  	[dreg:$0x0] =	wrdreg $0xFFFFFFFF;
	(pc) =	sbr.abs _section_cstart, $3  }
0xc0: {  	[dreg:$0x1] =	wrdreg $0xFFFFFFFF  }
0xc1: {  	_ =	task.clear_ibuf [dreg:s6], $0x2FFFF;
	_ =	strace $0x9FFFFFFF  }
0xc2: {  	(tm) =	ssettm $0x7FFFFFFF  }
0xc3: {  	_ =	shalt  }
tec
execute0_lowered:
.L_overlay_start_1:
0x0: {  	(tag) =	ssettag $0x1  }
0x1: {  	s9 =	stileid.u32;
	s1 =	rddreg [dreg:$0x0]  }
0x2: {  	s0 =	srdreg.scid;
	s2 =	rddreg [dreg:$0x1];
	s3 =	simm.s32 $0x0  }
0x3: {  	s17 =	simm.s32 $0x100;
	s18 =	simm.s32 $0x180;
	s19 =	simm.s32 $0x300  }
0x4: {  	s20 =	simm.s32 $0x280;
	s21 =	simm.s32 $0x380;
	s22 =	simm.s32 $0x500  }
0x5: {  	s23 =	simm.s32 $0x480;
	[smem:$0x7FF] =	sst s3;
	s13 =	sadd.s32 $0xACC00, s1  }
0x6: {  	s24 =	simm.s32 $0x580;
	_ =	strace $0x80000047;
	[dreg:$0xe] =	wrdreg s13  }
0x7: {  	s25 =	simm.s32 $0x700;
	s26 =	simm.s32 $0x680;
	[dreg:$0x3] =	wrdreg s17  }
0x8: {  	s31 =	simm.s32 $0x780;
	s28 =	simm.s32 $0x4;
	[dreg:$0x4] =	wrdreg s18  }
0x9: {  	s29 =	simm.s32 $0x8;
	s4 =	smul.u32 $0x3100, s9;
	[dreg:$0x5] =	wrdreg s19  }
0xa: {  	s0 =	sand.u32 $0x1, s0;
	s6 =	smul.u32 $0x18700, s9;
	[dreg:$0x6] =	wrdreg s20  }
0xb: {  	s30 =	simm.s32 $0x0;
	s5 =	smul.u32 $0x30D40, s0;
	[dreg:$0x7] =	wrdreg s21  }
0xc: {  	s15 =	sshll.u32 s9, $0x6;
	s7 =	smul.u32 $0x187000, s0;
	[dreg:$0x8] =	wrdreg s22  }
0xd: {  	s0 =	ssub.s32 $0x2, s0;
	s13 =	simm.s32 $0x200;
	[dreg:$0x9] =	wrdreg s23  }
0xe: {  	s17 =	simm.s32 $0x800;
	s18 =	simm.s32 $0x1800;
	[dreg:$0xa] =	wrdreg s24  }
0xf: {  	s19 =	simm.s32 $0x1;
	s20 =	simm.s32 $0x6;
	[dreg:$0xb] =	wrdreg s25  }
0x10: {  	s21 =	simm.s32 $0x600;
	s22 =	simm.s32 $0x2800;
	[dreg:$0xc] =	wrdreg s26  }
0x11: {  	s23 =	simm.s32 $0x3800;
	s24 =	simm.s32 $0x2;
	[dreg:$0xd] =	wrdreg s31  }
0x12: {  	s25 =	simm.s32 $0x3;
	s26 =	simm.s32 $0x7;
	s4 =	sadd.s32 s4, s1  }
0x13: {  	s14 =	sshrl.u32 s0, $0x1;
	s16 =	sadd.s32 s6, s2;
	s8 =	sadd.s32 s5, s1  }
0x14: {  	s12 =	sadd.s32 s6, s7;
	s0 =	ssub.s32 s0, s14;
	s6 =	sadd.s32 $0x7BA00, s4  }
0x15: {  	s4 =	sadd.s32 $0x7BA40, s4;
	s11 =	sshrl.u32 s16, $0x3;
	s14 =	simm.s32 $0x5  }
0x16: {  	s16 =	simm.s32 $0x80;
	s5 =	sshrl.u32 s12, $0x3;
	[dreg:$0xf] =	wrdreg s4  }
0x17: {  	s8 =	sadd.s32 $0x19E00, s8;
	s0 =	smax.u32 s0, $0x1;
	s1 =	sadd.s32 s5, s1  }
0x18: {  	s12 =	simm.s32 $0x9;
	[dreg:$0x11] =	wrdreg s0;
	s1 =	sadd.s32 $0xAFE00, s1  }
0x19: {  	s5 =	sor.u32 $0x1C09, s15;
	s15 =	simm.s32 $0x400;
	[dreg:$0x10] =	wrdreg s1  }
.LBB2_1:
0x1a: {  	s0 =	rddreg [dreg:$0xe]  }
0x1b: {  	[spmem:s11], [sflag:s5] =	dma.local [hbm:s0], $0x30E0  }
0x1c: {  	_ =	swait.ge [sflag:s12], $0x30E0  }
0x1d: {  	[sflag:s12] =	ssyncset.done $0x0  }
0x1e: {  	[sflag:s12] =	ssyncadd.s32 $0xFFFFCF20  }
0x1f: {  	p0 =	por $0x1, $0x1;
	[bflag:$0x0] =	sbarrier.arrive $0xFFFF  }
0x20: {  	[tilespmem:s3], [sflag:$0x5] =	stream.linear.gather [hbm4b:s6+s3], $0x200, $0x38;
	[tilespmem:$0x1CF00] =	vst v63  }
0x21: {  	s0 =	simm.s32 @!p0 $0x3;
	s4 =	rddreg [dreg:$0xf]  }
0x22: {  	[tilespmem:s13], [sflag:$0x6] =	stream.linear.gather [hbm4b:s4+s3], $0x200, $0x38;
	[tilespmem:$0x1CF00] =	vst v63  }
0x23: {  	_ =	swait.ge @!p0 [sflag:s0], $0x1000  }
0x24: {  	[sflag:s0] =	ssyncset.done @!p0 $0x0  }
0x25: {  	[sflag:s0] =	ssyncadd.s32 @!p0 $0xFFFFF000  }
0x26: {  	_ =	swait.ge @!p0 [sflag:s0], $0x1000  }
0x27: {  	[sflag:s0] =	ssyncset.done @!p0 $0x0  }
0x28: {  	[sflag:s0] =	ssyncadd.s32 @!p0 $0xFFFFF000  }
0x29: {  	_ =	swait.ge [sflag:s14], $0x200  }
0x2a: {  	s7 =	sadd.s32 $0x0, s6;
	[sflag:s14] =	ssyncset.done $0x0  }
0x2b: {  	s1 =	sadd.s32 $0x80, s7;
	[sflag:s14] =	ssyncadd.s32 $0xFFFFFE00  }
0x2c: {  	[tilespmem:s15], [sflag:$0x7] =	stream.linear.gather [hbm4b:s1+s3], $0x200, $0x38;
	[tilespmem:$0x1CF00] =	vst v63  }
0x2d: {  	_ = 	snop  }
0x2e: {  	[tilespmem:s17], [sflag:$0x1] =	stream.indirect.gather [hbm4b:s8+s16], $0x20, s3, s16, $0xb8;
	[tilespmem:$0x1CF00] =	vst v63  }
0x2f: {  	s9 =	rddreg [dreg:$0x3]  }
0x30: {  	[tilespmem:s18], [sflag:$0x1] =	stream.indirect.gather [hbm4b:s8+s16], $0x20, s9, s16, $0xb8;
	[tilespmem:$0x1CF00] =	vst v63  }
0x31: {  	_ =	swait.ge [sflag:s19], $0x1000  }
0x32: {  	[sflag:s19] =	ssyncset.done $0x0  }
0x33: {  	[sflag:s19] =	ssyncadd.s32 $0xFFFFF000  }
0x34: {  	_ =	swait.ge [sflag:s19], $0x1000  }
0x35: {  	[sflag:s19] =	ssyncset.done $0x0  }
0x36: {  	[sflag:s19] =	ssyncadd.s32 $0xFFFFF000  }
0x37: {  	[spmem:s2] =	stream.indirect.scatter.add.f32 [tilespmem:s17], [sflag:$0x3], $0x20, s16, s16, $0xb8;
	[tilespmem:$0x1CF00] =	vst v63  }
0x38: {  	s4 =	simm.s32 @!p0 $0x4;
	s10 =	rddreg [dreg:$0x4]  }
0x39: {  	[spmem:s2] =	stream.indirect.scatter.add.f32 [tilespmem:s18], [sflag:$0x3], $0x20, s10, s16, $0xb8;
	[tilespmem:$0x1CF00] =	vst v63  }
0x3a: {  	_ =	swait.ge @!p0 [sflag:s4], $0x1000  }
0x3b: {  	[sflag:s4] =	ssyncset.done @!p0 $0x0  }
0x3c: {  	[sflag:s4] =	ssyncadd.s32 @!p0 $0xFFFFF000  }
0x3d: {  	_ =	swait.ge @!p0 [sflag:s4], $0x1000  }
0x3e: {  	[sflag:s4] =	ssyncset.done @!p0 $0x0  }
0x3f: {  	[sflag:s4] =	ssyncadd.s32 @!p0 $0xFFFFF000  }
0x40: {  	_ =	swait.ge [sflag:s20], $0x200  }
0x41: {  	[sflag:s20] =	ssyncset.done $0x0  }
0x42: {  	s0 =	sadd.s32 $0xC0, s7;
	[sflag:s20] =	ssyncadd.s32 $0xFFFFFE00  }
0x43: {  	[tilespmem:s21], [sflag:$0x8] =	stream.linear.gather [hbm4b:s0+s3], $0x200, $0x38;
	[tilespmem:$0x1CF00] =	vst v63  }
0x44: {  	_ = 	snop  }
0x45: {  	[tilespmem:s22], [sflag:$0x2] =	stream.indirect.gather [hbm4b:s8+s16], $0x20, s13, s16, $0xb8;
	[tilespmem:$0x1CF00] =	vst v63  }
0x46: {  	s1 =	rddreg [dreg:$0x5]  }
0x47: {  	[tilespmem:s23], [sflag:$0x2] =	stream.indirect.gather [hbm4b:s8+s16], $0x20, s1, s16, $0xb8;
	[tilespmem:$0x1CF00] =	vst v63  }
0x48: {  	_ =	swait.ge [sflag:s24], $0x1000  }
0x49: {  	[sflag:s24] =	ssyncset.done $0x0  }
0x4a: {  	[sflag:s24] =	ssyncadd.s32 $0xFFFFF000  }
0x4b: {  	_ =	swait.ge [sflag:s24], $0x1000  }
0x4c: {  	[sflag:s24] =	ssyncset.done $0x0  }
0x4d: {  	s4 =	rddreg [dreg:$0x6];
	[sflag:s24] =	ssyncadd.s32 $0xFFFFF000  }
0x4e: {  	[spmem:s2] =	stream.indirect.scatter.add.f32 [tilespmem:s22], [sflag:$0x4], $0x20, s4, s16, $0xb8;
	[tilespmem:$0x1CF00] =	vst v63  }
0x4f: {  	s7 =	rddreg [dreg:$0x7]  }
0x50: {  	[spmem:s2] =	stream.indirect.scatter.add.f32 [tilespmem:s23], [sflag:$0x4], $0x20, s7, s16, $0xb8;
	[tilespmem:$0x1CF00] =	vst v63  }
0x51: {  	_ =	swait.ge [sflag:s25], $0x1000  }
0x52: {  	[sflag:s25] =	ssyncset.done $0x0  }
0x53: {  	[sflag:s25] =	ssyncadd.s32 $0xFFFFF000  }
0x54: {  	_ =	swait.ge [sflag:s25], $0x1000  }
0x55: {  	[sflag:s25] =	ssyncset.done $0x0  }
0x56: {  	[sflag:s25] =	ssyncadd.s32 $0xFFFFF000  }
0x57: {  	p0 =	por $0x0, $0x0;
	_ =	swait.ge [sflag:s26], $0x200  }
0x58: {  	s0 =	sadd.s32 @!p0 $0x0, s6;
	[sflag:s26] =	ssyncset.done $0x0  }
0x59: {  	s1 =	sadd.s32 @!p0 $0x100, s0;
	s4 =	simm.s32 @!p0 $0x0;
	[sflag:s26] =	ssyncadd.s32 $0xFFFFFE00  }
0x5a: {  	[tilespmem:s4], [sflag:$0x5] =	stream.linear.gather @!p0 [hbm4b:s1+s4], $0x200, $0x38;
	[tilespmem:$0x1CF00] =	vst v63  }
0x5b: {  	_ = 	snop  }
0x5c: {  	[tilespmem:s17], [sflag:$0x1] =	stream.indirect.gather [hbm4b:s8+s16], $0x20, s15, s16, $0xb8;
	[tilespmem:$0x1CF00] =	vst v63  }
0x5d: {  	s9 =	rddreg [dreg:$0x8]  }
0x5e: {  	[tilespmem:s18], [sflag:$0x1] =	stream.indirect.gather [hbm4b:s8+s16], $0x20, s9, s16, $0xb8;
	[tilespmem:$0x1CF00] =	vst v63  }
0x5f: {  	_ =	swait.ge [sflag:s19], $0x1000  }
0x60: {  	[sflag:s19] =	ssyncset.done $0x0  }
0x61: {  	[sflag:s19] =	ssyncadd.s32 $0xFFFFF000  }
0x62: {  	_ =	swait.ge [sflag:s19], $0x1000  }
0x63: {  	[sflag:s19] =	ssyncset.done $0x0  }
0x64: {  	s10 =	rddreg [dreg:$0x9];
	[sflag:s19] =	ssyncadd.s32 $0xFFFFF000  }
0x65: {  	[spmem:s2] =	stream.indirect.scatter.add.f32 [tilespmem:s17], [sflag:$0x3], $0x20, s10, s16, $0xb8;
	[tilespmem:$0x1CF00] =	vst v63  }
0x66: {  	s7 =	rddreg [dreg:$0xa]  }
0x67: {  	[spmem:s2] =	stream.indirect.scatter.add.f32 [tilespmem:s18], [sflag:$0x3], $0x20, s7, s16, $0xb8;
	[tilespmem:$0x1CF00] =	vst v63  }
0x68: {  	_ =	swait.ge [sflag:s28], $0x1000  }
0x69: {  	[sflag:s28] =	ssyncset.done $0x0  }
0x6a: {  	[sflag:s28] =	ssyncadd.s32 $0xFFFFF000  }
0x6b: {  	_ =	swait.ge [sflag:s28], $0x1000  }
0x6c: {  	[sflag:s28] =	ssyncset.done $0x0  }
0x6d: {  	[sflag:s28] =	ssyncadd.s32 $0xFFFFF000  }
0x6e: {  	_ =	swait.ge [sflag:s29], $0x200  }
0x6f: {  	[sflag:s29] =	ssyncset.done $0x0  }
0x70: {  	s0 =	sadd.s32 @!p0 $0x140, s0;
	s1 =	simm.s32 @!p0 $0x200;
	[sflag:s29] =	ssyncadd.s32 $0xFFFFFE00  }
0x71: {  	[tilespmem:s1], [sflag:$0x6] =	stream.linear.gather @!p0 [hbm4b:s0+s4], $0x200, $0x38;
	[tilespmem:$0x1CF00] =	vst v63  }
0x72: {  	_ = 	snop  }
0x73: {  	[tilespmem:s22], [sflag:$0x2] =	stream.indirect.gather [hbm4b:s8+s16], $0x20, s21, s16, $0xb8;
	[tilespmem:$0x1CF00] =	vst v63  }
0x74: {  	s9 =	rddreg [dreg:$0xb]  }
0x75: {  	[tilespmem:s23], [sflag:$0x2] =	stream.indirect.gather [hbm4b:s8+s16], $0x20, s9, s16, $0xb8;
	[tilespmem:$0x1CF00] =	vst v63  }
0x76: {  	_ =	swait.ge [sflag:s24], $0x1000  }
0x77: {  	[sflag:s24] =	ssyncset.done $0x0  }
0x78: {  	[sflag:s24] =	ssyncadd.s32 $0xFFFFF000  }
0x79: {  	s31 =	simm.s32 $0x100;
	p1 =	por $0x0, $0x0;
	_ =	swait.ge [sflag:s24], $0x1000  }
0x7a: {  	s0 =	simm.s32 $0x200;
	s10 =	rddreg [dreg:$0xc];
	[sflag:s24] =	ssyncset.done $0x0  }
0x7b: {  	s1 =	simm.s32 $0x0;
	s7 =	rddreg [dreg:$0xd];
	[sflag:s24] =	ssyncadd.s32 $0xFFFFF000  }
0x7c: {  	[spmem:s2] =	stream.indirect.scatter.add.f32 [tilespmem:s22], [sflag:$0x4], $0x20, s10, s16, $0xb8;
	[tilespmem:$0x1CF00] =	vst v63  }
.LBB2_2:
0x7d: {  	s9 =	simm.s32 @!p1 $0x3  }
0x7e: {  	[spmem:s2] =	stream.indirect.scatter.add.f32 [tilespmem:s23], [sflag:$0x4], $0x20, s7, s16, $0xb8;
	[tilespmem:$0x1CF00] =	vst v63  }
0x7f: {  	_ =	swait.ge @!p1 [sflag:s9], $0x1000  }
0x80: {  	[sflag:s9] =	ssyncset.done @!p1 $0x0  }
0x81: {  	[sflag:s9] =	ssyncadd.s32 @!p1 $0xFFFFF000  }
0x82: {  	_ =	swait.ge @!p1 [sflag:s9], $0x1000  }
0x83: {  	[sflag:s9] =	ssyncset.done @!p1 $0x0  }
0x84: {  	[sflag:s9] =	ssyncadd.s32 @!p1 $0xFFFFF000  }
0x85: {  	_ =	swait.ge [sflag:s14], $0x200  }
0x86: {  	s7 =	sadd.s32 s31, s6;
	[sflag:s14] =	ssyncset.done $0x0  }
0x87: {  	s10 =	sadd.s32 $0x80, s7;
	[sflag:s14] =	ssyncadd.s32 $0xFFFFFE00  }
0x88: {  	[tilespmem:s15], [sflag:$0x7] =	stream.linear.gather [hbm4b:s10+s3], $0x200, $0x38;
	[tilespmem:$0x1CF00] =	vst v63  }
0x89: {  	_ = 	snop  }
0x8a: {  	[tilespmem:s17], [sflag:$0x1] =	stream.indirect.gather [hbm4b:s8+s16], $0x20, s3, s16, $0xb8;
	[tilespmem:$0x1CF00] =	vst v63  }
0x8b: {  	s10 =	rddreg [dreg:$0x3]  }
0x8c: {  	[tilespmem:s18], [sflag:$0x1] =	stream.indirect.gather [hbm4b:s8+s16], $0x20, s10, s16, $0xb8;
	[tilespmem:$0x1CF00] =	vst v63  }
0x8d: {  	_ =	swait.ge [sflag:s19], $0x1000  }
0x8e: {  	[sflag:s19] =	ssyncset.done $0x0  }
0x8f: {  	[sflag:s19] =	ssyncadd.s32 $0xFFFFF000  }
0x90: {  	_ =	swait.ge [sflag:s19], $0x1000  }
0x91: {  	[sflag:s19] =	ssyncset.done $0x0  }
0x92: {  	[sflag:s19] =	ssyncadd.s32 $0xFFFFF000  }
0x93: {  	[spmem:s2] =	stream.indirect.scatter.add.f32 [tilespmem:s17], [sflag:$0x3], $0x20, s16, s16, $0xb8;
	[tilespmem:$0x1CF00] =	vst v63  }
0x94: {  	s10 =	simm.s32 @!p1 $0x4;
	s9 =	rddreg [dreg:$0x4]  }
0x95: {  	[spmem:s2] =	stream.indirect.scatter.add.f32 [tilespmem:s18], [sflag:$0x3], $0x20, s9, s16, $0xb8;
	[tilespmem:$0x1CF00] =	vst v63  }
0x96: {  	_ =	swait.ge @!p1 [sflag:s10], $0x1000  }
0x97: {  	[sflag:s10] =	ssyncset.done @!p1 $0x0  }
0x98: {  	[sflag:s10] =	ssyncadd.s32 @!p1 $0xFFFFF000  }
0x99: {  	_ =	swait.ge @!p1 [sflag:s10], $0x1000  }
0x9a: {  	[sflag:s10] =	ssyncset.done @!p1 $0x0  }
0x9b: {  	[sflag:s10] =	ssyncadd.s32 @!p1 $0xFFFFF000  }
0x9c: {  	_ =	swait.ge [sflag:s20], $0x200  }
0x9d: {  	[sflag:s20] =	ssyncset.done $0x0  }
0x9e: {  	s7 =	sadd.s32 $0xC0, s7;
	[sflag:s20] =	ssyncadd.s32 $0xFFFFFE00  }
0x9f: {  	[tilespmem:s21], [sflag:$0x8] =	stream.linear.gather [hbm4b:s7+s3], $0x200, $0x38;
	[tilespmem:$0x1CF00] =	vst v63  }
0xa0: {  	_ = 	snop  }
0xa1: {  	[tilespmem:s22], [sflag:$0x2] =	stream.indirect.gather [hbm4b:s8+s16], $0x20, s13, s16, $0xb8;
	[tilespmem:$0x1CF00] =	vst v63  }
0xa2: {  	s10 =	rddreg [dreg:$0x5]  }
0xa3: {  	[tilespmem:s23], [sflag:$0x2] =	stream.indirect.gather [hbm4b:s8+s16], $0x20, s10, s16, $0xb8;
	[tilespmem:$0x1CF00] =	vst v63  }
0xa4: {  	_ =	swait.ge [sflag:s24], $0x1000  }
0xa5: {  	[sflag:s24] =	ssyncset.done $0x0  }
0xa6: {  	[sflag:s24] =	ssyncadd.s32 $0xFFFFF000  }
0xa7: {  	_ =	swait.ge [sflag:s24], $0x1000  }
0xa8: {  	[sflag:s24] =	ssyncset.done $0x0  }
0xa9: {  	s9 =	rddreg [dreg:$0x6];
	[sflag:s24] =	ssyncadd.s32 $0xFFFFF000  }
0xaa: {  	[spmem:s2] =	stream.indirect.scatter.add.f32 [tilespmem:s22], [sflag:$0x4], $0x20, s9, s16, $0xb8;
	[tilespmem:$0x1CF00] =	vst v63  }
0xab: {  	s10 =	rddreg [dreg:$0x7]  }
0xac: {  	[spmem:s2] =	stream.indirect.scatter.add.f32 [tilespmem:s23], [sflag:$0x4], $0x20, s10, s16, $0xb8;
	[tilespmem:$0x1CF00] =	vst v63  }
0xad: {  	_ =	swait.ge [sflag:s25], $0x1000  }
0xae: {  	[sflag:s25] =	ssyncset.done $0x0  }
0xaf: {  	[sflag:s25] =	ssyncadd.s32 $0xFFFFF000  }
0xb0: {  	_ =	swait.ge [sflag:s25], $0x1000  }
0xb1: {  	[sflag:s25] =	ssyncset.done $0x0  }
0xb2: {  	s1 =	sadd.s32 $0x1, s1;
	[sflag:s25] =	ssyncadd.s32 $0xFFFFF000  }
0xb3: {  	s4 =	smov.u32 s0;
	p1 =	sgt.u32 s1, $0x2F;
	_ =	swait.ge [sflag:s26], $0x200  }
0xb4: {  	s7 =	sadd.s32 @!p1 s31, s6;
	s31 =	smov.u32 s4;
	[sflag:s26] =	ssyncset.done $0x0  }
0xb5: {  	s4 =	sadd.s32 @!p1 $0x100, s7;
	s9 =	simm.s32 @!p1 $0x0;
	[sflag:s26] =	ssyncadd.s32 $0xFFFFFE00  }
0xb6: {  	[tilespmem:s9], [sflag:$0x5] =	stream.linear.gather @!p1 [hbm4b:s4+s9], $0x200, $0x38;
	[tilespmem:$0x1CF00] =	vst v63  }
0xb7: {  	_ = 	snop  }
0xb8: {  	[tilespmem:s17], [sflag:$0x1] =	stream.indirect.gather [hbm4b:s8+s16], $0x20, s15, s16, $0xb8;
	[tilespmem:$0x1CF00] =	vst v63  }
0xb9: {  	s10 =	rddreg [dreg:$0x8]  }
0xba: {  	[tilespmem:s18], [sflag:$0x1] =	stream.indirect.gather [hbm4b:s8+s16], $0x20, s10, s16, $0xb8;
	[tilespmem:$0x1CF00] =	vst v63  }
0xbb: {  	_ =	swait.ge [sflag:s19], $0x1000  }
0xbc: {  	[sflag:s19] =	ssyncset.done $0x0  }
0xbd: {  	[sflag:s19] =	ssyncadd.s32 $0xFFFFF000  }
0xbe: {  	_ =	swait.ge [sflag:s19], $0x1000  }
0xbf: {  	[sflag:s19] =	ssyncset.done $0x0  }
0xc0: {  	s4 =	rddreg [dreg:$0x9];
	[sflag:s19] =	ssyncadd.s32 $0xFFFFF000  }
0xc1: {  	[spmem:s2] =	stream.indirect.scatter.add.f32 [tilespmem:s17], [sflag:$0x3], $0x20, s4, s16, $0xb8;
	[tilespmem:$0x1CF00] =	vst v63  }
0xc2: {  	s10 =	rddreg [dreg:$0xa]  }
0xc3: {  	[spmem:s2] =	stream.indirect.scatter.add.f32 [tilespmem:s18], [sflag:$0x3], $0x20, s10, s16, $0xb8;
	[tilespmem:$0x1CF00] =	vst v63  }
0xc4: {  	_ =	swait.ge [sflag:s28], $0x1000  }
0xc5: {  	[sflag:s28] =	ssyncset.done $0x0  }
0xc6: {  	[sflag:s28] =	ssyncadd.s32 $0xFFFFF000  }
0xc7: {  	_ =	swait.ge [sflag:s28], $0x1000  }
0xc8: {  	[sflag:s28] =	ssyncset.done $0x0  }
0xc9: {  	[sflag:s28] =	ssyncadd.s32 $0xFFFFF000  }
0xca: {  	_ =	swait.ge [sflag:s29], $0x200  }
0xcb: {  	[sflag:s29] =	ssyncset.done $0x0  }
0xcc: {  	s7 =	sadd.s32 @!p1 $0x140, s7;
	s4 =	simm.s32 @!p1 $0x200;
	[sflag:s29] =	ssyncadd.s32 $0xFFFFFE00  }
0xcd: {  	[tilespmem:s4], [sflag:$0x6] =	stream.linear.gather @!p1 [hbm4b:s7+s9], $0x200, $0x38;
	[tilespmem:$0x1CF00] =	vst v63  }
0xce: {  	_ = 	snop  }
0xcf: {  	[tilespmem:s22], [sflag:$0x2] =	stream.indirect.gather [hbm4b:s8+s16], $0x20, s21, s16, $0xb8;
	[tilespmem:$0x1CF00] =	vst v63  }
0xd0: {  	s9 =	rddreg [dreg:$0xb]  }
0xd1: {  	[tilespmem:s23], [sflag:$0x2] =	stream.indirect.gather [hbm4b:s8+s16], $0x20, s9, s16, $0xb8;
	[tilespmem:$0x1CF00] =	vst v63  }
0xd2: {  	s0 =	sadd.s32 $0x100, s0;
	_ =	swait.ge [sflag:s24], $0x1000  }
0xd3: {  	p0 =	sne.s32 s0, $0x3100;
	[sflag:s24] =	ssyncset.done $0x0  }
.Ltmp0:
0xd4: {  	[sflag:s24] =	ssyncadd.s32 $0xFFFFF000;
	(pc) =	sbr.rel @p0 .LBB2_2-.Ltmp0, $4  }
0xd5: {  	_ =	swait.ge [sflag:s24], $0x1000  }
0xd6: {  	s10 =	rddreg [dreg:$0xc];
	[sflag:s24] =	ssyncset.done $0x0  }
0xd7: {  	p1 =	seq.s32 s31, $0x0;
	s7 =	rddreg [dreg:$0xd];
	[sflag:s24] =	ssyncadd.s32 $0xFFFFF000  }
0xd8: {  	[spmem:s2] =	stream.indirect.scatter.add.f32 [tilespmem:s22], [sflag:$0x4], $0x20, s10, s16, $0xb8;
	[tilespmem:$0x1CF00] =	vst v63  }
0xd9: {  	s0 =	simm.s32 @!p1 $0x3  }
0xda: {  	[spmem:s2] =	stream.indirect.scatter.add.f32 [tilespmem:s23], [sflag:$0x4], $0x20, s7, s16, $0xb8;
	[tilespmem:$0x1CF00] =	vst v63  }
0xdb: {  	_ =	swait.ge @!p1 [sflag:s0], $0x1000  }
0xdc: {  	[sflag:s0] =	ssyncset.done @!p1 $0x0  }
0xdd: {  	[sflag:s0] =	ssyncadd.s32 @!p1 $0xFFFFF000  }
0xde: {  	_ =	swait.ge @!p1 [sflag:s0], $0x1000  }
0xdf: {  	[sflag:s0] =	ssyncset.done @!p1 $0x0  }
0xe0: {  	[sflag:s0] =	ssyncadd.s32 @!p1 $0xFFFFF000  }
0xe1: {  	_ =	swait.ge [sflag:s14], $0x200  }
0xe2: {  	s7 =	sadd.s32 s31, s6;
	[sflag:s14] =	ssyncset.done $0x0  }
0xe3: {  	s4 =	sadd.s32 $0x80, s7;
	[sflag:s14] =	ssyncadd.s32 $0xFFFFFE00  }
0xe4: {  	[tilespmem:s15], [sflag:$0x7] =	stream.linear.gather [hbm4b:s4+s3], $0x200, $0x38;
	[tilespmem:$0x1CF00] =	vst v63  }
0xe5: {  	_ = 	snop  }
0xe6: {  	[tilespmem:s17], [sflag:$0x1] =	stream.indirect.gather [hbm4b:s8+s16], $0x20, s3, s16, $0xb8;
	[tilespmem:$0x1CF00] =	vst v63  }
0xe7: {  	s9 =	rddreg [dreg:$0x3]  }
0xe8: {  	[tilespmem:s18], [sflag:$0x1] =	stream.indirect.gather [hbm4b:s8+s16], $0x20, s9, s16, $0xb8;
	[tilespmem:$0x1CF00] =	vst v63  }
0xe9: {  	_ =	swait.ge [sflag:s19], $0x1000  }
0xea: {  	[sflag:s19] =	ssyncset.done $0x0  }
0xeb: {  	[sflag:s19] =	ssyncadd.s32 $0xFFFFF000  }
0xec: {  	_ =	swait.ge [sflag:s19], $0x1000  }
0xed: {  	[sflag:s19] =	ssyncset.done $0x0  }
0xee: {  	[sflag:s19] =	ssyncadd.s32 $0xFFFFF000  }
0xef: {  	[spmem:s2] =	stream.indirect.scatter.add.f32 [tilespmem:s17], [sflag:$0x3], $0x20, s16, s16, $0xb8;
	[tilespmem:$0x1CF00] =	vst v63  }
0xf0: {  	s4 =	simm.s32 @!p1 $0x4;
	s10 =	rddreg [dreg:$0x4]  }
0xf1: {  	[spmem:s2] =	stream.indirect.scatter.add.f32 [tilespmem:s18], [sflag:$0x3], $0x20, s10, s16, $0xb8;
	[tilespmem:$0x1CF00] =	vst v63  }
0xf2: {  	_ =	swait.ge @!p1 [sflag:s4], $0x1000  }
0xf3: {  	[sflag:s4] =	ssyncset.done @!p1 $0x0  }
0xf4: {  	[sflag:s4] =	ssyncadd.s32 @!p1 $0xFFFFF000  }
0xf5: {  	_ =	swait.ge @!p1 [sflag:s4], $0x1000  }
0xf6: {  	[sflag:s4] =	ssyncset.done @!p1 $0x0  }
0xf7: {  	[sflag:s4] =	ssyncadd.s32 @!p1 $0xFFFFF000  }
0xf8: {  	_ =	swait.ge [sflag:s20], $0x200  }
0xf9: {  	[sflag:s20] =	ssyncset.done $0x0  }
0xfa: {  	s0 =	sadd.s32 $0xC0, s7;
	[sflag:s20] =	ssyncadd.s32 $0xFFFFFE00  }
0xfb: {  	[tilespmem:s21], [sflag:$0x8] =	stream.linear.gather [hbm4b:s0+s3], $0x200, $0x38;
	[tilespmem:$0x1CF00] =	vst v63  }
0xfc: {  	_ = 	snop  }
0xfd: {  	[tilespmem:s22], [sflag:$0x2] =	stream.indirect.gather [hbm4b:s8+s16], $0x20, s13, s16, $0xb8;
	[tilespmem:$0x1CF00] =	vst v63  }
0xfe: {  	s7 =	rddreg [dreg:$0x5]  }
0xff: {  	[tilespmem:s23], [sflag:$0x2] =	stream.indirect.gather [hbm4b:s8+s16], $0x20, s7, s16, $0xb8;
	[tilespmem:$0x1CF00] =	vst v63  }
0x100: {  	_ =	swait.ge [sflag:s24], $0x1000  }
0x101: {  	[sflag:s24] =	ssyncset.done $0x0  }
0x102: {  	[sflag:s24] =	ssyncadd.s32 $0xFFFFF000  }
0x103: {  	_ =	swait.ge [sflag:s24], $0x1000  }
0x104: {  	[sflag:s24] =	ssyncset.done $0x0  }
0x105: {  	s9 =	rddreg [dreg:$0x6];
	[sflag:s24] =	ssyncadd.s32 $0xFFFFF000  }
0x106: {  	[spmem:s2] =	stream.indirect.scatter.add.f32 [tilespmem:s22], [sflag:$0x4], $0x20, s9, s16, $0xb8;
	[tilespmem:$0x1CF00] =	vst v63  }
0x107: {  	s10 =	rddreg [dreg:$0x7]  }
0x108: {  	[spmem:s2] =	stream.indirect.scatter.add.f32 [tilespmem:s23], [sflag:$0x4], $0x20, s10, s16, $0xb8;
	[tilespmem:$0x1CF00] =	vst v63  }
0x109: {  	_ =	swait.ge [sflag:s25], $0x1000  }
0x10a: {  	[sflag:s25] =	ssyncset.done $0x0  }
0x10b: {  	[sflag:s25] =	ssyncadd.s32 $0xFFFFF000  }
0x10c: {  	_ =	swait.ge [sflag:s25], $0x1000  }
0x10d: {  	[sflag:s25] =	ssyncset.done $0x0  }
0x10e: {  	s7 =	sadd.s32 $0x1, s1;
	[sflag:s25] =	ssyncadd.s32 $0xFFFFF000  }
0x10f: {  	p0 =	sgt.u32 s7, $0x2F;
	_ =	swait.ge [sflag:s26], $0x200  }
0x110: {  	s0 =	sadd.s32 @!p0 s31, s6;
	[sflag:s26] =	ssyncset.done $0x0  }
0x111: {  	s4 =	simm.s32 @!p0 $0x0;
	s1 =	sadd.s32 @!p0 $0x100, s0;
	[sflag:s26] =	ssyncadd.s32 $0xFFFFFE00  }
0x112: {  	[tilespmem:s4], [sflag:$0x5] =	stream.linear.gather @!p0 [hbm4b:s1+s4], $0x200, $0x38;
	[tilespmem:$0x1CF00] =	vst v63  }
0x113: {  	_ = 	snop  }
0x114: {  	[tilespmem:s17], [sflag:$0x1] =	stream.indirect.gather [hbm4b:s8+s16], $0x20, s15, s16, $0xb8;
	[tilespmem:$0x1CF00] =	vst v63  }
0x115: {  	s9 =	rddreg [dreg:$0x8]  }
0x116: {  	[tilespmem:s18], [sflag:$0x1] =	stream.indirect.gather [hbm4b:s8+s16], $0x20, s9, s16, $0xb8;
	[tilespmem:$0x1CF00] =	vst v63  }
0x117: {  	_ =	swait.ge [sflag:s19], $0x1000  }
0x118: {  	[sflag:s19] =	ssyncset.done $0x0  }
0x119: {  	[sflag:s19] =	ssyncadd.s32 $0xFFFFF000  }
0x11a: {  	_ =	swait.ge [sflag:s19], $0x1000  }
0x11b: {  	[sflag:s19] =	ssyncset.done $0x0  }
0x11c: {  	s10 =	rddreg [dreg:$0x9];
	[sflag:s19] =	ssyncadd.s32 $0xFFFFF000  }
0x11d: {  	[spmem:s2] =	stream.indirect.scatter.add.f32 [tilespmem:s17], [sflag:$0x3], $0x20, s10, s16, $0xb8;
	[tilespmem:$0x1CF00] =	vst v63  }
0x11e: {  	s31 =	rddreg [dreg:$0xa]  }
0x11f: {  	[spmem:s2] =	stream.indirect.scatter.add.f32 [tilespmem:s18], [sflag:$0x3], $0x20, s31, s16, $0xb8;
	[tilespmem:$0x1CF00] =	vst v63  }
0x120: {  	_ =	swait.ge [sflag:s28], $0x1000  }
0x121: {  	[sflag:s28] =	ssyncset.done $0x0  }
0x122: {  	[sflag:s28] =	ssyncadd.s32 $0xFFFFF000  }
0x123: {  	_ =	swait.ge [sflag:s28], $0x1000  }
0x124: {  	[sflag:s28] =	ssyncset.done $0x0  }
0x125: {  	[sflag:s28] =	ssyncadd.s32 $0xFFFFF000  }
0x126: {  	_ =	swait.ge [sflag:s29], $0x200  }
0x127: {  	[sflag:s29] =	ssyncset.done $0x0  }
0x128: {  	s0 =	sadd.s32 @!p0 $0x140, s0;
	s1 =	simm.s32 @!p0 $0x200;
	[sflag:s29] =	ssyncadd.s32 $0xFFFFFE00  }
0x129: {  	[tilespmem:s1], [sflag:$0x6] =	stream.linear.gather @!p0 [hbm4b:s0+s4], $0x200, $0x38;
	[tilespmem:$0x1CF00] =	vst v63  }
0x12a: {  	_ = 	snop  }
0x12b: {  	[tilespmem:s22], [sflag:$0x2] =	stream.indirect.gather [hbm4b:s8+s16], $0x20, s21, s16, $0xb8;
	[tilespmem:$0x1CF00] =	vst v63  }
0x12c: {  	s4 =	rddreg [dreg:$0xb]  }
0x12d: {  	[tilespmem:s23], [sflag:$0x2] =	stream.indirect.gather [hbm4b:s8+s16], $0x20, s4, s16, $0xb8;
	[tilespmem:$0x1CF00] =	vst v63  }
0x12e: {  	_ =	swait.ge [sflag:s24], $0x1000  }
0x12f: {  	[sflag:s24] =	ssyncset.done $0x0  }
0x130: {  	[sflag:s24] =	ssyncadd.s32 $0xFFFFF000  }
0x131: {  	_ =	swait.ge [sflag:s24], $0x1000  }
0x132: {  	[sflag:s24] =	ssyncset.done $0x0  }
0x133: {  	s7 =	rddreg [dreg:$0xc];
	[sflag:s24] =	ssyncadd.s32 $0xFFFFF000  }
0x134: {  	[spmem:s2] =	stream.indirect.scatter.add.f32 [tilespmem:s22], [sflag:$0x4], $0x20, s7, s16, $0xb8;
	[tilespmem:$0x1CF00] =	vst v63  }
0x135: {  	s9 =	rddreg [dreg:$0xd]  }
0x136: {  	[spmem:s2] =	stream.indirect.scatter.add.f32 [tilespmem:s23], [sflag:$0x4], $0x20, s9, s16, $0xb8;
	[tilespmem:$0x1CF00] =	vst v63  }
0x137: {  	_ =	swait.ge [sflag:s25], $0x1000  }
0x138: {  	[sflag:s25] =	ssyncset.done $0x0  }
0x139: {  	[sflag:s25] =	ssyncadd.s32 $0xFFFFF000  }
0x13a: {  	_ =	swait.ge [sflag:s25], $0x1000  }
0x13b: {  	[sflag:s25] =	ssyncset.done $0x0  }
0x13c: {  	[sflag:s25] =	ssyncadd.s32 $0xFFFFF000  }
0x13d: {  	_ =	swait.ge [sflag:s28], $0x1000  }
0x13e: {  	[sflag:s28] =	ssyncset.done $0x0  }
0x13f: {  	[sflag:s28] =	ssyncadd.s32 $0xFFFFF000  }
0x140: {  	_ =	swait.ge [sflag:s28], $0x1000  }
0x141: {  	[sflag:s28] =	ssyncset.done $0x0  }
0x142: {  	[sflag:s28] =	ssyncadd.s32 $0xFFFFF000  }
0x143: {  	[bflag:$0x0] =	sbarrier.arrive $0xFFFF  }
0x144: {  	s10 =	rddreg [dreg:$0x10]  }
0x145: {  	[hbm:s10], [sflag:s5] =	dma.local [spmem:s11], $0x30E0  }
0x146: {  	_ =	swait.ge [sflag:s12], $0x30E0  }
0x147: {  	s30 =	sadd.s32 $0x1, s30;
	s31 =	rddreg [dreg:$0x11]  }
0x148: {  	p0 =	sne.s32 s30, s31  }
.Ltmp1:
0x149: {  	_ = 	snop;
	(pc) =	sbr.rel @p0 .LBB2_1-.Ltmp1, $3  }
0x14a: {  	_ =	sdelay $0x1  }
0x14b: {  	[sflag:s12] =	ssyncset.done $0x0  }
0x14c: {  	[sflag:s12] =	ssyncadd.s32 $0xFFFFCF20  }
0x14d: {  	_ =	sfence.sel $0x180000  }
0x14e: {  	[bflag:$0x0] =	sbarrier.arrive $0xFFFF  }
0x14f: {  	_ =	strace $0x90000047  }
0x150: {  	s0 =	stileid.u32;
	[bflag:$0x2] =	sbarrier.arrive $0xFFFF  }
0x151: {  	p0 =	sne.s32 s0, $0x0;
	s0 =	rddreg [dreg:$0x2]  }
0x152: {  	s0 =	sadd.s32 @!p0 $0x100000, s0  }
0x153: {  	[sflag:s0] =	ssyncadd.tile.s32 @!p0 $0x1;
	_ =	shalt  }
.Lfunc_end2:
_tile_overlayer_lowered:
.L_overlay_start_2:
0x154: {  	(tag) =	ssettag $0x2  }
0x155: {  	s0 =	rddreg [dreg:$0x0];
	s2 =	stileid.u32  }
0x156: {  	s1 =	rddreg [dreg:$0x1];
	p0 =	sne.s32 s2, $0x0  }
0x157: {  	s3 =	rddreg [dreg:$0x2];
	[bflag:$0x3] =	sbarrier.arrive $0xFFFF;
	s2 =	simm.s32 @!p0 $0x1C09  }
0x158: {  	[timem:s3], [sflag:s2] =	dma.local @!p0 [hbm:s0], s1  }
0x159: {  	s0 =	simm.s32 @!p0 $0x9  }
0x15a: {  	_ =	swait.ge @!p0 [sflag:s0], s1  }
0x15b: {  	s1 =	ssub.s32 @!p0 $0x0, s1;
	[sflag:s0] =	ssyncset.done @!p0 $0x0  }
0x15c: {  	[sflag:s0] =	ssyncadd.s32 @!p0 s1  }
0x15d: {  	[bflag:$0x3] =	sbarrier.arrive $0xFFFF  }
0x15e: {  	_ =	shalt  }

// kernel: kernel.14.cloned.1.call-start
scs
__scs_entry_jumppad:
0x0: {  	(pc) =	sbr.rel $0x88, $3  }
0x1: {  	(tag) =	ssettag $0x0;
	lr =	simm.s32 $0x1  }
0x2: {  	[smem:$0x3F9A] =	sst lr;
	_ =	strace $0xD0000000  }
0x3: {  	_ = 	snop  }
0x4: {  	_ = 	snop  }
0x5: {  	_ = 	snop  }
0x6: {  	_ = 	snop  }
0x7: {  	_ = 	snop  }
__scs_overlays_trampoline_lowered:
0x8: {  	[smem:$0x3FA9] =	sst s0  }
0x9: {  	[smem:$0x3FAA] =	sst s1  }
0xa: {  	[smem:$0x3FAB] =	sst s2  }
0xb: {  	[smem:$0x3FAC] =	sst s3  }
0xc: {  	[smem:$0x3FAD] =	sst s4  }
0xd: {  	[smem:$0x3FAE] =	sst s5  }
0xe: {  	[smem:$0x3FAF] =	sst s6  }
0xf: {  	[smem:$0x3FB0] =	sst s7  }
0x10: {  	[smem:$0x3FB1] =	sst s8  }
0x11: {  	[smem:$0x3FB2] =	sst s9;
	s0 =	simm.s32 @!p0 $0x0  }
0x12: {  	s1 =	sld [smem:$0x3F98];
	s0 =	simm.s32 @p0 $0x1  }
0x13: {  	[smem:$0x3FB3] =	sst s0;
	s0 =	simm.s32 @!p1 $0x0  }
0x14: {  	s2 =	sld [smem:$0x3F97];
	s0 =	simm.s32 @p1 $0x1  }
0x15: {  	[smem:$0x3FB4] =	sst s0;
	s0 =	simm.s32 @!p2 $0x0  }
0x16: {  	s3 =	sld [smem:$0x3FDB];
	s0 =	simm.s32 @p2 $0x1  }
0x17: {  	s4 =	simm.s32 $0x1BF5;
	[smem:$0x3FB6] =	sst s0  }
0x18: {  	s0 =	sld [smem:$0x3F99];
	_ =	swait.ge [sflag:s4], $0x0  }
0x19: {  	s7 =	sld [smem:$0x3F9A]  }
0x1a: {  	s8 =	sadd.s32 $0xFFFFE003, lr  }
0x1b: {  	s9 =	sadd.s32 $0xFFFFFEF7, lr;
	s5 =	simm.s32 $0xFFFFFFFF;
	p2 =	slt.u32 s8, $0xFFFFF086  }
0x1c: {  	p1 =	slt.u32 s9, $0xF7A;
	s5 =	simm.s32 @!p2 $0x0  }
0x1d: {  	s5 =	simm.s32 @p1 $0x1;
	p0 =	seq.s32 s7, s2  }
0x1e: {  	s7 =	smul.u32 @!p0 $0xF7A, s2;
	p2 =	seq.s32 @!p0 s5, $0x0  }
0x1f: {  	s9 =	smul.u32 $0xF7A, s1;
	s8 =	simm.s32 @!p0 $0x1BF5;
	p2 =	por !p2, p0  }
0x20: {  	[sflag:s8] =	ssyncset.s32 @!p0 $0xFFFFF086;
	s6 =	sadd.s32 @!p0 s3, s7;
	s7 =	simm.s32 @!p0 $0x108  }
0x21: {  	s3 =	sadd.s32 s3, s9;
	s6 =	sadd.s32 @!p0 $0x88, s6;
	s7 =	simm.s32 @p2 $0x1082  }
0x22: {  	[simem:s7], [sflag:s8] =	dma.local @!p0 [hbm:s6], $0xF7A  }
0x23: {  	s9 =	sor.u32 $0xD0000000, s2;
	s6 =	simm.s32 $0x108;
	_ =	swait.ge @!p0 [sflag:s8], $0x0  }
0x24: {  	s3 =	sadd.s32 $0x88, s3;
	s6 =	simm.s32 @!p1 $0x1082;
	[sflag:s4] =	ssyncset.s32 $0xFFFFF086  }
0x25: {  	[simem:s6], [sflag:s4] =	dma.local [hbm:s3], $0xF7A  }
0x26: {  	[smem:$0x3F9A] =	sst s1;
	(tag) =	ssettag s2;
	_ =	strace s9  }
0x27: {  	s1 =	sld [smem:$0x3FAA]  }
0x28: {  	s2 =	sld [smem:$0x3FAB]  }
0x29: {  	s4 =	sld [smem:$0x3FAD]  }
0x2a: {  	p0 =	seq.s32 s5, $0x0;
	s5 =	sld [smem:$0x3FAE]  }
0x2b: {  	s6 =	sld [smem:$0x3FAF]  }
0x2c: {  	s7 =	sld [smem:$0x3FB0]  }
0x2d: {  	s3 =	simm.s32 $0x108;
	s8 =	sld [smem:$0x3FB1]  }
0x2e: {  	s3 =	simm.s32 @!p0 $0x1082;
	s9 =	sld [smem:$0x3FB2]  }
0x2f: {  	lr =	sadd.s32 s0, s3;
	s0 =	sld [smem:$0x3FA9]  }
0x30: {  	s3 =	sld [smem:$0x3FAC]  }
0x31: {  	[smem:$0x3FB5] =	sst s10  }
0x32: {  	s10 =	sld [smem:$0x3FB3];
	_ =	sdelay $0x3  }
0x33: {  	p0 =	seq.s32 s10, $0x1;
	s10 =	sld [smem:$0x3FB5];
	_ =	sdelay $0x3  }
0x34: {  	[smem:$0x3FB5] =	sst s10  }
0x35: {  	s10 =	sld [smem:$0x3FB4];
	_ =	sdelay $0x3  }
0x36: {  	p1 =	seq.s32 s10, $0x1;
	s10 =	sld [smem:$0x3FB5];
	_ =	sdelay $0x3  }
0x37: {  	[smem:$0x3FB5] =	sst s10  }
0x38: {  	s10 =	sld [smem:$0x3FB6]  }
0x39: {  	_ = 	snop;
	(pc) =	sbr.ind lr, $3  }
0x3a: {  	_ = 	snop  }
0x3b: {  	_ = 	snop  }
0x3c: {  	p2 =	seq.s32 s10, $0x1;
	s10 =	sld [smem:$0x3FB5]  }
0x3d: {  	_ =	shalt  }
0x3e: {  	_ =	shalt  }
0x3f: {  	_ =	shalt  }
0x40: {  	_ =	shalt  }
0x41: {  	_ =	shalt  }
0x42: {  	_ =	shalt  }
0x43: {  	_ =	shalt  }
0x44: {  	_ =	shalt  }
0x45: {  	_ =	shalt  }
0x46: {  	_ =	shalt  }
0x47: {  	_ =	shalt  }
0x48: {  	_ =	shalt  }
0x49: {  	_ =	shalt  }
0x4a: {  	_ =	shalt  }
0x4b: {  	_ =	shalt  }
0x4c: {  	_ =	shalt  }
0x4d: {  	_ =	shalt  }
0x4e: {  	_ =	shalt  }
0x4f: {  	_ =	shalt  }
0x50: {  	_ =	shalt  }
0x51: {  	_ =	shalt  }
0x52: {  	_ =	shalt  }
0x53: {  	_ =	shalt  }
0x54: {  	_ =	shalt  }
0x55: {  	_ =	shalt  }
0x56: {  	_ =	shalt  }
0x57: {  	_ =	shalt  }
0x58: {  	_ =	shalt  }
0x59: {  	_ =	shalt  }
0x5a: {  	_ =	shalt  }
0x5b: {  	_ =	shalt  }
0x5c: {  	_ =	shalt  }
0x5d: {  	_ =	shalt  }
0x5e: {  	_ =	shalt  }
0x5f: {  	_ =	shalt  }
0x60: {  	_ =	shalt  }
0x61: {  	_ =	shalt  }
0x62: {  	_ =	shalt  }
0x63: {  	_ =	shalt  }
0x64: {  	_ =	shalt  }
0x65: {  	_ =	shalt  }
0x66: {  	_ =	shalt  }
0x67: {  	_ =	shalt  }
0x68: {  	_ =	shalt  }
0x69: {  	_ =	shalt  }
0x6a: {  	_ =	shalt  }
0x6b: {  	_ =	shalt  }
0x6c: {  	_ =	shalt  }
0x6d: {  	_ =	shalt  }
0x6e: {  	_ =	shalt  }
0x6f: {  	_ =	shalt  }
0x70: {  	_ =	shalt  }
0x71: {  	_ =	shalt  }
0x72: {  	_ =	shalt  }
0x73: {  	_ =	shalt  }
0x74: {  	_ =	shalt  }
0x75: {  	_ =	shalt  }
0x76: {  	_ =	shalt  }
0x77: {  	_ =	shalt  }
0x78: {  	_ =	shalt  }
0x79: {  	_ =	shalt  }
0x7a: {  	_ =	shalt  }
0x7b: {  	_ =	shalt  }
0x7c: {  	_ =	shalt  }
0x7d: {  	_ =	shalt  }
0x7e: {  	_ =	shalt  }
0x7f: {  	_ =	shalt  }
0x80: {  	_ =	shalt  }
0x81: {  	_ =	shalt  }
0x82: {  	_ =	shalt  }
0x83: {  	_ =	shalt  }
0x84: {  	_ =	shalt  }
0x85: {  	_ =	shalt  }
0x86: {  	_ =	shalt  }
0x87: {  	_ =	shalt  }
.Lfunc_end0:
.L_simem_size_0:
called_computation.2_lowered:
.L_overlay_start_0:
0x88: {  	s2 =	sld [smem:$0x3FD9]  }
0x89: {  	s3 =	sld [smem:$0x3FFE];
	_ =	sdelay $0x1  }
0x8a: {  	s1 =	srdreg.scid  }
0x8b: {  	s0 =	sand.u32 $0x1, s1  }
0x8c: {  	s17 =	sshll.u32 s0, $0xA;
	s2 =	sadd.s32 s3, s2  }
0x8d: {  	s2 =	sadd.s32 s2, s17  }
0x8e: {  	[smem:$0x3FC1] =	sst s2  }
0x8f: {  	_ = 	snop  }
0x90: {  	s2 =	sld [smem:$0x3FD0];
	(tm) =	ssettm $0x1  }
0x91: {  	s18 =	sld [smem:$0x3FFB];
	_ =	sdelay $0x3  }
0x92: {  	_ =	strace s18  }
0x93: {  	s3 =	sld [smem:$0x3FFC];
	_ =	sdelay $0x3  }
0x94: {  	_ =	strace s3  }
0x95: {  	s3 =	sld [smem:$0x3FFD];
	_ =	sdelay $0x3  }
0x96: {  	_ =	strace s3  }
0x97: {  	_ =	strace $0x8FFFFFFF  }
0x98: {  	s19 =	sld [smem:$0x3FDB];
	_ =	sdelay $0x1  }
0x99: {  	s4 =	simm.s32 $_scs_section_size  }
0x9a: {  	s5 =	simm.s32 $_size__tile_overlayer_lowered;
	s6 =	simm.s32 $_tile_overlayer_lowered  }
0x9b: {  	s22 =	simm.s32 $0x1BFF;
	s21 =	sshll.u32 s6, $0x1;
	s3 =	sadd.s32 s4, s19  }
0x9c: {  	s7 =	simm.s32 $0x0;
	s20 =	sshll.u32 s5, $0x1;
	s5 =	sadd.s32 s21, s3  }
0x9d: {  	[timem:s7], [sflag:s22] =	dma.local [hbm:s5], s20  }
0x9e: {  	_ =	swait.ge [sflag:s22], s20  }
0x9f: {  	s4 =	ssub.s32 $0x0, s20;
	[sflag:s22] =	ssyncset.done $0x0  }
0xa0: {  	[sflag:s22] =	ssyncadd.s32 s4;
	_ =	sdelay $0x1  }
0xa1: {  	s23 =	simm.s32 $0x1B8B  }
0xa2: {  	_ =	swait.ge [sflag:s23], $0x1  }
0xa3: {  	[sflag:s23] =	ssyncset.done $0x0  }
0xa4: {  	s25 =	simm.s32 $0x1B8E;
	s24 =	sld [smem:$0x3FFE];
	[sflag:s23] =	ssyncadd.s32 $0xFFFFFFFF  }
0xa5: {  	s26 =	simm.s32 $execute0_lowered;
	[smem:$0x3FD2] =	sst s25  }
0xa6: {  	s5 =	sshll.u32 s26, $0x1;
	_ =	strace $0x8000004C;
	[dreg:$0x1] =	wrdreg $0xFFFFFFFF  }
0xa7: {  	s28 =	simm.s32 $_size_execute0_lowered;
	s3 =	sadd.s32 s3, s5;
	[dreg:$0x0] =	wrdreg $0x0  }
0xa8: {  	s5 =	sshll.u32 s28, $0x1;
	[dreg:$0x2] =	wrdreg s3  }
0xa9: {  	[dreg:$0x3] =	wrdreg s5  }
0xaa: {  	[dreg:$0x4] =	wrdreg $0xC0  }
0xab: {  	_ =	task [dreg:s7], $0x5FFFF  }
0xac: {  	[dreg:$0x1] =	wrdreg $0xFFFFFFFF  }
0xad: {  	[dreg:$0x0] =	wrdreg $0x60  }
0xae: {  	[dreg:$0x2] =	wrdreg s24  }
0xaf: {  	[dreg:$0x3] =	wrdreg s2  }
0xb0: {  	[dreg:$0x4] =	wrdreg $0x52400  }
0xb1: {  	[dreg:$0x5] =	wrdreg $0x9  }
0xb2: {  	_ =	task.clear_ibuf [dreg:s7], $0x6FFFF;
	_ =	strace $0x9000004C  }
0xb3: {  	s29 =	simm.s32 $0x9;
	_ =	strace $0x8000004E  }
0xb4: {  	_ =	swait.ge [sflag:s29], $0x1  }
0xb5: {  	[sflag:s29] =	ssyncadd.s32 $0xFFFFFFFF  }
0xb6: {  	_ =	strace $0x9000004E  }
0xb7: {  	_ =	sfence  }
0xb8: {  	s30 =	sld [smem:$0x0];
	_ =	sdelay $0x2  }
0xb9: {  	s31 =	sshll.u32 s1, $0xD;
	s1 =	sshrl.u32 s1, $0x2  }
0xba: {  	s3 =	sand.u32 $0x4000, s31;
	s1 =	sadd.s32 s1, s30  }
0xbb: {  	s0 =	sor.u32 s3, s0;
	s1 =	sshll.u32 s1, $0x11  }
0xbc: {  	s0 =	sor.u32 s1, s0  }
0xbd: {  	s0 =	sadd.s32 $0x8F2B, s0  }
0xbe: {  	[sflag:s0] =	ssyncadd.remote.s32 $0x1  }
0xbf: {  	_ =	sfence.sel $0xFFFF  }
0xc0: {  	[dreg:$0x0] =	wrdreg $0xFFFFFFFF;
	(pc) =	sbr.abs _section_cstart, $3  }
0xc1: {  	[dreg:$0x1] =	wrdreg $0xFFFFFFFF  }
0xc2: {  	_ =	task.clear_ibuf [dreg:s7], $0x2FFFF;
	_ =	strace $0x9FFFFFFF  }
0xc3: {  	(tm) =	ssettm $0x7FFFFFFF  }
tec
execute0_lowered:
.L_overlay_start_1:
0x0: {  	(tag) =	ssettag $0x1  }
0x1: {  	s0 =	rddreg [dreg:$0x0]  }
0x2: {  	s1 =	rddreg [dreg:$0x1];
	s15 =	stileid.u32  }
0x3: {  	s3 =	srdreg.scid;
	s2 =	rddreg [dreg:$0x2];
	s17 =	simm.s32 $0x180  }
0x4: {  	s28 =	simm.s32 $0x3800;
	s29 =	simm.s32 $0x2;
	s30 =	simm.s32 $0x3  }
0x5: {  	s31 =	simm.s32 $0x7;
	s4 =	smul.u32 $0x3100, s15;
	s7 =	sand.u32 $0x1, s3  }
0x6: {  	s3 =	simm.s32 $0x0;
	s6 =	smul.u32 $0x18700, s15;
	s18 =	sshll.u32 s15, $0x3  }
0x7: {  	s11 =	sadd.s32 $0xACC00, s0;
	s22 =	sshll.u32 s15, $0x6;
	s5 =	smul.u32 $0x30E00, s7  }
0x8: {  	s24 =	sshll.u32 s15, $0x8;
	s15 =	simm.s32 $0x100;
	s8 =	smul.u32 $0x187000, s7  }
0x9: {  	[smem:$0x7FF] =	sst s3;
	s10 =	smul.u32 $0xC380, s7;
	s19 =	sadd.s32 s18, s0  }
0xa: {  	s21 =	ssub.s32 $0x2, s7;
	s25 =	sshll.u32 s7, $0xC;
	s1 =	sadd.s32 s1, s24  }
0xb: {  	s26 =	sshll.u32 s7, $0xA;
	s18 =	simm.s32 $0x300;
	s24 =	simm.s32 $0x700  }
0xc: {  	_ =	strace $0x8000004D;
	s4 =	sadd.s32 s4, s0;
	[dreg:$0xf] =	wrdreg s11  }
0xd: {  	s13 =	sshrl.u32 s21, $0x1;
	s14 =	sadd.s32 s6, s2;
	[dreg:$0x4] =	wrdreg s15  }
0xe: {  	s11 =	sadd.s32 $0x12A400, s19;
	s1 =	sadd.s32 s25, s1;
	[dreg:$0x5] =	wrdreg s17  }
0xf: {  	[dreg:$0x6] =	wrdreg s18;
	s19 =	simm.s32 $0x280;
	s17 =	simm.s32 $0x200  }
0x10: {  	s18 =	simm.s32 $0x5;
	[dreg:$0xc] =	wrdreg s24;
	s25 =	simm.s32 $0x680  }
0x11: {  	s24 =	simm.s32 $0x6;
	s9 =	sadd.s32 s5, s0;
	s20 =	sadd.s32 s6, s8  }
0x12: {  	s10 =	sadd.s32 s10, s0;
	s13 =	ssub.s32 s21, s13;
	[dreg:$0x12] =	wrdreg s11  }
0x13: {  	s6 =	sadd.s32 $0x7BA00, s4;
	s4 =	sadd.s32 $0x7BA40, s4;
	[dreg:$0x13] =	wrdreg s1  }
0x14: {  	s15 =	sshrl.u32 s14, $0x3;
	[dreg:$0x7] =	wrdreg s19;
	s21 =	simm.s32 $0x500  }
0x15: {  	s19 =	simm.s32 $0x400;
	[dreg:$0xd] =	wrdreg s25;
	s25 =	simm.s32 $0x600  }
0x16: {  	s1 =	simm.s32 $0x4;
	s11 =	simm.s32 $0x0;
	s5 =	sshrl.u32 s20, $0x3  }
0x17: {  	[dreg:$0x10] =	wrdreg s4;
	s8 =	sadd.s32 $0xAFE00, s9;
	s16 =	smax.u32 s13, $0x1  }
0x18: {  	s20 =	simm.s32 $0x380;
	[dreg:$0x9] =	wrdreg s21;
	s21 =	simm.s32 $0x800  }
0x19: {  	s12 =	sadd.s32 s5, s0;
	s0 =	sadd.s32 s22, s0;
	[dreg:$0x16] =	wrdreg s16  }
0x1a: {  	s5 =	sor.u32 $0x1C09, s22;
	[dreg:$0x8] =	wrdreg s20;
	s22 =	simm.s32 $0x480  }
0x1b: {  	s16 =	simm.s32 $0x9;
	s23 =	sadd.s32 $0x1400, s12;
	[dreg:$0xa] =	wrdreg s22  }
0x1c: {  	s20 =	simm.s32 $0x80;
	s12 =	sadd.s32 $0x111C00, s10;
	[dreg:$0x11] =	wrdreg s23  }
0x1d: {  	s0 =	sadd.s32 s26, s0;
	s26 =	simm.s32 $0x780;
	[dreg:$0x14] =	wrdreg s12  }
0x1e: {  	s22 =	simm.s32 $0x1800;
	s0 =	sadd.s32 $0x63000, s0;
	[dreg:$0xe] =	wrdreg s26  }
0x1f: {  	s23 =	simm.s32 $0x580;
	s26 =	simm.s32 $0x2800;
	[dreg:$0x15] =	wrdreg s0  }
0x20: {  	[dreg:$0xb] =	wrdreg s23;
	s23 =	simm.s32 $0x1;
	s0 =	simm.s32 $0x8  }
.LBB2_1:
0x21: {  	s4 =	rddreg [dreg:$0xf]  }
0x22: {  	[spmem:s15], [sflag:s5] =	dma.local [hbm:s4], $0x30E0  }
0x23: {  	_ =	swait.ge [sflag:s16], $0x30E0  }
0x24: {  	[sflag:s16] =	ssyncset.done $0x0  }
0x25: {  	[sflag:s16] =	ssyncadd.s32 $0xFFFFCF20  }
0x26: {  	p0 =	por $0x1, $0x1;
	[bflag:$0x0] =	sbarrier.arrive $0xFFFF  }
0x27: {  	[tilespmem:s3], [sflag:$0x5] =	stream.linear.gather [hbm4b:s6+s3], $0x200, $0x38;
	[tilespmem:$0x1D940] =	vst v63  }
0x28: {  	s7 =	simm.s32 @!p0 $0x3;
	s13 =	rddreg [dreg:$0x10]  }
0x29: {  	[tilespmem:s17], [sflag:$0x6] =	stream.linear.gather [hbm4b:s13+s3], $0x200, $0x38;
	[tilespmem:$0x1D940] =	vst v63  }
0x2a: {  	_ =	swait.ge @!p0 [sflag:s7], $0x1000  }
0x2b: {  	[sflag:s7] =	ssyncset.done @!p0 $0x0  }
0x2c: {  	[sflag:s7] =	ssyncadd.s32 @!p0 $0xFFFFF000  }
0x2d: {  	_ =	swait.ge @!p0 [sflag:s7], $0x1000  }
0x2e: {  	[sflag:s7] =	ssyncset.done @!p0 $0x0  }
0x2f: {  	[sflag:s7] =	ssyncadd.s32 @!p0 $0xFFFFF000  }
0x30: {  	_ =	swait.ge [sflag:s18], $0x200  }
0x31: {  	s14 =	sadd.s32 $0x0, s6;
	[sflag:s18] =	ssyncset.done $0x0  }
0x32: {  	s9 =	sadd.s32 $0x80, s14;
	[sflag:s18] =	ssyncadd.s32 $0xFFFFFE00  }
0x33: {  	[tilespmem:s19], [sflag:$0x7] =	stream.linear.gather [hbm4b:s9+s3], $0x200, $0x38;
	[tilespmem:$0x1D940] =	vst v63  }
0x34: {  	_ = 	snop  }
0x35: {  	[tilespmem:s21], [sflag:$0x1] =	stream.indirect.gather [hbm4b:s8+s20], $0x20, s3, s20, $0xb8;
	[tilespmem:$0x1D940] =	vst v63  }
0x36: {  	s4 =	rddreg [dreg:$0x4]  }
0x37: {  	[tilespmem:s22], [sflag:$0x1] =	stream.indirect.gather [hbm4b:s8+s20], $0x20, s4, s20, $0xb8;
	[tilespmem:$0x1D940] =	vst v63  }
0x38: {  	_ =	swait.ge [sflag:s23], $0x1000  }
0x39: {  	[sflag:s23] =	ssyncset.done $0x0  }
0x3a: {  	[sflag:s23] =	ssyncadd.s32 $0xFFFFF000  }
0x3b: {  	_ =	swait.ge [sflag:s23], $0x1000  }
0x3c: {  	[sflag:s23] =	ssyncset.done $0x0  }
0x3d: {  	[sflag:s23] =	ssyncadd.s32 $0xFFFFF000  }
0x3e: {  	[spmem:s2] =	stream.indirect.scatter.add.f32 [tilespmem:s21], [sflag:$0x3], $0x20, s20, s20, $0xb8;
	[tilespmem:$0x1D940] =	vst v63  }
0x3f: {  	s12 =	simm.s32 @!p0 $0x4;
	s10 =	rddreg [dreg:$0x5]  }
0x40: {  	[spmem:s2] =	stream.indirect.scatter.add.f32 [tilespmem:s22], [sflag:$0x3], $0x20, s10, s20, $0xb8;
	[tilespmem:$0x1D940] =	vst v63  }
0x41: {  	_ =	swait.ge @!p0 [sflag:s12], $0x1000  }
0x42: {  	[sflag:s12] =	ssyncset.done @!p0 $0x0  }
0x43: {  	[sflag:s12] =	ssyncadd.s32 @!p0 $0xFFFFF000  }
0x44: {  	_ =	swait.ge @!p0 [sflag:s12], $0x1000  }
0x45: {  	[sflag:s12] =	ssyncset.done @!p0 $0x0  }
0x46: {  	[sflag:s12] =	ssyncadd.s32 @!p0 $0xFFFFF000  }
0x47: {  	_ =	swait.ge [sflag:s24], $0x200  }
0x48: {  	[sflag:s24] =	ssyncset.done $0x0  }
0x49: {  	s7 =	sadd.s32 $0xC0, s14;
	[sflag:s24] =	ssyncadd.s32 $0xFFFFFE00  }
0x4a: {  	[tilespmem:s25], [sflag:$0x8] =	stream.linear.gather [hbm4b:s7+s3], $0x200, $0x38;
	[tilespmem:$0x1D940] =	vst v63  }
0x4b: {  	_ = 	snop  }
0x4c: {  	[tilespmem:s26], [sflag:$0x2] =	stream.indirect.gather [hbm4b:s8+s20], $0x20, s17, s20, $0xb8;
	[tilespmem:$0x1D940] =	vst v63  }
0x4d: {  	s12 =	rddreg [dreg:$0x6]  }
0x4e: {  	[tilespmem:s28], [sflag:$0x2] =	stream.indirect.gather [hbm4b:s8+s20], $0x20, s12, s20, $0xb8;
	[tilespmem:$0x1D940] =	vst v63  }
0x4f: {  	_ =	swait.ge [sflag:s29], $0x1000  }
0x50: {  	[sflag:s29] =	ssyncset.done $0x0  }
0x51: {  	[sflag:s29] =	ssyncadd.s32 $0xFFFFF000  }
0x52: {  	_ =	swait.ge [sflag:s29], $0x1000  }
0x53: {  	[sflag:s29] =	ssyncset.done $0x0  }
0x54: {  	s13 =	rddreg [dreg:$0x7];
	[sflag:s29] =	ssyncadd.s32 $0xFFFFF000  }
0x55: {  	[spmem:s2] =	stream.indirect.scatter.add.f32 [tilespmem:s26], [sflag:$0x4], $0x20, s13, s20, $0xb8;
	[tilespmem:$0x1D940] =	vst v63  }
0x56: {  	s14 =	rddreg [dreg:$0x8]  }
0x57: {  	[spmem:s2] =	stream.indirect.scatter.add.f32 [tilespmem:s28], [sflag:$0x4], $0x20, s14, s20, $0xb8;
	[tilespmem:$0x1D940] =	vst v63  }
0x58: {  	_ =	swait.ge [sflag:s30], $0x1000  }
0x59: {  	[sflag:s30] =	ssyncset.done $0x0  }
0x5a: {  	[sflag:s30] =	ssyncadd.s32 $0xFFFFF000  }
0x5b: {  	_ =	swait.ge [sflag:s30], $0x1000  }
0x5c: {  	[sflag:s30] =	ssyncset.done $0x0  }
0x5d: {  	[sflag:s30] =	ssyncadd.s32 $0xFFFFF000  }
0x5e: {  	p0 =	por $0x0, $0x0;
	_ =	swait.ge [sflag:s31], $0x200  }
0x5f: {  	s7 =	sadd.s32 @!p0 $0x0, s6;
	[sflag:s31] =	ssyncset.done $0x0  }
0x60: {  	s9 =	sadd.s32 @!p0 $0x100, s7;
	s12 =	simm.s32 @!p0 $0x0;
	[sflag:s31] =	ssyncadd.s32 $0xFFFFFE00  }
0x61: {  	[tilespmem:s12], [sflag:$0x5] =	stream.linear.gather @!p0 [hbm4b:s9+s12], $0x200, $0x38;
	[tilespmem:$0x1D940] =	vst v63  }
0x62: {  	_ = 	snop  }
0x63: {  	[tilespmem:s21], [sflag:$0x1] =	stream.indirect.gather [hbm4b:s8+s20], $0x20, s19, s20, $0xb8;
	[tilespmem:$0x1D940] =	vst v63  }
0x64: {  	s4 =	rddreg [dreg:$0x9]  }
0x65: {  	[tilespmem:s22], [sflag:$0x1] =	stream.indirect.gather [hbm4b:s8+s20], $0x20, s4, s20, $0xb8;
	[tilespmem:$0x1D940] =	vst v63  }
0x66: {  	_ =	swait.ge [sflag:s23], $0x1000  }
0x67: {  	[sflag:s23] =	ssyncset.done $0x0  }
0x68: {  	[sflag:s23] =	ssyncadd.s32 $0xFFFFF000  }
0x69: {  	_ =	swait.ge [sflag:s23], $0x1000  }
0x6a: {  	[sflag:s23] =	ssyncset.done $0x0  }
0x6b: {  	s10 =	rddreg [dreg:$0xa];
	[sflag:s23] =	ssyncadd.s32 $0xFFFFF000  }
0x6c: {  	[spmem:s2] =	stream.indirect.scatter.add.f32 [tilespmem:s21], [sflag:$0x3], $0x20, s10, s20, $0xb8;
	[tilespmem:$0x1D940] =	vst v63  }
0x6d: {  	s13 =	rddreg [dreg:$0xb]  }
0x6e: {  	[spmem:s2] =	stream.indirect.scatter.add.f32 [tilespmem:s22], [sflag:$0x3], $0x20, s13, s20, $0xb8;
	[tilespmem:$0x1D940] =	vst v63  }
0x6f: {  	_ =	swait.ge [sflag:s1], $0x1000  }
0x70: {  	[sflag:s1] =	ssyncset.done $0x0  }
0x71: {  	[sflag:s1] =	ssyncadd.s32 $0xFFFFF000  }
0x72: {  	_ =	swait.ge [sflag:s1], $0x1000  }
0x73: {  	[sflag:s1] =	ssyncset.done $0x0  }
0x74: {  	[sflag:s1] =	ssyncadd.s32 $0xFFFFF000  }
0x75: {  	_ =	swait.ge [sflag:s0], $0x200  }
0x76: {  	[sflag:s0] =	ssyncset.done $0x0  }
0x77: {  	s7 =	sadd.s32 @!p0 $0x140, s7;
	s9 =	simm.s32 @!p0 $0x200;
	[sflag:s0] =	ssyncadd.s32 $0xFFFFFE00  }
0x78: {  	[tilespmem:s9], [sflag:$0x6] =	stream.linear.gather @!p0 [hbm4b:s7+s12], $0x200, $0x38;
	[tilespmem:$0x1D940] =	vst v63  }
0x79: {  	_ = 	snop  }
0x7a: {  	[tilespmem:s26], [sflag:$0x2] =	stream.indirect.gather [hbm4b:s8+s20], $0x20, s25, s20, $0xb8;
	[tilespmem:$0x1D940] =	vst v63  }
0x7b: {  	s13 =	rddreg [dreg:$0xc]  }
0x7c: {  	[tilespmem:s28], [sflag:$0x2] =	stream.indirect.gather [hbm4b:s8+s20], $0x20, s13, s20, $0xb8;
	[tilespmem:$0x1D940] =	vst v63  }
0x7d: {  	_ =	swait.ge [sflag:s29], $0x1000  }
0x7e: {  	[sflag:s29] =	ssyncset.done $0x0  }
0x7f: {  	[sflag:s29] =	ssyncadd.s32 $0xFFFFF000  }
0x80: {  	_ =	swait.ge [sflag:s29], $0x1000  }
0x81: {  	p1 =	por $0x0, $0x0;
	[sflag:s29] =	ssyncset.done $0x0  }
0x82: {  	s12 =	simm.s32 $0x100;
	s14 =	rddreg [dreg:$0xd];
	[sflag:s29] =	ssyncadd.s32 $0xFFFFF000  }
0x83: {  	[spmem:s2] =	stream.indirect.scatter.add.f32 [tilespmem:s26], [sflag:$0x4], $0x20, s14, s20, $0xb8;
	[tilespmem:$0x1D940] =	vst v63  }
0x84: {  	s13 =	simm.s32 $0x0;
	s9 =	rddreg [dreg:$0xe];
	s14 =	simm.s32 $0x200  }
.LBB2_2:
0x85: {  	s10 =	simm.s32 @!p1 $0x3  }
0x86: {  	[spmem:s2] =	stream.indirect.scatter.add.f32 [tilespmem:s28], [sflag:$0x4], $0x20, s9, s20, $0xb8;
	[tilespmem:$0x1D940] =	vst v63  }
0x87: {  	_ =	swait.ge @!p1 [sflag:s10], $0x1000  }
0x88: {  	[sflag:s10] =	ssyncset.done @!p1 $0x0  }
0x89: {  	[sflag:s10] =	ssyncadd.s32 @!p1 $0xFFFFF000  }
0x8a: {  	_ =	swait.ge @!p1 [sflag:s10], $0x1000  }
0x8b: {  	[sflag:s10] =	ssyncset.done @!p1 $0x0  }
0x8c: {  	[sflag:s10] =	ssyncadd.s32 @!p1 $0xFFFFF000  }
0x8d: {  	_ =	swait.ge [sflag:s18], $0x200  }
0x8e: {  	s9 =	sadd.s32 s12, s6;
	[sflag:s18] =	ssyncset.done $0x0  }
0x8f: {  	s4 =	sadd.s32 $0x80, s9;
	[sflag:s18] =	ssyncadd.s32 $0xFFFFFE00  }
0x90: {  	[tilespmem:s19], [sflag:$0x7] =	stream.linear.gather [hbm4b:s4+s3], $0x200, $0x38;
	[tilespmem:$0x1D940] =	vst v63  }
0x91: {  	_ = 	snop  }
0x92: {  	[tilespmem:s21], [sflag:$0x1] =	stream.indirect.gather [hbm4b:s8+s20], $0x20, s3, s20, $0xb8;
	[tilespmem:$0x1D940] =	vst v63  }
0x93: {  	s4 =	rddreg [dreg:$0x4]  }
0x94: {  	[tilespmem:s22], [sflag:$0x1] =	stream.indirect.gather [hbm4b:s8+s20], $0x20, s4, s20, $0xb8;
	[tilespmem:$0x1D940] =	vst v63  }
0x95: {  	_ =	swait.ge [sflag:s23], $0x1000  }
0x96: {  	[sflag:s23] =	ssyncset.done $0x0  }
0x97: {  	[sflag:s23] =	ssyncadd.s32 $0xFFFFF000  }
0x98: {  	_ =	swait.ge [sflag:s23], $0x1000  }
0x99: {  	[sflag:s23] =	ssyncset.done $0x0  }
0x9a: {  	[sflag:s23] =	ssyncadd.s32 $0xFFFFF000  }
0x9b: {  	[spmem:s2] =	stream.indirect.scatter.add.f32 [tilespmem:s21], [sflag:$0x3], $0x20, s20, s20, $0xb8;
	[tilespmem:$0x1D940] =	vst v63  }
0x9c: {  	s4 =	simm.s32 @!p1 $0x4;
	s10 =	rddreg [dreg:$0x5]  }
0x9d: {  	[spmem:s2] =	stream.indirect.scatter.add.f32 [tilespmem:s22], [sflag:$0x3], $0x20, s10, s20, $0xb8;
	[tilespmem:$0x1D940] =	vst v63  }
0x9e: {  	_ =	swait.ge @!p1 [sflag:s4], $0x1000  }
0x9f: {  	[sflag:s4] =	ssyncset.done @!p1 $0x0  }
0xa0: {  	[sflag:s4] =	ssyncadd.s32 @!p1 $0xFFFFF000  }
0xa1: {  	_ =	swait.ge @!p1 [sflag:s4], $0x1000  }
0xa2: {  	[sflag:s4] =	ssyncset.done @!p1 $0x0  }
0xa3: {  	[sflag:s4] =	ssyncadd.s32 @!p1 $0xFFFFF000  }
0xa4: {  	_ =	swait.ge [sflag:s24], $0x200  }
0xa5: {  	[sflag:s24] =	ssyncset.done $0x0  }
0xa6: {  	s9 =	sadd.s32 $0xC0, s9;
	[sflag:s24] =	ssyncadd.s32 $0xFFFFFE00  }
0xa7: {  	[tilespmem:s25], [sflag:$0x8] =	stream.linear.gather [hbm4b:s9+s3], $0x200, $0x38;
	[tilespmem:$0x1D940] =	vst v63  }
0xa8: {  	_ = 	snop  }
0xa9: {  	[tilespmem:s26], [sflag:$0x2] =	stream.indirect.gather [hbm4b:s8+s20], $0x20, s17, s20, $0xb8;
	[tilespmem:$0x1D940] =	vst v63  }
0xaa: {  	s10 =	rddreg [dreg:$0x6]  }
0xab: {  	[tilespmem:s28], [sflag:$0x2] =	stream.indirect.gather [hbm4b:s8+s20], $0x20, s10, s20, $0xb8;
	[tilespmem:$0x1D940] =	vst v63  }
0xac: {  	_ =	swait.ge [sflag:s29], $0x1000  }
0xad: {  	[sflag:s29] =	ssyncset.done $0x0  }
0xae: {  	[sflag:s29] =	ssyncadd.s32 $0xFFFFF000  }
0xaf: {  	_ =	swait.ge [sflag:s29], $0x1000  }
0xb0: {  	[sflag:s29] =	ssyncset.done $0x0  }
0xb1: {  	s9 =	rddreg [dreg:$0x7];
	[sflag:s29] =	ssyncadd.s32 $0xFFFFF000  }
0xb2: {  	[spmem:s2] =	stream.indirect.scatter.add.f32 [tilespmem:s26], [sflag:$0x4], $0x20, s9, s20, $0xb8;
	[tilespmem:$0x1D940] =	vst v63  }
0xb3: {  	s10 =	rddreg [dreg:$0x8]  }
0xb4: {  	[spmem:s2] =	stream.indirect.scatter.add.f32 [tilespmem:s28], [sflag:$0x4], $0x20, s10, s20, $0xb8;
	[tilespmem:$0x1D940] =	vst v63  }
0xb5: {  	_ =	swait.ge [sflag:s30], $0x1000  }
0xb6: {  	[sflag:s30] =	ssyncset.done $0x0  }
0xb7: {  	[sflag:s30] =	ssyncadd.s32 $0xFFFFF000  }
0xb8: {  	_ =	swait.ge [sflag:s30], $0x1000  }
0xb9: {  	[sflag:s30] =	ssyncset.done $0x0  }
0xba: {  	s13 =	sadd.s32 $0x1, s13;
	[sflag:s30] =	ssyncadd.s32 $0xFFFFF000  }
0xbb: {  	s7 =	smov.u32 s14;
	p1 =	sgt.u32 s13, $0x2F;
	_ =	swait.ge [sflag:s31], $0x200  }
0xbc: {  	s4 =	sadd.s32 @!p1 s12, s6;
	s12 =	smov.u32 s7;
	[sflag:s31] =	ssyncset.done $0x0  }
0xbd: {  	s7 =	sadd.s32 @!p1 $0x100, s4;
	s9 =	simm.s32 @!p1 $0x0;
	[sflag:s31] =	ssyncadd.s32 $0xFFFFFE00  }
0xbe: {  	[tilespmem:s9], [sflag:$0x5] =	stream.linear.gather @!p1 [hbm4b:s7+s9], $0x200, $0x38;
	[tilespmem:$0x1D940] =	vst v63  }
0xbf: {  	_ = 	snop  }
0xc0: {  	[tilespmem:s21], [sflag:$0x1] =	stream.indirect.gather [hbm4b:s8+s20], $0x20, s19, s20, $0xb8;
	[tilespmem:$0x1D940] =	vst v63  }
0xc1: {  	s10 =	rddreg [dreg:$0x9]  }
0xc2: {  	[tilespmem:s22], [sflag:$0x1] =	stream.indirect.gather [hbm4b:s8+s20], $0x20, s10, s20, $0xb8;
	[tilespmem:$0x1D940] =	vst v63  }
0xc3: {  	_ =	swait.ge [sflag:s23], $0x1000  }
0xc4: {  	[sflag:s23] =	ssyncset.done $0x0  }
0xc5: {  	[sflag:s23] =	ssyncadd.s32 $0xFFFFF000  }
0xc6: {  	_ =	swait.ge [sflag:s23], $0x1000  }
0xc7: {  	[sflag:s23] =	ssyncset.done $0x0  }
0xc8: {  	s7 =	rddreg [dreg:$0xa];
	[sflag:s23] =	ssyncadd.s32 $0xFFFFF000  }
0xc9: {  	[spmem:s2] =	stream.indirect.scatter.add.f32 [tilespmem:s21], [sflag:$0x3], $0x20, s7, s20, $0xb8;
	[tilespmem:$0x1D940] =	vst v63  }
0xca: {  	s10 =	rddreg [dreg:$0xb]  }
0xcb: {  	[spmem:s2] =	stream.indirect.scatter.add.f32 [tilespmem:s22], [sflag:$0x3], $0x20, s10, s20, $0xb8;
	[tilespmem:$0x1D940] =	vst v63  }
0xcc: {  	_ =	swait.ge [sflag:s1], $0x1000  }
0xcd: {  	[sflag:s1] =	ssyncset.done $0x0  }
0xce: {  	[sflag:s1] =	ssyncadd.s32 $0xFFFFF000  }
0xcf: {  	_ =	swait.ge [sflag:s1], $0x1000  }
0xd0: {  	[sflag:s1] =	ssyncset.done $0x0  }
0xd1: {  	[sflag:s1] =	ssyncadd.s32 $0xFFFFF000  }
0xd2: {  	_ =	swait.ge [sflag:s0], $0x200  }
0xd3: {  	[sflag:s0] =	ssyncset.done $0x0  }
0xd4: {  	s4 =	sadd.s32 @!p1 $0x140, s4;
	s7 =	simm.s32 @!p1 $0x200;
	[sflag:s0] =	ssyncadd.s32 $0xFFFFFE00  }
0xd5: {  	[tilespmem:s7], [sflag:$0x6] =	stream.linear.gather @!p1 [hbm4b:s4+s9], $0x200, $0x38;
	[tilespmem:$0x1D940] =	vst v63  }
0xd6: {  	_ = 	snop  }
0xd7: {  	[tilespmem:s26], [sflag:$0x2] =	stream.indirect.gather [hbm4b:s8+s20], $0x20, s25, s20, $0xb8;
	[tilespmem:$0x1D940] =	vst v63  }
0xd8: {  	s9 =	rddreg [dreg:$0xc]  }
0xd9: {  	[tilespmem:s28], [sflag:$0x2] =	stream.indirect.gather [hbm4b:s8+s20], $0x20, s9, s20, $0xb8;
	[tilespmem:$0x1D940] =	vst v63  }
0xda: {  	s14 =	sadd.s32 $0x100, s14;
	_ =	swait.ge [sflag:s29], $0x1000  }
0xdb: {  	p0 =	sne.s32 s14, $0x3100;
	[sflag:s29] =	ssyncset.done $0x0  }
.Ltmp0:
0xdc: {  	[sflag:s29] =	ssyncadd.s32 $0xFFFFF000;
	(pc) =	sbr.rel @p0 .LBB2_2-.Ltmp0, $4  }
0xdd: {  	_ =	swait.ge [sflag:s29], $0x1000  }
0xde: {  	s10 =	rddreg [dreg:$0xd];
	[sflag:s29] =	ssyncset.done $0x0  }
0xdf: {  	p1 =	seq.s32 s12, $0x0;
	s9 =	rddreg [dreg:$0xe];
	[sflag:s29] =	ssyncadd.s32 $0xFFFFF000  }
0xe0: {  	[spmem:s2] =	stream.indirect.scatter.add.f32 [tilespmem:s26], [sflag:$0x4], $0x20, s10, s20, $0xb8;
	[tilespmem:$0x1D940] =	vst v63  }
0xe1: {  	s4 =	simm.s32 @!p1 $0x3  }
0xe2: {  	[spmem:s2] =	stream.indirect.scatter.add.f32 [tilespmem:s28], [sflag:$0x4], $0x20, s9, s20, $0xb8;
	[tilespmem:$0x1D940] =	vst v63  }
0xe3: {  	_ =	swait.ge @!p1 [sflag:s4], $0x1000  }
0xe4: {  	[sflag:s4] =	ssyncset.done @!p1 $0x0  }
0xe5: {  	[sflag:s4] =	ssyncadd.s32 @!p1 $0xFFFFF000  }
0xe6: {  	_ =	swait.ge @!p1 [sflag:s4], $0x1000  }
0xe7: {  	[sflag:s4] =	ssyncset.done @!p1 $0x0  }
0xe8: {  	[sflag:s4] =	ssyncadd.s32 @!p1 $0xFFFFF000  }
0xe9: {  	_ =	swait.ge [sflag:s18], $0x200  }
0xea: {  	s14 =	sadd.s32 s12, s6;
	[sflag:s18] =	ssyncset.done $0x0  }
0xeb: {  	s7 =	sadd.s32 $0x80, s14;
	[sflag:s18] =	ssyncadd.s32 $0xFFFFFE00  }
0xec: {  	[tilespmem:s19], [sflag:$0x7] =	stream.linear.gather [hbm4b:s7+s3], $0x200, $0x38;
	[tilespmem:$0x1D940] =	vst v63  }
0xed: {  	_ = 	snop  }
0xee: {  	[tilespmem:s21], [sflag:$0x1] =	stream.indirect.gather [hbm4b:s8+s20], $0x20, s3, s20, $0xb8;
	[tilespmem:$0x1D940] =	vst v63  }
0xef: {  	s9 =	rddreg [dreg:$0x4]  }
0xf0: {  	[tilespmem:s22], [sflag:$0x1] =	stream.indirect.gather [hbm4b:s8+s20], $0x20, s9, s20, $0xb8;
	[tilespmem:$0x1D940] =	vst v63  }
0xf1: {  	_ =	swait.ge [sflag:s23], $0x1000  }
0xf2: {  	[sflag:s23] =	ssyncset.done $0x0  }
0xf3: {  	[sflag:s23] =	ssyncadd.s32 $0xFFFFF000  }
0xf4: {  	_ =	swait.ge [sflag:s23], $0x1000  }
0xf5: {  	[sflag:s23] =	ssyncset.done $0x0  }
0xf6: {  	[sflag:s23] =	ssyncadd.s32 $0xFFFFF000  }
0xf7: {  	[spmem:s2] =	stream.indirect.scatter.add.f32 [tilespmem:s21], [sflag:$0x3], $0x20, s20, s20, $0xb8;
	[tilespmem:$0x1D940] =	vst v63  }
0xf8: {  	s7 =	simm.s32 @!p1 $0x4;
	s10 =	rddreg [dreg:$0x5]  }
0xf9: {  	[spmem:s2] =	stream.indirect.scatter.add.f32 [tilespmem:s22], [sflag:$0x3], $0x20, s10, s20, $0xb8;
	[tilespmem:$0x1D940] =	vst v63  }
0xfa: {  	_ =	swait.ge @!p1 [sflag:s7], $0x1000  }
0xfb: {  	[sflag:s7] =	ssyncset.done @!p1 $0x0  }
0xfc: {  	[sflag:s7] =	ssyncadd.s32 @!p1 $0xFFFFF000  }
0xfd: {  	_ =	swait.ge @!p1 [sflag:s7], $0x1000  }
0xfe: {  	[sflag:s7] =	ssyncset.done @!p1 $0x0  }
0xff: {  	[sflag:s7] =	ssyncadd.s32 @!p1 $0xFFFFF000  }
0x100: {  	_ =	swait.ge [sflag:s24], $0x200  }
0x101: {  	[sflag:s24] =	ssyncset.done $0x0  }
0x102: {  	s4 =	sadd.s32 $0xC0, s14;
	[sflag:s24] =	ssyncadd.s32 $0xFFFFFE00  }
0x103: {  	[tilespmem:s25], [sflag:$0x8] =	stream.linear.gather [hbm4b:s4+s3], $0x200, $0x38;
	[tilespmem:$0x1D940] =	vst v63  }
0x104: {  	_ = 	snop  }
0x105: {  	[tilespmem:s26], [sflag:$0x2] =	stream.indirect.gather [hbm4b:s8+s20], $0x20, s17, s20, $0xb8;
	[tilespmem:$0x1D940] =	vst v63  }
0x106: {  	s14 =	rddreg [dreg:$0x6]  }
0x107: {  	[tilespmem:s28], [sflag:$0x2] =	stream.indirect.gather [hbm4b:s8+s20], $0x20, s14, s20, $0xb8;
	[tilespmem:$0x1D940] =	vst v63  }
0x108: {  	_ =	swait.ge [sflag:s29], $0x1000  }
0x109: {  	[sflag:s29] =	ssyncset.done $0x0  }
0x10a: {  	[sflag:s29] =	ssyncadd.s32 $0xFFFFF000  }
0x10b: {  	_ =	swait.ge [sflag:s29], $0x1000  }
0x10c: {  	[sflag:s29] =	ssyncset.done $0x0  }
0x10d: {  	s7 =	rddreg [dreg:$0x7];
	[sflag:s29] =	ssyncadd.s32 $0xFFFFF000  }
0x10e: {  	[spmem:s2] =	stream.indirect.scatter.add.f32 [tilespmem:s26], [sflag:$0x4], $0x20, s7, s20, $0xb8;
	[tilespmem:$0x1D940] =	vst v63  }
0x10f: {  	s9 =	rddreg [dreg:$0x8]  }
0x110: {  	[spmem:s2] =	stream.indirect.scatter.add.f32 [tilespmem:s28], [sflag:$0x4], $0x20, s9, s20, $0xb8;
	[tilespmem:$0x1D940] =	vst v63  }
0x111: {  	_ =	swait.ge [sflag:s30], $0x1000  }
0x112: {  	[sflag:s30] =	ssyncset.done $0x0  }
0x113: {  	[sflag:s30] =	ssyncadd.s32 $0xFFFFF000  }
0x114: {  	_ =	swait.ge [sflag:s30], $0x1000  }
0x115: {  	[sflag:s30] =	ssyncset.done $0x0  }
0x116: {  	s10 =	sadd.s32 $0x1, s13;
	[sflag:s30] =	ssyncadd.s32 $0xFFFFF000  }
0x117: {  	p0 =	sgt.u32 s10, $0x2F;
	_ =	swait.ge [sflag:s31], $0x200  }
0x118: {  	s4 =	sadd.s32 @!p0 s12, s6;
	[sflag:s31] =	ssyncset.done $0x0  }
0x119: {  	s7 =	sadd.s32 @!p0 $0x100, s4;
	s9 =	simm.s32 @!p0 $0x0;
	[sflag:s31] =	ssyncadd.s32 $0xFFFFFE00  }
0x11a: {  	[tilespmem:s9], [sflag:$0x5] =	stream.linear.gather @!p0 [hbm4b:s7+s9], $0x200, $0x38;
	[tilespmem:$0x1D940] =	vst v63  }
0x11b: {  	_ = 	snop  }
0x11c: {  	[tilespmem:s21], [sflag:$0x1] =	stream.indirect.gather [hbm4b:s8+s20], $0x20, s19, s20, $0xb8;
	[tilespmem:$0x1D940] =	vst v63  }
0x11d: {  	s12 =	rddreg [dreg:$0x9]  }
0x11e: {  	[tilespmem:s22], [sflag:$0x1] =	stream.indirect.gather [hbm4b:s8+s20], $0x20, s12, s20, $0xb8;
	[tilespmem:$0x1D940] =	vst v63  }
0x11f: {  	_ =	swait.ge [sflag:s23], $0x1000  }
0x120: {  	[sflag:s23] =	ssyncset.done $0x0  }
0x121: {  	[sflag:s23] =	ssyncadd.s32 $0xFFFFF000  }
0x122: {  	_ =	swait.ge [sflag:s23], $0x1000  }
0x123: {  	[sflag:s23] =	ssyncset.done $0x0  }
0x124: {  	s13 =	rddreg [dreg:$0xa];
	[sflag:s23] =	ssyncadd.s32 $0xFFFFF000  }
0x125: {  	[spmem:s2] =	stream.indirect.scatter.add.f32 [tilespmem:s21], [sflag:$0x3], $0x20, s13, s20, $0xb8;
	[tilespmem:$0x1D940] =	vst v63  }
0x126: {  	s10 =	rddreg [dreg:$0xb]  }
0x127: {  	[spmem:s2] =	stream.indirect.scatter.add.f32 [tilespmem:s22], [sflag:$0x3], $0x20, s10, s20, $0xb8;
	[tilespmem:$0x1D940] =	vst v63  }
0x128: {  	_ =	swait.ge [sflag:s1], $0x1000  }
0x129: {  	[sflag:s1] =	ssyncset.done $0x0  }
0x12a: {  	[sflag:s1] =	ssyncadd.s32 $0xFFFFF000  }
0x12b: {  	_ =	swait.ge [sflag:s1], $0x1000  }
0x12c: {  	[sflag:s1] =	ssyncset.done $0x0  }
0x12d: {  	[sflag:s1] =	ssyncadd.s32 $0xFFFFF000  }
0x12e: {  	_ =	swait.ge [sflag:s0], $0x200  }
0x12f: {  	[sflag:s0] =	ssyncset.done $0x0  }
0x130: {  	s4 =	sadd.s32 @!p0 $0x140, s4;
	s7 =	simm.s32 @!p0 $0x200;
	[sflag:s0] =	ssyncadd.s32 $0xFFFFFE00  }
0x131: {  	[tilespmem:s7], [sflag:$0x6] =	stream.linear.gather @!p0 [hbm4b:s4+s9], $0x200, $0x38;
	[tilespmem:$0x1D940] =	vst v63  }
0x132: {  	_ = 	snop  }
0x133: {  	[tilespmem:s26], [sflag:$0x2] =	stream.indirect.gather [hbm4b:s8+s20], $0x20, s25, s20, $0xb8;
	[tilespmem:$0x1D940] =	vst v63  }
0x134: {  	s14 =	rddreg [dreg:$0xc]  }
0x135: {  	[tilespmem:s28], [sflag:$0x2] =	stream.indirect.gather [hbm4b:s8+s20], $0x20, s14, s20, $0xb8;
	[tilespmem:$0x1D940] =	vst v63  }
0x136: {  	_ =	swait.ge [sflag:s29], $0x1000  }
0x137: {  	[sflag:s29] =	ssyncset.done $0x0  }
0x138: {  	[sflag:s29] =	ssyncadd.s32 $0xFFFFF000  }
0x139: {  	_ =	swait.ge [sflag:s29], $0x1000  }
0x13a: {  	[sflag:s29] =	ssyncset.done $0x0  }
0x13b: {  	s7 =	rddreg [dreg:$0xd];
	[sflag:s29] =	ssyncadd.s32 $0xFFFFF000  }
0x13c: {  	[spmem:s2] =	stream.indirect.scatter.add.f32 [tilespmem:s26], [sflag:$0x4], $0x20, s7, s20, $0xb8;
	[tilespmem:$0x1D940] =	vst v63  }
0x13d: {  	s9 =	rddreg [dreg:$0xe]  }
0x13e: {  	[spmem:s2] =	stream.indirect.scatter.add.f32 [tilespmem:s28], [sflag:$0x4], $0x20, s9, s20, $0xb8;
	[tilespmem:$0x1D940] =	vst v63  }
0x13f: {  	_ =	swait.ge [sflag:s30], $0x1000  }
0x140: {  	[sflag:s30] =	ssyncset.done $0x0  }
0x141: {  	[sflag:s30] =	ssyncadd.s32 $0xFFFFF000  }
0x142: {  	_ =	swait.ge [sflag:s30], $0x1000  }
0x143: {  	[sflag:s30] =	ssyncset.done $0x0  }
0x144: {  	[sflag:s30] =	ssyncadd.s32 $0xFFFFF000  }
0x145: {  	_ =	swait.ge [sflag:s1], $0x1000  }
0x146: {  	[sflag:s1] =	ssyncset.done $0x0  }
0x147: {  	[sflag:s1] =	ssyncadd.s32 $0xFFFFF000  }
0x148: {  	_ =	swait.ge [sflag:s1], $0x1000  }
0x149: {  	[sflag:s1] =	ssyncset.done $0x0  }
0x14a: {  	[sflag:s1] =	ssyncadd.s32 $0xFFFFF000  }
0x14b: {  	[bflag:$0x0] =	sbarrier.arrive $0xFFFF  }
0x14c: {  	s10 =	rddreg [dreg:$0x11]  }
0x14d: {  	[hbm:s10], [sflag:s5] =	dma.local [spmem:s15], $0x30E0  }
0x14e: {  	_ =	swait.ge [sflag:s16], $0x30E0  }
0x14f: {  	[sflag:s16] =	ssyncset.done $0x0  }
0x150: {  	s7 =	simm.s32 $0x4800;
	s12 =	rddreg [dreg:$0x12];
	[sflag:s16] =	ssyncadd.s32 $0xFFFFCF20  }
0x151: {  	[tilespmem:s7], [sflag:$0x9] =	stream.linear.gather [hbm4b:s12+s3], $0x40, $0x38;
	[tilespmem:$0x1D940] =	vst v63  }
0x152: {  	_ =	swait.ge [sflag:s16], $0x40  }
0x153: {  	[sflag:s16] =	ssyncset.done $0x0  }
0x154: {  	s13 =	simm.s32 $0x4840;
	s9 =	simm.s32 $0x40;
	[sflag:s16] =	ssyncadd.s32 $0xFFFFFFC0  }
0x155: {  	[tilespmem:s13], [sflag:$0x9] =	stream.indirect.gather [spmem:s2], $0x20, s7, s9, $0xb8;
	[tilespmem:$0x1D940] =	vst v63  }
0x156: {  	_ =	swait.ge [sflag:s16], $0x800  }
0x157: {  	[sflag:s16] =	ssyncset.done $0x0  }
0x158: {  	s14 =	rddreg [dreg:$0x13];
	[sflag:s16] =	ssyncadd.s32 $0xFFFFF800  }
0x159: {  	[hbm4b:s14+s3] =	stream.linear.scatter [tilespmem:s13], [sflag:$0x9], $0x800, $0x38;
	[tilespmem:$0x1D940] =	vst v63  }
0x15a: {  	_ =	swait.ge [sflag:s16], $0x800  }
0x15b: {  	[sflag:s16] =	ssyncset.done $0x0  }
0x15c: {  	s12 =	simm.s32 $0x5040;
	s10 =	rddreg [dreg:$0x14];
	[sflag:s16] =	ssyncadd.s32 $0xFFFFF800  }
0x15d: {  	[tilespmem:s12], [sflag:$0x9] =	stream.indirect.gather [hbm4b:s10+s9], $0x8, s7, s9, $0xb8;
	[tilespmem:$0x1D940] =	vst v63  }
0x15e: {  	_ =	swait.ge [sflag:s16], $0x200  }
0x15f: {  	[sflag:s16] =	ssyncset.done $0x0  }
0x160: {  	s13 =	rddreg [dreg:$0x15];
	[sflag:s16] =	ssyncadd.s32 $0xFFFFFE00  }
0x161: {  	[hbm4b:s13+s3] =	stream.linear.scatter [tilespmem:s12], [sflag:$0x9], $0x200, $0x38;
	[tilespmem:$0x1D940] =	vst v63  }
0x162: {  	_ =	swait.ge [sflag:s16], $0x200  }
0x163: {  	s11 =	sadd.s32 $0x1, s11;
	s14 =	rddreg [dreg:$0x16]  }
0x164: {  	p0 =	sne.s32 s11, s14  }
.Ltmp1:
0x165: {  	_ = 	snop;
	(pc) =	sbr.rel @p0 .LBB2_1-.Ltmp1, $3  }
0x166: {  	_ =	sdelay $0x1  }
0x167: {  	[sflag:s16] =	ssyncset.done $0x0  }
0x168: {  	[sflag:s16] =	ssyncadd.s32 $0xFFFFFE00  }
0x169: {  	_ =	sfence.sel $0x180000  }
0x16a: {  	[bflag:$0x0] =	sbarrier.arrive $0xFFFF  }
0x16b: {  	_ =	strace $0x9000004D  }
0x16c: {  	s0 =	stileid.u32;
	[bflag:$0x2] =	sbarrier.arrive $0xFFFF  }
0x16d: {  	p0 =	sne.s32 s0, $0x0;
	s0 =	rddreg [dreg:$0x3]  }
0x16e: {  	s0 =	sadd.s32 @!p0 $0x100000, s0  }
0x16f: {  	[sflag:s0] =	ssyncadd.tile.s32 @!p0 $0x1;
	_ =	shalt  }
.Lfunc_end2:
_tile_overlayer_lowered:
.L_overlay_start_2:
0x170: {  	(tag) =	ssettag $0x2  }
0x171: {  	s0 =	rddreg [dreg:$0x0];
	s2 =	stileid.u32  }
0x172: {  	s1 =	rddreg [dreg:$0x1];
	p0 =	sne.s32 s2, $0x0  }
0x173: {  	s3 =	rddreg [dreg:$0x2];
	[bflag:$0x3] =	sbarrier.arrive $0xFFFF;
	s2 =	simm.s32 @!p0 $0x1C09  }
0x174: {  	[timem:s3], [sflag:s2] =	dma.local @!p0 [hbm:s0], s1  }
0x175: {  	s0 =	simm.s32 @!p0 $0x9  }
0x176: {  	_ =	swait.ge @!p0 [sflag:s0], s1  }
0x177: {  	s1 =	ssub.s32 @!p0 $0x0, s1;
	[sflag:s0] =	ssyncset.done @!p0 $0x0  }
0x178: {  	[sflag:s0] =	ssyncadd.s32 @!p0 s1  }
0x179: {  	[bflag:$0x3] =	sbarrier.arrive $0xFFFF  }
0x17a: {  	_ =	shalt  }

// kernel: kernel.8.cloned.1.call-start
scs
__scs_entry_jumppad:
0x0: {  	(pc) =	sbr.rel $0x88, $3  }
0x1: {  	(tag) =	ssettag $0x0;
	lr =	simm.s32 $0x1  }
0x2: {  	[smem:$0x3F9A] =	sst lr;
	_ =	strace $0xD0000000  }
0x3: {  	_ = 	snop  }
0x4: {  	_ = 	snop  }
0x5: {  	_ = 	snop  }
0x6: {  	_ = 	snop  }
0x7: {  	_ = 	snop  }
__scs_overlays_trampoline_lowered:
0x8: {  	[smem:$0x3FA9] =	sst s0  }
0x9: {  	[smem:$0x3FAA] =	sst s1  }
0xa: {  	[smem:$0x3FAB] =	sst s2  }
0xb: {  	[smem:$0x3FAC] =	sst s3  }
0xc: {  	[smem:$0x3FAD] =	sst s4  }
0xd: {  	[smem:$0x3FAE] =	sst s5  }
0xe: {  	[smem:$0x3FAF] =	sst s6  }
0xf: {  	[smem:$0x3FB0] =	sst s7  }
0x10: {  	[smem:$0x3FB1] =	sst s8  }
0x11: {  	[smem:$0x3FB2] =	sst s9;
	s0 =	simm.s32 @!p0 $0x0  }
0x12: {  	s1 =	sld [smem:$0x3F98];
	s0 =	simm.s32 @p0 $0x1  }
0x13: {  	[smem:$0x3FB3] =	sst s0;
	s0 =	simm.s32 @!p1 $0x0  }
0x14: {  	s2 =	sld [smem:$0x3F97];
	s0 =	simm.s32 @p1 $0x1  }
0x15: {  	[smem:$0x3FB4] =	sst s0;
	s0 =	simm.s32 @!p2 $0x0  }
0x16: {  	s3 =	sld [smem:$0x3FDB];
	s0 =	simm.s32 @p2 $0x1  }
0x17: {  	s4 =	simm.s32 $0x1BF5;
	[smem:$0x3FB6] =	sst s0  }
0x18: {  	s0 =	sld [smem:$0x3F99];
	_ =	swait.ge [sflag:s4], $0x0  }
0x19: {  	s7 =	sld [smem:$0x3F9A]  }
0x1a: {  	s8 =	sadd.s32 $0xFFFFE003, lr  }
0x1b: {  	s9 =	sadd.s32 $0xFFFFFEF7, lr;
	s5 =	simm.s32 $0xFFFFFFFF;
	p2 =	slt.u32 s8, $0xFFFFF086  }
0x1c: {  	p1 =	slt.u32 s9, $0xF7A;
	s5 =	simm.s32 @!p2 $0x0  }
0x1d: {  	s5 =	simm.s32 @p1 $0x1;
	p0 =	seq.s32 s7, s2  }
0x1e: {  	s7 =	smul.u32 @!p0 $0xF7A, s2;
	p2 =	seq.s32 @!p0 s5, $0x0  }
0x1f: {  	s9 =	smul.u32 $0xF7A, s1;
	s8 =	simm.s32 @!p0 $0x1BF5;
	p2 =	por !p2, p0  }
0x20: {  	[sflag:s8] =	ssyncset.s32 @!p0 $0xFFFFF086;
	s6 =	sadd.s32 @!p0 s3, s7;
	s7 =	simm.s32 @!p0 $0x108  }
0x21: {  	s3 =	sadd.s32 s3, s9;
	s6 =	sadd.s32 @!p0 $0x88, s6;
	s7 =	simm.s32 @p2 $0x1082  }
0x22: {  	[simem:s7], [sflag:s8] =	dma.local @!p0 [hbm:s6], $0xF7A  }
0x23: {  	s9 =	sor.u32 $0xD0000000, s2;
	s6 =	simm.s32 $0x108;
	_ =	swait.ge @!p0 [sflag:s8], $0x0  }
0x24: {  	s3 =	sadd.s32 $0x88, s3;
	s6 =	simm.s32 @!p1 $0x1082;
	[sflag:s4] =	ssyncset.s32 $0xFFFFF086  }
0x25: {  	[simem:s6], [sflag:s4] =	dma.local [hbm:s3], $0xF7A  }
0x26: {  	[smem:$0x3F9A] =	sst s1;
	(tag) =	ssettag s2;
	_ =	strace s9  }
0x27: {  	s1 =	sld [smem:$0x3FAA]  }
0x28: {  	s2 =	sld [smem:$0x3FAB]  }
0x29: {  	s4 =	sld [smem:$0x3FAD]  }
0x2a: {  	p0 =	seq.s32 s5, $0x0;
	s5 =	sld [smem:$0x3FAE]  }
0x2b: {  	s6 =	sld [smem:$0x3FAF]  }
0x2c: {  	s7 =	sld [smem:$0x3FB0]  }
0x2d: {  	s3 =	simm.s32 $0x108;
	s8 =	sld [smem:$0x3FB1]  }
0x2e: {  	s3 =	simm.s32 @!p0 $0x1082;
	s9 =	sld [smem:$0x3FB2]  }
0x2f: {  	lr =	sadd.s32 s0, s3;
	s0 =	sld [smem:$0x3FA9]  }
0x30: {  	s3 =	sld [smem:$0x3FAC]  }
0x31: {  	[smem:$0x3FB5] =	sst s10  }
0x32: {  	s10 =	sld [smem:$0x3FB3];
	_ =	sdelay $0x3  }
0x33: {  	p0 =	seq.s32 s10, $0x1;
	s10 =	sld [smem:$0x3FB5];
	_ =	sdelay $0x3  }
0x34: {  	[smem:$0x3FB5] =	sst s10  }
0x35: {  	s10 =	sld [smem:$0x3FB4];
	_ =	sdelay $0x3  }
0x36: {  	p1 =	seq.s32 s10, $0x1;
	s10 =	sld [smem:$0x3FB5];
	_ =	sdelay $0x3  }
0x37: {  	[smem:$0x3FB5] =	sst s10  }
0x38: {  	s10 =	sld [smem:$0x3FB6]  }
0x39: {  	_ = 	snop;
	(pc) =	sbr.ind lr, $3  }
0x3a: {  	_ = 	snop  }
0x3b: {  	_ = 	snop  }
0x3c: {  	p2 =	seq.s32 s10, $0x1;
	s10 =	sld [smem:$0x3FB5]  }
0x3d: {  	_ =	shalt  }
0x3e: {  	_ =	shalt  }
0x3f: {  	_ =	shalt  }
0x40: {  	_ =	shalt  }
0x41: {  	_ =	shalt  }
0x42: {  	_ =	shalt  }
0x43: {  	_ =	shalt  }
0x44: {  	_ =	shalt  }
0x45: {  	_ =	shalt  }
0x46: {  	_ =	shalt  }
0x47: {  	_ =	shalt  }
0x48: {  	_ =	shalt  }
0x49: {  	_ =	shalt  }
0x4a: {  	_ =	shalt  }
0x4b: {  	_ =	shalt  }
0x4c: {  	_ =	shalt  }
0x4d: {  	_ =	shalt  }
0x4e: {  	_ =	shalt  }
0x4f: {  	_ =	shalt  }
0x50: {  	_ =	shalt  }
0x51: {  	_ =	shalt  }
0x52: {  	_ =	shalt  }
0x53: {  	_ =	shalt  }
0x54: {  	_ =	shalt  }
0x55: {  	_ =	shalt  }
0x56: {  	_ =	shalt  }
0x57: {  	_ =	shalt  }
0x58: {  	_ =	shalt  }
0x59: {  	_ =	shalt  }
0x5a: {  	_ =	shalt  }
0x5b: {  	_ =	shalt  }
0x5c: {  	_ =	shalt  }
0x5d: {  	_ =	shalt  }
0x5e: {  	_ =	shalt  }
0x5f: {  	_ =	shalt  }
0x60: {  	_ =	shalt  }
0x61: {  	_ =	shalt  }
0x62: {  	_ =	shalt  }
0x63: {  	_ =	shalt  }
0x64: {  	_ =	shalt  }
0x65: {  	_ =	shalt  }
0x66: {  	_ =	shalt  }
0x67: {  	_ =	shalt  }
0x68: {  	_ =	shalt  }
0x69: {  	_ =	shalt  }
0x6a: {  	_ =	shalt  }
0x6b: {  	_ =	shalt  }
0x6c: {  	_ =	shalt  }
0x6d: {  	_ =	shalt  }
0x6e: {  	_ =	shalt  }
0x6f: {  	_ =	shalt  }
0x70: {  	_ =	shalt  }
0x71: {  	_ =	shalt  }
0x72: {  	_ =	shalt  }
0x73: {  	_ =	shalt  }
0x74: {  	_ =	shalt  }
0x75: {  	_ =	shalt  }
0x76: {  	_ =	shalt  }
0x77: {  	_ =	shalt  }
0x78: {  	_ =	shalt  }
0x79: {  	_ =	shalt  }
0x7a: {  	_ =	shalt  }
0x7b: {  	_ =	shalt  }
0x7c: {  	_ =	shalt  }
0x7d: {  	_ =	shalt  }
0x7e: {  	_ =	shalt  }
0x7f: {  	_ =	shalt  }
0x80: {  	_ =	shalt  }
0x81: {  	_ =	shalt  }
0x82: {  	_ =	shalt  }
0x83: {  	_ =	shalt  }
0x84: {  	_ =	shalt  }
0x85: {  	_ =	shalt  }
0x86: {  	_ =	shalt  }
0x87: {  	_ =	shalt  }
.Lfunc_end0:
.L_simem_size_0:
called_computation_lowered:
.L_overlay_start_0:
0x88: {  	s2 =	sld [smem:$0x3FD9]  }
0x89: {  	s3 =	sld [smem:$0x3FFE];
	_ =	sdelay $0x1  }
0x8a: {  	s1 =	srdreg.scid  }
0x8b: {  	s0 =	sand.u32 $0x1, s1  }
0x8c: {  	s17 =	sshll.u32 s0, $0xA;
	s2 =	sadd.s32 s3, s2  }
0x8d: {  	s2 =	sadd.s32 s2, s17  }
0x8e: {  	[smem:$0x3FC1] =	sst s2  }
0x8f: {  	_ = 	snop  }
0x90: {  	s18 =	sld [smem:$0x3FD0];
	(tm) =	ssettm $0x1  }
0x91: {  	s19 =	sld [smem:$0x3FFB];
	_ =	sdelay $0x3  }
0x92: {  	_ =	strace s19  }
0x93: {  	s2 =	sld [smem:$0x3FFC];
	_ =	sdelay $0x3  }
0x94: {  	_ =	strace s2  }
0x95: {  	s2 =	sld [smem:$0x3FFD];
	_ =	sdelay $0x3  }
0x96: {  	_ =	strace s2  }
0x97: {  	_ =	strace $0x8FFFFFFF  }
0x98: {  	s20 =	sld [smem:$0x3FDB];
	_ =	sdelay $0x1  }
0x99: {  	s4 =	simm.s32 $_scs_section_size  }
0x9a: {  	s5 =	simm.s32 $_size__tile_overlayer_lowered;
	s6 =	simm.s32 $_tile_overlayer_lowered  }
0x9b: {  	s7 =	simm.s32 $0x1BFF;
	s21 =	sshll.u32 s6, $0x1;
	s4 =	sadd.s32 s4, s20  }
0x9c: {  	s22 =	simm.s32 $0x0;
	s5 =	sshll.u32 s5, $0x1;
	s6 =	sadd.s32 s21, s4  }
0x9d: {  	[timem:s22], [sflag:s7] =	dma.local [hbm:s6], s5  }
0x9e: {  	_ =	swait.ge [sflag:s7], s5  }
0x9f: {  	s5 =	ssub.s32 $0x0, s5;
	[sflag:s7] =	ssyncset.done $0x0  }
0xa0: {  	[sflag:s7] =	ssyncadd.s32 s5;
	_ =	sdelay $0x1  }
0xa1: {  	s23 =	simm.s32 $0x1B8B  }
0xa2: {  	_ =	swait.ge [sflag:s23], $0x1  }
0xa3: {  	[sflag:s23] =	ssyncset.done $0x0  }
0xa4: {  	[sflag:s23] =	ssyncadd.s32 $0xFFFFFFFF  }
0xa5: {  	s5 =	sld [smem:$0x0]  }
0xa6: {  	s6 =	sand.u32 $0xFFFFFFFE, s1  }
0xa7: {  	p0 =	sne.s32 s1, s6  }
0xa8: {  	s6 =	sshll.u32 @p0 s6, $0xE  }
0xa9: {  	s6 =	sadd.s32 @p0 $0x11B8D, s6;
	s7 =	sshll.u32 @p0 s5, $0x11  }
0xaa: {  	s6 =	sor.u32 @p0 s7, s6  }
0xab: {  	[sflag:s6] =	ssyncadd.remote.s32 @p0 $0x1;
	_ =	sdelay $0x1  }
0xac: {  	s6 =	simm.s32 @p0 $0x1B8D  }
0xad: {  	_ =	swait.eq @p0 [sflag:s6], $0x1  }
0xae: {  	[sflag:s6] =	ssyncadd.s32 @p0 $0xFFFFFFFF  }
0xaf: {  	s7 =	sshll.u32 @!p0 s1, $0xE  }
0xb0: {  	s7 =	sor.u32 @!p0 $0x4000, s7;
	s6 =	simm.s32 @!p0 $0x1B8D  }
0xb1: {  	s5 =	sshll.u32 @!p0 s5, $0x11;
	s7 =	sadd.s32 @!p0 $0x11B8D, s7;
	_ =	swait.eq @!p0 [sflag:s6], $0x1  }
0xb2: {  	s5 =	sor.u32 @!p0 s5, s7;
	[sflag:s6] =	ssyncadd.s32 @!p0 $0xFFFFFFFF  }
0xb3: {  	s25 =	simm.s32 $0x1B8E;
	s24 =	sld [smem:$0x3FFE];
	[sflag:s5] =	ssyncadd.remote.s32 @!p0 $0x1  }
0xb4: {  	s26 =	simm.s32 $execute0_lowered;
	[smem:$0x3FD2] =	sst s25  }
0xb5: {  	s6 =	sshll.u32 s26, $0x1;
	_ =	strace $0x80000049;
	[dreg:$0x1] =	wrdreg $0xFFFFFFFF  }
0xb6: {  	s28 =	simm.s32 $_size_execute0_lowered;
	s4 =	sadd.s32 s4, s6;
	[dreg:$0x0] =	wrdreg $0x0  }
0xb7: {  	s6 =	sshll.u32 s28, $0x1;
	[dreg:$0x2] =	wrdreg s4  }
0xb8: {  	[dreg:$0x3] =	wrdreg s6  }
0xb9: {  	[dreg:$0x4] =	wrdreg $0xC0  }
0xba: {  	_ =	task [dreg:s22], $0x5FFFF  }
0xbb: {  	[dreg:$0x1] =	wrdreg $0xFFFFFFFF  }
0xbc: {  	[dreg:$0x0] =	wrdreg $0x60  }
0xbd: {  	[dreg:$0x2] =	wrdreg s24  }
0xbe: {  	[dreg:$0x3] =	wrdreg s18  }
0xbf: {  	[dreg:$0x4] =	wrdreg $0x7800  }
0xc0: {  	[dreg:$0x5] =	wrdreg $0x9  }
0xc1: {  	_ =	task.clear_ibuf [dreg:s22], $0x6FFFF;
	_ =	strace $0x90000049  }
0xc2: {  	s29 =	simm.s32 $0x9;
	_ =	strace $0x8000004B  }
0xc3: {  	_ =	swait.ge [sflag:s29], $0x1  }
0xc4: {  	[sflag:s29] =	ssyncadd.s32 $0xFFFFFFFF  }
0xc5: {  	_ =	strace $0x9000004B  }
0xc6: {  	_ =	sfence  }
0xc7: {  	s30 =	sld [smem:$0x0];
	_ =	sdelay $0x2  }
0xc8: {  	s31 =	sshll.u32 s1, $0xD;
	s1 =	sshrl.u32 s1, $0x2  }
0xc9: {  	s4 =	sand.u32 $0x4000, s31;
	s1 =	sadd.s32 s1, s30  }
0xca: {  	s0 =	sor.u32 s4, s0;
	s1 =	sshll.u32 s1, $0x11  }
0xcb: {  	s0 =	sor.u32 s1, s0  }
0xcc: {  	s0 =	sadd.s32 $0x8F2B, s0  }
0xcd: {  	[sflag:s0] =	ssyncadd.remote.s32 $0x1  }
0xce: {  	_ =	sfence.sel $0xFFFF  }
0xcf: {  	[dreg:$0x0] =	wrdreg $0xFFFFFFFF;
	(pc) =	sbr.abs _section_cstart, $3  }
0xd0: {  	[dreg:$0x1] =	wrdreg $0xFFFFFFFF  }
0xd1: {  	_ =	task.clear_ibuf [dreg:s22], $0x2FFFF;
	_ =	strace $0x9FFFFFFF  }
0xd2: {  	(tm) =	ssettm $0x7FFFFFFF  }
0xd3: {  	_ =	shalt  }
tec
execute0_lowered:
.L_overlay_start_1:
0x0: {  	(tag) =	ssettag $0x1  }
0x1: {  	s6 =	rddreg [dreg:$0x0]  }
0x2: {  	s2 =	rddreg [dreg:$0x1]  }
0x3: {  	s3 =	rddreg [dreg:$0x2]  }
0x4: {  	s0 =	rddreg [dreg:$0x3]  }
0x5: {  	s1 =	stileid.u32;
	s7 =	srdreg.scid;
	s4 =	simm.s32 $0x0  }
0x6: {  	s13 =	simm.s32 $0x80;
	s14 =	simm.s32 $0x100;
	s15 =	simm.s32 $0x180  }
0x7: {  	s16 =	simm.s32 $0x200;
	s17 =	simm.s32 $0x280;
	s18 =	simm.s32 $0x300  }
0x8: {  	s19 =	simm.s32 $0x1;
	s20 =	simm.s32 $0x0;
	s5 =	smul.u32 $0x1880, s1  }
0x9: {  	s7 =	sand.u32 $0x1, s7;
	s8 =	smul.u32 $0x61C0, s1;
	[smem:$0x7FF] =	sst s4  }
0xa: {  	s31 =	sshll.u32 s1, $0x6;
	s9 =	smul.u32 $0x61C00, s7;
	_ =	strace $0x8000004A  }
0xb: {  	s28 =	ssub.s32 $0x2, s7;
	s7 =	smul.u32 $0xC40, s7;
	s10 =	sadd.s32 s5, s6  }
0xc: {  	s12 =	sshrl.u32 s28, $0x1;
	s5 =	sadd.s32 $0x111A00, s6;
	s29 =	sadd.s32 s8, s3  }
0xd: {  	s26 =	sadd.s32 s8, s9;
	s9 =	ssub.s32 s28, s12;
	s30 =	sadd.s32 s7, s10  }
0xe: {  	s10 =	simm.s32 $0x2;
	s12 =	sshrl.u32 s29, $0x3;
	s11 =	sshrl.u32 s26, $0x3  }
0xf: {  	s7 =	smax.u32 s9, $0x1;
	s8 =	sadd.s32 $0x1400, s30;
	s6 =	sadd.s32 s11, s6  }
0x10: {  	s9 =	simm.s32 $0x380;
	s11 =	sor.u32 $0x1C02, s31;
	s6 =	sadd.s32 $0x111C00, s6  }
.LBB2_1:
0x11: {  	[tilespmem:s9], [sflag:$0x2] =	stream.linear.gather [hbm4b:s5+s4], $0x400, $0x38;
	[tilespmem:$0x6940] =	vst v63  }
0x12: {  	_ =	swait.ge [sflag:s10], $0x400  }
0x13: {  	[sflag:s10] =	ssyncset.done $0x0  }
0x14: {  	[sflag:s10] =	ssyncadd.s32 $0xFFFFFC00  }
0x15: {  	[spmem:s12], [sflag:s11] =	dma.local [hbm:s2], $0xC38  }
0x16: {  	_ =	swait.ge [sflag:s10], $0xC38  }
0x17: {  	[sflag:s10] =	ssyncset.done $0x0  }
0x18: {  	[sflag:s10] =	ssyncadd.s32 $0xFFFFF3C8  }
0x19: {  	s21 =	sadd.s32 $0x0, s8;
	[bflag:$0x0] =	sbarrier.arrive $0xFFFF  }
0x1a: {  	[tilespmem:s4], [sflag:$0x2] =	stream.linear.gather [hbm4b:s21+s4], $0x380, $0x38;
	[tilespmem:$0x6940] =	vst v63  }
0x1b: {  	_ =	swait.ge [sflag:s10], $0x380  }
0x1c: {  	[sflag:s10] =	ssyncset.done $0x0  }
0x1d: {  	[sflag:s10] =	ssyncadd.s32 $0xFFFFFC80  }
0x1e: {  	[spmem:s3] =	stream.indirect.scatter.add.f32 [tilespmem:s9], [sflag:$0x1], $0x8, s4, s13, $0xb8;
	[tilespmem:$0x6940] =	vst v63  }
0x1f: {  	_ = 	snop  }
0x20: {  	[spmem:s3] =	stream.indirect.scatter.add.f32 [tilespmem:s9], [sflag:$0x1], $0x8, s13, s13, $0xb8;
	[tilespmem:$0x6940] =	vst v63  }
0x21: {  	_ = 	snop  }
0x22: {  	[spmem:s3] =	stream.indirect.scatter.add.f32 [tilespmem:s9], [sflag:$0x1], $0x8, s14, s13, $0xb8;
	[tilespmem:$0x6940] =	vst v63  }
0x23: {  	_ = 	snop  }
0x24: {  	[spmem:s3] =	stream.indirect.scatter.add.f32 [tilespmem:s9], [sflag:$0x1], $0x8, s15, s13, $0xb8;
	[tilespmem:$0x6940] =	vst v63  }
0x25: {  	_ = 	snop  }
0x26: {  	[spmem:s3] =	stream.indirect.scatter.add.f32 [tilespmem:s9], [sflag:$0x1], $0x8, s16, s13, $0xb8;
	[tilespmem:$0x6940] =	vst v63  }
0x27: {  	_ = 	snop  }
0x28: {  	[spmem:s3] =	stream.indirect.scatter.add.f32 [tilespmem:s9], [sflag:$0x1], $0x8, s17, s13, $0xb8;
	[tilespmem:$0x6940] =	vst v63  }
0x29: {  	_ = 	snop  }
0x2a: {  	[spmem:s3] =	stream.indirect.scatter.add.f32 [tilespmem:s9], [sflag:$0x1], $0x8, s18, s13, $0xb8;
	[tilespmem:$0x6940] =	vst v63  }
0x2b: {  	_ =	swait.ge [sflag:s19], $0x400  }
0x2c: {  	[sflag:s19] =	ssyncset.done $0x0  }
0x2d: {  	[sflag:s19] =	ssyncadd.s32 $0xFFFFFC00  }
0x2e: {  	_ =	swait.ge [sflag:s19], $0x400  }
0x2f: {  	[sflag:s19] =	ssyncset.done $0x0  }
0x30: {  	[sflag:s19] =	ssyncadd.s32 $0xFFFFFC00  }
0x31: {  	_ =	swait.ge [sflag:s19], $0x400  }
0x32: {  	[sflag:s19] =	ssyncset.done $0x0  }
0x33: {  	[sflag:s19] =	ssyncadd.s32 $0xFFFFFC00  }
0x34: {  	_ =	swait.ge [sflag:s19], $0x400  }
0x35: {  	[sflag:s19] =	ssyncset.done $0x0  }
0x36: {  	[sflag:s19] =	ssyncadd.s32 $0xFFFFFC00  }
0x37: {  	_ =	swait.ge [sflag:s19], $0x400  }
0x38: {  	[sflag:s19] =	ssyncset.done $0x0  }
0x39: {  	[sflag:s19] =	ssyncadd.s32 $0xFFFFFC00  }
0x3a: {  	_ =	swait.ge [sflag:s19], $0x400  }
0x3b: {  	[sflag:s19] =	ssyncset.done $0x0  }
0x3c: {  	[sflag:s19] =	ssyncadd.s32 $0xFFFFFC00  }
0x3d: {  	_ =	swait.ge [sflag:s19], $0x400  }
0x3e: {  	s23 =	simm.s32 $0xE0;
	s21 =	simm.s32 $0x70;
	[sflag:s19] =	ssyncset.done $0x0  }
.LBB2_2:
0x3f: {  	s24 =	sadd.s32 s21, s8  }
0x40: {  	[sflag:s19] =	ssyncadd.s32 $0xFFFFFC00;
	s21 =	smov.u32 s23;
	s22 =	sadd.s32 $0x70, s23  }
0x41: {  	[tilespmem:s4], [sflag:$0x2] =	stream.linear.gather [hbm4b:s24+s4], $0x380, $0x38;
	[tilespmem:$0x6940] =	vst v63  }
0x42: {  	p0 =	sne.s32 s23, $0xBD0;
	_ =	swait.ge [sflag:s10], $0x380  }
0x43: {  	[sflag:s10] =	ssyncset.done $0x0  }
0x44: {  	[sflag:s10] =	ssyncadd.s32 $0xFFFFFC80  }
0x45: {  	[spmem:s3] =	stream.indirect.scatter.add.f32 [tilespmem:s9], [sflag:$0x1], $0x8, s4, s13, $0xb8;
	[tilespmem:$0x6940] =	vst v63  }
0x46: {  	_ = 	snop  }
0x47: {  	[spmem:s3] =	stream.indirect.scatter.add.f32 [tilespmem:s9], [sflag:$0x1], $0x8, s13, s13, $0xb8;
	[tilespmem:$0x6940] =	vst v63  }
0x48: {  	_ = 	snop  }
0x49: {  	[spmem:s3] =	stream.indirect.scatter.add.f32 [tilespmem:s9], [sflag:$0x1], $0x8, s14, s13, $0xb8;
	[tilespmem:$0x6940] =	vst v63  }
0x4a: {  	_ = 	snop  }
0x4b: {  	[spmem:s3] =	stream.indirect.scatter.add.f32 [tilespmem:s9], [sflag:$0x1], $0x8, s15, s13, $0xb8;
	[tilespmem:$0x6940] =	vst v63  }
0x4c: {  	_ = 	snop  }
0x4d: {  	[spmem:s3] =	stream.indirect.scatter.add.f32 [tilespmem:s9], [sflag:$0x1], $0x8, s16, s13, $0xb8;
	[tilespmem:$0x6940] =	vst v63  }
0x4e: {  	_ = 	snop  }
0x4f: {  	[spmem:s3] =	stream.indirect.scatter.add.f32 [tilespmem:s9], [sflag:$0x1], $0x8, s17, s13, $0xb8;
	[tilespmem:$0x6940] =	vst v63  }
0x50: {  	_ = 	snop  }
0x51: {  	[spmem:s3] =	stream.indirect.scatter.add.f32 [tilespmem:s9], [sflag:$0x1], $0x8, s18, s13, $0xb8;
	[tilespmem:$0x6940] =	vst v63  }
0x52: {  	_ =	swait.ge [sflag:s19], $0x400  }
0x53: {  	[sflag:s19] =	ssyncset.done $0x0  }
0x54: {  	[sflag:s19] =	ssyncadd.s32 $0xFFFFFC00  }
0x55: {  	_ =	swait.ge [sflag:s19], $0x400  }
0x56: {  	[sflag:s19] =	ssyncset.done $0x0  }
0x57: {  	[sflag:s19] =	ssyncadd.s32 $0xFFFFFC00  }
0x58: {  	_ =	swait.ge [sflag:s19], $0x400  }
0x59: {  	[sflag:s19] =	ssyncset.done $0x0  }
0x5a: {  	[sflag:s19] =	ssyncadd.s32 $0xFFFFFC00  }
0x5b: {  	_ =	swait.ge [sflag:s19], $0x400  }
0x5c: {  	[sflag:s19] =	ssyncset.done $0x0  }
0x5d: {  	[sflag:s19] =	ssyncadd.s32 $0xFFFFFC00  }
0x5e: {  	_ =	swait.ge [sflag:s19], $0x400  }
0x5f: {  	[sflag:s19] =	ssyncset.done $0x0  }
0x60: {  	[sflag:s19] =	ssyncadd.s32 $0xFFFFFC00  }
.Ltmp0:
0x61: {  	_ =	swait.ge [sflag:s19], $0x400;
	(pc) =	sbr.rel @p0 .LBB2_2-.Ltmp0, $4  }
0x62: {  	[sflag:s19] =	ssyncset.done $0x0  }
0x63: {  	[sflag:s19] =	ssyncadd.s32 $0xFFFFFC00  }
0x64: {  	_ =	swait.ge [sflag:s19], $0x400  }
0x65: {  	s23 =	smov.u32 s22;
	[sflag:s19] =	ssyncset.done $0x0  }
0x66: {  	s21 =	sadd.s32 s21, s8;
	[sflag:s19] =	ssyncadd.s32 $0xFFFFFC00  }
0x67: {  	[tilespmem:s4], [sflag:$0x2] =	stream.linear.gather [hbm4b:s21+s4], $0x380, $0x38;
	[tilespmem:$0x6940] =	vst v63  }
0x68: {  	_ =	swait.ge [sflag:s10], $0x380  }
0x69: {  	[sflag:s10] =	ssyncset.done $0x0  }
0x6a: {  	[sflag:s10] =	ssyncadd.s32 $0xFFFFFC80  }
0x6b: {  	[spmem:s3] =	stream.indirect.scatter.add.f32 [tilespmem:s9], [sflag:$0x1], $0x8, s4, s13, $0xb8;
	[tilespmem:$0x6940] =	vst v63  }
0x6c: {  	_ = 	snop  }
0x6d: {  	[spmem:s3] =	stream.indirect.scatter.add.f32 [tilespmem:s9], [sflag:$0x1], $0x8, s13, s13, $0xb8;
	[tilespmem:$0x6940] =	vst v63  }
0x6e: {  	_ = 	snop  }
0x6f: {  	[spmem:s3] =	stream.indirect.scatter.add.f32 [tilespmem:s9], [sflag:$0x1], $0x8, s14, s13, $0xb8;
	[tilespmem:$0x6940] =	vst v63  }
0x70: {  	_ = 	snop  }
0x71: {  	[spmem:s3] =	stream.indirect.scatter.add.f32 [tilespmem:s9], [sflag:$0x1], $0x8, s15, s13, $0xb8;
	[tilespmem:$0x6940] =	vst v63  }
0x72: {  	_ = 	snop  }
0x73: {  	[spmem:s3] =	stream.indirect.scatter.add.f32 [tilespmem:s9], [sflag:$0x1], $0x8, s16, s13, $0xb8;
	[tilespmem:$0x6940] =	vst v63  }
0x74: {  	_ = 	snop  }
0x75: {  	[spmem:s3] =	stream.indirect.scatter.add.f32 [tilespmem:s9], [sflag:$0x1], $0x8, s17, s13, $0xb8;
	[tilespmem:$0x6940] =	vst v63  }
0x76: {  	_ = 	snop  }
0x77: {  	[spmem:s3] =	stream.indirect.scatter.add.f32 [tilespmem:s9], [sflag:$0x1], $0x8, s18, s13, $0xb8;
	[tilespmem:$0x6940] =	vst v63  }
0x78: {  	_ =	swait.ge [sflag:s19], $0x400  }
0x79: {  	[sflag:s19] =	ssyncset.done $0x0  }
0x7a: {  	[sflag:s19] =	ssyncadd.s32 $0xFFFFFC00  }
0x7b: {  	_ =	swait.ge [sflag:s19], $0x400  }
0x7c: {  	[sflag:s19] =	ssyncset.done $0x0  }
0x7d: {  	[sflag:s19] =	ssyncadd.s32 $0xFFFFFC00  }
0x7e: {  	_ =	swait.ge [sflag:s19], $0x400  }
0x7f: {  	[sflag:s19] =	ssyncset.done $0x0  }
0x80: {  	[sflag:s19] =	ssyncadd.s32 $0xFFFFFC00  }
0x81: {  	_ =	swait.ge [sflag:s19], $0x400  }
0x82: {  	[sflag:s19] =	ssyncset.done $0x0  }
0x83: {  	[sflag:s19] =	ssyncadd.s32 $0xFFFFFC00  }
0x84: {  	_ =	swait.ge [sflag:s19], $0x400  }
0x85: {  	[sflag:s19] =	ssyncset.done $0x0  }
0x86: {  	[sflag:s19] =	ssyncadd.s32 $0xFFFFFC00  }
0x87: {  	_ =	swait.ge [sflag:s19], $0x400  }
0x88: {  	[sflag:s19] =	ssyncset.done $0x0  }
0x89: {  	[sflag:s19] =	ssyncadd.s32 $0xFFFFFC00  }
0x8a: {  	_ =	swait.ge [sflag:s19], $0x400  }
0x8b: {  	s20 =	sadd.s32 $0x1, s20;
	[sflag:s19] =	ssyncset.done $0x0  }
0x8c: {  	p0 =	sne.s32 s20, s7;
	[sflag:s19] =	ssyncadd.s32 $0xFFFFFC00  }
.Ltmp1:
0x8d: {  	[bflag:$0x0] =	sbarrier.arrive $0xFFFF;
	(pc) =	sbr.rel @p0 .LBB2_1-.Ltmp1, $4  }
0x8e: {  	[hbm:s6], [sflag:s11] =	dma.local [spmem:s12], $0xC38  }
0x8f: {  	_ =	swait.ge [sflag:s10], $0xC38  }
0x90: {  	[sflag:s10] =	ssyncset.done $0x0  }
0x91: {  	[sflag:s10] =	ssyncadd.s32 $0xFFFFF3C8  }
0x92: {  	_ =	sfence.sel $0x180000  }
0x93: {  	[bflag:$0x0] =	sbarrier.arrive $0xFFFF  }
0x94: {  	p0 =	sne.s32 s1, $0x0;
	_ =	strace $0x9000004A  }
0x95: {  	s0 =	sadd.s32 @!p0 $0x100000, s0;
	[bflag:$0x2] =	sbarrier.arrive $0xFFFF  }
0x96: {  	[sflag:s0] =	ssyncadd.tile.s32 @!p0 $0x1;
	_ =	shalt  }
.Lfunc_end2:
_tile_overlayer_lowered:
.L_overlay_start_2:
0x97: {  	(tag) =	ssettag $0x2  }
0x98: {  	s0 =	rddreg [dreg:$0x0];
	s2 =	stileid.u32  }
0x99: {  	s1 =	rddreg [dreg:$0x1];
	p0 =	sne.s32 s2, $0x0  }
0x9a: {  	s3 =	rddreg [dreg:$0x2];
	[bflag:$0x3] =	sbarrier.arrive $0xFFFF;
	s2 =	simm.s32 @!p0 $0x1C02  }
0x9b: {  	[timem:s3], [sflag:s2] =	dma.local @!p0 [hbm:s0], s1  }
0x9c: {  	s0 =	simm.s32 @!p0 $0x2  }
0x9d: {  	_ =	swait.ge @!p0 [sflag:s0], s1  }
0x9e: {  	s1 =	ssub.s32 @!p0 $0x0, s1;
	[sflag:s0] =	ssyncset.done @!p0 $0x0  }
0x9f: {  	[sflag:s0] =	ssyncadd.s32 @!p0 s1  }
0xa0: {  	[bflag:$0x3] =	sbarrier.arrive $0xFFFF  }
0xa1: {  	_ =	shalt  }

</sc_bundles>
